<compile_context>
chip_gen: v7x
topology: tpu7x:2x2x1
jax: 0.10.2.dev20260603
libtpu: 0.0.44.dev20260713+nightly
codegen_flags: <defaults>
</compile_context>

<pallas_src>
import functools

import jax
import jax.numpy as jnp
from jax import lax
from jax.experimental import pallas as pl
from jax.experimental.pallas import tpu as pltpu
from jax.experimental.pallas import tpu_sc as plsc

D = 64
L = 16
EPS = 1e-5
NBUF = 2
UNROLL = 4


def _splat_sum(v):
    iota = lax.broadcasted_iota(jnp.int32, (L,), 0)
    for sh in (8, 4, 2, 1):
        v = v + v.at[iota ^ sh].get(mode="promise_in_bounds")
    return v


def _rsqrt(x):
    i = lax.bitcast_convert_type(x, jnp.int32)
    i = jnp.int32(0x5F3759DF) - (i >> 1)
    y = lax.bitcast_convert_type(i, jnp.float32)
    xh = x * 0.5
    y = y * (1.5 - xh * y * y)
    y = y * (1.5 - xh * y * y)
    return y


def _ln_row(data, r, g, bt):
    x = [data[r, pl.ds(j * L, L)] for j in range(D // L)]
    s = (x[0] + x[1]) + (x[2] + x[3])
    q = ((x[0] * x[0] + x[1] * x[1]) + (x[2] * x[2] + x[3] * x[3]))
    mean = _splat_sum(s) * (1.0 / D)
    ex2 = _splat_sum(q) * (1.0 / D) + EPS
    rstd = _rsqrt(ex2 - mean * mean)
    for j in range(D // L):
        data[r, pl.ds(j * L, L)] = (x[j] - mean) * rstd * g[j] + bt[j]


@functools.partial(jax.jit, static_argnames=("n_chunks", "chunk", "out_rows", "out_cols"))
def _embed_ln(table, idx, gamma, beta, n_chunks, chunk, out_rows, out_cols):
    B = idx.shape[0]
    NC, NS = 2, 16
    NW = NC * NS
    b_per_w = B // NW
    n_pairs = n_chunks // NBUF
    nb = chunk // out_cols

    mesh = plsc.VectorSubcoreMesh(core_axis_name="c", subcore_axis_name="s")

    @functools.partial(
        pl.kernel,
        mesh=mesh,
        out_type=jax.ShapeDtypeStruct((out_rows, out_cols, D), jnp.float32),
        scratch_types=[
            pltpu.VMEM((b_per_w,), jnp.int32),
            pltpu.VMEM((NBUF, chunk, D), jnp.float32),
            pltpu.VMEM((D,), jnp.float32),
            pltpu.VMEM((D,), jnp.float32),
            pltpu.SemaphoreType.DMA((NBUF,)),
            pltpu.SemaphoreType.DMA((NBUF,)),
        ],
        compiler_params=pltpu.CompilerParams(use_tc_tiling_on_sc=False),
    )
    def k(table_hbm, idx_hbm, gamma_hbm, beta_hbm, out_hbm,
          idx_v, data_v, g_v, bt_v, gsem, osem):
        wid = lax.axis_index("s") * NC + lax.axis_index("c")
        base = wid * b_per_w

        pltpu.sync_copy(idx_hbm.at[pl.ds(base, b_per_w)], idx_v)
        pltpu.sync_copy(gamma_hbm, g_v)
        pltpu.sync_copy(beta_hbm, bt_v)
        g = [g_v[pl.ds(j * L, L)] for j in range(D // L)]
        bt = [bt_v[pl.ds(j * L, L)] for j in range(D // L)]

        def gather(ci, b):
            return pltpu.make_async_copy(
                table_hbm.at[idx_v.at[pl.ds(ci * chunk, chunk)]],
                data_v.at[b], gsem.at[b])

        def writeback_copies(ci, b):
            blk0 = (base + ci * chunk) // out_cols
            return [
                pltpu.make_async_copy(
                    data_v.at[b, pl.ds(j * out_cols, out_cols)],
                    out_hbm.at[blk0 + j], osem.at[b])
                for j in range(nb)
            ]

        for b in range(NBUF):
            gather(b, b).start()

        def pair_body(gi, carry):
            for b in range(NBUF):
                ci = gi * NBUF + b
                gather(ci, b).wait()

                def rows_body(t, c2):
                    r0 = t * UNROLL
                    for u in range(UNROLL):
                        _ln_row(data_v.at[b], r0 + u, g, bt)
                    return c2

                lax.fori_loop(0, chunk // UNROLL, rows_body, 0)
                for c in writeback_copies(ci, b):
                    c.start()

                @pl.when(gi < n_pairs - 1)
                def _():
                    for c in writeback_copies(ci, b):
                        c.wait()
                    gather(ci + NBUF, b).start()
            return carry

        lax.fori_loop(0, n_pairs, pair_body, 0)
        for b in range(NBUF):
            for c in writeback_copies(n_chunks - NBUF + b, b):
                c.wait()

    return k(table, idx, gamma, beta)


def kernel(input, table, gamma, beta):
    idx = input.reshape(-1).astype(jnp.int32)
    B = idx.shape[0]
    chunk = 200
    n_chunks = B // (32 * chunk)
    return _embed_ln(table, idx, gamma, beta, n_chunks, chunk,
                     input.shape[0], input.shape[1])

# --- scband reference (transcript-rebuilt; emitter-appended) ---
"""Pipeline reference for scband-element-embedder-13039520710860 (READ-ONLY COPY).

The authoritative reference and input builder live on the scoring server;
editing this copy changes nothing except your own understanding.
"""

import jax, jax.numpy as jnp
import numpy as np

N_ELEMS = 1000000
EMB_SIZE = 64
EPS = 1e-5

def setup_inputs(seed: int = 0) -> dict:
    key = jax.random.key(seed)
    k1, k2 = jax.random.split(key)
    input_ids = jax.random.randint(k1, (16384, 50), 0, N_ELEMS, dtype=jnp.int64 if jax.config.jax_enable_x64 else jnp.int32)
    table = jax.random.normal(k2, (N_ELEMS, EMB_SIZE), dtype=jnp.float32) * 0.02
    gamma = jnp.ones((EMB_SIZE,), dtype=jnp.float32)
    beta = jnp.zeros((EMB_SIZE,), dtype=jnp.float32)
    return {"input": input_ids, "table": table, "gamma": gamma, "beta": beta}

def reference(input, table, gamma, beta):
    # nn.Embedding lookup
    emb = jnp.take(table, input, axis=0)  # [B, L, D]
    # nn.LayerNorm over last dim
    mean = jnp.mean(emb, axis=-1, keepdims=True)
    var = jnp.mean((emb - mean) ** 2, axis=-1, keepdims=True)
    normed = (emb - mean) / jnp.sqrt(var + EPS)
    return normed * gamma + beta

if __name__ == "__main__":
    import jax
    _d = setup_inputs()
    print(jax.jit(kernel)(*tuple(_d.values())))

</pallas_src>

<mosaic_0001>
#map = affine_map<(d0, d1) -> (0, 0)>
#map1 = affine_map<(d0, d1) -> (0)>
#map2 = affine_map<(d0, d1) -> (0, 0, 0)>
module attributes {stable_mosaic.version = 14 : i64} {
  func.func @k(%arg0: i32, %arg1: i32, %arg2: memref<1000000x64xf32, #tpu.memory_space<hbm>>, %arg3: memref<819200xi32, #tpu.memory_space<hbm>>, %arg4: memref<64xf32, #tpu.memory_space<hbm>>, %arg5: memref<64xf32, #tpu.memory_space<hbm>>, %arg6: memref<16384x50x64xf32, #tpu.memory_space<hbm>>, %arg7: memref<25600xi32, #tpu.memory_space<vmem>>, %arg8: memref<2x200x64xf32, #tpu.memory_space<vmem>>, %arg9: memref<64xf32, #tpu.memory_space<vmem>>, %arg10: memref<64xf32, #tpu.memory_space<vmem>>, %arg11: memref<2x!tpu.dma_semaphore, #tpu.memory_space<semaphore_mem>>, %arg12: memref<2x!tpu.dma_semaphore, #tpu.memory_space<semaphore_mem>>) attributes {dimension_semantics = [#tpu.dimension_semantics<core_parallel>, #tpu.dimension_semantics<subcore_parallel>], iteration_bounds = array<i64: 2, 16>, scalar_prefetch = 0 : i64, scratch_operands = 6 : i64, tpu.core_type = #tpu.core_type<sc_vector_subcore>, window_params = [{transform_indices = #map}, {transform_indices = #map1}, {transform_indices = #map1}, {transform_indices = #map1}, {transform_indices = #map2}]} {
    %mul3A = arith.constant 2 : i32
    %mul3A_0 = arith.muli %arg1, %mul3A : i32
    %add3A = arith.addi %mul3A_0, %arg0 : i32
    %mul3A_1 = arith.constant 25600 : i32
    %mul3A_2 = arith.muli %add3A, %mul3A_1 : i32
    "tpu.region"() ({
      %run_scoped3A = tpu.sem_alloc : memref<!tpu.dma_semaphore, #tpu.memory_space<semaphore_mem>>
      %dma_start3A_275 = tpu.memref_slice %arg3[%mul3A_2] : memref<819200xi32, #tpu.memory_space<hbm>> -> memref<25600xi32, #tpu.memory_space<hbm>>
      %dma_start3A_276 = tpu.memref_slice %arg3[%mul3A_2] : memref<819200xi32, #tpu.memory_space<hbm>> -> memref<25600xi32, #tpu.memory_space<hbm>>
      tpu.enqueue_dma source(%dma_start3A_276 : memref<25600xi32, #tpu.memory_space<hbm>>) target(%arg7 : memref<25600xi32, #tpu.memory_space<vmem>>) target_semaphore(%run_scoped3A : memref<!tpu.dma_semaphore, #tpu.memory_space<semaphore_mem>>)
      %dma_wait3A_277 = tpu.memref_slice %arg3[%mul3A_2] : memref<819200xi32, #tpu.memory_space<hbm>> -> memref<25600xi32, #tpu.memory_space<hbm>>
      %dma_wait3A_278 = tpu.memref_slice %arg3[%mul3A_2] : memref<819200xi32, #tpu.memory_space<hbm>> -> memref<25600xi32, #tpu.memory_space<hbm>>
      tpu.wait_dma2 semaphore(%run_scoped3A : memref<!tpu.dma_semaphore, #tpu.memory_space<semaphore_mem>>) src(%dma_wait3A_278 : memref<25600xi32, #tpu.memory_space<hbm>>) dst(%arg7 : memref<25600xi32, #tpu.memory_space<vmem>>)
      tpu.yield
    }) : () -> ()
    "tpu.region"() ({
      %run_scoped3A = tpu.sem_alloc : memref<!tpu.dma_semaphore, #tpu.memory_space<semaphore_mem>>
      tpu.enqueue_dma source(%arg4 : memref<64xf32, #tpu.memory_space<hbm>>) target(%arg9 : memref<64xf32, #tpu.memory_space<vmem>>) target_semaphore(%run_scoped3A : memref<!tpu.dma_semaphore, #tpu.memory_space<semaphore_mem>>)
      tpu.wait_dma2 semaphore(%run_scoped3A : memref<!tpu.dma_semaphore, #tpu.memory_space<semaphore_mem>>) src(%arg4 : memref<64xf32, #tpu.memory_space<hbm>>) dst(%arg9 : memref<64xf32, #tpu.memory_space<vmem>>)
      tpu.yield
    }) : () -> ()
    "tpu.region"() ({
      %run_scoped3A = tpu.sem_alloc : memref<!tpu.dma_semaphore, #tpu.memory_space<semaphore_mem>>
      tpu.enqueue_dma source(%arg5 : memref<64xf32, #tpu.memory_space<hbm>>) target(%arg10 : memref<64xf32, #tpu.memory_space<vmem>>) target_semaphore(%run_scoped3A : memref<!tpu.dma_semaphore, #tpu.memory_space<semaphore_mem>>)
      tpu.wait_dma2 semaphore(%run_scoped3A : memref<!tpu.dma_semaphore, #tpu.memory_space<semaphore_mem>>) src(%arg5 : memref<64xf32, #tpu.memory_space<hbm>>) dst(%arg10 : memref<64xf32, #tpu.memory_space<vmem>>)
      tpu.yield
    }) : () -> ()
    %get3A = arith.constant 0 : index
    %get3A_3 = tpu.vector_load %arg9[%get3A] {strides = array<i32>} : memref<64xf32, #tpu.memory_space<vmem>>, vector<16xf32>,
    %get3A_4 = vector.shape_cast %get3A_3 : vector<16xf32> to vector<16xf32>
    %get3A_5 = arith.constant 16 : index
    %get3A_6 = tpu.vector_load %arg9[%get3A_5] {strides = array<i32>} : memref<64xf32, #tpu.memory_space<vmem>>, vector<16xf32>,
    %get3A_7 = vector.shape_cast %get3A_6 : vector<16xf32> to vector<16xf32>
    %get3A_8 = arith.constant 32 : index
    %get3A_9 = tpu.vector_load %arg9[%get3A_8] {strides = array<i32>} : memref<64xf32, #tpu.memory_space<vmem>>, vector<16xf32>,
    %get3A_10 = vector.shape_cast %get3A_9 : vector<16xf32> to vector<16xf32>
    %get3A_11 = arith.constant 48 : index
    %get3A_12 = tpu.vector_load %arg9[%get3A_11] {strides = array<i32>} : memref<64xf32, #tpu.memory_space<vmem>>, vector<16xf32>,
    %get3A_13 = vector.shape_cast %get3A_12 : vector<16xf32> to vector<16xf32>
    %get3A_14 = arith.constant 0 : index
    %get3A_15 = tpu.vector_load %arg10[%get3A_14] {strides = array<i32>} : memref<64xf32, #tpu.memory_space<vmem>>, vector<16xf32>,
    %get3A_16 = vector.shape_cast %get3A_15 : vector<16xf32> to vector<16xf32>
    %get3A_17 = arith.constant 16 : index
    %get3A_18 = tpu.vector_load %arg10[%get3A_17] {strides = array<i32>} : memref<64xf32, #tpu.memory_space<vmem>>, vector<16xf32>,
    %get3A_19 = vector.shape_cast %get3A_18 : vector<16xf32> to vector<16xf32>
    %get3A_20 = arith.constant 32 : index
    %get3A_21 = tpu.vector_load %arg10[%get3A_20] {strides = array<i32>} : memref<64xf32, #tpu.memory_space<vmem>>, vector<16xf32>,
    %get3A_22 = vector.shape_cast %get3A_21 : vector<16xf32> to vector<16xf32>
    %get3A_23 = arith.constant 48 : index
    %get3A_24 = tpu.vector_load %arg10[%get3A_23] {strides = array<i32>} : memref<64xf32, #tpu.memory_space<vmem>>, vector<16xf32>,
    %get3A_25 = vector.shape_cast %get3A_24 : vector<16xf32> to vector<16xf32>
    %dma_start3A = arith.constant 0 : i32
    %dma_start3A_26 = arith.constant 0 : i32
    %dma_start3A_27 = arith.constant 0 : i32
    %dma_start3A_28 = arith.constant 0 : i32
    %dma_start3A_29 = tpu.memref_slice %arg8[%dma_start3A, %dma_start3A_27, %dma_start3A_28] : memref<2x200x64xf32, #tpu.memory_space<vmem>> -> memref<1x200x64xf32, #tpu.memory_space<vmem>>
    %dma_start3A_30 = tpu.memref_squeeze %dma_start3A_29 : memref<1x200x64xf32, #tpu.memory_space<vmem>> -> memref<200x64xf32, #tpu.memory_space<vmem>>
    %dma_start3A_31 = arith.constant 0 : i32
    %dma_start3A_32 = tpu.memref_slice %arg7[%dma_start3A_31] : memref<25600xi32, #tpu.memory_space<vmem>> -> memref<200xi32, #tpu.memory_space<vmem>>
    %dma_start3A_33 = arith.constant 0 : i32
    %dma_start3A_34 = arith.constant 0 : i32
    %dma_start3A_35 = tpu.memref_slice %arg2[%dma_start3A_33, %dma_start3A_34] : memref<1000000x64xf32, #tpu.memory_space<hbm>> -> memref<1000000x64xf32, #tpu.memory_space<hbm>>
    %dma_start3A_36 = tpu.memref_slice %arg11[%dma_start3A_26] : memref<2x!tpu.dma_semaphore, #tpu.memory_space<semaphore_mem>> -> memref<1x!tpu.dma_semaphore, #tpu.memory_space<semaphore_mem>>
    %dma_start3A_37 = tpu.memref_squeeze %dma_start3A_36 : memref<1x!tpu.dma_semaphore, #tpu.memory_space<semaphore_mem>> -> memref<!tpu.dma_semaphore, #tpu.memory_space<semaphore_mem>>
    tpu.enqueue_indirect_dma source(%dma_start3A_35 : memref<1000000x64xf32, #tpu.memory_space<hbm>>) target(%dma_start3A_30 : memref<200x64xf32, #tpu.memory_space<vmem>>) offsets(%dma_start3A_32 : memref<200xi32, #tpu.memory_space<vmem>>) semaphore(%dma_start3A_37 : memref<!tpu.dma_semaphore, #tpu.memory_space<semaphore_mem>>)
    %dma_start3A_38 = arith.constant 1 : i32
    %dma_start3A_39 = arith.constant 1 : i32
    %dma_start3A_40 = arith.constant 0 : i32
    %dma_start3A_41 = arith.constant 0 : i32
    %dma_start3A_42 = tpu.memref_slice %arg8[%dma_start3A_38, %dma_start3A_40, %dma_start3A_41] : memref<2x200x64xf32, #tpu.memory_space<vmem>> -> memref<1x200x64xf32, #tpu.memory_space<vmem>>
    %dma_start3A_43 = tpu.memref_squeeze %dma_start3A_42 : memref<1x200x64xf32, #tpu.memory_space<vmem>> -> memref<200x64xf32, #tpu.memory_space<vmem>>
    %dma_start3A_44 = arith.constant 200 : i32
    %dma_start3A_45 = tpu.memref_slice %arg7[%dma_start3A_44] : memref<25600xi32, #tpu.memory_space<vmem>> -> memref<200xi32, #tpu.memory_space<vmem>>
    %dma_start3A_46 = arith.constant 0 : i32
    %dma_start3A_47 = arith.constant 0 : i32
    %dma_start3A_48 = tpu.memref_slice %arg2[%dma_start3A_46, %dma_start3A_47] : memref<1000000x64xf32, #tpu.memory_space<hbm>> -> memref<1000000x64xf32, #tpu.memory_space<hbm>>
    %dma_start3A_49 = tpu.memref_slice %arg11[%dma_start3A_39] : memref<2x!tpu.dma_semaphore, #tpu.memory_space<semaphore_mem>> -> memref<1x!tpu.dma_semaphore, #tpu.memory_space<semaphore_mem>>
    %dma_start3A_50 = tpu.memref_squeeze %dma_start3A_49 : memref<1x!tpu.dma_semaphore, #tpu.memory_space<semaphore_mem>> -> memref<!tpu.dma_semaphore, #tpu.memory_space<semaphore_mem>>
    tpu.enqueue_indirect_dma source(%dma_start3A_48 : memref<1000000x64xf32, #tpu.memory_space<hbm>>) target(%dma_start3A_43 : memref<200x64xf32, #tpu.memory_space<vmem>>) offsets(%dma_start3A_45 : memref<200xi32, #tpu.memory_space<vmem>>) semaphore(%dma_start3A_50 : memref<!tpu.dma_semaphore, #tpu.memory_space<semaphore_mem>>)
    %scan3A = arith.constant 0 : i32
    %scan3A_51 = arith.constant 0 : i32
    %scan3A_52 = arith.constant 64 : i32
    %scan3A_53 = arith.addi %scan3A_51, %scan3A_52 : i32
    %scan3A_54 = arith.constant 1 : i32
    scf.for %scan3A_275 = %scan3A_51 to %scan3A_53 step %scan3A_54  : i32 {
      %mul3A_276 = arith.constant 2 : i32
      %mul3A_277 = arith.muli %scan3A_275, %mul3A_276 : i32
      %add3A_278 = arith.constant 0 : i32
      %add3A_279 = arith.addi %mul3A_277, %add3A_278 : i32
      %mul3A_280 = arith.constant 200 : i32
      %mul3A_281 = arith.muli %add3A_279, %mul3A_280 : i32
      %dma_wait3A_282 = arith.constant 0 : i32
      %dma_wait3A_283 = arith.constant 0 : i32
      %dma_wait3A_284 = arith.constant 0 : i32
      %dma_wait3A_285 = arith.constant 0 : i32
      %dma_wait3A_286 = tpu.memref_slice %arg8[%dma_wait3A_282, %dma_wait3A_284, %dma_wait3A_285] : memref<2x200x64xf32, #tpu.memory_space<vmem>> -> memref<1x200x64xf32, #tpu.memory_space<vmem>>
      %dma_wait3A_287 = tpu.memref_squeeze %dma_wait3A_286 : memref<1x200x64xf32, #tpu.memory_space<vmem>> -> memref<200x64xf32, #tpu.memory_space<vmem>>
      %dma_wait3A_288 = tpu.memref_slice %arg7[%mul3A_281] : memref<25600xi32, #tpu.memory_space<vmem>> -> memref<200xi32, #tpu.memory_space<vmem>>
      %dma_wait3A_289 = arith.constant 0 : i32
      %dma_wait3A_290 = arith.constant 0 : i32
      %dma_wait3A_291 = tpu.memref_slice %arg2[%dma_wait3A_289, %dma_wait3A_290] : memref<1000000x64xf32, #tpu.memory_space<hbm>> -> memref<1000000x64xf32, #tpu.memory_space<hbm>>
      %dma_wait3A_292 = tpu.memref_slice %arg11[%dma_wait3A_283] : memref<2x!tpu.dma_semaphore, #tpu.memory_space<semaphore_mem>> -> memref<1x!tpu.dma_semaphore, #tpu.memory_space<semaphore_mem>>
      %dma_wait3A_293 = tpu.memref_squeeze %dma_wait3A_292 : memref<1x!tpu.dma_semaphore, #tpu.memory_space<semaphore_mem>> -> memref<!tpu.dma_semaphore, #tpu.memory_space<semaphore_mem>>
      tpu.wait_indirect_dma semaphore(%dma_wait3A_293 : memref<!tpu.dma_semaphore, #tpu.memory_space<semaphore_mem>>) src(%dma_wait3A_291 : memref<1000000x64xf32, #tpu.memory_space<hbm>>) dst(%dma_wait3A_287 : memref<200x64xf32, #tpu.memory_space<vmem>>)
      %scan3A_294 = arith.constant 0 : i32
      %scan3A_295 = arith.constant 0 : i32
      %scan3A_296 = arith.constant 50 : i32
      %scan3A_297 = arith.addi %scan3A_295, %scan3A_296 : i32
      %scan3A_298 = arith.constant 1 : i32
      scf.for %scan3A_561 = %scan3A_295 to %scan3A_297 step %scan3A_298  : i32 {
        %mul3A_562 = arith.constant 4 : i32
        %mul3A_563 = arith.muli %scan3A_561, %mul3A_562 : i32
        %add3A_564 = arith.constant 0 : i32
        %add3A_565 = arith.addi %mul3A_563, %add3A_564 : i32
        %get3A_566 = arith.constant 0 : i32
        %get3A_567 = arith.constant 0 : i32
        %get3A_568 = arith.constant 0 : i32
        %get3A_569 = tpu.memref_slice %arg8[%get3A_566, %get3A_567, %get3A_568] : memref<2x200x64xf32, #tpu.memory_space<vmem>> -> memref<1x200x64xf32, #tpu.memory_space<vmem>>
        %get3A_570 = tpu.memref_squeeze %get3A_569 : memref<1x200x64xf32, #tpu.memory_space<vmem>> -> memref<200x64xf32, #tpu.memory_space<vmem>>
        %get3A_571 = arith.index_cast %add3A_565 : i32 to index
        %get3A_572 = arith.constant 0 : index
        %get3A_573 = tpu.vector_load %get3A_570[%get3A_571, %get3A_572] {strides = array<i32>} : memref<200x64xf32, #tpu.memory_space<vmem>>, vector<1x16xf32>,
        %get3A_574 = vector.shape_cast %get3A_573 : vector<1x16xf32> to vector<16xf32>
        %get3A_575 = arith.constant 0 : i32
        %get3A_576 = arith.constant 0 : i32
        %get3A_577 = arith.constant 0 : i32
        %get3A_578 = tpu.memref_slice %arg8[%get3A_575, %get3A_576, %get3A_577] : memref<2x200x64xf32, #tpu.memory_space<vmem>> -> memref<1x200x64xf32, #tpu.memory_space<vmem>>
        %get3A_579 = tpu.memref_squeeze %get3A_578 : memref<1x200x64xf32, #tpu.memory_space<vmem>> -> memref<200x64xf32, #tpu.memory_space<vmem>>
        %get3A_580 = arith.index_cast %add3A_565 : i32 to index
        %get3A_581 = arith.constant 16 : index
        %get3A_582 = tpu.vector_load %get3A_579[%get3A_580, %get3A_581] {strides = array<i32>} : memref<200x64xf32, #tpu.memory_space<vmem>>, vector<1x16xf32>,
        %get3A_583 = vector.shape_cast %get3A_582 : vector<1x16xf32> to vector<16xf32>
        %get3A_584 = arith.constant 0 : i32
        %get3A_585 = arith.constant 0 : i32
        %get3A_586 = arith.constant 0 : i32
        %get3A_587 = tpu.memref_slice %arg8[%get3A_584, %get3A_585, %get3A_586] : memref<2x200x64xf32, #tpu.memory_space<vmem>> -> memref<1x200x64xf32, #tpu.memory_space<vmem>>
        %get3A_588 = tpu.memref_squeeze %get3A_587 : memref<1x200x64xf32, #tpu.memory_space<vmem>> -> memref<200x64xf32, #tpu.memory_space<vmem>>
        %get3A_589 = arith.index_cast %add3A_565 : i32 to index
        %get3A_590 = arith.constant 32 : index
        %get3A_591 = tpu.vector_load %get3A_588[%get3A_589, %get3A_590] {strides = array<i32>} : memref<200x64xf32, #tpu.memory_space<vmem>>, vector<1x16xf32>,
        %get3A_592 = vector.shape_cast %get3A_591 : vector<1x16xf32> to vector<16xf32>
        %get3A_593 = arith.constant 0 : i32
        %get3A_594 = arith.constant 0 : i32
        %get3A_595 = arith.constant 0 : i32
        %get3A_596 = tpu.memref_slice %arg8[%get3A_593, %get3A_594, %get3A_595] : memref<2x200x64xf32, #tpu.memory_space<vmem>> -> memref<1x200x64xf32, #tpu.memory_space<vmem>>
        %get3A_597 = tpu.memref_squeeze %get3A_596 : memref<1x200x64xf32, #tpu.memory_space<vmem>> -> memref<200x64xf32, #tpu.memory_space<vmem>>
        %get3A_598 = arith.index_cast %add3A_565 : i32 to index
        %get3A_599 = arith.constant 48 : index
        %get3A_600 = tpu.vector_load %get3A_597[%get3A_598, %get3A_599] {strides = array<i32>} : memref<200x64xf32, #tpu.memory_space<vmem>>, vector<1x16xf32>,
        %get3A_601 = vector.shape_cast %get3A_600 : vector<1x16xf32> to vector<16xf32>
        %add3A_602 = arith.addf %get3A_574, %get3A_583 : vector<16xf32>
        %add3A_603 = arith.addf %get3A_592, %get3A_601 : vector<16xf32>
        %add3A_604 = arith.addf %add3A_602, %add3A_603 : vector<16xf32>
        %mul3A_605 = arith.mulf %get3A_574, %get3A_574 : vector<16xf32>
        %mul3A_606 = arith.mulf %get3A_583, %get3A_583 : vector<16xf32>
        %add3A_607 = arith.addf %mul3A_605, %mul3A_606 : vector<16xf32>
        %mul3A_608 = arith.mulf %get3A_592, %get3A_592 : vector<16xf32>
        %mul3A_609 = arith.mulf %get3A_601, %get3A_601 : vector<16xf32>
        %add3A_610 = arith.addf %mul3A_608, %mul3A_609 : vector<16xf32>
        %add3A_611 = arith.addf %add3A_607, %add3A_610 : vector<16xf32>
        %iota3A = tpu.iota {dimensions = array<i32: 0>} : vector<16xi32>
        %xor3A = arith.constant 8 : i32
        %xor3A_612 = vector.broadcast %xor3A : i32 to vector<16xi32>
        %xor3A_613 = arith.xori %iota3A, %xor3A_612 : vector<16xi32>
        %lt3A_614 = arith.constant 0 : i32
        %lt3A_615 = vector.broadcast %lt3A_614 : i32 to vector<16xi32>
        %lt3A_616 = arith.cmpi slt, %xor3A_613, %lt3A_615 : vector<16xi32>
        %add3A_617 = arith.constant 16 : i32
        %add3A_618 = vector.broadcast %add3A_617 : i32 to vector<16xi32>
        %add3A_619 = arith.addi %xor3A_613, %add3A_618 : vector<16xi32>
        %select_n3A_620 = arith.select %lt3A_616, %add3A_619, %xor3A_613 : vector<16xi1>, vector<16xi32>
        %broadcast_in_dim3A = vector.shape_cast %select_n3A_620 : vector<16xi32> to vector<16x1xi32>
        %gather3A = vector.shape_cast %broadcast_in_dim3A : vector<16x1xi32> to vector<16xi32>
        %gather3A_621 = tpu.dynamic_gather %add3A_604[%gather3A] in [0] : vector<16xf32>, vector<16xi32> -> vector<16xf32>
        %add3A_622 = arith.addf %add3A_604, %gather3A_621 : vector<16xf32>
        %xor3A_623 = arith.constant 4 : i32
        %xor3A_624 = vector.broadcast %xor3A_623 : i32 to vector<16xi32>
        %xor3A_625 = arith.xori %iota3A, %xor3A_624 : vector<16xi32>
        %lt3A_626 = arith.constant 0 : i32
        %lt3A_627 = vector.broadcast %lt3A_626 : i32 to vector<16xi32>
        %lt3A_628 = arith.cmpi slt, %xor3A_625, %lt3A_627 : vector<16xi32>
        %add3A_629 = arith.constant 16 : i32
        %add3A_630 = vector.broadcast %add3A_629 : i32 to vector<16xi32>
        %add3A_631 = arith.addi %xor3A_625, %add3A_630 : vector<16xi32>
        %select_n3A_632 = arith.select %lt3A_628, %add3A_631, %xor3A_625 : vector<16xi1>, vector<16xi32>
        %broadcast_in_dim3A_633 = vector.shape_cast %select_n3A_632 : vector<16xi32> to vector<16x1xi32>
        %gather3A_634 = vector.shape_cast %broadcast_in_dim3A_633 : vector<16x1xi32> to vector<16xi32>
        %gather3A_635 = tpu.dynamic_gather %add3A_622[%gather3A_634] in [0] : vector<16xf32>, vector<16xi32> -> vector<16xf32>
        %add3A_636 = arith.addf %add3A_622, %gather3A_635 : vector<16xf32>
        %xor3A_637 = arith.constant 2 : i32
        %xor3A_638 = vector.broadcast %xor3A_637 : i32 to vector<16xi32>
        %xor3A_639 = arith.xori %iota3A, %xor3A_638 : vector<16xi32>
        %lt3A_640 = arith.constant 0 : i32
        %lt3A_641 = vector.broadcast %lt3A_640 : i32 to vector<16xi32>
        %lt3A_642 = arith.cmpi slt, %xor3A_639, %lt3A_641 : vector<16xi32>
        %add3A_643 = arith.constant 16 : i32
        %add3A_644 = vector.broadcast %add3A_643 : i32 to vector<16xi32>
        %add3A_645 = arith.addi %xor3A_639, %add3A_644 : vector<16xi32>
        %select_n3A_646 = arith.select %lt3A_642, %add3A_645, %xor3A_639 : vector<16xi1>, vector<16xi32>
        %broadcast_in_dim3A_647 = vector.shape_cast %select_n3A_646 : vector<16xi32> to vector<16x1xi32>
        %gather3A_648 = vector.shape_cast %broadcast_in_dim3A_647 : vector<16x1xi32> to vector<16xi32>
        %gather3A_649 = tpu.dynamic_gather %add3A_636[%gather3A_648] in [0] : vector<16xf32>, vector<16xi32> -> vector<16xf32>
        %add3A_650 = arith.addf %add3A_636, %gather3A_649 : vector<16xf32>
        %xor3A_651 = arith.constant 1 : i32
        %xor3A_652 = vector.broadcast %xor3A_651 : i32 to vector<16xi32>
        %xor3A_653 = arith.xori %iota3A, %xor3A_652 : vector<16xi32>
        %lt3A_654 = arith.constant 0 : i32
        %lt3A_655 = vector.broadcast %lt3A_654 : i32 to vector<16xi32>
        %lt3A_656 = arith.cmpi slt, %xor3A_653, %lt3A_655 : vector<16xi32>
        %add3A_657 = arith.constant 16 : i32
        %add3A_658 = vector.broadcast %add3A_657 : i32 to vector<16xi32>
        %add3A_659 = arith.addi %xor3A_653, %add3A_658 : vector<16xi32>
        %select_n3A_660 = arith.select %lt3A_656, %add3A_659, %xor3A_653 : vector<16xi1>, vector<16xi32>
        %broadcast_in_dim3A_661 = vector.shape_cast %select_n3A_660 : vector<16xi32> to vector<16x1xi32>
        %gather3A_662 = vector.shape_cast %broadcast_in_dim3A_661 : vector<16x1xi32> to vector<16xi32>
        %gather3A_663 = tpu.dynamic_gather %add3A_650[%gather3A_662] in [0] : vector<16xf32>, vector<16xi32> -> vector<16xf32>
        %add3A_664 = arith.addf %add3A_650, %gather3A_663 : vector<16xf32>
        %mul3A_665 = arith.constant 1.562500e-02 : f32
        %mul3A_666 = vector.broadcast %mul3A_665 : f32 to vector<16xf32>
        %mul3A_667 = arith.mulf %add3A_664, %mul3A_666 : vector<16xf32>
        %iota3A_668 = tpu.iota {dimensions = array<i32: 0>} : vector<16xi32>
        %xor3A_669 = arith.constant 8 : i32
        %xor3A_670 = vector.broadcast %xor3A_669 : i32 to vector<16xi32>
        %xor3A_671 = arith.xori %iota3A_668, %xor3A_670 : vector<16xi32>
        %lt3A_672 = arith.constant 0 : i32
        %lt3A_673 = vector.broadcast %lt3A_672 : i32 to vector<16xi32>
        %lt3A_674 = arith.cmpi slt, %xor3A_671, %lt3A_673 : vector<16xi32>
        %add3A_675 = arith.constant 16 : i32
        %add3A_676 = vector.broadcast %add3A_675 : i32 to vector<16xi32>
        %add3A_677 = arith.addi %xor3A_671, %add3A_676 : vector<16xi32>
        %select_n3A_678 = arith.select %lt3A_674, %add3A_677, %xor3A_671 : vector<16xi1>, vector<16xi32>
        %broadcast_in_dim3A_679 = vector.shape_cast %select_n3A_678 : vector<16xi32> to vector<16x1xi32>
        %gather3A_680 = vector.shape_cast %broadcast_in_dim3A_679 : vector<16x1xi32> to vector<16xi32>
        %gather3A_681 = tpu.dynamic_gather %add3A_611[%gather3A_680] in [0] : vector<16xf32>, vector<16xi32> -> vector<16xf32>
        %add3A_682 = arith.addf %add3A_611, %gather3A_681 : vector<16xf32>
        %xor3A_683 = arith.constant 4 : i32
        %xor3A_684 = vector.broadcast %xor3A_683 : i32 to vector<16xi32>
        %xor3A_685 = arith.xori %iota3A_668, %xor3A_684 : vector<16xi32>
        %lt3A_686 = arith.constant 0 : i32
        %lt3A_687 = vector.broadcast %lt3A_686 : i32 to vector<16xi32>
        %lt3A_688 = arith.cmpi slt, %xor3A_685, %lt3A_687 : vector<16xi32>
        %add3A_689 = arith.constant 16 : i32
        %add3A_690 = vector.broadcast %add3A_689 : i32 to vector<16xi32>
        %add3A_691 = arith.addi %xor3A_685, %add3A_690 : vector<16xi32>
        %select_n3A_692 = arith.select %lt3A_688, %add3A_691, %xor3A_685 : vector<16xi1>, vector<16xi32>
        %broadcast_in_dim3A_693 = vector.shape_cast %select_n3A_692 : vector<16xi32> to vector<16x1xi32>
        %gather3A_694 = vector.shape_cast %broadcast_in_dim3A_693 : vector<16x1xi32> to vector<16xi32>
        %gather3A_695 = tpu.dynamic_gather %add3A_682[%gather3A_694] in [0] : vector<16xf32>, vector<16xi32> -> vector<16xf32>
        %add3A_696 = arith.addf %add3A_682, %gather3A_695 : vector<16xf32>
        %xor3A_697 = arith.constant 2 : i32
        %xor3A_698 = vector.broadcast %xor3A_697 : i32 to vector<16xi32>
        %xor3A_699 = arith.xori %iota3A_668, %xor3A_698 : vector<16xi32>
        %lt3A_700 = arith.constant 0 : i32
        %lt3A_701 = vector.broadcast %lt3A_700 : i32 to vector<16xi32>
        %lt3A_702 = arith.cmpi slt, %xor3A_699, %lt3A_701 : vector<16xi32>
        %add3A_703 = arith.constant 16 : i32
        %add3A_704 = vector.broadcast %add3A_703 : i32 to vector<16xi32>
        %add3A_705 = arith.addi %xor3A_699, %add3A_704 : vector<16xi32>
        %select_n3A_706 = arith.select %lt3A_702, %add3A_705, %xor3A_699 : vector<16xi1>, vector<16xi32>
        %broadcast_in_dim3A_707 = vector.shape_cast %select_n3A_706 : vector<16xi32> to vector<16x1xi32>
        %gather3A_708 = vector.shape_cast %broadcast_in_dim3A_707 : vector<16x1xi32> to vector<16xi32>
        %gather3A_709 = tpu.dynamic_gather %add3A_696[%gather3A_708] in [0] : vector<16xf32>, vector<16xi32> -> vector<16xf32>
        %add3A_710 = arith.addf %add3A_696, %gather3A_709 : vector<16xf32>
        %xor3A_711 = arith.constant 1 : i32
        %xor3A_712 = vector.broadcast %xor3A_711 : i32 to vector<16xi32>
        %xor3A_713 = arith.xori %iota3A_668, %xor3A_712 : vector<16xi32>
        %lt3A_714 = arith.constant 0 : i32
        %lt3A_715 = vector.broadcast %lt3A_714 : i32 to vector<16xi32>
        %lt3A_716 = arith.cmpi slt, %xor3A_713, %lt3A_715 : vector<16xi32>
        %add3A_717 = arith.constant 16 : i32
        %add3A_718 = vector.broadcast %add3A_717 : i32 to vector<16xi32>
        %add3A_719 = arith.addi %xor3A_713, %add3A_718 : vector<16xi32>
        %select_n3A_720 = arith.select %lt3A_716, %add3A_719, %xor3A_713 : vector<16xi1>, vector<16xi32>
        %broadcast_in_dim3A_721 = vector.shape_cast %select_n3A_720 : vector<16xi32> to vector<16x1xi32>
        %gather3A_722 = vector.shape_cast %broadcast_in_dim3A_721 : vector<16x1xi32> to vector<16xi32>
        %gather3A_723 = tpu.dynamic_gather %add3A_710[%gather3A_722] in [0] : vector<16xf32>, vector<16xi32> -> vector<16xf32>
        %add3A_724 = arith.addf %add3A_710, %gather3A_723 : vector<16xf32>
        %mul3A_725 = arith.constant 1.562500e-02 : f32
        %mul3A_726 = vector.broadcast %mul3A_725 : f32 to vector<16xf32>
        %mul3A_727 = arith.mulf %add3A_724, %mul3A_726 : vector<16xf32>
        %add3A_728 = arith.constant 9.99999974E-6 : f32
        %add3A_729 = vector.broadcast %add3A_728 : f32 to vector<16xf32>
        %add3A_730 = arith.addf %mul3A_727, %add3A_729 : vector<16xf32>
        %mul3A_731 = arith.mulf %mul3A_667, %mul3A_667 : vector<16xf32>
        %sub3A_732 = arith.subf %add3A_730, %mul3A_731 : vector<16xf32>
        %bitcast_convert_type3A = tpu.bitcast %sub3A_732 : vector<16xf32> -> vector<16xi32>
        %shift_right_arithmetic3A = arith.constant 1 : i32
        %shift_right_arithmetic3A_733 = vector.broadcast %shift_right_arithmetic3A : i32 to vector<16xi32>
        %shift_right_arithmetic3A_734 = arith.shrsi %bitcast_convert_type3A, %shift_right_arithmetic3A_733 : vector<16xi32>
        %sub3A_735 = arith.constant 1597463007 : i32
        %sub3A_736 = vector.broadcast %sub3A_735 : i32 to vector<16xi32>
        %sub3A_737 = arith.subi %sub3A_736, %shift_right_arithmetic3A_734 : vector<16xi32>
        %bitcast_convert_type3A_738 = tpu.bitcast %sub3A_737 : vector<16xi32> -> vector<16xf32>
        %mul3A_739 = arith.constant 5.000000e-01 : f32
        %mul3A_740 = vector.broadcast %mul3A_739 : f32 to vector<16xf32>
        %mul3A_741 = arith.mulf %sub3A_732, %mul3A_740 : vector<16xf32>
        %mul3A_742 = arith.mulf %mul3A_741, %bitcast_convert_type3A_738 : vector<16xf32>
        %mul3A_743 = arith.mulf %mul3A_742, %bitcast_convert_type3A_738 : vector<16xf32>
        %sub3A_744 = arith.constant 1.500000e+00 : f32
        %sub3A_745 = vector.broadcast %sub3A_744 : f32 to vector<16xf32>
        %sub3A_746 = arith.subf %sub3A_745, %mul3A_743 : vector<16xf32>
        %mul3A_747 = arith.mulf %bitcast_convert_type3A_738, %sub3A_746 : vector<16xf32>
        %mul3A_748 = arith.mulf %mul3A_741, %mul3A_747 : vector<16xf32>
        %mul3A_749 = arith.mulf %mul3A_748, %mul3A_747 : vector<16xf32>
        %sub3A_750 = arith.constant 1.500000e+00 : f32
        %sub3A_751 = vector.broadcast %sub3A_750 : f32 to vector<16xf32>
        %sub3A_752 = arith.subf %sub3A_751, %mul3A_749 : vector<16xf32>
        %mul3A_753 = arith.mulf %mul3A_747, %sub3A_752 : vector<16xf32>
        %sub3A_754 = arith.subf %get3A_574, %mul3A_667 : vector<16xf32>
        %mul3A_755 = arith.mulf %sub3A_754, %mul3A_753 : vector<16xf32>
        %mul3A_756 = arith.mulf %mul3A_755, %get3A_4 : vector<16xf32>
        %add3A_757 = arith.addf %mul3A_756, %get3A_16 : vector<16xf32>
        %swap3A = arith.constant 0 : i32
        %swap3A_758 = arith.constant 0 : i32
        %swap3A_759 = arith.constant 0 : i32
        %swap3A_760 = tpu.memref_slice %arg8[%swap3A, %swap3A_758, %swap3A_759] : memref<2x200x64xf32, #tpu.memory_space<vmem>> -> memref<1x200x64xf32, #tpu.memory_space<vmem>>
        %swap3A_761 = tpu.memref_squeeze %swap3A_760 : memref<1x200x64xf32, #tpu.memory_space<vmem>> -> memref<200x64xf32, #tpu.memory_space<vmem>>
        %swap3A_762 = arith.index_cast %add3A_565 : i32 to index
        %swap3A_763 = arith.constant 0 : index
        %swap3A_764 = tpu.vector_load %swap3A_761[%swap3A_762, %swap3A_763] {strides = array<i32>} : memref<200x64xf32, #tpu.memory_space<vmem>>, vector<1x16xf32>,
        %swap3A_765 = vector.shape_cast %swap3A_764 : vector<1x16xf32> to vector<16xf32>
        %swap3A_766 = vector.shape_cast %add3A_757 : vector<16xf32> to vector<1x16xf32>
        tpu.vector_store %swap3A_761[%swap3A_762, %swap3A_763], %swap3A_766 {strides = array<i32>} : memref<200x64xf32, #tpu.memory_space<vmem>>, vector<1x16xf32>,
        %sub3A_767 = arith.subf %get3A_583, %mul3A_667 : vector<16xf32>
        %mul3A_768 = arith.mulf %sub3A_767, %mul3A_753 : vector<16xf32>
        %mul3A_769 = arith.mulf %mul3A_768, %get3A_7 : vector<16xf32>
        %add3A_770 = arith.addf %mul3A_769, %get3A_19 : vector<16xf32>
        %swap3A_771 = arith.constant 0 : i32
        %swap3A_772 = arith.constant 0 : i32
        %swap3A_773 = arith.constant 0 : i32
        %swap3A_774 = tpu.memref_slice %arg8[%swap3A_771, %swap3A_772, %swap3A_773] : memref<2x200x64xf32, #tpu.memory_space<vmem>> -> memref<1x200x64xf32, #tpu.memory_space<vmem>>
        %swap3A_775 = tpu.memref_squeeze %swap3A_774 : memref<1x200x64xf32, #tpu.memory_space<vmem>> -> memref<200x64xf32, #tpu.memory_space<vmem>>
        %swap3A_776 = arith.index_cast %add3A_565 : i32 to index
        %swap3A_777 = arith.constant 16 : index
        %swap3A_778 = tpu.vector_load %swap3A_775[%swap3A_776, %swap3A_777] {strides = array<i32>} : memref<200x64xf32, #tpu.memory_space<vmem>>, vector<1x16xf32>,
        %swap3A_779 = vector.shape_cast %swap3A_778 : vector<1x16xf32> to vector<16xf32>
        %swap3A_780 = vector.shape_cast %add3A_770 : vector<16xf32> to vector<1x16xf32>
        tpu.vector_store %swap3A_775[%swap3A_776, %swap3A_777], %swap3A_780 {strides = array<i32>} : memref<200x64xf32, #tpu.memory_space<vmem>>, vector<1x16xf32>,
        %sub3A_781 = arith.subf %get3A_592, %mul3A_667 : vector<16xf32>
        %mul3A_782 = arith.mulf %sub3A_781, %mul3A_753 : vector<16xf32>
        %mul3A_783 = arith.mulf %mul3A_782, %get3A_10 : vector<16xf32>
        %add3A_784 = arith.addf %mul3A_783, %get3A_22 : vector<16xf32>
        %swap3A_785 = arith.constant 0 : i32
        %swap3A_786 = arith.constant 0 : i32
        %swap3A_787 = arith.constant 0 : i32
        %swap3A_788 = tpu.memref_slice %arg8[%swap3A_785, %swap3A_786, %swap3A_787] : memref<2x200x64xf32, #tpu.memory_space<vmem>> -> memref<1x200x64xf32, #tpu.memory_space<vmem>>
        %swap3A_789 = tpu.memref_squeeze %swap3A_788 : memref<1x200x64xf32, #tpu.memory_space<vmem>> -> memref<200x64xf32, #tpu.memory_space<vmem>>
        %swap3A_790 = arith.index_cast %add3A_565 : i32 to index
        %swap3A_791 = arith.constant 32 : index
        %swap3A_792 = tpu.vector_load %swap3A_789[%swap3A_790, %swap3A_791] {strides = array<i32>} : memref<200x64xf32, #tpu.memory_space<vmem>>, vector<1x16xf32>,
        %swap3A_793 = vector.shape_cast %swap3A_792 : vector<1x16xf32> to vector<16xf32>
        %swap3A_794 = vector.shape_cast %add3A_784 : vector<16xf32> to vector<1x16xf32>
        tpu.vector_store %swap3A_789[%swap3A_790, %swap3A_791], %swap3A_794 {strides = array<i32>} : memref<200x64xf32, #tpu.memory_space<vmem>>, vector<1x16xf32>,
        %sub3A_795 = arith.subf %get3A_601, %mul3A_667 : vector<16xf32>
        %mul3A_796 = arith.mulf %sub3A_795, %mul3A_753 : vector<16xf32>
        %mul3A_797 = arith.mulf %mul3A_796, %get3A_13 : vector<16xf32>
        %add3A_798 = arith.addf %mul3A_797, %get3A_25 : vector<16xf32>
        %swap3A_799 = arith.constant 0 : i32
        %swap3A_800 = arith.constant 0 : i32
        %swap3A_801 = arith.constant 0 : i32
        %swap3A_802 = tpu.memref_slice %arg8[%swap3A_799, %swap3A_800, %swap3A_801] : memref<2x200x64xf32, #tpu.memory_space<vmem>> -> memref<1x200x64xf32, #tpu.memory_space<vmem>>
        %swap3A_803 = tpu.memref_squeeze %swap3A_802 : memref<1x200x64xf32, #tpu.memory_space<vmem>> -> memref<200x64xf32, #tpu.memory_space<vmem>>
        %swap3A_804 = arith.index_cast %add3A_565 : i32 to index
        %swap3A_805 = arith.constant 48 : index
        %swap3A_806 = tpu.vector_load %swap3A_803[%swap3A_804, %swap3A_805] {strides = array<i32>} : memref<200x64xf32, #tpu.memory_space<vmem>>, vector<1x16xf32>,
        %swap3A_807 = vector.shape_cast %swap3A_806 : vector<1x16xf32> to vector<16xf32>
        %swap3A_808 = vector.shape_cast %add3A_798 : vector<16xf32> to vector<1x16xf32>
        tpu.vector_store %swap3A_803[%swap3A_804, %swap3A_805], %swap3A_808 {strides = array<i32>} : memref<200x64xf32, #tpu.memory_space<vmem>>, vector<1x16xf32>,
        %add3A_809 = arith.constant 1 : i32
        %add3A_810 = arith.addi %mul3A_563, %add3A_809 : i32
        %get3A_811 = arith.constant 0 : i32
        %get3A_812 = arith.constant 0 : i32
        %get3A_813 = arith.constant 0 : i32
        %get3A_814 = tpu.memref_slice %arg8[%get3A_811, %get3A_812, %get3A_813] : memref<2x200x64xf32, #tpu.memory_space<vmem>> -> memref<1x200x64xf32, #tpu.memory_space<vmem>>
        %get3A_815 = tpu.memref_squeeze %get3A_814 : memref<1x200x64xf32, #tpu.memory_space<vmem>> -> memref<200x64xf32, #tpu.memory_space<vmem>>
        %get3A_816 = arith.index_cast %add3A_810 : i32 to index
        %get3A_817 = arith.constant 0 : index
        %get3A_818 = tpu.vector_load %get3A_815[%get3A_816, %get3A_817] {strides = array<i32>} : memref<200x64xf32, #tpu.memory_space<vmem>>, vector<1x16xf32>,
        %get3A_819 = vector.shape_cast %get3A_818 : vector<1x16xf32> to vector<16xf32>
        %get3A_820 = arith.constant 0 : i32
        %get3A_821 = arith.constant 0 : i32
        %get3A_822 = arith.constant 0 : i32
        %get3A_823 = tpu.memref_slice %arg8[%get3A_820, %get3A_821, %get3A_822] : memref<2x200x64xf32, #tpu.memory_space<vmem>> -> memref<1x200x64xf32, #tpu.memory_space<vmem>>
        %get3A_824 = tpu.memref_squeeze %get3A_823 : memref<1x200x64xf32, #tpu.memory_space<vmem>> -> memref<200x64xf32, #tpu.memory_space<vmem>>
        %get3A_825 = arith.index_cast %add3A_810 : i32 to index
        %get3A_826 = arith.constant 16 : index
        %get3A_827 = tpu.vector_load %get3A_824[%get3A_825, %get3A_826] {strides = array<i32>} : memref<200x64xf32, #tpu.memory_space<vmem>>, vector<1x16xf32>,
        %get3A_828 = vector.shape_cast %get3A_827 : vector<1x16xf32> to vector<16xf32>
        %get3A_829 = arith.constant 0 : i32
        %get3A_830 = arith.constant 0 : i32
        %get3A_831 = arith.constant 0 : i32
        %get3A_832 = tpu.memref_slice %arg8[%get3A_829, %get3A_830, %get3A_831] : memref<2x200x64xf32, #tpu.memory_space<vmem>> -> memref<1x200x64xf32, #tpu.memory_space<vmem>>
        %get3A_833 = tpu.memref_squeeze %get3A_832 : memref<1x200x64xf32, #tpu.memory_space<vmem>> -> memref<200x64xf32, #tpu.memory_space<vmem>>
        %get3A_834 = arith.index_cast %add3A_810 : i32 to index
        %get3A_835 = arith.constant 32 : index
        %get3A_836 = tpu.vector_load %get3A_833[%get3A_834, %get3A_835] {strides = array<i32>} : memref<200x64xf32, #tpu.memory_space<vmem>>, vector<1x16xf32>,
        %get3A_837 = vector.shape_cast %get3A_836 : vector<1x16xf32> to vector<16xf32>
        %get3A_838 = arith.constant 0 : i32
        %get3A_839 = arith.constant 0 : i32
        %get3A_840 = arith.constant 0 : i32
        %get3A_841 = tpu.memref_slice %arg8[%get3A_838, %get3A_839, %get3A_840] : memref<2x200x64xf32, #tpu.memory_space<vmem>> -> memref<1x200x64xf32, #tpu.memory_space<vmem>>
        %get3A_842 = tpu.memref_squeeze %get3A_841 : memref<1x200x64xf32, #tpu.memory_space<vmem>> -> memref<200x64xf32, #tpu.memory_space<vmem>>
        %get3A_843 = arith.index_cast %add3A_810 : i32 to index
        %get3A_844 = arith.constant 48 : index
        %get3A_845 = tpu.vector_load %get3A_842[%get3A_843, %get3A_844] {strides = array<i32>} : memref<200x64xf32, #tpu.memory_space<vmem>>, vector<1x16xf32>,
        %get3A_846 = vector.shape_cast %get3A_845 : vector<1x16xf32> to vector<16xf32>
        %add3A_847 = arith.addf %get3A_819, %get3A_828 : vector<16xf32>
        %add3A_848 = arith.addf %get3A_837, %get3A_846 : vector<16xf32>
        %add3A_849 = arith.addf %add3A_847, %add3A_848 : vector<16xf32>
        %mul3A_850 = arith.mulf %get3A_819, %get3A_819 : vector<16xf32>
        %mul3A_851 = arith.mulf %get3A_828, %get3A_828 : vector<16xf32>
        %add3A_852 = arith.addf %mul3A_850, %mul3A_851 : vector<16xf32>
        %mul3A_853 = arith.mulf %get3A_837, %get3A_837 : vector<16xf32>
        %mul3A_854 = arith.mulf %get3A_846, %get3A_846 : vector<16xf32>
        %add3A_855 = arith.addf %mul3A_853, %mul3A_854 : vector<16xf32>
        %add3A_856 = arith.addf %add3A_852, %add3A_855 : vector<16xf32>
        %iota3A_857 = tpu.iota {dimensions = array<i32: 0>} : vector<16xi32>
        %xor3A_858 = arith.constant 8 : i32
        %xor3A_859 = vector.broadcast %xor3A_858 : i32 to vector<16xi32>
        %xor3A_860 = arith.xori %iota3A_857, %xor3A_859 : vector<16xi32>
        %lt3A_861 = arith.constant 0 : i32
        %lt3A_862 = vector.broadcast %lt3A_861 : i32 to vector<16xi32>
        %lt3A_863 = arith.cmpi slt, %xor3A_860, %lt3A_862 : vector<16xi32>
        %add3A_864 = arith.constant 16 : i32
        %add3A_865 = vector.broadcast %add3A_864 : i32 to vector<16xi32>
        %add3A_866 = arith.addi %xor3A_860, %add3A_865 : vector<16xi32>
        %select_n3A_867 = arith.select %lt3A_863, %add3A_866, %xor3A_860 : vector<16xi1>, vector<16xi32>
        %broadcast_in_dim3A_868 = vector.shape_cast %select_n3A_867 : vector<16xi32> to vector<16x1xi32>
        %gather3A_869 = vector.shape_cast %broadcast_in_dim3A_868 : vector<16x1xi32> to vector<16xi32>
        %gather3A_870 = tpu.dynamic_gather %add3A_849[%gather3A_869] in [0] : vector<16xf32>, vector<16xi32> -> vector<16xf32>
        %add3A_871 = arith.addf %add3A_849, %gather3A_870 : vector<16xf32>
        %xor3A_872 = arith.constant 4 : i32
        %xor3A_873 = vector.broadcast %xor3A_872 : i32 to vector<16xi32>
        %xor3A_874 = arith.xori %iota3A_857, %xor3A_873 : vector<16xi32>
        %lt3A_875 = arith.constant 0 : i32
        %lt3A_876 = vector.broadcast %lt3A_875 : i32 to vector<16xi32>
        %lt3A_877 = arith.cmpi slt, %xor3A_874, %lt3A_876 : vector<16xi32>
        %add3A_878 = arith.constant 16 : i32
        %add3A_879 = vector.broadcast %add3A_878 : i32 to vector<16xi32>
        %add3A_880 = arith.addi %xor3A_874, %add3A_879 : vector<16xi32>
        %select_n3A_881 = arith.select %lt3A_877, %add3A_880, %xor3A_874 : vector<16xi1>, vector<16xi32>
        %broadcast_in_dim3A_882 = vector.shape_cast %select_n3A_881 : vector<16xi32> to vector<16x1xi32>
        %gather3A_883 = vector.shape_cast %broadcast_in_dim3A_882 : vector<16x1xi32> to vector<16xi32>
        %gather3A_884 = tpu.dynamic_gather %add3A_871[%gather3A_883] in [0] : vector<16xf32>, vector<16xi32> -> vector<16xf32>
        %add3A_885 = arith.addf %add3A_871, %gather3A_884 : vector<16xf32>
        %xor3A_886 = arith.constant 2 : i32
        %xor3A_887 = vector.broadcast %xor3A_886 : i32 to vector<16xi32>
        %xor3A_888 = arith.xori %iota3A_857, %xor3A_887 : vector<16xi32>
        %lt3A_889 = arith.constant 0 : i32
        %lt3A_890 = vector.broadcast %lt3A_889 : i32 to vector<16xi32>
        %lt3A_891 = arith.cmpi slt, %xor3A_888, %lt3A_890 : vector<16xi32>
        %add3A_892 = arith.constant 16 : i32
        %add3A_893 = vector.broadcast %add3A_892 : i32 to vector<16xi32>
        %add3A_894 = arith.addi %xor3A_888, %add3A_893 : vector<16xi32>
        %select_n3A_895 = arith.select %lt3A_891, %add3A_894, %xor3A_888 : vector<16xi1>, vector<16xi32>
        %broadcast_in_dim3A_896 = vector.shape_cast %select_n3A_895 : vector<16xi32> to vector<16x1xi32>
        %gather3A_897 = vector.shape_cast %broadcast_in_dim3A_896 : vector<16x1xi32> to vector<16xi32>
        %gather3A_898 = tpu.dynamic_gather %add3A_885[%gather3A_897] in [0] : vector<16xf32>, vector<16xi32> -> vector<16xf32>
        %add3A_899 = arith.addf %add3A_885, %gather3A_898 : vector<16xf32>
        %xor3A_900 = arith.constant 1 : i32
        %xor3A_901 = vector.broadcast %xor3A_900 : i32 to vector<16xi32>
        %xor3A_902 = arith.xori %iota3A_857, %xor3A_901 : vector<16xi32>
        %lt3A_903 = arith.constant 0 : i32
        %lt3A_904 = vector.broadcast %lt3A_903 : i32 to vector<16xi32>
        %lt3A_905 = arith.cmpi slt, %xor3A_902, %lt3A_904 : vector<16xi32>
        %add3A_906 = arith.constant 16 : i32
        %add3A_907 = vector.broadcast %add3A_906 : i32 to vector<16xi32>
        %add3A_908 = arith.addi %xor3A_902, %add3A_907 : vector<16xi32>
        %select_n3A_909 = arith.select %lt3A_905, %add3A_908, %xor3A_902 : vector<16xi1>, vector<16xi32>
        %broadcast_in_dim3A_910 = vector.shape_cast %select_n3A_909 : vector<16xi32> to vector<16x1xi32>
        %gather3A_911 = vector.shape_cast %broadcast_in_dim3A_910 : vector<16x1xi32> to vector<16xi32>
        %gather3A_912 = tpu.dynamic_gather %add3A_899[%gather3A_911] in [0] : vector<16xf32>, vector<16xi32> -> vector<16xf32>
        %add3A_913 = arith.addf %add3A_899, %gather3A_912 : vector<16xf32>
        %mul3A_914 = arith.constant 1.562500e-02 : f32
        %mul3A_915 = vector.broadcast %mul3A_914 : f32 to vector<16xf32>
        %mul3A_916 = arith.mulf %add3A_913, %mul3A_915 : vector<16xf32>
        %iota3A_917 = tpu.iota {dimensions = array<i32: 0>} : vector<16xi32>
        %xor3A_918 = arith.constant 8 : i32
        %xor3A_919 = vector.broadcast %xor3A_918 : i32 to vector<16xi32>
        %xor3A_920 = arith.xori %iota3A_917, %xor3A_919 : vector<16xi32>
        %lt3A_921 = arith.constant 0 : i32
        %lt3A_922 = vector.broadcast %lt3A_921 : i32 to vector<16xi32>
        %lt3A_923 = arith.cmpi slt, %xor3A_920, %lt3A_922 : vector<16xi32>
        %add3A_924 = arith.constant 16 : i32
        %add3A_925 = vector.broadcast %add3A_924 : i32 to vector<16xi32>
        %add3A_926 = arith.addi %xor3A_920, %add3A_925 : vector<16xi32>
        %select_n3A_927 = arith.select %lt3A_923, %add3A_926, %xor3A_920 : vector<16xi1>, vector<16xi32>
        %broadcast_in_dim3A_928 = vector.shape_cast %select_n3A_927 : vector<16xi32> to vector<16x1xi32>
        %gather3A_929 = vector.shape_cast %broadcast_in_dim3A_928 : vector<16x1xi32> to vector<16xi32>
        %gather3A_930 = tpu.dynamic_gather %add3A_856[%gather3A_929] in [0] : vector<16xf32>, vector<16xi32> -> vector<16xf32>
        %add3A_931 = arith.addf %add3A_856, %gather3A_930 : vector<16xf32>
        %xor3A_932 = arith.constant 4 : i32
        %xor3A_933 = vector.broadcast %xor3A_932 : i32 to vector<16xi32>
        %xor3A_934 = arith.xori %iota3A_917, %xor3A_933 : vector<16xi32>
        %lt3A_935 = arith.constant 0 : i32
        %lt3A_936 = vector.broadcast %lt3A_935 : i32 to vector<16xi32>
        %lt3A_937 = arith.cmpi slt, %xor3A_934, %lt3A_936 : vector<16xi32>
        %add3A_938 = arith.constant 16 : i32
        %add3A_939 = vector.broadcast %add3A_938 : i32 to vector<16xi32>
        %add3A_940 = arith.addi %xor3A_934, %add3A_939 : vector<16xi32>
        %select_n3A_941 = arith.select %lt3A_937, %add3A_940, %xor3A_934 : vector<16xi1>, vector<16xi32>
        %broadcast_in_dim3A_942 = vector.shape_cast %select_n3A_941 : vector<16xi32> to vector<16x1xi32>
        %gather3A_943 = vector.shape_cast %broadcast_in_dim3A_942 : vector<16x1xi32> to vector<16xi32>
        %gather3A_944 = tpu.dynamic_gather %add3A_931[%gather3A_943] in [0] : vector<16xf32>, vector<16xi32> -> vector<16xf32>
        %add3A_945 = arith.addf %add3A_931, %gather3A_944 : vector<16xf32>
        %xor3A_946 = arith.constant 2 : i32
        %xor3A_947 = vector.broadcast %xor3A_946 : i32 to vector<16xi32>
        %xor3A_948 = arith.xori %iota3A_917, %xor3A_947 : vector<16xi32>
        %lt3A_949 = arith.constant 0 : i32
        %lt3A_950 = vector.broadcast %lt3A_949 : i32 to vector<16xi32>
        %lt3A_951 = arith.cmpi slt, %xor3A_948, %lt3A_950 : vector<16xi32>
        %add3A_952 = arith.constant 16 : i32
        %add3A_953 = vector.broadcast %add3A_952 : i32 to vector<16xi32>
        %add3A_954 = arith.addi %xor3A_948, %add3A_953 : vector<16xi32>
        %select_n3A_955 = arith.select %lt3A_951, %add3A_954, %xor3A_948 : vector<16xi1>, vector<16xi32>
        %broadcast_in_dim3A_956 = vector.shape_cast %select_n3A_955 : vector<16xi32> to vector<16x1xi32>
        %gather3A_957 = vector.shape_cast %broadcast_in_dim3A_956 : vector<16x1xi32> to vector<16xi32>
        %gather3A_958 = tpu.dynamic_gather %add3A_945[%gather3A_957] in [0] : vector<16xf32>, vector<16xi32> -> vector<16xf32>
        %add3A_959 = arith.addf %add3A_945, %gather3A_958 : vector<16xf32>
        %xor3A_960 = arith.constant 1 : i32
        %xor3A_961 = vector.broadcast %xor3A_960 : i32 to vector<16xi32>
        %xor3A_962 = arith.xori %iota3A_917, %xor3A_961 : vector<16xi32>
        %lt3A_963 = arith.constant 0 : i32
        %lt3A_964 = vector.broadcast %lt3A_963 : i32 to vector<16xi32>
        %lt3A_965 = arith.cmpi slt, %xor3A_962, %lt3A_964 : vector<16xi32>
        %add3A_966 = arith.constant 16 : i32
        %add3A_967 = vector.broadcast %add3A_966 : i32 to vector<16xi32>
        %add3A_968 = arith.addi %xor3A_962, %add3A_967 : vector<16xi32>
        %select_n3A_969 = arith.select %lt3A_965, %add3A_968, %xor3A_962 : vector<16xi1>, vector<16xi32>
        %broadcast_in_dim3A_970 = vector.shape_cast %select_n3A_969 : vector<16xi32> to vector<16x1xi32>
        %gather3A_971 = vector.shape_cast %broadcast_in_dim3A_970 : vector<16x1xi32> to vector<16xi32>
        %gather3A_972 = tpu.dynamic_gather %add3A_959[%gather3A_971] in [0] : vector<16xf32>, vector<16xi32> -> vector<16xf32>
        %add3A_973 = arith.addf %add3A_959, %gather3A_972 : vector<16xf32>
        %mul3A_974 = arith.constant 1.562500e-02 : f32
        %mul3A_975 = vector.broadcast %mul3A_974 : f32 to vector<16xf32>
        %mul3A_976 = arith.mulf %add3A_973, %mul3A_975 : vector<16xf32>
        %add3A_977 = arith.constant 9.99999974E-6 : f32
        %add3A_978 = vector.broadcast %add3A_977 : f32 to vector<16xf32>
        %add3A_979 = arith.addf %mul3A_976, %add3A_978 : vector<16xf32>
        %mul3A_980 = arith.mulf %mul3A_916, %mul3A_916 : vector<16xf32>
        %sub3A_981 = arith.subf %add3A_979, %mul3A_980 : vector<16xf32>
        %bitcast_convert_type3A_982 = tpu.bitcast %sub3A_981 : vector<16xf32> -> vector<16xi32>
        %shift_right_arithmetic3A_983 = arith.constant 1 : i32
        %shift_right_arithmetic3A_984 = vector.broadcast %shift_right_arithmetic3A_983 : i32 to vector<16xi32>
        %shift_right_arithmetic3A_985 = arith.shrsi %bitcast_convert_type3A_982, %shift_right_arithmetic3A_984 : vector<16xi32>
        %sub3A_986 = arith.constant 1597463007 : i32
        %sub3A_987 = vector.broadcast %sub3A_986 : i32 to vector<16xi32>
        %sub3A_988 = arith.subi %sub3A_987, %shift_right_arithmetic3A_985 : vector<16xi32>
        %bitcast_convert_type3A_989 = tpu.bitcast %sub3A_988 : vector<16xi32> -> vector<16xf32>
        %mul3A_990 = arith.constant 5.000000e-01 : f32
        %mul3A_991 = vector.broadcast %mul3A_990 : f32 to vector<16xf32>
        %mul3A_992 = arith.mulf %sub3A_981, %mul3A_991 : vector<16xf32>
        %mul3A_993 = arith.mulf %mul3A_992, %bitcast_convert_type3A_989 : vector<16xf32>
        %mul3A_994 = arith.mulf %mul3A_993, %bitcast_convert_type3A_989 : vector<16xf32>
        %sub3A_995 = arith.constant 1.500000e+00 : f32
        %sub3A_996 = vector.broadcast %sub3A_995 : f32 to vector<16xf32>
        %sub3A_997 = arith.subf %sub3A_996, %mul3A_994 : vector<16xf32>
        %mul3A_998 = arith.mulf %bitcast_convert_type3A_989, %sub3A_997 : vector<16xf32>
        %mul3A_999 = arith.mulf %mul3A_992, %mul3A_998 : vector<16xf32>
        %mul3A_1000 = arith.mulf %mul3A_999, %mul3A_998 : vector<16xf32>
        %sub3A_1001 = arith.constant 1.500000e+00 : f32
        %sub3A_1002 = vector.broadcast %sub3A_1001 : f32 to vector<16xf32>
        %sub3A_1003 = arith.subf %sub3A_1002, %mul3A_1000 : vector<16xf32>
        %mul3A_1004 = arith.mulf %mul3A_998, %sub3A_1003 : vector<16xf32>
        %sub3A_1005 = arith.subf %get3A_819, %mul3A_916 : vector<16xf32>
        %mul3A_1006 = arith.mulf %sub3A_1005, %mul3A_1004 : vector<16xf32>
        %mul3A_1007 = arith.mulf %mul3A_1006, %get3A_4 : vector<16xf32>
        %add3A_1008 = arith.addf %mul3A_1007, %get3A_16 : vector<16xf32>
        %swap3A_1009 = arith.constant 0 : i32
        %swap3A_1010 = arith.constant 0 : i32
        %swap3A_1011 = arith.constant 0 : i32
        %swap3A_1012 = tpu.memref_slice %arg8[%swap3A_1009, %swap3A_1010, %swap3A_1011] : memref<2x200x64xf32, #tpu.memory_space<vmem>> -> memref<1x200x64xf32, #tpu.memory_space<vmem>>
        %swap3A_1013 = tpu.memref_squeeze %swap3A_1012 : memref<1x200x64xf32, #tpu.memory_space<vmem>> -> memref<200x64xf32, #tpu.memory_space<vmem>>
        %swap3A_1014 = arith.index_cast %add3A_810 : i32 to index
        %swap3A_1015 = arith.constant 0 : index
        %swap3A_1016 = tpu.vector_load %swap3A_1013[%swap3A_1014, %swap3A_1015] {strides = array<i32>} : memref<200x64xf32, #tpu.memory_space<vmem>>, vector<1x16xf32>,
        %swap3A_1017 = vector.shape_cast %swap3A_1016 : vector<1x16xf32> to vector<16xf32>
        %swap3A_1018 = vector.shape_cast %add3A_1008 : vector<16xf32> to vector<1x16xf32>
        tpu.vector_store %swap3A_1013[%swap3A_1014, %swap3A_1015], %swap3A_1018 {strides = array<i32>} : memref<200x64xf32, #tpu.memory_space<vmem>>, vector<1x16xf32>,
        %sub3A_1019 = arith.subf %get3A_828, %mul3A_916 : vector<16xf32>
        %mul3A_1020 = arith.mulf %sub3A_1019, %mul3A_1004 : vector<16xf32>
        %mul3A_1021 = arith.mulf %mul3A_1020, %get3A_7 : vector<16xf32>
        %add3A_1022 = arith.addf %mul3A_1021, %get3A_19 : vector<16xf32>
        %swap3A_1023 = arith.constant 0 : i32
        %swap3A_1024 = arith.constant 0 : i32
        %swap3A_1025 = arith.constant 0 : i32
        %swap3A_1026 = tpu.memref_slice %arg8[%swap3A_1023, %swap3A_1024, %swap3A_1025] : memref<2x200x64xf32, #tpu.memory_space<vmem>> -> memref<1x200x64xf32, #tpu.memory_space<vmem>>
        %swap3A_1027 = tpu.memref_squeeze %swap3A_1026 : memref<1x200x64xf32, #tpu.memory_space<vmem>> -> memref<200x64xf32, #tpu.memory_space<vmem>>
        %swap3A_1028 = arith.index_cast %add3A_810 : i32 to index
        %swap3A_1029 = arith.constant 16 : index
        %swap3A_1030 = tpu.vector_load %swap3A_1027[%swap3A_1028, %swap3A_1029] {strides = array<i32>} : memref<200x64xf32, #tpu.memory_space<vmem>>, vector<1x16xf32>,
        %swap3A_1031 = vector.shape_cast %swap3A_1030 : vector<1x16xf32> to vector<16xf32>
        %swap3A_1032 = vector.shape_cast %add3A_1022 : vector<16xf32> to vector<1x16xf32>
        tpu.vector_store %swap3A_1027[%swap3A_1028, %swap3A_1029], %swap3A_1032 {strides = array<i32>} : memref<200x64xf32, #tpu.memory_space<vmem>>, vector<1x16xf32>,
        %sub3A_1033 = arith.subf %get3A_837, %mul3A_916 : vector<16xf32>
        %mul3A_1034 = arith.mulf %sub3A_1033, %mul3A_1004 : vector<16xf32>
        %mul3A_1035 = arith.mulf %mul3A_1034, %get3A_10 : vector<16xf32>
        %add3A_1036 = arith.addf %mul3A_1035, %get3A_22 : vector<16xf32>
        %swap3A_1037 = arith.constant 0 : i32
        %swap3A_1038 = arith.constant 0 : i32
        %swap3A_1039 = arith.constant 0 : i32
        %swap3A_1040 = tpu.memref_slice %arg8[%swap3A_1037, %swap3A_1038, %swap3A_1039] : memref<2x200x64xf32, #tpu.memory_space<vmem>> -> memref<1x200x64xf32, #tpu.memory_space<vmem>>
        %swap3A_1041 = tpu.memref_squeeze %swap3A_1040 : memref<1x200x64xf32, #tpu.memory_space<vmem>> -> memref<200x64xf32, #tpu.memory_space<vmem>>
        %swap3A_1042 = arith.index_cast %add3A_810 : i32 to index
        %swap3A_1043 = arith.constant 32 : index
        %swap3A_1044 = tpu.vector_load %swap3A_1041[%swap3A_1042, %swap3A_1043] {strides = array<i32>} : memref<200x64xf32, #tpu.memory_space<vmem>>, vector<1x16xf32>,
        %swap3A_1045 = vector.shape_cast %swap3A_1044 : vector<1x16xf32> to vector<16xf32>
        %swap3A_1046 = vector.shape_cast %add3A_1036 : vector<16xf32> to vector<1x16xf32>
        tpu.vector_store %swap3A_1041[%swap3A_1042, %swap3A_1043], %swap3A_1046 {strides = array<i32>} : memref<200x64xf32, #tpu.memory_space<vmem>>, vector<1x16xf32>,
        %sub3A_1047 = arith.subf %get3A_846, %mul3A_916 : vector<16xf32>
        %mul3A_1048 = arith.mulf %sub3A_1047, %mul3A_1004 : vector<16xf32>
        %mul3A_1049 = arith.mulf %mul3A_1048, %get3A_13 : vector<16xf32>
        %add3A_1050 = arith.addf %mul3A_1049, %get3A_25 : vector<16xf32>
        %swap3A_1051 = arith.constant 0 : i32
        %swap3A_1052 = arith.constant 0 : i32
        %swap3A_1053 = arith.constant 0 : i32
        %swap3A_1054 = tpu.memref_slice %arg8[%swap3A_1051, %swap3A_1052, %swap3A_1053] : memref<2x200x64xf32, #tpu.memory_space<vmem>> -> memref<1x200x64xf32, #tpu.memory_space<vmem>>
        %swap3A_1055 = tpu.memref_squeeze %swap3A_1054 : memref<1x200x64xf32, #tpu.memory_space<vmem>> -> memref<200x64xf32, #tpu.memory_space<vmem>>
        %swap3A_1056 = arith.index_cast %add3A_810 : i32 to index
        %swap3A_1057 = arith.constant 48 : index
        %swap3A_1058 = tpu.vector_load %swap3A_1055[%swap3A_1056, %swap3A_1057] {strides = array<i32>} : memref<200x64xf32, #tpu.memory_space<vmem>>, vector<1x16xf32>,
        %swap3A_1059 = vector.shape_cast %swap3A_1058 : vector<1x16xf32> to vector<16xf32>
        %swap3A_1060 = vector.shape_cast %add3A_1050 : vector<16xf32> to vector<1x16xf32>
        tpu.vector_store %swap3A_1055[%swap3A_1056, %swap3A_1057], %swap3A_1060 {strides = array<i32>} : memref<200x64xf32, #tpu.memory_space<vmem>>, vector<1x16xf32>,
        %add3A_1061 = arith.constant 2 : i32
        %add3A_1062 = arith.addi %mul3A_563, %add3A_1061 : i32
        %get3A_1063 = arith.constant 0 : i32
        %get3A_1064 = arith.constant 0 : i32
        %get3A_1065 = arith.constant 0 : i32
        %get3A_1066 = tpu.memref_slice %arg8[%get3A_1063, %get3A_1064, %get3A_1065] : memref<2x200x64xf32, #tpu.memory_space<vmem>> -> memref<1x200x64xf32, #tpu.memory_space<vmem>>
        %get3A_1067 = tpu.memref_squeeze %get3A_1066 : memref<1x200x64xf32, #tpu.memory_space<vmem>> -> memref<200x64xf32, #tpu.memory_space<vmem>>
        %get3A_1068 = arith.index_cast %add3A_1062 : i32 to index
        %get3A_1069 = arith.constant 0 : index
        %get3A_1070 = tpu.vector_load %get3A_1067[%get3A_1068, %get3A_1069] {strides = array<i32>} : memref<200x64xf32, #tpu.memory_space<vmem>>, vector<1x16xf32>,
        %get3A_1071 = vector.shape_cast %get3A_1070 : vector<1x16xf32> to vector<16xf32>
        %get3A_1072 = arith.constant 0 : i32
        %get3A_1073 = arith.constant 0 : i32
        %get3A_1074 = arith.constant 0 : i32
        %get3A_1075 = tpu.memref_slice %arg8[%get3A_1072, %get3A_1073, %get3A_1074] : memref<2x200x64xf32, #tpu.memory_space<vmem>> -> memref<1x200x64xf32, #tpu.memory_space<vmem>>
        %get3A_1076 = tpu.memref_squeeze %get3A_1075 : memref<1x200x64xf32, #tpu.memory_space<vmem>> -> memref<200x64xf32, #tpu.memory_space<vmem>>
        %get3A_1077 = arith.index_cast %add3A_1062 : i32 to index
        %get3A_1078 = arith.constant 16 : index
        %get3A_1079 = tpu.vector_load %get3A_1076[%get3A_1077, %get3A_1078] {strides = array<i32>} : memref<200x64xf32, #tpu.memory_space<vmem>>, vector<1x16xf32>,
        %get3A_1080 = vector.shape_cast %get3A_1079 : vector<1x16xf32> to vector<16xf32>
        %get3A_1081 = arith.constant 0 : i32
        %get3A_1082 = arith.constant 0 : i32
        %get3A_1083 = arith.constant 0 : i32
        %get3A_1084 = tpu.memref_slice %arg8[%get3A_1081, %get3A_1082, %get3A_1083] : memref<2x200x64xf32, #tpu.memory_space<vmem>> -> memref<1x200x64xf32, #tpu.memory_space<vmem>>
        %get3A_1085 = tpu.memref_squeeze %get3A_1084 : memref<1x200x64xf32, #tpu.memory_space<vmem>> -> memref<200x64xf32, #tpu.memory_space<vmem>>
        %get3A_1086 = arith.index_cast %add3A_1062 : i32 to index
        %get3A_1087 = arith.constant 32 : index
        %get3A_1088 = tpu.vector_load %get3A_1085[%get3A_1086, %get3A_1087] {strides = array<i32>} : memref<200x64xf32, #tpu.memory_space<vmem>>, vector<1x16xf32>,
        %get3A_1089 = vector.shape_cast %get3A_1088 : vector<1x16xf32> to vector<16xf32>
        %get3A_1090 = arith.constant 0 : i32
        %get3A_1091 = arith.constant 0 : i32
        %get3A_1092 = arith.constant 0 : i32
        %get3A_1093 = tpu.memref_slice %arg8[%get3A_1090, %get3A_1091, %get3A_1092] : memref<2x200x64xf32, #tpu.memory_space<vmem>> -> memref<1x200x64xf32, #tpu.memory_space<vmem>>
        %get3A_1094 = tpu.memref_squeeze %get3A_1093 : memref<1x200x64xf32, #tpu.memory_space<vmem>> -> memref<200x64xf32, #tpu.memory_space<vmem>>
        %get3A_1095 = arith.index_cast %add3A_1062 : i32 to index
        %get3A_1096 = arith.constant 48 : index
        %get3A_1097 = tpu.vector_load %get3A_1094[%get3A_1095, %get3A_1096] {strides = array<i32>} : memref<200x64xf32, #tpu.memory_space<vmem>>, vector<1x16xf32>,
        %get3A_1098 = vector.shape_cast %get3A_1097 : vector<1x16xf32> to vector<16xf32>
        %add3A_1099 = arith.addf %get3A_1071, %get3A_1080 : vector<16xf32>
        %add3A_1100 = arith.addf %get3A_1089, %get3A_1098 : vector<16xf32>
        %add3A_1101 = arith.addf %add3A_1099, %add3A_1100 : vector<16xf32>
        %mul3A_1102 = arith.mulf %get3A_1071, %get3A_1071 : vector<16xf32>
        %mul3A_1103 = arith.mulf %get3A_1080, %get3A_1080 : vector<16xf32>
        %add3A_1104 = arith.addf %mul3A_1102, %mul3A_1103 : vector<16xf32>
        %mul3A_1105 = arith.mulf %get3A_1089, %get3A_1089 : vector<16xf32>
        %mul3A_1106 = arith.mulf %get3A_1098, %get3A_1098 : vector<16xf32>
        %add3A_1107 = arith.addf %mul3A_1105, %mul3A_1106 : vector<16xf32>
        %add3A_1108 = arith.addf %add3A_1104, %add3A_1107 : vector<16xf32>
        %iota3A_1109 = tpu.iota {dimensions = array<i32: 0>} : vector<16xi32>
        %xor3A_1110 = arith.constant 8 : i32
        %xor3A_1111 = vector.broadcast %xor3A_1110 : i32 to vector<16xi32>
        %xor3A_1112 = arith.xori %iota3A_1109, %xor3A_1111 : vector<16xi32>
        %lt3A_1113 = arith.constant 0 : i32
        %lt3A_1114 = vector.broadcast %lt3A_1113 : i32 to vector<16xi32>
        %lt3A_1115 = arith.cmpi slt, %xor3A_1112, %lt3A_1114 : vector<16xi32>
        %add3A_1116 = arith.constant 16 : i32
        %add3A_1117 = vector.broadcast %add3A_1116 : i32 to vector<16xi32>
        %add3A_1118 = arith.addi %xor3A_1112, %add3A_1117 : vector<16xi32>
        %select_n3A_1119 = arith.select %lt3A_1115, %add3A_1118, %xor3A_1112 : vector<16xi1>, vector<16xi32>
        %broadcast_in_dim3A_1120 = vector.shape_cast %select_n3A_1119 : vector<16xi32> to vector<16x1xi32>
        %gather3A_1121 = vector.shape_cast %broadcast_in_dim3A_1120 : vector<16x1xi32> to vector<16xi32>
        %gather3A_1122 = tpu.dynamic_gather %add3A_1101[%gather3A_1121] in [0] : vector<16xf32>, vector<16xi32> -> vector<16xf32>
        %add3A_1123 = arith.addf %add3A_1101, %gather3A_1122 : vector<16xf32>
        %xor3A_1124 = arith.constant 4 : i32
        %xor3A_1125 = vector.broadcast %xor3A_1124 : i32 to vector<16xi32>
        %xor3A_1126 = arith.xori %iota3A_1109, %xor3A_1125 : vector<16xi32>
        %lt3A_1127 = arith.constant 0 : i32
        %lt3A_1128 = vector.broadcast %lt3A_1127 : i32 to vector<16xi32>
        %lt3A_1129 = arith.cmpi slt, %xor3A_1126, %lt3A_1128 : vector<16xi32>
        %add3A_1130 = arith.constant 16 : i32
        %add3A_1131 = vector.broadcast %add3A_1130 : i32 to vector<16xi32>
        %add3A_1132 = arith.addi %xor3A_1126, %add3A_1131 : vector<16xi32>
        %select_n3A_1133 = arith.select %lt3A_1129, %add3A_1132, %xor3A_1126 : vector<16xi1>, vector<16xi32>
        %broadcast_in_dim3A_1134 = vector.shape_cast %select_n3A_1133 : vector<16xi32> to vector<16x1xi32>
        %gather3A_1135 = vector.shape_cast %broadcast_in_dim3A_1134 : vector<16x1xi32> to vector<16xi32>
        %gather3A_1136 = tpu.dynamic_gather %add3A_1123[%gather3A_1135] in [0] : vector<16xf32>, vector<16xi32> -> vector<16xf32>
        %add3A_1137 = arith.addf %add3A_1123, %gather3A_1136 : vector<16xf32>
        %xor3A_1138 = arith.constant 2 : i32
        %xor3A_1139 = vector.broadcast %xor3A_1138 : i32 to vector<16xi32>
        %xor3A_1140 = arith.xori %iota3A_1109, %xor3A_1139 : vector<16xi32>
        %lt3A_1141 = arith.constant 0 : i32
        %lt3A_1142 = vector.broadcast %lt3A_1141 : i32 to vector<16xi32>
        %lt3A_1143 = arith.cmpi slt, %xor3A_1140, %lt3A_1142 : vector<16xi32>
        %add3A_1144 = arith.constant 16 : i32
        %add3A_1145 = vector.broadcast %add3A_1144 : i32 to vector<16xi32>
        %add3A_1146 = arith.addi %xor3A_1140, %add3A_1145 : vector<16xi32>
        %select_n3A_1147 = arith.select %lt3A_1143, %add3A_1146, %xor3A_1140 : vector<16xi1>, vector<16xi32>
        %broadcast_in_dim3A_1148 = vector.shape_cast %select_n3A_1147 : vector<16xi32> to vector<16x1xi32>
        %gather3A_1149 = vector.shape_cast %broadcast_in_dim3A_1148 : vector<16x1xi32> to vector<16xi32>
        %gather3A_1150 = tpu.dynamic_gather %add3A_1137[%gather3A_1149] in [0] : vector<16xf32>, vector<16xi32> -> vector<16xf32>
        %add3A_1151 = arith.addf %add3A_1137, %gather3A_1150 : vector<16xf32>
        %xor3A_1152 = arith.constant 1 : i32
        %xor3A_1153 = vector.broadcast %xor3A_1152 : i32 to vector<16xi32>
        %xor3A_1154 = arith.xori %iota3A_1109, %xor3A_1153 : vector<16xi32>
        %lt3A_1155 = arith.constant 0 : i32
        %lt3A_1156 = vector.broadcast %lt3A_1155 : i32 to vector<16xi32>
        %lt3A_1157 = arith.cmpi slt, %xor3A_1154, %lt3A_1156 : vector<16xi32>
        %add3A_1158 = arith.constant 16 : i32
        %add3A_1159 = vector.broadcast %add3A_1158 : i32 to vector<16xi32>
        %add3A_1160 = arith.addi %xor3A_1154, %add3A_1159 : vector<16xi32>
        %select_n3A_1161 = arith.select %lt3A_1157, %add3A_1160, %xor3A_1154 : vector<16xi1>, vector<16xi32>
        %broadcast_in_dim3A_1162 = vector.shape_cast %select_n3A_1161 : vector<16xi32> to vector<16x1xi32>
        %gather3A_1163 = vector.shape_cast %broadcast_in_dim3A_1162 : vector<16x1xi32> to vector<16xi32>
        %gather3A_1164 = tpu.dynamic_gather %add3A_1151[%gather3A_1163] in [0] : vector<16xf32>, vector<16xi32> -> vector<16xf32>
        %add3A_1165 = arith.addf %add3A_1151, %gather3A_1164 : vector<16xf32>
        %mul3A_1166 = arith.constant 1.562500e-02 : f32
        %mul3A_1167 = vector.broadcast %mul3A_1166 : f32 to vector<16xf32>
        %mul3A_1168 = arith.mulf %add3A_1165, %mul3A_1167 : vector<16xf32>
        %iota3A_1169 = tpu.iota {dimensions = array<i32: 0>} : vector<16xi32>
        %xor3A_1170 = arith.constant 8 : i32
        %xor3A_1171 = vector.broadcast %xor3A_1170 : i32 to vector<16xi32>
        %xor3A_1172 = arith.xori %iota3A_1169, %xor3A_1171 : vector<16xi32>
        %lt3A_1173 = arith.constant 0 : i32
        %lt3A_1174 = vector.broadcast %lt3A_1173 : i32 to vector<16xi32>
        %lt3A_1175 = arith.cmpi slt, %xor3A_1172, %lt3A_1174 : vector<16xi32>
        %add3A_1176 = arith.constant 16 : i32
        %add3A_1177 = vector.broadcast %add3A_1176 : i32 to vector<16xi32>
        %add3A_1178 = arith.addi %xor3A_1172, %add3A_1177 : vector<16xi32>
        %select_n3A_1179 = arith.select %lt3A_1175, %add3A_1178, %xor3A_1172 : vector<16xi1>, vector<16xi32>
        %broadcast_in_dim3A_1180 = vector.shape_cast %select_n3A_1179 : vector<16xi32> to vector<16x1xi32>
        %gather3A_1181 = vector.shape_cast %broadcast_in_dim3A_1180 : vector<16x1xi32> to vector<16xi32>
        %gather3A_1182 = tpu.dynamic_gather %add3A_1108[%gather3A_1181] in [0] : vector<16xf32>, vector<16xi32> -> vector<16xf32>
        %add3A_1183 = arith.addf %add3A_1108, %gather3A_1182 : vector<16xf32>
        %xor3A_1184 = arith.constant 4 : i32
        %xor3A_1185 = vector.broadcast %xor3A_1184 : i32 to vector<16xi32>
        %xor3A_1186 = arith.xori %iota3A_1169, %xor3A_1185 : vector<16xi32>
        %lt3A_1187 = arith.constant 0 : i32
        %lt3A_1188 = vector.broadcast %lt3A_1187 : i32 to vector<16xi32>
        %lt3A_1189 = arith.cmpi slt, %xor3A_1186, %lt3A_1188 : vector<16xi32>
        %add3A_1190 = arith.constant 16 : i32
        %add3A_1191 = vector.broadcast %add3A_1190 : i32 to vector<16xi32>
        %add3A_1192 = arith.addi %xor3A_1186, %add3A_1191 : vector<16xi32>
        %select_n3A_1193 = arith.select %lt3A_1189, %add3A_1192, %xor3A_1186 : vector<16xi1>, vector<16xi32>
        %broadcast_in_dim3A_1194 = vector.shape_cast %select_n3A_1193 : vector<16xi32> to vector<16x1xi32>
        %gather3A_1195 = vector.shape_cast %broadcast_in_dim3A_1194 : vector<16x1xi32> to vector<16xi32>
        %gather3A_1196 = tpu.dynamic_gather %add3A_1183[%gather3A_1195] in [0] : vector<16xf32>, vector<16xi32> -> vector<16xf32>
        %add3A_1197 = arith.addf %add3A_1183, %gather3A_1196 : vector<16xf32>
        %xor3A_1198 = arith.constant 2 : i32
        %xor3A_1199 = vector.broadcast %xor3A_1198 : i32 to vector<16xi32>
        %xor3A_1200 = arith.xori %iota3A_1169, %xor3A_1199 : vector<16xi32>
        %lt3A_1201 = arith.constant 0 : i32
        %lt3A_1202 = vector.broadcast %lt3A_1201 : i32 to vector<16xi32>
        %lt3A_1203 = arith.cmpi slt, %xor3A_1200, %lt3A_1202 : vector<16xi32>
        %add3A_1204 = arith.constant 16 : i32
        %add3A_1205 = vector.broadcast %add3A_1204 : i32 to vector<16xi32>
        %add3A_1206 = arith.addi %xor3A_1200, %add3A_1205 : vector<16xi32>
        %select_n3A_1207 = arith.select %lt3A_1203, %add3A_1206, %xor3A_1200 : vector<16xi1>, vector<16xi32>
        %broadcast_in_dim3A_1208 = vector.shape_cast %select_n3A_1207 : vector<16xi32> to vector<16x1xi32>
        %gather3A_1209 = vector.shape_cast %broadcast_in_dim3A_1208 : vector<16x1xi32> to vector<16xi32>
        %gather3A_1210 = tpu.dynamic_gather %add3A_1197[%gather3A_1209] in [0] : vector<16xf32>, vector<16xi32> -> vector<16xf32>
        %add3A_1211 = arith.addf %add3A_1197, %gather3A_1210 : vector<16xf32>
        %xor3A_1212 = arith.constant 1 : i32
        %xor3A_1213 = vector.broadcast %xor3A_1212 : i32 to vector<16xi32>
        %xor3A_1214 = arith.xori %iota3A_1169, %xor3A_1213 : vector<16xi32>
        %lt3A_1215 = arith.constant 0 : i32
        %lt3A_1216 = vector.broadcast %lt3A_1215 : i32 to vector<16xi32>
        %lt3A_1217 = arith.cmpi slt, %xor3A_1214, %lt3A_1216 : vector<16xi32>
        %add3A_1218 = arith.constant 16 : i32
        %add3A_1219 = vector.broadcast %add3A_1218 : i32 to vector<16xi32>
        %add3A_1220 = arith.addi %xor3A_1214, %add3A_1219 : vector<16xi32>
        %select_n3A_1221 = arith.select %lt3A_1217, %add3A_1220, %xor3A_1214 : vector<16xi1>, vector<16xi32>
        %broadcast_in_dim3A_1222 = vector.shape_cast %select_n3A_1221 : vector<16xi32> to vector<16x1xi32>
        %gather3A_1223 = vector.shape_cast %broadcast_in_dim3A_1222 : vector<16x1xi32> to vector<16xi32>
        %gather3A_1224 = tpu.dynamic_gather %add3A_1211[%gather3A_1223] in [0] : vector<16xf32>, vector<16xi32> -> vector<16xf32>
        %add3A_1225 = arith.addf %add3A_1211, %gather3A_1224 : vector<16xf32>
        %mul3A_1226 = arith.constant 1.562500e-02 : f32
        %mul3A_1227 = vector.broadcast %mul3A_1226 : f32 to vector<16xf32>
        %mul3A_1228 = arith.mulf %add3A_1225, %mul3A_1227 : vector<16xf32>
        %add3A_1229 = arith.constant 9.99999974E-6 : f32
        %add3A_1230 = vector.broadcast %add3A_1229 : f32 to vector<16xf32>
        %add3A_1231 = arith.addf %mul3A_1228, %add3A_1230 : vector<16xf32>
        %mul3A_1232 = arith.mulf %mul3A_1168, %mul3A_1168 : vector<16xf32>
        %sub3A_1233 = arith.subf %add3A_1231, %mul3A_1232 : vector<16xf32>
        %bitcast_convert_type3A_1234 = tpu.bitcast %sub3A_1233 : vector<16xf32> -> vector<16xi32>
        %shift_right_arithmetic3A_1235 = arith.constant 1 : i32
        %shift_right_arithmetic3A_1236 = vector.broadcast %shift_right_arithmetic3A_1235 : i32 to vector<16xi32>
        %shift_right_arithmetic3A_1237 = arith.shrsi %bitcast_convert_type3A_1234, %shift_right_arithmetic3A_1236 : vector<16xi32>
        %sub3A_1238 = arith.constant 1597463007 : i32
        %sub3A_1239 = vector.broadcast %sub3A_1238 : i32 to vector<16xi32>
        %sub3A_1240 = arith.subi %sub3A_1239, %shift_right_arithmetic3A_1237 : vector<16xi32>
        %bitcast_convert_type3A_1241 = tpu.bitcast %sub3A_1240 : vector<16xi32> -> vector<16xf32>
        %mul3A_1242 = arith.constant 5.000000e-01 : f32
        %mul3A_1243 = vector.broadcast %mul3A_1242 : f32 to vector<16xf32>
        %mul3A_1244 = arith.mulf %sub3A_1233, %mul3A_1243 : vector<16xf32>
        %mul3A_1245 = arith.mulf %mul3A_1244, %bitcast_convert_type3A_1241 : vector<16xf32>
        %mul3A_1246 = arith.mulf %mul3A_1245, %bitcast_convert_type3A_1241 : vector<16xf32>
        %sub3A_1247 = arith.constant 1.500000e+00 : f32
        %sub3A_1248 = vector.broadcast %sub3A_1247 : f32 to vector<16xf32>
        %sub3A_1249 = arith.subf %sub3A_1248, %mul3A_1246 : vector<16xf32>
        %mul3A_1250 = arith.mulf %bitcast_convert_type3A_1241, %sub3A_1249 : vector<16xf32>
        %mul3A_1251 = arith.mulf %mul3A_1244, %mul3A_1250 : vector<16xf32>
        %mul3A_1252 = arith.mulf %mul3A_1251, %mul3A_1250 : vector<16xf32>
        %sub3A_1253 = arith.constant 1.500000e+00 : f32
        %sub3A_1254 = vector.broadcast %sub3A_1253 : f32 to vector<16xf32>
        %sub3A_1255 = arith.subf %sub3A_1254, %mul3A_1252 : vector<16xf32>
        %mul3A_1256 = arith.mulf %mul3A_1250, %sub3A_1255 : vector<16xf32>
        %sub3A_1257 = arith.subf %get3A_1071, %mul3A_1168 : vector<16xf32>
        %mul3A_1258 = arith.mulf %sub3A_1257, %mul3A_1256 : vector<16xf32>
        %mul3A_1259 = arith.mulf %mul3A_1258, %get3A_4 : vector<16xf32>
        %add3A_1260 = arith.addf %mul3A_1259, %get3A_16 : vector<16xf32>
        %swap3A_1261 = arith.constant 0 : i32
        %swap3A_1262 = arith.constant 0 : i32
        %swap3A_1263 = arith.constant 0 : i32
        %swap3A_1264 = tpu.memref_slice %arg8[%swap3A_1261, %swap3A_1262, %swap3A_1263] : memref<2x200x64xf32, #tpu.memory_space<vmem>> -> memref<1x200x64xf32, #tpu.memory_space<vmem>>
        %swap3A_1265 = tpu.memref_squeeze %swap3A_1264 : memref<1x200x64xf32, #tpu.memory_space<vmem>> -> memref<200x64xf32, #tpu.memory_space<vmem>>
        %swap3A_1266 = arith.index_cast %add3A_1062 : i32 to index
        %swap3A_1267 = arith.constant 0 : index
        %swap3A_1268 = tpu.vector_load %swap3A_1265[%swap3A_1266, %swap3A_1267] {strides = array<i32>} : memref<200x64xf32, #tpu.memory_space<vmem>>, vector<1x16xf32>,
        %swap3A_1269 = vector.shape_cast %swap3A_1268 : vector<1x16xf32> to vector<16xf32>
        %swap3A_1270 = vector.shape_cast %add3A_1260 : vector<16xf32> to vector<1x16xf32>
        tpu.vector_store %swap3A_1265[%swap3A_1266, %swap3A_1267], %swap3A_1270 {strides = array<i32>} : memref<200x64xf32, #tpu.memory_space<vmem>>, vector<1x16xf32>,
        %sub3A_1271 = arith.subf %get3A_1080, %mul3A_1168 : vector<16xf32>
        %mul3A_1272 = arith.mulf %sub3A_1271, %mul3A_1256 : vector<16xf32>
        %mul3A_1273 = arith.mulf %mul3A_1272, %get3A_7 : vector<16xf32>
        %add3A_1274 = arith.addf %mul3A_1273, %get3A_19 : vector<16xf32>
        %swap3A_1275 = arith.constant 0 : i32
        %swap3A_1276 = arith.constant 0 : i32
        %swap3A_1277 = arith.constant 0 : i32
        %swap3A_1278 = tpu.memref_slice %arg8[%swap3A_1275, %swap3A_1276, %swap3A_1277] : memref<2x200x64xf32, #tpu.memory_space<vmem>> -> memref<1x200x64xf32, #tpu.memory_space<vmem>>
        %swap3A_1279 = tpu.memref_squeeze %swap3A_1278 : memref<1x200x64xf32, #tpu.memory_space<vmem>> -> memref<200x64xf32, #tpu.memory_space<vmem>>
        %swap3A_1280 = arith.index_cast %add3A_1062 : i32 to index
        %swap3A_1281 = arith.constant 16 : index
        %swap3A_1282 = tpu.vector_load %swap3A_1279[%swap3A_1280, %swap3A_1281] {strides = array<i32>} : memref<200x64xf32, #tpu.memory_space<vmem>>, vector<1x16xf32>,
        %swap3A_1283 = vector.shape_cast %swap3A_1282 : vector<1x16xf32> to vector<16xf32>
        %swap3A_1284 = vector.shape_cast %add3A_1274 : vector<16xf32> to vector<1x16xf32>
        tpu.vector_store %swap3A_1279[%swap3A_1280, %swap3A_1281], %swap3A_1284 {strides = array<i32>} : memref<200x64xf32, #tpu.memory_space<vmem>>, vector<1x16xf32>,
        %sub3A_1285 = arith.subf %get3A_1089, %mul3A_1168 : vector<16xf32>
        %mul3A_1286 = arith.mulf %sub3A_1285, %mul3A_1256 : vector<16xf32>
        %mul3A_1287 = arith.mulf %mul3A_1286, %get3A_10 : vector<16xf32>
        %add3A_1288 = arith.addf %mul3A_1287, %get3A_22 : vector<16xf32>
        %swap3A_1289 = arith.constant 0 : i32
        %swap3A_1290 = arith.constant 0 : i32
        %swap3A_1291 = arith.constant 0 : i32
        %swap3A_1292 = tpu.memref_slice %arg8[%swap3A_1289, %swap3A_1290, %swap3A_1291] : memref<2x200x64xf32, #tpu.memory_space<vmem>> -> memref<1x200x64xf32, #tpu.memory_space<vmem>>
        %swap3A_1293 = tpu.memref_squeeze %swap3A_1292 : memref<1x200x64xf32, #tpu.memory_space<vmem>> -> memref<200x64xf32, #tpu.memory_space<vmem>>
        %swap3A_1294 = arith.index_cast %add3A_1062 : i32 to index
        %swap3A_1295 = arith.constant 32 : index
        %swap3A_1296 = tpu.vector_load %swap3A_1293[%swap3A_1294, %swap3A_1295] {strides = array<i32>} : memref<200x64xf32, #tpu.memory_space<vmem>>, vector<1x16xf32>,
        %swap3A_1297 = vector.shape_cast %swap3A_1296 : vector<1x16xf32> to vector<16xf32>
        %swap3A_1298 = vector.shape_cast %add3A_1288 : vector<16xf32> to vector<1x16xf32>
        tpu.vector_store %swap3A_1293[%swap3A_1294, %swap3A_1295], %swap3A_1298 {strides = array<i32>} : memref<200x64xf32, #tpu.memory_space<vmem>>, vector<1x16xf32>,
        %sub3A_1299 = arith.subf %get3A_1098, %mul3A_1168 : vector<16xf32>
        %mul3A_1300 = arith.mulf %sub3A_1299, %mul3A_1256 : vector<16xf32>
        %mul3A_1301 = arith.mulf %mul3A_1300, %get3A_13 : vector<16xf32>
        %add3A_1302 = arith.addf %mul3A_1301, %get3A_25 : vector<16xf32>
        %swap3A_1303 = arith.constant 0 : i32
        %swap3A_1304 = arith.constant 0 : i32
        %swap3A_1305 = arith.constant 0 : i32
        %swap3A_1306 = tpu.memref_slice %arg8[%swap3A_1303, %swap3A_1304, %swap3A_1305] : memref<2x200x64xf32, #tpu.memory_space<vmem>> -> memref<1x200x64xf32, #tpu.memory_space<vmem>>
        %swap3A_1307 = tpu.memref_squeeze %swap3A_1306 : memref<1x200x64xf32, #tpu.memory_space<vmem>> -> memref<200x64xf32, #tpu.memory_space<vmem>>
        %swap3A_1308 = arith.index_cast %add3A_1062 : i32 to index
        %swap3A_1309 = arith.constant 48 : index
        %swap3A_1310 = tpu.vector_load %swap3A_1307[%swap3A_1308, %swap3A_1309] {strides = array<i32>} : memref<200x64xf32, #tpu.memory_space<vmem>>, vector<1x16xf32>,
        %swap3A_1311 = vector.shape_cast %swap3A_1310 : vector<1x16xf32> to vector<16xf32>
        %swap3A_1312 = vector.shape_cast %add3A_1302 : vector<16xf32> to vector<1x16xf32>
        tpu.vector_store %swap3A_1307[%swap3A_1308, %swap3A_1309], %swap3A_1312 {strides = array<i32>} : memref<200x64xf32, #tpu.memory_space<vmem>>, vector<1x16xf32>,
        %add3A_1313 = arith.constant 3 : i32
        %add3A_1314 = arith.addi %mul3A_563, %add3A_1313 : i32
        %get3A_1315 = arith.constant 0 : i32
        %get3A_1316 = arith.constant 0 : i32
        %get3A_1317 = arith.constant 0 : i32
        %get3A_1318 = tpu.memref_slice %arg8[%get3A_1315, %get3A_1316, %get3A_1317] : memref<2x200x64xf32, #tpu.memory_space<vmem>> -> memref<1x200x64xf32, #tpu.memory_space<vmem>>
        %get3A_1319 = tpu.memref_squeeze %get3A_1318 : memref<1x200x64xf32, #tpu.memory_space<vmem>> -> memref<200x64xf32, #tpu.memory_space<vmem>>
        %get3A_1320 = arith.index_cast %add3A_1314 : i32 to index
        %get3A_1321 = arith.constant 0 : index
        %get3A_1322 = tpu.vector_load %get3A_1319[%get3A_1320, %get3A_1321] {strides = array<i32>} : memref<200x64xf32, #tpu.memory_space<vmem>>, vector<1x16xf32>,
        %get3A_1323 = vector.shape_cast %get3A_1322 : vector<1x16xf32> to vector<16xf32>
        %get3A_1324 = arith.constant 0 : i32
        %get3A_1325 = arith.constant 0 : i32
        %get3A_1326 = arith.constant 0 : i32
        %get3A_1327 = tpu.memref_slice %arg8[%get3A_1324, %get3A_1325, %get3A_1326] : memref<2x200x64xf32, #tpu.memory_space<vmem>> -> memref<1x200x64xf32, #tpu.memory_space<vmem>>
        %get3A_1328 = tpu.memref_squeeze %get3A_1327 : memref<1x200x64xf32, #tpu.memory_space<vmem>> -> memref<200x64xf32, #tpu.memory_space<vmem>>
        %get3A_1329 = arith.index_cast %add3A_1314 : i32 to index
        %get3A_1330 = arith.constant 16 : index
        %get3A_1331 = tpu.vector_load %get3A_1328[%get3A_1329, %get3A_1330] {strides = array<i32>} : memref<200x64xf32, #tpu.memory_space<vmem>>, vector<1x16xf32>,
        %get3A_1332 = vector.shape_cast %get3A_1331 : vector<1x16xf32> to vector<16xf32>
        %get3A_1333 = arith.constant 0 : i32
        %get3A_1334 = arith.constant 0 : i32
        %get3A_1335 = arith.constant 0 : i32
        %get3A_1336 = tpu.memref_slice %arg8[%get3A_1333, %get3A_1334, %get3A_1335] : memref<2x200x64xf32, #tpu.memory_space<vmem>> -> memref<1x200x64xf32, #tpu.memory_space<vmem>>
        %get3A_1337 = tpu.memref_squeeze %get3A_1336 : memref<1x200x64xf32, #tpu.memory_space<vmem>> -> memref<200x64xf32, #tpu.memory_space<vmem>>
        %get3A_1338 = arith.index_cast %add3A_1314 : i32 to index
        %get3A_1339 = arith.constant 32 : index
        %get3A_1340 = tpu.vector_load %get3A_1337[%get3A_1338, %get3A_1339] {strides = array<i32>} : memref<200x64xf32, #tpu.memory_space<vmem>>, vector<1x16xf32>,
        %get3A_1341 = vector.shape_cast %get3A_1340 : vector<1x16xf32> to vector<16xf32>
        %get3A_1342 = arith.constant 0 : i32
        %get3A_1343 = arith.constant 0 : i32
        %get3A_1344 = arith.constant 0 : i32
        %get3A_1345 = tpu.memref_slice %arg8[%get3A_1342, %get3A_1343, %get3A_1344] : memref<2x200x64xf32, #tpu.memory_space<vmem>> -> memref<1x200x64xf32, #tpu.memory_space<vmem>>
        %get3A_1346 = tpu.memref_squeeze %get3A_1345 : memref<1x200x64xf32, #tpu.memory_space<vmem>> -> memref<200x64xf32, #tpu.memory_space<vmem>>
        %get3A_1347 = arith.index_cast %add3A_1314 : i32 to index
        %get3A_1348 = arith.constant 48 : index
        %get3A_1349 = tpu.vector_load %get3A_1346[%get3A_1347, %get3A_1348] {strides = array<i32>} : memref<200x64xf32, #tpu.memory_space<vmem>>, vector<1x16xf32>,
        %get3A_1350 = vector.shape_cast %get3A_1349 : vector<1x16xf32> to vector<16xf32>
        %add3A_1351 = arith.addf %get3A_1323, %get3A_1332 : vector<16xf32>
        %add3A_1352 = arith.addf %get3A_1341, %get3A_1350 : vector<16xf32>
        %add3A_1353 = arith.addf %add3A_1351, %add3A_1352 : vector<16xf32>
        %mul3A_1354 = arith.mulf %get3A_1323, %get3A_1323 : vector<16xf32>
        %mul3A_1355 = arith.mulf %get3A_1332, %get3A_1332 : vector<16xf32>
        %add3A_1356 = arith.addf %mul3A_1354, %mul3A_1355 : vector<16xf32>
        %mul3A_1357 = arith.mulf %get3A_1341, %get3A_1341 : vector<16xf32>
        %mul3A_1358 = arith.mulf %get3A_1350, %get3A_1350 : vector<16xf32>
        %add3A_1359 = arith.addf %mul3A_1357, %mul3A_1358 : vector<16xf32>
        %add3A_1360 = arith.addf %add3A_1356, %add3A_1359 : vector<16xf32>
        %iota3A_1361 = tpu.iota {dimensions = array<i32: 0>} : vector<16xi32>
        %xor3A_1362 = arith.constant 8 : i32
        %xor3A_1363 = vector.broadcast %xor3A_1362 : i32 to vector<16xi32>
        %xor3A_1364 = arith.xori %iota3A_1361, %xor3A_1363 : vector<16xi32>
        %lt3A_1365 = arith.constant 0 : i32
        %lt3A_1366 = vector.broadcast %lt3A_1365 : i32 to vector<16xi32>
        %lt3A_1367 = arith.cmpi slt, %xor3A_1364, %lt3A_1366 : vector<16xi32>
        %add3A_1368 = arith.constant 16 : i32
        %add3A_1369 = vector.broadcast %add3A_1368 : i32 to vector<16xi32>
        %add3A_1370 = arith.addi %xor3A_1364, %add3A_1369 : vector<16xi32>
        %select_n3A_1371 = arith.select %lt3A_1367, %add3A_1370, %xor3A_1364 : vector<16xi1>, vector<16xi32>
        %broadcast_in_dim3A_1372 = vector.shape_cast %select_n3A_1371 : vector<16xi32> to vector<16x1xi32>
        %gather3A_1373 = vector.shape_cast %broadcast_in_dim3A_1372 : vector<16x1xi32> to vector<16xi32>
        %gather3A_1374 = tpu.dynamic_gather %add3A_1353[%gather3A_1373] in [0] : vector<16xf32>, vector<16xi32> -> vector<16xf32>
        %add3A_1375 = arith.addf %add3A_1353, %gather3A_1374 : vector<16xf32>
        %xor3A_1376 = arith.constant 4 : i32
        %xor3A_1377 = vector.broadcast %xor3A_1376 : i32 to vector<16xi32>
        %xor3A_1378 = arith.xori %iota3A_1361, %xor3A_1377 : vector<16xi32>
        %lt3A_1379 = arith.constant 0 : i32
        %lt3A_1380 = vector.broadcast %lt3A_1379 : i32 to vector<16xi32>
        %lt3A_1381 = arith.cmpi slt, %xor3A_1378, %lt3A_1380 : vector<16xi32>
        %add3A_1382 = arith.constant 16 : i32
        %add3A_1383 = vector.broadcast %add3A_1382 : i32 to vector<16xi32>
        %add3A_1384 = arith.addi %xor3A_1378, %add3A_1383 : vector<16xi32>
        %select_n3A_1385 = arith.select %lt3A_1381, %add3A_1384, %xor3A_1378 : vector<16xi1>, vector<16xi32>
        %broadcast_in_dim3A_1386 = vector.shape_cast %select_n3A_1385 : vector<16xi32> to vector<16x1xi32>
        %gather3A_1387 = vector.shape_cast %broadcast_in_dim3A_1386 : vector<16x1xi32> to vector<16xi32>
        %gather3A_1388 = tpu.dynamic_gather %add3A_1375[%gather3A_1387] in [0] : vector<16xf32>, vector<16xi32> -> vector<16xf32>
        %add3A_1389 = arith.addf %add3A_1375, %gather3A_1388 : vector<16xf32>
        %xor3A_1390 = arith.constant 2 : i32
        %xor3A_1391 = vector.broadcast %xor3A_1390 : i32 to vector<16xi32>
        %xor3A_1392 = arith.xori %iota3A_1361, %xor3A_1391 : vector<16xi32>
        %lt3A_1393 = arith.constant 0 : i32
        %lt3A_1394 = vector.broadcast %lt3A_1393 : i32 to vector<16xi32>
        %lt3A_1395 = arith.cmpi slt, %xor3A_1392, %lt3A_1394 : vector<16xi32>
        %add3A_1396 = arith.constant 16 : i32
        %add3A_1397 = vector.broadcast %add3A_1396 : i32 to vector<16xi32>
        %add3A_1398 = arith.addi %xor3A_1392, %add3A_1397 : vector<16xi32>
        %select_n3A_1399 = arith.select %lt3A_1395, %add3A_1398, %xor3A_1392 : vector<16xi1>, vector<16xi32>
        %broadcast_in_dim3A_1400 = vector.shape_cast %select_n3A_1399 : vector<16xi32> to vector<16x1xi32>
        %gather3A_1401 = vector.shape_cast %broadcast_in_dim3A_1400 : vector<16x1xi32> to vector<16xi32>
        %gather3A_1402 = tpu.dynamic_gather %add3A_1389[%gather3A_1401] in [0] : vector<16xf32>, vector<16xi32> -> vector<16xf32>
        %add3A_1403 = arith.addf %add3A_1389, %gather3A_1402 : vector<16xf32>
        %xor3A_1404 = arith.constant 1 : i32
        %xor3A_1405 = vector.broadcast %xor3A_1404 : i32 to vector<16xi32>
        %xor3A_1406 = arith.xori %iota3A_1361, %xor3A_1405 : vector<16xi32>
        %lt3A_1407 = arith.constant 0 : i32
        %lt3A_1408 = vector.broadcast %lt3A_1407 : i32 to vector<16xi32>
        %lt3A_1409 = arith.cmpi slt, %xor3A_1406, %lt3A_1408 : vector<16xi32>
        %add3A_1410 = arith.constant 16 : i32
        %add3A_1411 = vector.broadcast %add3A_1410 : i32 to vector<16xi32>
        %add3A_1412 = arith.addi %xor3A_1406, %add3A_1411 : vector<16xi32>
        %select_n3A_1413 = arith.select %lt3A_1409, %add3A_1412, %xor3A_1406 : vector<16xi1>, vector<16xi32>
        %broadcast_in_dim3A_1414 = vector.shape_cast %select_n3A_1413 : vector<16xi32> to vector<16x1xi32>
        %gather3A_1415 = vector.shape_cast %broadcast_in_dim3A_1414 : vector<16x1xi32> to vector<16xi32>
        %gather3A_1416 = tpu.dynamic_gather %add3A_1403[%gather3A_1415] in [0] : vector<16xf32>, vector<16xi32> -> vector<16xf32>
        %add3A_1417 = arith.addf %add3A_1403, %gather3A_1416 : vector<16xf32>
        %mul3A_1418 = arith.constant 1.562500e-02 : f32
        %mul3A_1419 = vector.broadcast %mul3A_1418 : f32 to vector<16xf32>
        %mul3A_1420 = arith.mulf %add3A_1417, %mul3A_1419 : vector<16xf32>
        %iota3A_1421 = tpu.iota {dimensions = array<i32: 0>} : vector<16xi32>
        %xor3A_1422 = arith.constant 8 : i32
        %xor3A_1423 = vector.broadcast %xor3A_1422 : i32 to vector<16xi32>
        %xor3A_1424 = arith.xori %iota3A_1421, %xor3A_1423 : vector<16xi32>
        %lt3A_1425 = arith.constant 0 : i32
        %lt3A_1426 = vector.broadcast %lt3A_1425 : i32 to vector<16xi32>
        %lt3A_1427 = arith.cmpi slt, %xor3A_1424, %lt3A_1426 : vector<16xi32>
        %add3A_1428 = arith.constant 16 : i32
        %add3A_1429 = vector.broadcast %add3A_1428 : i32 to vector<16xi32>
        %add3A_1430 = arith.addi %xor3A_1424, %add3A_1429 : vector<16xi32>
        %select_n3A_1431 = arith.select %lt3A_1427, %add3A_1430, %xor3A_1424 : vector<16xi1>, vector<16xi32>
        %broadcast_in_dim3A_1432 = vector.shape_cast %select_n3A_1431 : vector<16xi32> to vector<16x1xi32>
        %gather3A_1433 = vector.shape_cast %broadcast_in_dim3A_1432 : vector<16x1xi32> to vector<16xi32>
        %gather3A_1434 = tpu.dynamic_gather %add3A_1360[%gather3A_1433] in [0] : vector<16xf32>, vector<16xi32> -> vector<16xf32>
        %add3A_1435 = arith.addf %add3A_1360, %gather3A_1434 : vector<16xf32>
        %xor3A_1436 = arith.constant 4 : i32
        %xor3A_1437 = vector.broadcast %xor3A_1436 : i32 to vector<16xi32>
        %xor3A_1438 = arith.xori %iota3A_1421, %xor3A_1437 : vector<16xi32>
        %lt3A_1439 = arith.constant 0 : i32
        %lt3A_1440 = vector.broadcast %lt3A_1439 : i32 to vector<16xi32>
        %lt3A_1441 = arith.cmpi slt, %xor3A_1438, %lt3A_1440 : vector<16xi32>
        %add3A_1442 = arith.constant 16 : i32
        %add3A_1443 = vector.broadcast %add3A_1442 : i32 to vector<16xi32>
        %add3A_1444 = arith.addi %xor3A_1438, %add3A_1443 : vector<16xi32>
        %select_n3A_1445 = arith.select %lt3A_1441, %add3A_1444, %xor3A_1438 : vector<16xi1>, vector<16xi32>
        %broadcast_in_dim3A_1446 = vector.shape_cast %select_n3A_1445 : vector<16xi32> to vector<16x1xi32>
        %gather3A_1447 = vector.shape_cast %broadcast_in_dim3A_1446 : vector<16x1xi32> to vector<16xi32>
        %gather3A_1448 = tpu.dynamic_gather %add3A_1435[%gather3A_1447] in [0] : vector<16xf32>, vector<16xi32> -> vector<16xf32>
        %add3A_1449 = arith.addf %add3A_1435, %gather3A_1448 : vector<16xf32>
        %xor3A_1450 = arith.constant 2 : i32
        %xor3A_1451 = vector.broadcast %xor3A_1450 : i32 to vector<16xi32>
        %xor3A_1452 = arith.xori %iota3A_1421, %xor3A_1451 : vector<16xi32>
        %lt3A_1453 = arith.constant 0 : i32
        %lt3A_1454 = vector.broadcast %lt3A_1453 : i32 to vector<16xi32>
        %lt3A_1455 = arith.cmpi slt, %xor3A_1452, %lt3A_1454 : vector<16xi32>
        %add3A_1456 = arith.constant 16 : i32
        %add3A_1457 = vector.broadcast %add3A_1456 : i32 to vector<16xi32>
        %add3A_1458 = arith.addi %xor3A_1452, %add3A_1457 : vector<16xi32>
        %select_n3A_1459 = arith.select %lt3A_1455, %add3A_1458, %xor3A_1452 : vector<16xi1>, vector<16xi32>
        %broadcast_in_dim3A_1460 = vector.shape_cast %select_n3A_1459 : vector<16xi32> to vector<16x1xi32>
        %gather3A_1461 = vector.shape_cast %broadcast_in_dim3A_1460 : vector<16x1xi32> to vector<16xi32>
        %gather3A_1462 = tpu.dynamic_gather %add3A_1449[%gather3A_1461] in [0] : vector<16xf32>, vector<16xi32> -> vector<16xf32>
        %add3A_1463 = arith.addf %add3A_1449, %gather3A_1462 : vector<16xf32>
        %xor3A_1464 = arith.constant 1 : i32
        %xor3A_1465 = vector.broadcast %xor3A_1464 : i32 to vector<16xi32>
        %xor3A_1466 = arith.xori %iota3A_1421, %xor3A_1465 : vector<16xi32>
        %lt3A_1467 = arith.constant 0 : i32
        %lt3A_1468 = vector.broadcast %lt3A_1467 : i32 to vector<16xi32>
        %lt3A_1469 = arith.cmpi slt, %xor3A_1466, %lt3A_1468 : vector<16xi32>
        %add3A_1470 = arith.constant 16 : i32
        %add3A_1471 = vector.broadcast %add3A_1470 : i32 to vector<16xi32>
        %add3A_1472 = arith.addi %xor3A_1466, %add3A_1471 : vector<16xi32>
        %select_n3A_1473 = arith.select %lt3A_1469, %add3A_1472, %xor3A_1466 : vector<16xi1>, vector<16xi32>
        %broadcast_in_dim3A_1474 = vector.shape_cast %select_n3A_1473 : vector<16xi32> to vector<16x1xi32>
        %gather3A_1475 = vector.shape_cast %broadcast_in_dim3A_1474 : vector<16x1xi32> to vector<16xi32>
        %gather3A_1476 = tpu.dynamic_gather %add3A_1463[%gather3A_1475] in [0] : vector<16xf32>, vector<16xi32> -> vector<16xf32>
        %add3A_1477 = arith.addf %add3A_1463, %gather3A_1476 : vector<16xf32>
        %mul3A_1478 = arith.constant 1.562500e-02 : f32
        %mul3A_1479 = vector.broadcast %mul3A_1478 : f32 to vector<16xf32>
        %mul3A_1480 = arith.mulf %add3A_1477, %mul3A_1479 : vector<16xf32>
        %add3A_1481 = arith.constant 9.99999974E-6 : f32
        %add3A_1482 = vector.broadcast %add3A_1481 : f32 to vector<16xf32>
        %add3A_1483 = arith.addf %mul3A_1480, %add3A_1482 : vector<16xf32>
        %mul3A_1484 = arith.mulf %mul3A_1420, %mul3A_1420 : vector<16xf32>
        %sub3A_1485 = arith.subf %add3A_1483, %mul3A_1484 : vector<16xf32>
        %bitcast_convert_type3A_1486 = tpu.bitcast %sub3A_1485 : vector<16xf32> -> vector<16xi32>
        %shift_right_arithmetic3A_1487 = arith.constant 1 : i32
        %shift_right_arithmetic3A_1488 = vector.broadcast %shift_right_arithmetic3A_1487 : i32 to vector<16xi32>
        %shift_right_arithmetic3A_1489 = arith.shrsi %bitcast_convert_type3A_1486, %shift_right_arithmetic3A_1488 : vector<16xi32>
        %sub3A_1490 = arith.constant 1597463007 : i32
        %sub3A_1491 = vector.broadcast %sub3A_1490 : i32 to vector<16xi32>
        %sub3A_1492 = arith.subi %sub3A_1491, %shift_right_arithmetic3A_1489 : vector<16xi32>
        %bitcast_convert_type3A_1493 = tpu.bitcast %sub3A_1492 : vector<16xi32> -> vector<16xf32>
        %mul3A_1494 = arith.constant 5.000000e-01 : f32
        %mul3A_1495 = vector.broadcast %mul3A_1494 : f32 to vector<16xf32>
        %mul3A_1496 = arith.mulf %sub3A_1485, %mul3A_1495 : vector<16xf32>
        %mul3A_1497 = arith.mulf %mul3A_1496, %bitcast_convert_type3A_1493 : vector<16xf32>
        %mul3A_1498 = arith.mulf %mul3A_1497, %bitcast_convert_type3A_1493 : vector<16xf32>
        %sub3A_1499 = arith.constant 1.500000e+00 : f32
        %sub3A_1500 = vector.broadcast %sub3A_1499 : f32 to vector<16xf32>
        %sub3A_1501 = arith.subf %sub3A_1500, %mul3A_1498 : vector<16xf32>
        %mul3A_1502 = arith.mulf %bitcast_convert_type3A_1493, %sub3A_1501 : vector<16xf32>
        %mul3A_1503 = arith.mulf %mul3A_1496, %mul3A_1502 : vector<16xf32>
        %mul3A_1504 = arith.mulf %mul3A_1503, %mul3A_1502 : vector<16xf32>
        %sub3A_1505 = arith.constant 1.500000e+00 : f32
        %sub3A_1506 = vector.broadcast %sub3A_1505 : f32 to vector<16xf32>
        %sub3A_1507 = arith.subf %sub3A_1506, %mul3A_1504 : vector<16xf32>
        %mul3A_1508 = arith.mulf %mul3A_1502, %sub3A_1507 : vector<16xf32>
        %sub3A_1509 = arith.subf %get3A_1323, %mul3A_1420 : vector<16xf32>
        %mul3A_1510 = arith.mulf %sub3A_1509, %mul3A_1508 : vector<16xf32>
        %mul3A_1511 = arith.mulf %mul3A_1510, %get3A_4 : vector<16xf32>
        %add3A_1512 = arith.addf %mul3A_1511, %get3A_16 : vector<16xf32>
        %swap3A_1513 = arith.constant 0 : i32
        %swap3A_1514 = arith.constant 0 : i32
        %swap3A_1515 = arith.constant 0 : i32
        %swap3A_1516 = tpu.memref_slice %arg8[%swap3A_1513, %swap3A_1514, %swap3A_1515] : memref<2x200x64xf32, #tpu.memory_space<vmem>> -> memref<1x200x64xf32, #tpu.memory_space<vmem>>
        %swap3A_1517 = tpu.memref_squeeze %swap3A_1516 : memref<1x200x64xf32, #tpu.memory_space<vmem>> -> memref<200x64xf32, #tpu.memory_space<vmem>>
        %swap3A_1518 = arith.index_cast %add3A_1314 : i32 to index
        %swap3A_1519 = arith.constant 0 : index
        %swap3A_1520 = tpu.vector_load %swap3A_1517[%swap3A_1518, %swap3A_1519] {strides = array<i32>} : memref<200x64xf32, #tpu.memory_space<vmem>>, vector<1x16xf32>,
        %swap3A_1521 = vector.shape_cast %swap3A_1520 : vector<1x16xf32> to vector<16xf32>
        %swap3A_1522 = vector.shape_cast %add3A_1512 : vector<16xf32> to vector<1x16xf32>
        tpu.vector_store %swap3A_1517[%swap3A_1518, %swap3A_1519], %swap3A_1522 {strides = array<i32>} : memref<200x64xf32, #tpu.memory_space<vmem>>, vector<1x16xf32>,
        %sub3A_1523 = arith.subf %get3A_1332, %mul3A_1420 : vector<16xf32>
        %mul3A_1524 = arith.mulf %sub3A_1523, %mul3A_1508 : vector<16xf32>
        %mul3A_1525 = arith.mulf %mul3A_1524, %get3A_7 : vector<16xf32>
        %add3A_1526 = arith.addf %mul3A_1525, %get3A_19 : vector<16xf32>
        %swap3A_1527 = arith.constant 0 : i32
        %swap3A_1528 = arith.constant 0 : i32
        %swap3A_1529 = arith.constant 0 : i32
        %swap3A_1530 = tpu.memref_slice %arg8[%swap3A_1527, %swap3A_1528, %swap3A_1529] : memref<2x200x64xf32, #tpu.memory_space<vmem>> -> memref<1x200x64xf32, #tpu.memory_space<vmem>>
        %swap3A_1531 = tpu.memref_squeeze %swap3A_1530 : memref<1x200x64xf32, #tpu.memory_space<vmem>> -> memref<200x64xf32, #tpu.memory_space<vmem>>
        %swap3A_1532 = arith.index_cast %add3A_1314 : i32 to index
        %swap3A_1533 = arith.constant 16 : index
        %swap3A_1534 = tpu.vector_load %swap3A_1531[%swap3A_1532, %swap3A_1533] {strides = array<i32>} : memref<200x64xf32, #tpu.memory_space<vmem>>, vector<1x16xf32>,
        %swap3A_1535 = vector.shape_cast %swap3A_1534 : vector<1x16xf32> to vector<16xf32>
        %swap3A_1536 = vector.shape_cast %add3A_1526 : vector<16xf32> to vector<1x16xf32>
        tpu.vector_store %swap3A_1531[%swap3A_1532, %swap3A_1533], %swap3A_1536 {strides = array<i32>} : memref<200x64xf32, #tpu.memory_space<vmem>>, vector<1x16xf32>,
        %sub3A_1537 = arith.subf %get3A_1341, %mul3A_1420 : vector<16xf32>
        %mul3A_1538 = arith.mulf %sub3A_1537, %mul3A_1508 : vector<16xf32>
        %mul3A_1539 = arith.mulf %mul3A_1538, %get3A_10 : vector<16xf32>
        %add3A_1540 = arith.addf %mul3A_1539, %get3A_22 : vector<16xf32>
        %swap3A_1541 = arith.constant 0 : i32
        %swap3A_1542 = arith.constant 0 : i32
        %swap3A_1543 = arith.constant 0 : i32
        %swap3A_1544 = tpu.memref_slice %arg8[%swap3A_1541, %swap3A_1542, %swap3A_1543] : memref<2x200x64xf32, #tpu.memory_space<vmem>> -> memref<1x200x64xf32, #tpu.memory_space<vmem>>
        %swap3A_1545 = tpu.memref_squeeze %swap3A_1544 : memref<1x200x64xf32, #tpu.memory_space<vmem>> -> memref<200x64xf32, #tpu.memory_space<vmem>>
        %swap3A_1546 = arith.index_cast %add3A_1314 : i32 to index
        %swap3A_1547 = arith.constant 32 : index
        %swap3A_1548 = tpu.vector_load %swap3A_1545[%swap3A_1546, %swap3A_1547] {strides = array<i32>} : memref<200x64xf32, #tpu.memory_space<vmem>>, vector<1x16xf32>,
        %swap3A_1549 = vector.shape_cast %swap3A_1548 : vector<1x16xf32> to vector<16xf32>
        %swap3A_1550 = vector.shape_cast %add3A_1540 : vector<16xf32> to vector<1x16xf32>
        tpu.vector_store %swap3A_1545[%swap3A_1546, %swap3A_1547], %swap3A_1550 {strides = array<i32>} : memref<200x64xf32, #tpu.memory_space<vmem>>, vector<1x16xf32>,
        %sub3A_1551 = arith.subf %get3A_1350, %mul3A_1420 : vector<16xf32>
        %mul3A_1552 = arith.mulf %sub3A_1551, %mul3A_1508 : vector<16xf32>
        %mul3A_1553 = arith.mulf %mul3A_1552, %get3A_13 : vector<16xf32>
        %add3A_1554 = arith.addf %mul3A_1553, %get3A_25 : vector<16xf32>
        %swap3A_1555 = arith.constant 0 : i32
        %swap3A_1556 = arith.constant 0 : i32
        %swap3A_1557 = arith.constant 0 : i32
        %swap3A_1558 = tpu.memref_slice %arg8[%swap3A_1555, %swap3A_1556, %swap3A_1557] : memref<2x200x64xf32, #tpu.memory_space<vmem>> -> memref<1x200x64xf32, #tpu.memory_space<vmem>>
        %swap3A_1559 = tpu.memref_squeeze %swap3A_1558 : memref<1x200x64xf32, #tpu.memory_space<vmem>> -> memref<200x64xf32, #tpu.memory_space<vmem>>
        %swap3A_1560 = arith.index_cast %add3A_1314 : i32 to index
        %swap3A_1561 = arith.constant 48 : index
        %swap3A_1562 = tpu.vector_load %swap3A_1559[%swap3A_1560, %swap3A_1561] {strides = array<i32>} : memref<200x64xf32, #tpu.memory_space<vmem>>, vector<1x16xf32>,
        %swap3A_1563 = vector.shape_cast %swap3A_1562 : vector<1x16xf32> to vector<16xf32>
        %swap3A_1564 = vector.shape_cast %add3A_1554 : vector<16xf32> to vector<1x16xf32>
        tpu.vector_store %swap3A_1559[%swap3A_1560, %swap3A_1561], %swap3A_1564 {strides = array<i32>} : memref<200x64xf32, #tpu.memory_space<vmem>>, vector<1x16xf32>,
      }
      %scan3A_299 = arith.constant 50 : i32
      %mul3A_300 = arith.constant 200 : i32
      %mul3A_301 = arith.muli %add3A_279, %mul3A_300 : i32
      %add3A_302 = arith.addi %mul3A_2, %mul3A_301 : i32
      %jit3A_303 = arith.constant 50 : i32
      %div3A_304 = arith.divsi %add3A_302, %jit3A_303 : i32
      %sign3A_305 = arith.constant 0 : i32
      %sign3A_306 = arith.cmpi sgt, %add3A_302, %sign3A_305 : i32
      %sign3A_307 = arith.extui %sign3A_306 : i1 to i32
      %sign3A_308 = arith.constant 0 : i32
      %sign3A_309 = arith.cmpi slt, %add3A_302, %sign3A_308 : i32
      %sign3A_310 = arith.extui %sign3A_309 : i1 to i32
      %sign3A_311 = arith.subi %sign3A_307, %sign3A_310 : i32
      %sign3A_312 = arith.constant 0 : i32
      %sign3A_313 = arith.cmpi sgt, %jit3A_303, %sign3A_312 : i32
      %sign3A_314 = arith.extui %sign3A_313 : i1 to i32
      %sign3A_315 = arith.constant 0 : i32
      %sign3A_316 = arith.cmpi slt, %jit3A_303, %sign3A_315 : i32
      %sign3A_317 = arith.extui %sign3A_316 : i1 to i32
      %sign3A_318 = arith.subi %sign3A_314, %sign3A_317 : i32
      %ne3A_319 = arith.cmpi ne, %sign3A_311, %sign3A_318 : i32
      %rem3A_320 = arith.remsi %add3A_302, %jit3A_303 : i32
      %ne3A_321 = arith.constant 0 : i32
      %ne3A_322 = arith.cmpi ne, %rem3A_320, %ne3A_321 : i32
      %and3A_323 = arith.andi %ne3A_319, %ne3A_322 : i1
      %sub3A_324 = arith.constant 1 : i32
      %sub3A_325 = arith.subi %div3A_304, %sub3A_324 : i32
      %select_n3A_326 = arith.select %and3A_323, %sub3A_325, %div3A_304 : i32
      %add3A_327 = arith.constant 0 : i32
      %add3A_328 = arith.addi %select_n3A_326, %add3A_327 : i32
      %add3A_329 = arith.constant 1 : i32
      %add3A_330 = arith.addi %select_n3A_326, %add3A_329 : i32
      %add3A_331 = arith.constant 2 : i32
      %add3A_332 = arith.addi %select_n3A_326, %add3A_331 : i32
      %add3A_333 = arith.constant 3 : i32
      %add3A_334 = arith.addi %select_n3A_326, %add3A_333 : i32
      %dma_start3A_335 = arith.constant 0 : i32
      %dma_start3A_336 = arith.constant 0 : i32
      %dma_start3A_337 = arith.constant 0 : i32
      %dma_start3A_338 = arith.constant 0 : i32
      %dma_start3A_339 = tpu.memref_slice %arg8[%dma_start3A_335, %dma_start3A_337, %dma_start3A_338] : memref<2x200x64xf32, #tpu.memory_space<vmem>> -> memref<1x50x64xf32, #tpu.memory_space<vmem>>
      %dma_start3A_340 = tpu.memref_squeeze %dma_start3A_339 : memref<1x50x64xf32, #tpu.memory_space<vmem>> -> memref<50x64xf32, #tpu.memory_space<vmem>>
      %dma_start3A_341 = arith.constant 0 : i32
      %dma_start3A_342 = arith.constant 0 : i32
      %dma_start3A_343 = tpu.memref_slice %arg6[%add3A_328, %dma_start3A_341, %dma_start3A_342] : memref<16384x50x64xf32, #tpu.memory_space<hbm>> -> memref<1x50x64xf32, #tpu.memory_space<hbm>>
      %dma_start3A_344 = tpu.memref_squeeze %dma_start3A_343 : memref<1x50x64xf32, #tpu.memory_space<hbm>> -> memref<50x64xf32, #tpu.memory_space<hbm>>
      %dma_start3A_345 = tpu.memref_slice %arg12[%dma_start3A_336] : memref<2x!tpu.dma_semaphore, #tpu.memory_space<semaphore_mem>> -> memref<1x!tpu.dma_semaphore, #tpu.memory_space<semaphore_mem>>
      %dma_start3A_346 = tpu.memref_squeeze %dma_start3A_345 : memref<1x!tpu.dma_semaphore, #tpu.memory_space<semaphore_mem>> -> memref<!tpu.dma_semaphore, #tpu.memory_space<semaphore_mem>>
      %dma_start3A_347 = arith.constant 0 : i32
      %dma_start3A_348 = arith.constant 0 : i32
      %dma_start3A_349 = tpu.memref_slice %arg6[%add3A_328, %dma_start3A_347, %dma_start3A_348] : memref<16384x50x64xf32, #tpu.memory_space<hbm>> -> memref<1x50x64xf32, #tpu.memory_space<hbm>>
      %dma_start3A_350 = tpu.memref_squeeze %dma_start3A_349 : memref<1x50x64xf32, #tpu.memory_space<hbm>> -> memref<50x64xf32, #tpu.memory_space<hbm>>
      %dma_start3A_351 = arith.constant 0 : i32
      %dma_start3A_352 = arith.constant 0 : i32
      %dma_start3A_353 = tpu.memref_slice %arg8[%dma_start3A_335, %dma_start3A_351, %dma_start3A_352] : memref<2x200x64xf32, #tpu.memory_space<vmem>> -> memref<1x50x64xf32, #tpu.memory_space<vmem>>
      %dma_start3A_354 = tpu.memref_squeeze %dma_start3A_353 : memref<1x50x64xf32, #tpu.memory_space<vmem>> -> memref<50x64xf32, #tpu.memory_space<vmem>>
      tpu.enqueue_dma source(%dma_start3A_354 : memref<50x64xf32, #tpu.memory_space<vmem>>) target(%dma_start3A_350 : memref<50x64xf32, #tpu.memory_space<hbm>>) target_semaphore(%dma_start3A_346 : memref<!tpu.dma_semaphore, #tpu.memory_space<semaphore_mem>>)
      %dma_start3A_355 = arith.constant 0 : i32
      %dma_start3A_356 = arith.constant 0 : i32
      %dma_start3A_357 = arith.constant 50 : i32
      %dma_start3A_358 = arith.constant 0 : i32
      %dma_start3A_359 = tpu.memref_slice %arg8[%dma_start3A_355, %dma_start3A_357, %dma_start3A_358] : memref<2x200x64xf32, #tpu.memory_space<vmem>> -> memref<1x50x64xf32, #tpu.memory_space<vmem>>
      %dma_start3A_360 = tpu.memref_squeeze %dma_start3A_359 : memref<1x50x64xf32, #tpu.memory_space<vmem>> -> memref<50x64xf32, #tpu.memory_space<vmem>>
      %dma_start3A_361 = arith.constant 0 : i32
      %dma_start3A_362 = arith.constant 0 : i32
      %dma_start3A_363 = tpu.memref_slice %arg6[%add3A_330, %dma_start3A_361, %dma_start3A_362] : memref<16384x50x64xf32, #tpu.memory_space<hbm>> -> memref<1x50x64xf32, #tpu.memory_space<hbm>>
      %dma_start3A_364 = tpu.memref_squeeze %dma_start3A_363 : memref<1x50x64xf32, #tpu.memory_space<hbm>> -> memref<50x64xf32, #tpu.memory_space<hbm>>
      %dma_start3A_365 = tpu.memref_slice %arg12[%dma_start3A_356] : memref<2x!tpu.dma_semaphore, #tpu.memory_space<semaphore_mem>> -> memref<1x!tpu.dma_semaphore, #tpu.memory_space<semaphore_mem>>
      %dma_start3A_366 = tpu.memref_squeeze %dma_start3A_365 : memref<1x!tpu.dma_semaphore, #tpu.memory_space<semaphore_mem>> -> memref<!tpu.dma_semaphore, #tpu.memory_space<semaphore_mem>>
      %dma_start3A_367 = arith.constant 0 : i32
      %dma_start3A_368 = arith.constant 0 : i32
      %dma_start3A_369 = tpu.memref_slice %arg6[%add3A_330, %dma_start3A_367, %dma_start3A_368] : memref<16384x50x64xf32, #tpu.memory_space<hbm>> -> memref<1x50x64xf32, #tpu.memory_space<hbm>>
      %dma_start3A_370 = tpu.memref_squeeze %dma_start3A_369 : memref<1x50x64xf32, #tpu.memory_space<hbm>> -> memref<50x64xf32, #tpu.memory_space<hbm>>
      %dma_start3A_371 = arith.constant 50 : i32
      %dma_start3A_372 = arith.constant 0 : i32
      %dma_start3A_373 = tpu.memref_slice %arg8[%dma_start3A_355, %dma_start3A_371, %dma_start3A_372] : memref<2x200x64xf32, #tpu.memory_space<vmem>> -> memref<1x50x64xf32, #tpu.memory_space<vmem>>
      %dma_start3A_374 = tpu.memref_squeeze %dma_start3A_373 : memref<1x50x64xf32, #tpu.memory_space<vmem>> -> memref<50x64xf32, #tpu.memory_space<vmem>>
      tpu.enqueue_dma source(%dma_start3A_374 : memref<50x64xf32, #tpu.memory_space<vmem>>) target(%dma_start3A_370 : memref<50x64xf32, #tpu.memory_space<hbm>>) target_semaphore(%dma_start3A_366 : memref<!tpu.dma_semaphore, #tpu.memory_space<semaphore_mem>>)
      %dma_start3A_375 = arith.constant 0 : i32
      %dma_start3A_376 = arith.constant 0 : i32
      %dma_start3A_377 = arith.constant 100 : i32
      %dma_start3A_378 = arith.constant 0 : i32
      %dma_start3A_379 = tpu.memref_slice %arg8[%dma_start3A_375, %dma_start3A_377, %dma_start3A_378] : memref<2x200x64xf32, #tpu.memory_space<vmem>> -> memref<1x50x64xf32, #tpu.memory_space<vmem>>
      %dma_start3A_380 = tpu.memref_squeeze %dma_start3A_379 : memref<1x50x64xf32, #tpu.memory_space<vmem>> -> memref<50x64xf32, #tpu.memory_space<vmem>>
      %dma_start3A_381 = arith.constant 0 : i32
      %dma_start3A_382 = arith.constant 0 : i32
      %dma_start3A_383 = tpu.memref_slice %arg6[%add3A_332, %dma_start3A_381, %dma_start3A_382] : memref<16384x50x64xf32, #tpu.memory_space<hbm>> -> memref<1x50x64xf32, #tpu.memory_space<hbm>>
      %dma_start3A_384 = tpu.memref_squeeze %dma_start3A_383 : memref<1x50x64xf32, #tpu.memory_space<hbm>> -> memref<50x64xf32, #tpu.memory_space<hbm>>
      %dma_start3A_385 = tpu.memref_slice %arg12[%dma_start3A_376] : memref<2x!tpu.dma_semaphore, #tpu.memory_space<semaphore_mem>> -> memref<1x!tpu.dma_semaphore, #tpu.memory_space<semaphore_mem>>
      %dma_start3A_386 = tpu.memref_squeeze %dma_start3A_385 : memref<1x!tpu.dma_semaphore, #tpu.memory_space<semaphore_mem>> -> memref<!tpu.dma_semaphore, #tpu.memory_space<semaphore_mem>>
      %dma_start3A_387 = arith.constant 0 : i32
      %dma_start3A_388 = arith.constant 0 : i32
      %dma_start3A_389 = tpu.memref_slice %arg6[%add3A_332, %dma_start3A_387, %dma_start3A_388] : memref<16384x50x64xf32, #tpu.memory_space<hbm>> -> memref<1x50x64xf32, #tpu.memory_space<hbm>>
      %dma_start3A_390 = tpu.memref_squeeze %dma_start3A_389 : memref<1x50x64xf32, #tpu.memory_space<hbm>> -> memref<50x64xf32, #tpu.memory_space<hbm>>
      %dma_start3A_391 = arith.constant 100 : i32
      %dma_start3A_392 = arith.constant 0 : i32
      %dma_start3A_393 = tpu.memref_slice %arg8[%dma_start3A_375, %dma_start3A_391, %dma_start3A_392] : memref<2x200x64xf32, #tpu.memory_space<vmem>> -> memref<1x50x64xf32, #tpu.memory_space<vmem>>
      %dma_start3A_394 = tpu.memref_squeeze %dma_start3A_393 : memref<1x50x64xf32, #tpu.memory_space<vmem>> -> memref<50x64xf32, #tpu.memory_space<vmem>>
      tpu.enqueue_dma source(%dma_start3A_394 : memref<50x64xf32, #tpu.memory_space<vmem>>) target(%dma_start3A_390 : memref<50x64xf32, #tpu.memory_space<hbm>>) target_semaphore(%dma_start3A_386 : memref<!tpu.dma_semaphore, #tpu.memory_space<semaphore_mem>>)
      %dma_start3A_395 = arith.constant 0 : i32
      %dma_start3A_396 = arith.constant 0 : i32
      %dma_start3A_397 = arith.constant 150 : i32
      %dma_start3A_398 = arith.constant 0 : i32
      %dma_start3A_399 = tpu.memref_slice %arg8[%dma_start3A_395, %dma_start3A_397, %dma_start3A_398] : memref<2x200x64xf32, #tpu.memory_space<vmem>> -> memref<1x50x64xf32, #tpu.memory_space<vmem>>
      %dma_start3A_400 = tpu.memref_squeeze %dma_start3A_399 : memref<1x50x64xf32, #tpu.memory_space<vmem>> -> memref<50x64xf32, #tpu.memory_space<vmem>>
      %dma_start3A_401 = arith.constant 0 : i32
      %dma_start3A_402 = arith.constant 0 : i32
      %dma_start3A_403 = tpu.memref_slice %arg6[%add3A_334, %dma_start3A_401, %dma_start3A_402] : memref<16384x50x64xf32, #tpu.memory_space<hbm>> -> memref<1x50x64xf32, #tpu.memory_space<hbm>>
      %dma_start3A_404 = tpu.memref_squeeze %dma_start3A_403 : memref<1x50x64xf32, #tpu.memory_space<hbm>> -> memref<50x64xf32, #tpu.memory_space<hbm>>
      %dma_start3A_405 = tpu.memref_slice %arg12[%dma_start3A_396] : memref<2x!tpu.dma_semaphore, #tpu.memory_space<semaphore_mem>> -> memref<1x!tpu.dma_semaphore, #tpu.memory_space<semaphore_mem>>
      %dma_start3A_406 = tpu.memref_squeeze %dma_start3A_405 : memref<1x!tpu.dma_semaphore, #tpu.memory_space<semaphore_mem>> -> memref<!tpu.dma_semaphore, #tpu.memory_space<semaphore_mem>>
      %dma_start3A_407 = arith.constant 0 : i32
      %dma_start3A_408 = arith.constant 0 : i32
      %dma_start3A_409 = tpu.memref_slice %arg6[%add3A_334, %dma_start3A_407, %dma_start3A_408] : memref<16384x50x64xf32, #tpu.memory_space<hbm>> -> memref<1x50x64xf32, #tpu.memory_space<hbm>>
      %dma_start3A_410 = tpu.memref_squeeze %dma_start3A_409 : memref<1x50x64xf32, #tpu.memory_space<hbm>> -> memref<50x64xf32, #tpu.memory_space<hbm>>
      %dma_start3A_411 = arith.constant 150 : i32
      %dma_start3A_412 = arith.constant 0 : i32
      %dma_start3A_413 = tpu.memref_slice %arg8[%dma_start3A_395, %dma_start3A_411, %dma_start3A_412] : memref<2x200x64xf32, #tpu.memory_space<vmem>> -> memref<1x50x64xf32, #tpu.memory_space<vmem>>
      %dma_start3A_414 = tpu.memref_squeeze %dma_start3A_413 : memref<1x50x64xf32, #tpu.memory_space<vmem>> -> memref<50x64xf32, #tpu.memory_space<vmem>>
      tpu.enqueue_dma source(%dma_start3A_414 : memref<50x64xf32, #tpu.memory_space<vmem>>) target(%dma_start3A_410 : memref<50x64xf32, #tpu.memory_space<hbm>>) target_semaphore(%dma_start3A_406 : memref<!tpu.dma_semaphore, #tpu.memory_space<semaphore_mem>>)
      %lt3A = arith.constant 63 : i32
      %lt3A_415 = arith.cmpi slt, %scan3A_275, %lt3A : i32
      %convert_element_type3A = arith.extui %lt3A_415 : i1 to i32
      %cond3A = arith.constant 0 : i32
      %cond3A_416 = arith.cmpi ne, %convert_element_type3A, %cond3A : i32
      scf.if %cond3A_416 {
        %mul3A_561 = arith.constant 200 : i32
        %mul3A_562 = arith.muli %add3A_279, %mul3A_561 : i32
        %add3A_563 = arith.addi %mul3A_2, %mul3A_562 : i32
        %jit3A_564 = arith.constant 50 : i32
        %div3A_565 = arith.divsi %add3A_563, %jit3A_564 : i32
        %sign3A_566 = arith.constant 0 : i32
        %sign3A_567 = arith.cmpi sgt, %add3A_563, %sign3A_566 : i32
        %sign3A_568 = arith.extui %sign3A_567 : i1 to i32
        %sign3A_569 = arith.constant 0 : i32
        %sign3A_570 = arith.cmpi slt, %add3A_563, %sign3A_569 : i32
        %sign3A_571 = arith.extui %sign3A_570 : i1 to i32
        %sign3A_572 = arith.subi %sign3A_568, %sign3A_571 : i32
        %sign3A_573 = arith.constant 0 : i32
        %sign3A_574 = arith.cmpi sgt, %jit3A_564, %sign3A_573 : i32
        %sign3A_575 = arith.extui %sign3A_574 : i1 to i32
        %sign3A_576 = arith.constant 0 : i32
        %sign3A_577 = arith.cmpi slt, %jit3A_564, %sign3A_576 : i32
        %sign3A_578 = arith.extui %sign3A_577 : i1 to i32
        %sign3A_579 = arith.subi %sign3A_575, %sign3A_578 : i32
        %ne3A_580 = arith.cmpi ne, %sign3A_572, %sign3A_579 : i32
        %rem3A_581 = arith.remsi %add3A_563, %jit3A_564 : i32
        %ne3A_582 = arith.constant 0 : i32
        %ne3A_583 = arith.cmpi ne, %rem3A_581, %ne3A_582 : i32
        %and3A_584 = arith.andi %ne3A_580, %ne3A_583 : i1
        %sub3A_585 = arith.constant 1 : i32
        %sub3A_586 = arith.subi %div3A_565, %sub3A_585 : i32
        %select_n3A_587 = arith.select %and3A_584, %sub3A_586, %div3A_565 : i32
        %add3A_588 = arith.constant 0 : i32
        %add3A_589 = arith.addi %select_n3A_587, %add3A_588 : i32
        %add3A_590 = arith.constant 1 : i32
        %add3A_591 = arith.addi %select_n3A_587, %add3A_590 : i32
        %add3A_592 = arith.constant 2 : i32
        %add3A_593 = arith.addi %select_n3A_587, %add3A_592 : i32
        %add3A_594 = arith.constant 3 : i32
        %add3A_595 = arith.addi %select_n3A_587, %add3A_594 : i32
        %dma_wait3A_596 = arith.constant 0 : i32
        %dma_wait3A_597 = arith.constant 0 : i32
        %dma_wait3A_598 = arith.constant 0 : i32
        %dma_wait3A_599 = arith.constant 0 : i32
        %dma_wait3A_600 = tpu.memref_slice %arg8[%dma_wait3A_596, %dma_wait3A_598, %dma_wait3A_599] : memref<2x200x64xf32, #tpu.memory_space<vmem>> -> memref<1x50x64xf32, #tpu.memory_space<vmem>>
        %dma_wait3A_601 = tpu.memref_squeeze %dma_wait3A_600 : memref<1x50x64xf32, #tpu.memory_space<vmem>> -> memref<50x64xf32, #tpu.memory_space<vmem>>
        %dma_wait3A_602 = arith.constant 0 : i32
        %dma_wait3A_603 = arith.constant 0 : i32
        %dma_wait3A_604 = tpu.memref_slice %arg6[%add3A_589, %dma_wait3A_602, %dma_wait3A_603] : memref<16384x50x64xf32, #tpu.memory_space<hbm>> -> memref<1x50x64xf32, #tpu.memory_space<hbm>>
        %dma_wait3A_605 = tpu.memref_squeeze %dma_wait3A_604 : memref<1x50x64xf32, #tpu.memory_space<hbm>> -> memref<50x64xf32, #tpu.memory_space<hbm>>
        %dma_wait3A_606 = tpu.memref_slice %arg12[%dma_wait3A_597] : memref<2x!tpu.dma_semaphore, #tpu.memory_space<semaphore_mem>> -> memref<1x!tpu.dma_semaphore, #tpu.memory_space<semaphore_mem>>
        %dma_wait3A_607 = tpu.memref_squeeze %dma_wait3A_606 : memref<1x!tpu.dma_semaphore, #tpu.memory_space<semaphore_mem>> -> memref<!tpu.dma_semaphore, #tpu.memory_space<semaphore_mem>>
        %dma_wait3A_608 = arith.constant 0 : i32
        %dma_wait3A_609 = arith.constant 0 : i32
        %dma_wait3A_610 = tpu.memref_slice %arg6[%add3A_589, %dma_wait3A_608, %dma_wait3A_609] : memref<16384x50x64xf32, #tpu.memory_space<hbm>> -> memref<1x50x64xf32, #tpu.memory_space<hbm>>
        %dma_wait3A_611 = tpu.memref_squeeze %dma_wait3A_610 : memref<1x50x64xf32, #tpu.memory_space<hbm>> -> memref<50x64xf32, #tpu.memory_space<hbm>>
        %dma_wait3A_612 = arith.constant 0 : i32
        %dma_wait3A_613 = arith.constant 0 : i32
        %dma_wait3A_614 = tpu.memref_slice %arg8[%dma_wait3A_596, %dma_wait3A_612, %dma_wait3A_613] : memref<2x200x64xf32, #tpu.memory_space<vmem>> -> memref<1x50x64xf32, #tpu.memory_space<vmem>>
        %dma_wait3A_615 = tpu.memref_squeeze %dma_wait3A_614 : memref<1x50x64xf32, #tpu.memory_space<vmem>> -> memref<50x64xf32, #tpu.memory_space<vmem>>
        tpu.wait_dma2 semaphore(%dma_wait3A_607 : memref<!tpu.dma_semaphore, #tpu.memory_space<semaphore_mem>>) src(%dma_wait3A_615 : memref<50x64xf32, #tpu.memory_space<vmem>>) dst(%dma_wait3A_611 : memref<50x64xf32, #tpu.memory_space<hbm>>)
        %dma_wait3A_616 = arith.constant 0 : i32
        %dma_wait3A_617 = arith.constant 0 : i32
        %dma_wait3A_618 = arith.constant 50 : i32
        %dma_wait3A_619 = arith.constant 0 : i32
        %dma_wait3A_620 = tpu.memref_slice %arg8[%dma_wait3A_616, %dma_wait3A_618, %dma_wait3A_619] : memref<2x200x64xf32, #tpu.memory_space<vmem>> -> memref<1x50x64xf32, #tpu.memory_space<vmem>>
        %dma_wait3A_621 = tpu.memref_squeeze %dma_wait3A_620 : memref<1x50x64xf32, #tpu.memory_space<vmem>> -> memref<50x64xf32, #tpu.memory_space<vmem>>
        %dma_wait3A_622 = arith.constant 0 : i32
        %dma_wait3A_623 = arith.constant 0 : i32
        %dma_wait3A_624 = tpu.memref_slice %arg6[%add3A_591, %dma_wait3A_622, %dma_wait3A_623] : memref<16384x50x64xf32, #tpu.memory_space<hbm>> -> memref<1x50x64xf32, #tpu.memory_space<hbm>>
        %dma_wait3A_625 = tpu.memref_squeeze %dma_wait3A_624 : memref<1x50x64xf32, #tpu.memory_space<hbm>> -> memref<50x64xf32, #tpu.memory_space<hbm>>
        %dma_wait3A_626 = tpu.memref_slice %arg12[%dma_wait3A_617] : memref<2x!tpu.dma_semaphore, #tpu.memory_space<semaphore_mem>> -> memref<1x!tpu.dma_semaphore, #tpu.memory_space<semaphore_mem>>
        %dma_wait3A_627 = tpu.memref_squeeze %dma_wait3A_626 : memref<1x!tpu.dma_semaphore, #tpu.memory_space<semaphore_mem>> -> memref<!tpu.dma_semaphore, #tpu.memory_space<semaphore_mem>>
        %dma_wait3A_628 = arith.constant 0 : i32
        %dma_wait3A_629 = arith.constant 0 : i32
        %dma_wait3A_630 = tpu.memref_slice %arg6[%add3A_591, %dma_wait3A_628, %dma_wait3A_629] : memref<16384x50x64xf32, #tpu.memory_space<hbm>> -> memref<1x50x64xf32, #tpu.memory_space<hbm>>
        %dma_wait3A_631 = tpu.memref_squeeze %dma_wait3A_630 : memref<1x50x64xf32, #tpu.memory_space<hbm>> -> memref<50x64xf32, #tpu.memory_space<hbm>>
        %dma_wait3A_632 = arith.constant 50 : i32
        %dma_wait3A_633 = arith.constant 0 : i32
        %dma_wait3A_634 = tpu.memref_slice %arg8[%dma_wait3A_616, %dma_wait3A_632, %dma_wait3A_633] : memref<2x200x64xf32, #tpu.memory_space<vmem>> -> memref<1x50x64xf32, #tpu.memory_space<vmem>>
        %dma_wait3A_635 = tpu.memref_squeeze %dma_wait3A_634 : memref<1x50x64xf32, #tpu.memory_space<vmem>> -> memref<50x64xf32, #tpu.memory_space<vmem>>
        tpu.wait_dma2 semaphore(%dma_wait3A_627 : memref<!tpu.dma_semaphore, #tpu.memory_space<semaphore_mem>>) src(%dma_wait3A_635 : memref<50x64xf32, #tpu.memory_space<vmem>>) dst(%dma_wait3A_631 : memref<50x64xf32, #tpu.memory_space<hbm>>)
        %dma_wait3A_636 = arith.constant 0 : i32
        %dma_wait3A_637 = arith.constant 0 : i32
        %dma_wait3A_638 = arith.constant 100 : i32
        %dma_wait3A_639 = arith.constant 0 : i32
        %dma_wait3A_640 = tpu.memref_slice %arg8[%dma_wait3A_636, %dma_wait3A_638, %dma_wait3A_639] : memref<2x200x64xf32, #tpu.memory_space<vmem>> -> memref<1x50x64xf32, #tpu.memory_space<vmem>>
        %dma_wait3A_641 = tpu.memref_squeeze %dma_wait3A_640 : memref<1x50x64xf32, #tpu.memory_space<vmem>> -> memref<50x64xf32, #tpu.memory_space<vmem>>
        %dma_wait3A_642 = arith.constant 0 : i32
        %dma_wait3A_643 = arith.constant 0 : i32
        %dma_wait3A_644 = tpu.memref_slice %arg6[%add3A_593, %dma_wait3A_642, %dma_wait3A_643] : memref<16384x50x64xf32, #tpu.memory_space<hbm>> -> memref<1x50x64xf32, #tpu.memory_space<hbm>>
        %dma_wait3A_645 = tpu.memref_squeeze %dma_wait3A_644 : memref<1x50x64xf32, #tpu.memory_space<hbm>> -> memref<50x64xf32, #tpu.memory_space<hbm>>
        %dma_wait3A_646 = tpu.memref_slice %arg12[%dma_wait3A_637] : memref<2x!tpu.dma_semaphore, #tpu.memory_space<semaphore_mem>> -> memref<1x!tpu.dma_semaphore, #tpu.memory_space<semaphore_mem>>
        %dma_wait3A_647 = tpu.memref_squeeze %dma_wait3A_646 : memref<1x!tpu.dma_semaphore, #tpu.memory_space<semaphore_mem>> -> memref<!tpu.dma_semaphore, #tpu.memory_space<semaphore_mem>>
        %dma_wait3A_648 = arith.constant 0 : i32
        %dma_wait3A_649 = arith.constant 0 : i32
        %dma_wait3A_650 = tpu.memref_slice %arg6[%add3A_593, %dma_wait3A_648, %dma_wait3A_649] : memref<16384x50x64xf32, #tpu.memory_space<hbm>> -> memref<1x50x64xf32, #tpu.memory_space<hbm>>
        %dma_wait3A_651 = tpu.memref_squeeze %dma_wait3A_650 : memref<1x50x64xf32, #tpu.memory_space<hbm>> -> memref<50x64xf32, #tpu.memory_space<hbm>>
        %dma_wait3A_652 = arith.constant 100 : i32
        %dma_wait3A_653 = arith.constant 0 : i32
        %dma_wait3A_654 = tpu.memref_slice %arg8[%dma_wait3A_636, %dma_wait3A_652, %dma_wait3A_653] : memref<2x200x64xf32, #tpu.memory_space<vmem>> -> memref<1x50x64xf32, #tpu.memory_space<vmem>>
        %dma_wait3A_655 = tpu.memref_squeeze %dma_wait3A_654 : memref<1x50x64xf32, #tpu.memory_space<vmem>> -> memref<50x64xf32, #tpu.memory_space<vmem>>
        tpu.wait_dma2 semaphore(%dma_wait3A_647 : memref<!tpu.dma_semaphore, #tpu.memory_space<semaphore_mem>>) src(%dma_wait3A_655 : memref<50x64xf32, #tpu.memory_space<vmem>>) dst(%dma_wait3A_651 : memref<50x64xf32, #tpu.memory_space<hbm>>)
        %dma_wait3A_656 = arith.constant 0 : i32
        %dma_wait3A_657 = arith.constant 0 : i32
        %dma_wait3A_658 = arith.constant 150 : i32
        %dma_wait3A_659 = arith.constant 0 : i32
        %dma_wait3A_660 = tpu.memref_slice %arg8[%dma_wait3A_656, %dma_wait3A_658, %dma_wait3A_659] : memref<2x200x64xf32, #tpu.memory_space<vmem>> -> memref<1x50x64xf32, #tpu.memory_space<vmem>>
        %dma_wait3A_661 = tpu.memref_squeeze %dma_wait3A_660 : memref<1x50x64xf32, #tpu.memory_space<vmem>> -> memref<50x64xf32, #tpu.memory_space<vmem>>
        %dma_wait3A_662 = arith.constant 0 : i32
        %dma_wait3A_663 = arith.constant 0 : i32
        %dma_wait3A_664 = tpu.memref_slice %arg6[%add3A_595, %dma_wait3A_662, %dma_wait3A_663] : memref<16384x50x64xf32, #tpu.memory_space<hbm>> -> memref<1x50x64xf32, #tpu.memory_space<hbm>>
        %dma_wait3A_665 = tpu.memref_squeeze %dma_wait3A_664 : memref<1x50x64xf32, #tpu.memory_space<hbm>> -> memref<50x64xf32, #tpu.memory_space<hbm>>
        %dma_wait3A_666 = tpu.memref_slice %arg12[%dma_wait3A_657] : memref<2x!tpu.dma_semaphore, #tpu.memory_space<semaphore_mem>> -> memref<1x!tpu.dma_semaphore, #tpu.memory_space<semaphore_mem>>
        %dma_wait3A_667 = tpu.memref_squeeze %dma_wait3A_666 : memref<1x!tpu.dma_semaphore, #tpu.memory_space<semaphore_mem>> -> memref<!tpu.dma_semaphore, #tpu.memory_space<semaphore_mem>>
        %dma_wait3A_668 = arith.constant 0 : i32
        %dma_wait3A_669 = arith.constant 0 : i32
        %dma_wait3A_670 = tpu.memref_slice %arg6[%add3A_595, %dma_wait3A_668, %dma_wait3A_669] : memref<16384x50x64xf32, #tpu.memory_space<hbm>> -> memref<1x50x64xf32, #tpu.memory_space<hbm>>
        %dma_wait3A_671 = tpu.memref_squeeze %dma_wait3A_670 : memref<1x50x64xf32, #tpu.memory_space<hbm>> -> memref<50x64xf32, #tpu.memory_space<hbm>>
        %dma_wait3A_672 = arith.constant 150 : i32
        %dma_wait3A_673 = arith.constant 0 : i32
        %dma_wait3A_674 = tpu.memref_slice %arg8[%dma_wait3A_656, %dma_wait3A_672, %dma_wait3A_673] : memref<2x200x64xf32, #tpu.memory_space<vmem>> -> memref<1x50x64xf32, #tpu.memory_space<vmem>>
        %dma_wait3A_675 = tpu.memref_squeeze %dma_wait3A_674 : memref<1x50x64xf32, #tpu.memory_space<vmem>> -> memref<50x64xf32, #tpu.memory_space<vmem>>
        tpu.wait_dma2 semaphore(%dma_wait3A_667 : memref<!tpu.dma_semaphore, #tpu.memory_space<semaphore_mem>>) src(%dma_wait3A_675 : memref<50x64xf32, #tpu.memory_space<vmem>>) dst(%dma_wait3A_671 : memref<50x64xf32, #tpu.memory_space<hbm>>)
        %add3A_676 = arith.constant 2 : i32
        %add3A_677 = arith.addi %add3A_279, %add3A_676 : i32
        %mul3A_678 = arith.constant 200 : i32
        %mul3A_679 = arith.muli %add3A_677, %mul3A_678 : i32
        %dma_start3A_680 = arith.constant 0 : i32
        %dma_start3A_681 = arith.constant 0 : i32
        %dma_start3A_682 = arith.constant 0 : i32
        %dma_start3A_683 = arith.constant 0 : i32
        %dma_start3A_684 = tpu.memref_slice %arg8[%dma_start3A_680, %dma_start3A_682, %dma_start3A_683] : memref<2x200x64xf32, #tpu.memory_space<vmem>> -> memref<1x200x64xf32, #tpu.memory_space<vmem>>
        %dma_start3A_685 = tpu.memref_squeeze %dma_start3A_684 : memref<1x200x64xf32, #tpu.memory_space<vmem>> -> memref<200x64xf32, #tpu.memory_space<vmem>>
        %dma_start3A_686 = tpu.memref_slice %arg7[%mul3A_679] : memref<25600xi32, #tpu.memory_space<vmem>> -> memref<200xi32, #tpu.memory_space<vmem>>
        %dma_start3A_687 = arith.constant 0 : i32
        %dma_start3A_688 = arith.constant 0 : i32
        %dma_start3A_689 = tpu.memref_slice %arg2[%dma_start3A_687, %dma_start3A_688] : memref<1000000x64xf32, #tpu.memory_space<hbm>> -> memref<1000000x64xf32, #tpu.memory_space<hbm>>
        %dma_start3A_690 = tpu.memref_slice %arg11[%dma_start3A_681] : memref<2x!tpu.dma_semaphore, #tpu.memory_space<semaphore_mem>> -> memref<1x!tpu.dma_semaphore, #tpu.memory_space<semaphore_mem>>
        %dma_start3A_691 = tpu.memref_squeeze %dma_start3A_690 : memref<1x!tpu.dma_semaphore, #tpu.memory_space<semaphore_mem>> -> memref<!tpu.dma_semaphore, #tpu.memory_space<semaphore_mem>>
        tpu.enqueue_indirect_dma source(%dma_start3A_689 : memref<1000000x64xf32, #tpu.memory_space<hbm>>) target(%dma_start3A_685 : memref<200x64xf32, #tpu.memory_space<vmem>>) offsets(%dma_start3A_686 : memref<200xi32, #tpu.memory_space<vmem>>) semaphore(%dma_start3A_691 : memref<!tpu.dma_semaphore, #tpu.memory_space<semaphore_mem>>)
      } else {
      }
      %mul3A_417 = arith.constant 2 : i32
      %mul3A_418 = arith.muli %scan3A_275, %mul3A_417 : i32
      %add3A_419 = arith.constant 1 : i32
      %add3A_420 = arith.addi %mul3A_418, %add3A_419 : i32
      %mul3A_421 = arith.constant 200 : i32
      %mul3A_422 = arith.muli %add3A_420, %mul3A_421 : i32
      %dma_wait3A_423 = arith.constant 1 : i32
      %dma_wait3A_424 = arith.constant 1 : i32
      %dma_wait3A_425 = arith.constant 0 : i32
      %dma_wait3A_426 = arith.constant 0 : i32
      %dma_wait3A_427 = tpu.memref_slice %arg8[%dma_wait3A_423, %dma_wait3A_425, %dma_wait3A_426] : memref<2x200x64xf32, #tpu.memory_space<vmem>> -> memref<1x200x64xf32, #tpu.memory_space<vmem>>
      %dma_wait3A_428 = tpu.memref_squeeze %dma_wait3A_427 : memref<1x200x64xf32, #tpu.memory_space<vmem>> -> memref<200x64xf32, #tpu.memory_space<vmem>>
      %dma_wait3A_429 = tpu.memref_slice %arg7[%mul3A_422] : memref<25600xi32, #tpu.memory_space<vmem>> -> memref<200xi32, #tpu.memory_space<vmem>>
      %dma_wait3A_430 = arith.constant 0 : i32
      %dma_wait3A_431 = arith.constant 0 : i32
      %dma_wait3A_432 = tpu.memref_slice %arg2[%dma_wait3A_430, %dma_wait3A_431] : memref<1000000x64xf32, #tpu.memory_space<hbm>> -> memref<1000000x64xf32, #tpu.memory_space<hbm>>
      %dma_wait3A_433 = tpu.memref_slice %arg11[%dma_wait3A_424] : memref<2x!tpu.dma_semaphore, #tpu.memory_space<semaphore_mem>> -> memref<1x!tpu.dma_semaphore, #tpu.memory_space<semaphore_mem>>
      %dma_wait3A_434 = tpu.memref_squeeze %dma_wait3A_433 : memref<1x!tpu.dma_semaphore, #tpu.memory_space<semaphore_mem>> -> memref<!tpu.dma_semaphore, #tpu.memory_space<semaphore_mem>>
      tpu.wait_indirect_dma semaphore(%dma_wait3A_434 : memref<!tpu.dma_semaphore, #tpu.memory_space<semaphore_mem>>) src(%dma_wait3A_432 : memref<1000000x64xf32, #tpu.memory_space<hbm>>) dst(%dma_wait3A_428 : memref<200x64xf32, #tpu.memory_space<vmem>>)
      %scan3A_435 = arith.constant 0 : i32
      %scan3A_436 = arith.constant 0 : i32
      %scan3A_437 = arith.constant 50 : i32
      %scan3A_438 = arith.addi %scan3A_436, %scan3A_437 : i32
      %scan3A_439 = arith.constant 1 : i32
      scf.for %scan3A_561 = %scan3A_436 to %scan3A_438 step %scan3A_439  : i32 {
        %mul3A_562 = arith.constant 4 : i32
        %mul3A_563 = arith.muli %scan3A_561, %mul3A_562 : i32
        %add3A_564 = arith.constant 0 : i32
        %add3A_565 = arith.addi %mul3A_563, %add3A_564 : i32
        %get3A_566 = arith.constant 1 : i32
        %get3A_567 = arith.constant 0 : i32
        %get3A_568 = arith.constant 0 : i32
        %get3A_569 = tpu.memref_slice %arg8[%get3A_566, %get3A_567, %get3A_568] : memref<2x200x64xf32, #tpu.memory_space<vmem>> -> memref<1x200x64xf32, #tpu.memory_space<vmem>>
        %get3A_570 = tpu.memref_squeeze %get3A_569 : memref<1x200x64xf32, #tpu.memory_space<vmem>> -> memref<200x64xf32, #tpu.memory_space<vmem>>
        %get3A_571 = arith.index_cast %add3A_565 : i32 to index
        %get3A_572 = arith.constant 0 : index
        %get3A_573 = tpu.vector_load %get3A_570[%get3A_571, %get3A_572] {strides = array<i32>} : memref<200x64xf32, #tpu.memory_space<vmem>>, vector<1x16xf32>,
        %get3A_574 = vector.shape_cast %get3A_573 : vector<1x16xf32> to vector<16xf32>
        %get3A_575 = arith.constant 1 : i32
        %get3A_576 = arith.constant 0 : i32
        %get3A_577 = arith.constant 0 : i32
        %get3A_578 = tpu.memref_slice %arg8[%get3A_575, %get3A_576, %get3A_577] : memref<2x200x64xf32, #tpu.memory_space<vmem>> -> memref<1x200x64xf32, #tpu.memory_space<vmem>>
        %get3A_579 = tpu.memref_squeeze %get3A_578 : memref<1x200x64xf32, #tpu.memory_space<vmem>> -> memref<200x64xf32, #tpu.memory_space<vmem>>
        %get3A_580 = arith.index_cast %add3A_565 : i32 to index
        %get3A_581 = arith.constant 16 : index
        %get3A_582 = tpu.vector_load %get3A_579[%get3A_580, %get3A_581] {strides = array<i32>} : memref<200x64xf32, #tpu.memory_space<vmem>>, vector<1x16xf32>,
        %get3A_583 = vector.shape_cast %get3A_582 : vector<1x16xf32> to vector<16xf32>
        %get3A_584 = arith.constant 1 : i32
        %get3A_585 = arith.constant 0 : i32
        %get3A_586 = arith.constant 0 : i32
        %get3A_587 = tpu.memref_slice %arg8[%get3A_584, %get3A_585, %get3A_586] : memref<2x200x64xf32, #tpu.memory_space<vmem>> -> memref<1x200x64xf32, #tpu.memory_space<vmem>>
        %get3A_588 = tpu.memref_squeeze %get3A_587 : memref<1x200x64xf32, #tpu.memory_space<vmem>> -> memref<200x64xf32, #tpu.memory_space<vmem>>
        %get3A_589 = arith.index_cast %add3A_565 : i32 to index
        %get3A_590 = arith.constant 32 : index
        %get3A_591 = tpu.vector_load %get3A_588[%get3A_589, %get3A_590] {strides = array<i32>} : memref<200x64xf32, #tpu.memory_space<vmem>>, vector<1x16xf32>,
        %get3A_592 = vector.shape_cast %get3A_591 : vector<1x16xf32> to vector<16xf32>
        %get3A_593 = arith.constant 1 : i32
        %get3A_594 = arith.constant 0 : i32
        %get3A_595 = arith.constant 0 : i32
        %get3A_596 = tpu.memref_slice %arg8[%get3A_593, %get3A_594, %get3A_595] : memref<2x200x64xf32, #tpu.memory_space<vmem>> -> memref<1x200x64xf32, #tpu.memory_space<vmem>>
        %get3A_597 = tpu.memref_squeeze %get3A_596 : memref<1x200x64xf32, #tpu.memory_space<vmem>> -> memref<200x64xf32, #tpu.memory_space<vmem>>
        %get3A_598 = arith.index_cast %add3A_565 : i32 to index
        %get3A_599 = arith.constant 48 : index
        %get3A_600 = tpu.vector_load %get3A_597[%get3A_598, %get3A_599] {strides = array<i32>} : memref<200x64xf32, #tpu.memory_space<vmem>>, vector<1x16xf32>,
        %get3A_601 = vector.shape_cast %get3A_600 : vector<1x16xf32> to vector<16xf32>
        %add3A_602 = arith.addf %get3A_574, %get3A_583 : vector<16xf32>
        %add3A_603 = arith.addf %get3A_592, %get3A_601 : vector<16xf32>
        %add3A_604 = arith.addf %add3A_602, %add3A_603 : vector<16xf32>
        %mul3A_605 = arith.mulf %get3A_574, %get3A_574 : vector<16xf32>
        %mul3A_606 = arith.mulf %get3A_583, %get3A_583 : vector<16xf32>
        %add3A_607 = arith.addf %mul3A_605, %mul3A_606 : vector<16xf32>
        %mul3A_608 = arith.mulf %get3A_592, %get3A_592 : vector<16xf32>
        %mul3A_609 = arith.mulf %get3A_601, %get3A_601 : vector<16xf32>
        %add3A_610 = arith.addf %mul3A_608, %mul3A_609 : vector<16xf32>
        %add3A_611 = arith.addf %add3A_607, %add3A_610 : vector<16xf32>
        %iota3A = tpu.iota {dimensions = array<i32: 0>} : vector<16xi32>
        %xor3A = arith.constant 8 : i32
        %xor3A_612 = vector.broadcast %xor3A : i32 to vector<16xi32>
        %xor3A_613 = arith.xori %iota3A, %xor3A_612 : vector<16xi32>
        %lt3A_614 = arith.constant 0 : i32
        %lt3A_615 = vector.broadcast %lt3A_614 : i32 to vector<16xi32>
        %lt3A_616 = arith.cmpi slt, %xor3A_613, %lt3A_615 : vector<16xi32>
        %add3A_617 = arith.constant 16 : i32
        %add3A_618 = vector.broadcast %add3A_617 : i32 to vector<16xi32>
        %add3A_619 = arith.addi %xor3A_613, %add3A_618 : vector<16xi32>
        %select_n3A_620 = arith.select %lt3A_616, %add3A_619, %xor3A_613 : vector<16xi1>, vector<16xi32>
        %broadcast_in_dim3A = vector.shape_cast %select_n3A_620 : vector<16xi32> to vector<16x1xi32>
        %gather3A = vector.shape_cast %broadcast_in_dim3A : vector<16x1xi32> to vector<16xi32>
        %gather3A_621 = tpu.dynamic_gather %add3A_604[%gather3A] in [0] : vector<16xf32>, vector<16xi32> -> vector<16xf32>
        %add3A_622 = arith.addf %add3A_604, %gather3A_621 : vector<16xf32>
        %xor3A_623 = arith.constant 4 : i32
        %xor3A_624 = vector.broadcast %xor3A_623 : i32 to vector<16xi32>
        %xor3A_625 = arith.xori %iota3A, %xor3A_624 : vector<16xi32>
        %lt3A_626 = arith.constant 0 : i32
        %lt3A_627 = vector.broadcast %lt3A_626 : i32 to vector<16xi32>
        %lt3A_628 = arith.cmpi slt, %xor3A_625, %lt3A_627 : vector<16xi32>
        %add3A_629 = arith.constant 16 : i32
        %add3A_630 = vector.broadcast %add3A_629 : i32 to vector<16xi32>
        %add3A_631 = arith.addi %xor3A_625, %add3A_630 : vector<16xi32>
        %select_n3A_632 = arith.select %lt3A_628, %add3A_631, %xor3A_625 : vector<16xi1>, vector<16xi32>
        %broadcast_in_dim3A_633 = vector.shape_cast %select_n3A_632 : vector<16xi32> to vector<16x1xi32>
        %gather3A_634 = vector.shape_cast %broadcast_in_dim3A_633 : vector<16x1xi32> to vector<16xi32>
        %gather3A_635 = tpu.dynamic_gather %add3A_622[%gather3A_634] in [0] : vector<16xf32>, vector<16xi32> -> vector<16xf32>
        %add3A_636 = arith.addf %add3A_622, %gather3A_635 : vector<16xf32>
        %xor3A_637 = arith.constant 2 : i32
        %xor3A_638 = vector.broadcast %xor3A_637 : i32 to vector<16xi32>
        %xor3A_639 = arith.xori %iota3A, %xor3A_638 : vector<16xi32>
        %lt3A_640 = arith.constant 0 : i32
        %lt3A_641 = vector.broadcast %lt3A_640 : i32 to vector<16xi32>
        %lt3A_642 = arith.cmpi slt, %xor3A_639, %lt3A_641 : vector<16xi32>
        %add3A_643 = arith.constant 16 : i32
        %add3A_644 = vector.broadcast %add3A_643 : i32 to vector<16xi32>
        %add3A_645 = arith.addi %xor3A_639, %add3A_644 : vector<16xi32>
        %select_n3A_646 = arith.select %lt3A_642, %add3A_645, %xor3A_639 : vector<16xi1>, vector<16xi32>
        %broadcast_in_dim3A_647 = vector.shape_cast %select_n3A_646 : vector<16xi32> to vector<16x1xi32>
        %gather3A_648 = vector.shape_cast %broadcast_in_dim3A_647 : vector<16x1xi32> to vector<16xi32>
        %gather3A_649 = tpu.dynamic_gather %add3A_636[%gather3A_648] in [0] : vector<16xf32>, vector<16xi32> -> vector<16xf32>
        %add3A_650 = arith.addf %add3A_636, %gather3A_649 : vector<16xf32>
        %xor3A_651 = arith.constant 1 : i32
        %xor3A_652 = vector.broadcast %xor3A_651 : i32 to vector<16xi32>
        %xor3A_653 = arith.xori %iota3A, %xor3A_652 : vector<16xi32>
        %lt3A_654 = arith.constant 0 : i32
        %lt3A_655 = vector.broadcast %lt3A_654 : i32 to vector<16xi32>
        %lt3A_656 = arith.cmpi slt, %xor3A_653, %lt3A_655 : vector<16xi32>
        %add3A_657 = arith.constant 16 : i32
        %add3A_658 = vector.broadcast %add3A_657 : i32 to vector<16xi32>
        %add3A_659 = arith.addi %xor3A_653, %add3A_658 : vector<16xi32>
        %select_n3A_660 = arith.select %lt3A_656, %add3A_659, %xor3A_653 : vector<16xi1>, vector<16xi32>
        %broadcast_in_dim3A_661 = vector.shape_cast %select_n3A_660 : vector<16xi32> to vector<16x1xi32>
        %gather3A_662 = vector.shape_cast %broadcast_in_dim3A_661 : vector<16x1xi32> to vector<16xi32>
        %gather3A_663 = tpu.dynamic_gather %add3A_650[%gather3A_662] in [0] : vector<16xf32>, vector<16xi32> -> vector<16xf32>
        %add3A_664 = arith.addf %add3A_650, %gather3A_663 : vector<16xf32>
        %mul3A_665 = arith.constant 1.562500e-02 : f32
        %mul3A_666 = vector.broadcast %mul3A_665 : f32 to vector<16xf32>
        %mul3A_667 = arith.mulf %add3A_664, %mul3A_666 : vector<16xf32>
        %iota3A_668 = tpu.iota {dimensions = array<i32: 0>} : vector<16xi32>
        %xor3A_669 = arith.constant 8 : i32
        %xor3A_670 = vector.broadcast %xor3A_669 : i32 to vector<16xi32>
        %xor3A_671 = arith.xori %iota3A_668, %xor3A_670 : vector<16xi32>
        %lt3A_672 = arith.constant 0 : i32
        %lt3A_673 = vector.broadcast %lt3A_672 : i32 to vector<16xi32>
        %lt3A_674 = arith.cmpi slt, %xor3A_671, %lt3A_673 : vector<16xi32>
        %add3A_675 = arith.constant 16 : i32
        %add3A_676 = vector.broadcast %add3A_675 : i32 to vector<16xi32>
        %add3A_677 = arith.addi %xor3A_671, %add3A_676 : vector<16xi32>
        %select_n3A_678 = arith.select %lt3A_674, %add3A_677, %xor3A_671 : vector<16xi1>, vector<16xi32>
        %broadcast_in_dim3A_679 = vector.shape_cast %select_n3A_678 : vector<16xi32> to vector<16x1xi32>
        %gather3A_680 = vector.shape_cast %broadcast_in_dim3A_679 : vector<16x1xi32> to vector<16xi32>
        %gather3A_681 = tpu.dynamic_gather %add3A_611[%gather3A_680] in [0] : vector<16xf32>, vector<16xi32> -> vector<16xf32>
        %add3A_682 = arith.addf %add3A_611, %gather3A_681 : vector<16xf32>
        %xor3A_683 = arith.constant 4 : i32
        %xor3A_684 = vector.broadcast %xor3A_683 : i32 to vector<16xi32>
        %xor3A_685 = arith.xori %iota3A_668, %xor3A_684 : vector<16xi32>
        %lt3A_686 = arith.constant 0 : i32
        %lt3A_687 = vector.broadcast %lt3A_686 : i32 to vector<16xi32>
        %lt3A_688 = arith.cmpi slt, %xor3A_685, %lt3A_687 : vector<16xi32>
        %add3A_689 = arith.constant 16 : i32
        %add3A_690 = vector.broadcast %add3A_689 : i32 to vector<16xi32>
        %add3A_691 = arith.addi %xor3A_685, %add3A_690 : vector<16xi32>
        %select_n3A_692 = arith.select %lt3A_688, %add3A_691, %xor3A_685 : vector<16xi1>, vector<16xi32>
        %broadcast_in_dim3A_693 = vector.shape_cast %select_n3A_692 : vector<16xi32> to vector<16x1xi32>
        %gather3A_694 = vector.shape_cast %broadcast_in_dim3A_693 : vector<16x1xi32> to vector<16xi32>
        %gather3A_695 = tpu.dynamic_gather %add3A_682[%gather3A_694] in [0] : vector<16xf32>, vector<16xi32> -> vector<16xf32>
        %add3A_696 = arith.addf %add3A_682, %gather3A_695 : vector<16xf32>
        %xor3A_697 = arith.constant 2 : i32
        %xor3A_698 = vector.broadcast %xor3A_697 : i32 to vector<16xi32>
        %xor3A_699 = arith.xori %iota3A_668, %xor3A_698 : vector<16xi32>
        %lt3A_700 = arith.constant 0 : i32
        %lt3A_701 = vector.broadcast %lt3A_700 : i32 to vector<16xi32>
        %lt3A_702 = arith.cmpi slt, %xor3A_699, %lt3A_701 : vector<16xi32>
        %add3A_703 = arith.constant 16 : i32
        %add3A_704 = vector.broadcast %add3A_703 : i32 to vector<16xi32>
        %add3A_705 = arith.addi %xor3A_699, %add3A_704 : vector<16xi32>
        %select_n3A_706 = arith.select %lt3A_702, %add3A_705, %xor3A_699 : vector<16xi1>, vector<16xi32>
        %broadcast_in_dim3A_707 = vector.shape_cast %select_n3A_706 : vector<16xi32> to vector<16x1xi32>
        %gather3A_708 = vector.shape_cast %broadcast_in_dim3A_707 : vector<16x1xi32> to vector<16xi32>
        %gather3A_709 = tpu.dynamic_gather %add3A_696[%gather3A_708] in [0] : vector<16xf32>, vector<16xi32> -> vector<16xf32>
        %add3A_710 = arith.addf %add3A_696, %gather3A_709 : vector<16xf32>
        %xor3A_711 = arith.constant 1 : i32
        %xor3A_712 = vector.broadcast %xor3A_711 : i32 to vector<16xi32>
        %xor3A_713 = arith.xori %iota3A_668, %xor3A_712 : vector<16xi32>
        %lt3A_714 = arith.constant 0 : i32
        %lt3A_715 = vector.broadcast %lt3A_714 : i32 to vector<16xi32>
        %lt3A_716 = arith.cmpi slt, %xor3A_713, %lt3A_715 : vector<16xi32>
        %add3A_717 = arith.constant 16 : i32
        %add3A_718 = vector.broadcast %add3A_717 : i32 to vector<16xi32>
        %add3A_719 = arith.addi %xor3A_713, %add3A_718 : vector<16xi32>
        %select_n3A_720 = arith.select %lt3A_716, %add3A_719, %xor3A_713 : vector<16xi1>, vector<16xi32>
        %broadcast_in_dim3A_721 = vector.shape_cast %select_n3A_720 : vector<16xi32> to vector<16x1xi32>
        %gather3A_722 = vector.shape_cast %broadcast_in_dim3A_721 : vector<16x1xi32> to vector<16xi32>
        %gather3A_723 = tpu.dynamic_gather %add3A_710[%gather3A_722] in [0] : vector<16xf32>, vector<16xi32> -> vector<16xf32>
        %add3A_724 = arith.addf %add3A_710, %gather3A_723 : vector<16xf32>
        %mul3A_725 = arith.constant 1.562500e-02 : f32
        %mul3A_726 = vector.broadcast %mul3A_725 : f32 to vector<16xf32>
        %mul3A_727 = arith.mulf %add3A_724, %mul3A_726 : vector<16xf32>
        %add3A_728 = arith.constant 9.99999974E-6 : f32
        %add3A_729 = vector.broadcast %add3A_728 : f32 to vector<16xf32>
        %add3A_730 = arith.addf %mul3A_727, %add3A_729 : vector<16xf32>
        %mul3A_731 = arith.mulf %mul3A_667, %mul3A_667 : vector<16xf32>
        %sub3A_732 = arith.subf %add3A_730, %mul3A_731 : vector<16xf32>
        %bitcast_convert_type3A = tpu.bitcast %sub3A_732 : vector<16xf32> -> vector<16xi32>
        %shift_right_arithmetic3A = arith.constant 1 : i32
        %shift_right_arithmetic3A_733 = vector.broadcast %shift_right_arithmetic3A : i32 to vector<16xi32>
        %shift_right_arithmetic3A_734 = arith.shrsi %bitcast_convert_type3A, %shift_right_arithmetic3A_733 : vector<16xi32>
        %sub3A_735 = arith.constant 1597463007 : i32
        %sub3A_736 = vector.broadcast %sub3A_735 : i32 to vector<16xi32>
        %sub3A_737 = arith.subi %sub3A_736, %shift_right_arithmetic3A_734 : vector<16xi32>
        %bitcast_convert_type3A_738 = tpu.bitcast %sub3A_737 : vector<16xi32> -> vector<16xf32>
        %mul3A_739 = arith.constant 5.000000e-01 : f32
        %mul3A_740 = vector.broadcast %mul3A_739 : f32 to vector<16xf32>
        %mul3A_741 = arith.mulf %sub3A_732, %mul3A_740 : vector<16xf32>
        %mul3A_742 = arith.mulf %mul3A_741, %bitcast_convert_type3A_738 : vector<16xf32>
        %mul3A_743 = arith.mulf %mul3A_742, %bitcast_convert_type3A_738 : vector<16xf32>
        %sub3A_744 = arith.constant 1.500000e+00 : f32
        %sub3A_745 = vector.broadcast %sub3A_744 : f32 to vector<16xf32>
        %sub3A_746 = arith.subf %sub3A_745, %mul3A_743 : vector<16xf32>
        %mul3A_747 = arith.mulf %bitcast_convert_type3A_738, %sub3A_746 : vector<16xf32>
        %mul3A_748 = arith.mulf %mul3A_741, %mul3A_747 : vector<16xf32>
        %mul3A_749 = arith.mulf %mul3A_748, %mul3A_747 : vector<16xf32>
        %sub3A_750 = arith.constant 1.500000e+00 : f32
        %sub3A_751 = vector.broadcast %sub3A_750 : f32 to vector<16xf32>
        %sub3A_752 = arith.subf %sub3A_751, %mul3A_749 : vector<16xf32>
        %mul3A_753 = arith.mulf %mul3A_747, %sub3A_752 : vector<16xf32>
        %sub3A_754 = arith.subf %get3A_574, %mul3A_667 : vector<16xf32>
        %mul3A_755 = arith.mulf %sub3A_754, %mul3A_753 : vector<16xf32>
        %mul3A_756 = arith.mulf %mul3A_755, %get3A_4 : vector<16xf32>
        %add3A_757 = arith.addf %mul3A_756, %get3A_16 : vector<16xf32>
        %swap3A = arith.constant 1 : i32
        %swap3A_758 = arith.constant 0 : i32
        %swap3A_759 = arith.constant 0 : i32
        %swap3A_760 = tpu.memref_slice %arg8[%swap3A, %swap3A_758, %swap3A_759] : memref<2x200x64xf32, #tpu.memory_space<vmem>> -> memref<1x200x64xf32, #tpu.memory_space<vmem>>
        %swap3A_761 = tpu.memref_squeeze %swap3A_760 : memref<1x200x64xf32, #tpu.memory_space<vmem>> -> memref<200x64xf32, #tpu.memory_space<vmem>>
        %swap3A_762 = arith.index_cast %add3A_565 : i32 to index
        %swap3A_763 = arith.constant 0 : index
        %swap3A_764 = tpu.vector_load %swap3A_761[%swap3A_762, %swap3A_763] {strides = array<i32>} : memref<200x64xf32, #tpu.memory_space<vmem>>, vector<1x16xf32>,
        %swap3A_765 = vector.shape_cast %swap3A_764 : vector<1x16xf32> to vector<16xf32>
        %swap3A_766 = vector.shape_cast %add3A_757 : vector<16xf32> to vector<1x16xf32>
        tpu.vector_store %swap3A_761[%swap3A_762, %swap3A_763], %swap3A_766 {strides = array<i32>} : memref<200x64xf32, #tpu.memory_space<vmem>>, vector<1x16xf32>,
        %sub3A_767 = arith.subf %get3A_583, %mul3A_667 : vector<16xf32>
        %mul3A_768 = arith.mulf %sub3A_767, %mul3A_753 : vector<16xf32>
        %mul3A_769 = arith.mulf %mul3A_768, %get3A_7 : vector<16xf32>
        %add3A_770 = arith.addf %mul3A_769, %get3A_19 : vector<16xf32>
        %swap3A_771 = arith.constant 1 : i32
        %swap3A_772 = arith.constant 0 : i32
        %swap3A_773 = arith.constant 0 : i32
        %swap3A_774 = tpu.memref_slice %arg8[%swap3A_771, %swap3A_772, %swap3A_773] : memref<2x200x64xf32, #tpu.memory_space<vmem>> -> memref<1x200x64xf32, #tpu.memory_space<vmem>>
        %swap3A_775 = tpu.memref_squeeze %swap3A_774 : memref<1x200x64xf32, #tpu.memory_space<vmem>> -> memref<200x64xf32, #tpu.memory_space<vmem>>
        %swap3A_776 = arith.index_cast %add3A_565 : i32 to index
        %swap3A_777 = arith.constant 16 : index
        %swap3A_778 = tpu.vector_load %swap3A_775[%swap3A_776, %swap3A_777] {strides = array<i32>} : memref<200x64xf32, #tpu.memory_space<vmem>>, vector<1x16xf32>,
        %swap3A_779 = vector.shape_cast %swap3A_778 : vector<1x16xf32> to vector<16xf32>
        %swap3A_780 = vector.shape_cast %add3A_770 : vector<16xf32> to vector<1x16xf32>
        tpu.vector_store %swap3A_775[%swap3A_776, %swap3A_777], %swap3A_780 {strides = array<i32>} : memref<200x64xf32, #tpu.memory_space<vmem>>, vector<1x16xf32>,
        %sub3A_781 = arith.subf %get3A_592, %mul3A_667 : vector<16xf32>
        %mul3A_782 = arith.mulf %sub3A_781, %mul3A_753 : vector<16xf32>
        %mul3A_783 = arith.mulf %mul3A_782, %get3A_10 : vector<16xf32>
        %add3A_784 = arith.addf %mul3A_783, %get3A_22 : vector<16xf32>
        %swap3A_785 = arith.constant 1 : i32
        %swap3A_786 = arith.constant 0 : i32
        %swap3A_787 = arith.constant 0 : i32
        %swap3A_788 = tpu.memref_slice %arg8[%swap3A_785, %swap3A_786, %swap3A_787] : memref<2x200x64xf32, #tpu.memory_space<vmem>> -> memref<1x200x64xf32, #tpu.memory_space<vmem>>
        %swap3A_789 = tpu.memref_squeeze %swap3A_788 : memref<1x200x64xf32, #tpu.memory_space<vmem>> -> memref<200x64xf32, #tpu.memory_space<vmem>>
        %swap3A_790 = arith.index_cast %add3A_565 : i32 to index
        %swap3A_791 = arith.constant 32 : index
        %swap3A_792 = tpu.vector_load %swap3A_789[%swap3A_790, %swap3A_791] {strides = array<i32>} : memref<200x64xf32, #tpu.memory_space<vmem>>, vector<1x16xf32>,
        %swap3A_793 = vector.shape_cast %swap3A_792 : vector<1x16xf32> to vector<16xf32>
        %swap3A_794 = vector.shape_cast %add3A_784 : vector<16xf32> to vector<1x16xf32>
        tpu.vector_store %swap3A_789[%swap3A_790, %swap3A_791], %swap3A_794 {strides = array<i32>} : memref<200x64xf32, #tpu.memory_space<vmem>>, vector<1x16xf32>,
        %sub3A_795 = arith.subf %get3A_601, %mul3A_667 : vector<16xf32>
        %mul3A_796 = arith.mulf %sub3A_795, %mul3A_753 : vector<16xf32>
        %mul3A_797 = arith.mulf %mul3A_796, %get3A_13 : vector<16xf32>
        %add3A_798 = arith.addf %mul3A_797, %get3A_25 : vector<16xf32>
        %swap3A_799 = arith.constant 1 : i32
        %swap3A_800 = arith.constant 0 : i32
        %swap3A_801 = arith.constant 0 : i32
        %swap3A_802 = tpu.memref_slice %arg8[%swap3A_799, %swap3A_800, %swap3A_801] : memref<2x200x64xf32, #tpu.memory_space<vmem>> -> memref<1x200x64xf32, #tpu.memory_space<vmem>>
        %swap3A_803 = tpu.memref_squeeze %swap3A_802 : memref<1x200x64xf32, #tpu.memory_space<vmem>> -> memref<200x64xf32, #tpu.memory_space<vmem>>
        %swap3A_804 = arith.index_cast %add3A_565 : i32 to index
        %swap3A_805 = arith.constant 48 : index
        %swap3A_806 = tpu.vector_load %swap3A_803[%swap3A_804, %swap3A_805] {strides = array<i32>} : memref<200x64xf32, #tpu.memory_space<vmem>>, vector<1x16xf32>,
        %swap3A_807 = vector.shape_cast %swap3A_806 : vector<1x16xf32> to vector<16xf32>
        %swap3A_808 = vector.shape_cast %add3A_798 : vector<16xf32> to vector<1x16xf32>
        tpu.vector_store %swap3A_803[%swap3A_804, %swap3A_805], %swap3A_808 {strides = array<i32>} : memref<200x64xf32, #tpu.memory_space<vmem>>, vector<1x16xf32>,
        %add3A_809 = arith.constant 1 : i32
        %add3A_810 = arith.addi %mul3A_563, %add3A_809 : i32
        %get3A_811 = arith.constant 1 : i32
        %get3A_812 = arith.constant 0 : i32
        %get3A_813 = arith.constant 0 : i32
        %get3A_814 = tpu.memref_slice %arg8[%get3A_811, %get3A_812, %get3A_813] : memref<2x200x64xf32, #tpu.memory_space<vmem>> -> memref<1x200x64xf32, #tpu.memory_space<vmem>>
        %get3A_815 = tpu.memref_squeeze %get3A_814 : memref<1x200x64xf32, #tpu.memory_space<vmem>> -> memref<200x64xf32, #tpu.memory_space<vmem>>
        %get3A_816 = arith.index_cast %add3A_810 : i32 to index
        %get3A_817 = arith.constant 0 : index
        %get3A_818 = tpu.vector_load %get3A_815[%get3A_816, %get3A_817] {strides = array<i32>} : memref<200x64xf32, #tpu.memory_space<vmem>>, vector<1x16xf32>,
        %get3A_819 = vector.shape_cast %get3A_818 : vector<1x16xf32> to vector<16xf32>
        %get3A_820 = arith.constant 1 : i32
        %get3A_821 = arith.constant 0 : i32
        %get3A_822 = arith.constant 0 : i32
        %get3A_823 = tpu.memref_slice %arg8[%get3A_820, %get3A_821, %get3A_822] : memref<2x200x64xf32, #tpu.memory_space<vmem>> -> memref<1x200x64xf32, #tpu.memory_space<vmem>>
        %get3A_824 = tpu.memref_squeeze %get3A_823 : memref<1x200x64xf32, #tpu.memory_space<vmem>> -> memref<200x64xf32, #tpu.memory_space<vmem>>
        %get3A_825 = arith.index_cast %add3A_810 : i32 to index
        %get3A_826 = arith.constant 16 : index
        %get3A_827 = tpu.vector_load %get3A_824[%get3A_825, %get3A_826] {strides = array<i32>} : memref<200x64xf32, #tpu.memory_space<vmem>>, vector<1x16xf32>,
        %get3A_828 = vector.shape_cast %get3A_827 : vector<1x16xf32> to vector<16xf32>
        %get3A_829 = arith.constant 1 : i32
        %get3A_830 = arith.constant 0 : i32
        %get3A_831 = arith.constant 0 : i32
        %get3A_832 = tpu.memref_slice %arg8[%get3A_829, %get3A_830, %get3A_831] : memref<2x200x64xf32, #tpu.memory_space<vmem>> -> memref<1x200x64xf32, #tpu.memory_space<vmem>>
        %get3A_833 = tpu.memref_squeeze %get3A_832 : memref<1x200x64xf32, #tpu.memory_space<vmem>> -> memref<200x64xf32, #tpu.memory_space<vmem>>
        %get3A_834 = arith.index_cast %add3A_810 : i32 to index
        %get3A_835 = arith.constant 32 : index
        %get3A_836 = tpu.vector_load %get3A_833[%get3A_834, %get3A_835] {strides = array<i32>} : memref<200x64xf32, #tpu.memory_space<vmem>>, vector<1x16xf32>,
        %get3A_837 = vector.shape_cast %get3A_836 : vector<1x16xf32> to vector<16xf32>
        %get3A_838 = arith.constant 1 : i32
        %get3A_839 = arith.constant 0 : i32
        %get3A_840 = arith.constant 0 : i32
        %get3A_841 = tpu.memref_slice %arg8[%get3A_838, %get3A_839, %get3A_840] : memref<2x200x64xf32, #tpu.memory_space<vmem>> -> memref<1x200x64xf32, #tpu.memory_space<vmem>>
        %get3A_842 = tpu.memref_squeeze %get3A_841 : memref<1x200x64xf32, #tpu.memory_space<vmem>> -> memref<200x64xf32, #tpu.memory_space<vmem>>
        %get3A_843 = arith.index_cast %add3A_810 : i32 to index
        %get3A_844 = arith.constant 48 : index
        %get3A_845 = tpu.vector_load %get3A_842[%get3A_843, %get3A_844] {strides = array<i32>} : memref<200x64xf32, #tpu.memory_space<vmem>>, vector<1x16xf32>,
        %get3A_846 = vector.shape_cast %get3A_845 : vector<1x16xf32> to vector<16xf32>
        %add3A_847 = arith.addf %get3A_819, %get3A_828 : vector<16xf32>
        %add3A_848 = arith.addf %get3A_837, %get3A_846 : vector<16xf32>
        %add3A_849 = arith.addf %add3A_847, %add3A_848 : vector<16xf32>
        %mul3A_850 = arith.mulf %get3A_819, %get3A_819 : vector<16xf32>
        %mul3A_851 = arith.mulf %get3A_828, %get3A_828 : vector<16xf32>
        %add3A_852 = arith.addf %mul3A_850, %mul3A_851 : vector<16xf32>
        %mul3A_853 = arith.mulf %get3A_837, %get3A_837 : vector<16xf32>
        %mul3A_854 = arith.mulf %get3A_846, %get3A_846 : vector<16xf32>
        %add3A_855 = arith.addf %mul3A_853, %mul3A_854 : vector<16xf32>
        %add3A_856 = arith.addf %add3A_852, %add3A_855 : vector<16xf32>
        %iota3A_857 = tpu.iota {dimensions = array<i32: 0>} : vector<16xi32>
        %xor3A_858 = arith.constant 8 : i32
        %xor3A_859 = vector.broadcast %xor3A_858 : i32 to vector<16xi32>
        %xor3A_860 = arith.xori %iota3A_857, %xor3A_859 : vector<16xi32>
        %lt3A_861 = arith.constant 0 : i32
        %lt3A_862 = vector.broadcast %lt3A_861 : i32 to vector<16xi32>
        %lt3A_863 = arith.cmpi slt, %xor3A_860, %lt3A_862 : vector<16xi32>
        %add3A_864 = arith.constant 16 : i32
        %add3A_865 = vector.broadcast %add3A_864 : i32 to vector<16xi32>
        %add3A_866 = arith.addi %xor3A_860, %add3A_865 : vector<16xi32>
        %select_n3A_867 = arith.select %lt3A_863, %add3A_866, %xor3A_860 : vector<16xi1>, vector<16xi32>
        %broadcast_in_dim3A_868 = vector.shape_cast %select_n3A_867 : vector<16xi32> to vector<16x1xi32>
        %gather3A_869 = vector.shape_cast %broadcast_in_dim3A_868 : vector<16x1xi32> to vector<16xi32>
        %gather3A_870 = tpu.dynamic_gather %add3A_849[%gather3A_869] in [0] : vector<16xf32>, vector<16xi32> -> vector<16xf32>
        %add3A_871 = arith.addf %add3A_849, %gather3A_870 : vector<16xf32>
        %xor3A_872 = arith.constant 4 : i32
        %xor3A_873 = vector.broadcast %xor3A_872 : i32 to vector<16xi32>
        %xor3A_874 = arith.xori %iota3A_857, %xor3A_873 : vector<16xi32>
        %lt3A_875 = arith.constant 0 : i32
        %lt3A_876 = vector.broadcast %lt3A_875 : i32 to vector<16xi32>
        %lt3A_877 = arith.cmpi slt, %xor3A_874, %lt3A_876 : vector<16xi32>
        %add3A_878 = arith.constant 16 : i32
        %add3A_879 = vector.broadcast %add3A_878 : i32 to vector<16xi32>
        %add3A_880 = arith.addi %xor3A_874, %add3A_879 : vector<16xi32>
        %select_n3A_881 = arith.select %lt3A_877, %add3A_880, %xor3A_874 : vector<16xi1>, vector<16xi32>
        %broadcast_in_dim3A_882 = vector.shape_cast %select_n3A_881 : vector<16xi32> to vector<16x1xi32>
        %gather3A_883 = vector.shape_cast %broadcast_in_dim3A_882 : vector<16x1xi32> to vector<16xi32>
        %gather3A_884 = tpu.dynamic_gather %add3A_871[%gather3A_883] in [0] : vector<16xf32>, vector<16xi32> -> vector<16xf32>
        %add3A_885 = arith.addf %add3A_871, %gather3A_884 : vector<16xf32>
        %xor3A_886 = arith.constant 2 : i32
        %xor3A_887 = vector.broadcast %xor3A_886 : i32 to vector<16xi32>
        %xor3A_888 = arith.xori %iota3A_857, %xor3A_887 : vector<16xi32>
        %lt3A_889 = arith.constant 0 : i32
        %lt3A_890 = vector.broadcast %lt3A_889 : i32 to vector<16xi32>
        %lt3A_891 = arith.cmpi slt, %xor3A_888, %lt3A_890 : vector<16xi32>
        %add3A_892 = arith.constant 16 : i32
        %add3A_893 = vector.broadcast %add3A_892 : i32 to vector<16xi32>
        %add3A_894 = arith.addi %xor3A_888, %add3A_893 : vector<16xi32>
        %select_n3A_895 = arith.select %lt3A_891, %add3A_894, %xor3A_888 : vector<16xi1>, vector<16xi32>
        %broadcast_in_dim3A_896 = vector.shape_cast %select_n3A_895 : vector<16xi32> to vector<16x1xi32>
        %gather3A_897 = vector.shape_cast %broadcast_in_dim3A_896 : vector<16x1xi32> to vector<16xi32>
        %gather3A_898 = tpu.dynamic_gather %add3A_885[%gather3A_897] in [0] : vector<16xf32>, vector<16xi32> -> vector<16xf32>
        %add3A_899 = arith.addf %add3A_885, %gather3A_898 : vector<16xf32>
        %xor3A_900 = arith.constant 1 : i32
        %xor3A_901 = vector.broadcast %xor3A_900 : i32 to vector<16xi32>
        %xor3A_902 = arith.xori %iota3A_857, %xor3A_901 : vector<16xi32>
        %lt3A_903 = arith.constant 0 : i32
        %lt3A_904 = vector.broadcast %lt3A_903 : i32 to vector<16xi32>
        %lt3A_905 = arith.cmpi slt, %xor3A_902, %lt3A_904 : vector<16xi32>
        %add3A_906 = arith.constant 16 : i32
        %add3A_907 = vector.broadcast %add3A_906 : i32 to vector<16xi32>
        %add3A_908 = arith.addi %xor3A_902, %add3A_907 : vector<16xi32>
        %select_n3A_909 = arith.select %lt3A_905, %add3A_908, %xor3A_902 : vector<16xi1>, vector<16xi32>
        %broadcast_in_dim3A_910 = vector.shape_cast %select_n3A_909 : vector<16xi32> to vector<16x1xi32>
        %gather3A_911 = vector.shape_cast %broadcast_in_dim3A_910 : vector<16x1xi32> to vector<16xi32>
        %gather3A_912 = tpu.dynamic_gather %add3A_899[%gather3A_911] in [0] : vector<16xf32>, vector<16xi32> -> vector<16xf32>
        %add3A_913 = arith.addf %add3A_899, %gather3A_912 : vector<16xf32>
        %mul3A_914 = arith.constant 1.562500e-02 : f32
        %mul3A_915 = vector.broadcast %mul3A_914 : f32 to vector<16xf32>
        %mul3A_916 = arith.mulf %add3A_913, %mul3A_915 : vector<16xf32>
        %iota3A_917 = tpu.iota {dimensions = array<i32: 0>} : vector<16xi32>
        %xor3A_918 = arith.constant 8 : i32
        %xor3A_919 = vector.broadcast %xor3A_918 : i32 to vector<16xi32>
        %xor3A_920 = arith.xori %iota3A_917, %xor3A_919 : vector<16xi32>
        %lt3A_921 = arith.constant 0 : i32
        %lt3A_922 = vector.broadcast %lt3A_921 : i32 to vector<16xi32>
        %lt3A_923 = arith.cmpi slt, %xor3A_920, %lt3A_922 : vector<16xi32>
        %add3A_924 = arith.constant 16 : i32
        %add3A_925 = vector.broadcast %add3A_924 : i32 to vector<16xi32>
        %add3A_926 = arith.addi %xor3A_920, %add3A_925 : vector<16xi32>
        %select_n3A_927 = arith.select %lt3A_923, %add3A_926, %xor3A_920 : vector<16xi1>, vector<16xi32>
        %broadcast_in_dim3A_928 = vector.shape_cast %select_n3A_927 : vector<16xi32> to vector<16x1xi32>
        %gather3A_929 = vector.shape_cast %broadcast_in_dim3A_928 : vector<16x1xi32> to vector<16xi32>
        %gather3A_930 = tpu.dynamic_gather %add3A_856[%gather3A_929] in [0] : vector<16xf32>, vector<16xi32> -> vector<16xf32>
        %add3A_931 = arith.addf %add3A_856, %gather3A_930 : vector<16xf32>
        %xor3A_932 = arith.constant 4 : i32
        %xor3A_933 = vector.broadcast %xor3A_932 : i32 to vector<16xi32>
        %xor3A_934 = arith.xori %iota3A_917, %xor3A_933 : vector<16xi32>
        %lt3A_935 = arith.constant 0 : i32
        %lt3A_936 = vector.broadcast %lt3A_935 : i32 to vector<16xi32>
        %lt3A_937 = arith.cmpi slt, %xor3A_934, %lt3A_936 : vector<16xi32>
        %add3A_938 = arith.constant 16 : i32
        %add3A_939 = vector.broadcast %add3A_938 : i32 to vector<16xi32>
        %add3A_940 = arith.addi %xor3A_934, %add3A_939 : vector<16xi32>
        %select_n3A_941 = arith.select %lt3A_937, %add3A_940, %xor3A_934 : vector<16xi1>, vector<16xi32>
        %broadcast_in_dim3A_942 = vector.shape_cast %select_n3A_941 : vector<16xi32> to vector<16x1xi32>
        %gather3A_943 = vector.shape_cast %broadcast_in_dim3A_942 : vector<16x1xi32> to vector<16xi32>
        %gather3A_944 = tpu.dynamic_gather %add3A_931[%gather3A_943] in [0] : vector<16xf32>, vector<16xi32> -> vector<16xf32>
        %add3A_945 = arith.addf %add3A_931, %gather3A_944 : vector<16xf32>
        %xor3A_946 = arith.constant 2 : i32
        %xor3A_947 = vector.broadcast %xor3A_946 : i32 to vector<16xi32>
        %xor3A_948 = arith.xori %iota3A_917, %xor3A_947 : vector<16xi32>
        %lt3A_949 = arith.constant 0 : i32
        %lt3A_950 = vector.broadcast %lt3A_949 : i32 to vector<16xi32>
        %lt3A_951 = arith.cmpi slt, %xor3A_948, %lt3A_950 : vector<16xi32>
        %add3A_952 = arith.constant 16 : i32
        %add3A_953 = vector.broadcast %add3A_952 : i32 to vector<16xi32>
        %add3A_954 = arith.addi %xor3A_948, %add3A_953 : vector<16xi32>
        %select_n3A_955 = arith.select %lt3A_951, %add3A_954, %xor3A_948 : vector<16xi1>, vector<16xi32>
        %broadcast_in_dim3A_956 = vector.shape_cast %select_n3A_955 : vector<16xi32> to vector<16x1xi32>
        %gather3A_957 = vector.shape_cast %broadcast_in_dim3A_956 : vector<16x1xi32> to vector<16xi32>
        %gather3A_958 = tpu.dynamic_gather %add3A_945[%gather3A_957] in [0] : vector<16xf32>, vector<16xi32> -> vector<16xf32>
        %add3A_959 = arith.addf %add3A_945, %gather3A_958 : vector<16xf32>
        %xor3A_960 = arith.constant 1 : i32
        %xor3A_961 = vector.broadcast %xor3A_960 : i32 to vector<16xi32>
        %xor3A_962 = arith.xori %iota3A_917, %xor3A_961 : vector<16xi32>
        %lt3A_963 = arith.constant 0 : i32
        %lt3A_964 = vector.broadcast %lt3A_963 : i32 to vector<16xi32>
        %lt3A_965 = arith.cmpi slt, %xor3A_962, %lt3A_964 : vector<16xi32>
        %add3A_966 = arith.constant 16 : i32
        %add3A_967 = vector.broadcast %add3A_966 : i32 to vector<16xi32>
        %add3A_968 = arith.addi %xor3A_962, %add3A_967 : vector<16xi32>
        %select_n3A_969 = arith.select %lt3A_965, %add3A_968, %xor3A_962 : vector<16xi1>, vector<16xi32>
        %broadcast_in_dim3A_970 = vector.shape_cast %select_n3A_969 : vector<16xi32> to vector<16x1xi32>
        %gather3A_971 = vector.shape_cast %broadcast_in_dim3A_970 : vector<16x1xi32> to vector<16xi32>
        %gather3A_972 = tpu.dynamic_gather %add3A_959[%gather3A_971] in [0] : vector<16xf32>, vector<16xi32> -> vector<16xf32>
        %add3A_973 = arith.addf %add3A_959, %gather3A_972 : vector<16xf32>
        %mul3A_974 = arith.constant 1.562500e-02 : f32
        %mul3A_975 = vector.broadcast %mul3A_974 : f32 to vector<16xf32>
        %mul3A_976 = arith.mulf %add3A_973, %mul3A_975 : vector<16xf32>
        %add3A_977 = arith.constant 9.99999974E-6 : f32
        %add3A_978 = vector.broadcast %add3A_977 : f32 to vector<16xf32>
        %add3A_979 = arith.addf %mul3A_976, %add3A_978 : vector<16xf32>
        %mul3A_980 = arith.mulf %mul3A_916, %mul3A_916 : vector<16xf32>
        %sub3A_981 = arith.subf %add3A_979, %mul3A_980 : vector<16xf32>
        %bitcast_convert_type3A_982 = tpu.bitcast %sub3A_981 : vector<16xf32> -> vector<16xi32>
        %shift_right_arithmetic3A_983 = arith.constant 1 : i32
        %shift_right_arithmetic3A_984 = vector.broadcast %shift_right_arithmetic3A_983 : i32 to vector<16xi32>
        %shift_right_arithmetic3A_985 = arith.shrsi %bitcast_convert_type3A_982, %shift_right_arithmetic3A_984 : vector<16xi32>
        %sub3A_986 = arith.constant 1597463007 : i32
        %sub3A_987 = vector.broadcast %sub3A_986 : i32 to vector<16xi32>
        %sub3A_988 = arith.subi %sub3A_987, %shift_right_arithmetic3A_985 : vector<16xi32>
        %bitcast_convert_type3A_989 = tpu.bitcast %sub3A_988 : vector<16xi32> -> vector<16xf32>
        %mul3A_990 = arith.constant 5.000000e-01 : f32
        %mul3A_991 = vector.broadcast %mul3A_990 : f32 to vector<16xf32>
        %mul3A_992 = arith.mulf %sub3A_981, %mul3A_991 : vector<16xf32>
        %mul3A_993 = arith.mulf %mul3A_992, %bitcast_convert_type3A_989 : vector<16xf32>
        %mul3A_994 = arith.mulf %mul3A_993, %bitcast_convert_type3A_989 : vector<16xf32>
        %sub3A_995 = arith.constant 1.500000e+00 : f32
        %sub3A_996 = vector.broadcast %sub3A_995 : f32 to vector<16xf32>
        %sub3A_997 = arith.subf %sub3A_996, %mul3A_994 : vector<16xf32>
        %mul3A_998 = arith.mulf %bitcast_convert_type3A_989, %sub3A_997 : vector<16xf32>
        %mul3A_999 = arith.mulf %mul3A_992, %mul3A_998 : vector<16xf32>
        %mul3A_1000 = arith.mulf %mul3A_999, %mul3A_998 : vector<16xf32>
        %sub3A_1001 = arith.constant 1.500000e+00 : f32
        %sub3A_1002 = vector.broadcast %sub3A_1001 : f32 to vector<16xf32>
        %sub3A_1003 = arith.subf %sub3A_1002, %mul3A_1000 : vector<16xf32>
        %mul3A_1004 = arith.mulf %mul3A_998, %sub3A_1003 : vector<16xf32>
        %sub3A_1005 = arith.subf %get3A_819, %mul3A_916 : vector<16xf32>
        %mul3A_1006 = arith.mulf %sub3A_1005, %mul3A_1004 : vector<16xf32>
        %mul3A_1007 = arith.mulf %mul3A_1006, %get3A_4 : vector<16xf32>
        %add3A_1008 = arith.addf %mul3A_1007, %get3A_16 : vector<16xf32>
        %swap3A_1009 = arith.constant 1 : i32
        %swap3A_1010 = arith.constant 0 : i32
        %swap3A_1011 = arith.constant 0 : i32
        %swap3A_1012 = tpu.memref_slice %arg8[%swap3A_1009, %swap3A_1010, %swap3A_1011] : memref<2x200x64xf32, #tpu.memory_space<vmem>> -> memref<1x200x64xf32, #tpu.memory_space<vmem>>
        %swap3A_1013 = tpu.memref_squeeze %swap3A_1012 : memref<1x200x64xf32, #tpu.memory_space<vmem>> -> memref<200x64xf32, #tpu.memory_space<vmem>>
        %swap3A_1014 = arith.index_cast %add3A_810 : i32 to index
        %swap3A_1015 = arith.constant 0 : index
        %swap3A_1016 = tpu.vector_load %swap3A_1013[%swap3A_1014, %swap3A_1015] {strides = array<i32>} : memref<200x64xf32, #tpu.memory_space<vmem>>, vector<1x16xf32>,
        %swap3A_1017 = vector.shape_cast %swap3A_1016 : vector<1x16xf32> to vector<16xf32>
        %swap3A_1018 = vector.shape_cast %add3A_1008 : vector<16xf32> to vector<1x16xf32>
        tpu.vector_store %swap3A_1013[%swap3A_1014, %swap3A_1015], %swap3A_1018 {strides = array<i32>} : memref<200x64xf32, #tpu.memory_space<vmem>>, vector<1x16xf32>,
        %sub3A_1019 = arith.subf %get3A_828, %mul3A_916 : vector<16xf32>
        %mul3A_1020 = arith.mulf %sub3A_1019, %mul3A_1004 : vector<16xf32>
        %mul3A_1021 = arith.mulf %mul3A_1020, %get3A_7 : vector<16xf32>
        %add3A_1022 = arith.addf %mul3A_1021, %get3A_19 : vector<16xf32>
        %swap3A_1023 = arith.constant 1 : i32
        %swap3A_1024 = arith.constant 0 : i32
        %swap3A_1025 = arith.constant 0 : i32
        %swap3A_1026 = tpu.memref_slice %arg8[%swap3A_1023, %swap3A_1024, %swap3A_1025] : memref<2x200x64xf32, #tpu.memory_space<vmem>> -> memref<1x200x64xf32, #tpu.memory_space<vmem>>
        %swap3A_1027 = tpu.memref_squeeze %swap3A_1026 : memref<1x200x64xf32, #tpu.memory_space<vmem>> -> memref<200x64xf32, #tpu.memory_space<vmem>>
        %swap3A_1028 = arith.index_cast %add3A_810 : i32 to index
        %swap3A_1029 = arith.constant 16 : index
        %swap3A_1030 = tpu.vector_load %swap3A_1027[%swap3A_1028, %swap3A_1029] {strides = array<i32>} : memref<200x64xf32, #tpu.memory_space<vmem>>, vector<1x16xf32>,
        %swap3A_1031 = vector.shape_cast %swap3A_1030 : vector<1x16xf32> to vector<16xf32>
        %swap3A_1032 = vector.shape_cast %add3A_1022 : vector<16xf32> to vector<1x16xf32>
        tpu.vector_store %swap3A_1027[%swap3A_1028, %swap3A_1029], %swap3A_1032 {strides = array<i32>} : memref<200x64xf32, #tpu.memory_space<vmem>>, vector<1x16xf32>,
        %sub3A_1033 = arith.subf %get3A_837, %mul3A_916 : vector<16xf32>
        %mul3A_1034 = arith.mulf %sub3A_1033, %mul3A_1004 : vector<16xf32>
        %mul3A_1035 = arith.mulf %mul3A_1034, %get3A_10 : vector<16xf32>
        %add3A_1036 = arith.addf %mul3A_1035, %get3A_22 : vector<16xf32>
        %swap3A_1037 = arith.constant 1 : i32
        %swap3A_1038 = arith.constant 0 : i32
        %swap3A_1039 = arith.constant 0 : i32
        %swap3A_1040 = tpu.memref_slice %arg8[%swap3A_1037, %swap3A_1038, %swap3A_1039] : memref<2x200x64xf32, #tpu.memory_space<vmem>> -> memref<1x200x64xf32, #tpu.memory_space<vmem>>
        %swap3A_1041 = tpu.memref_squeeze %swap3A_1040 : memref<1x200x64xf32, #tpu.memory_space<vmem>> -> memref<200x64xf32, #tpu.memory_space<vmem>>
        %swap3A_1042 = arith.index_cast %add3A_810 : i32 to index
        %swap3A_1043 = arith.constant 32 : index
        %swap3A_1044 = tpu.vector_load %swap3A_1041[%swap3A_1042, %swap3A_1043] {strides = array<i32>} : memref<200x64xf32, #tpu.memory_space<vmem>>, vector<1x16xf32>,
        %swap3A_1045 = vector.shape_cast %swap3A_1044 : vector<1x16xf32> to vector<16xf32>
        %swap3A_1046 = vector.shape_cast %add3A_1036 : vector<16xf32> to vector<1x16xf32>
        tpu.vector_store %swap3A_1041[%swap3A_1042, %swap3A_1043], %swap3A_1046 {strides = array<i32>} : memref<200x64xf32, #tpu.memory_space<vmem>>, vector<1x16xf32>,
        %sub3A_1047 = arith.subf %get3A_846, %mul3A_916 : vector<16xf32>
        %mul3A_1048 = arith.mulf %sub3A_1047, %mul3A_1004 : vector<16xf32>
        %mul3A_1049 = arith.mulf %mul3A_1048, %get3A_13 : vector<16xf32>
        %add3A_1050 = arith.addf %mul3A_1049, %get3A_25 : vector<16xf32>
        %swap3A_1051 = arith.constant 1 : i32
        %swap3A_1052 = arith.constant 0 : i32
        %swap3A_1053 = arith.constant 0 : i32
        %swap3A_1054 = tpu.memref_slice %arg8[%swap3A_1051, %swap3A_1052, %swap3A_1053] : memref<2x200x64xf32, #tpu.memory_space<vmem>> -> memref<1x200x64xf32, #tpu.memory_space<vmem>>
        %swap3A_1055 = tpu.memref_squeeze %swap3A_1054 : memref<1x200x64xf32, #tpu.memory_space<vmem>> -> memref<200x64xf32, #tpu.memory_space<vmem>>
        %swap3A_1056 = arith.index_cast %add3A_810 : i32 to index
        %swap3A_1057 = arith.constant 48 : index
        %swap3A_1058 = tpu.vector_load %swap3A_1055[%swap3A_1056, %swap3A_1057] {strides = array<i32>} : memref<200x64xf32, #tpu.memory_space<vmem>>, vector<1x16xf32>,
        %swap3A_1059 = vector.shape_cast %swap3A_1058 : vector<1x16xf32> to vector<16xf32>
        %swap3A_1060 = vector.shape_cast %add3A_1050 : vector<16xf32> to vector<1x16xf32>
        tpu.vector_store %swap3A_1055[%swap3A_1056, %swap3A_1057], %swap3A_1060 {strides = array<i32>} : memref<200x64xf32, #tpu.memory_space<vmem>>, vector<1x16xf32>,
        %add3A_1061 = arith.constant 2 : i32
        %add3A_1062 = arith.addi %mul3A_563, %add3A_1061 : i32
        %get3A_1063 = arith.constant 1 : i32
        %get3A_1064 = arith.constant 0 : i32
        %get3A_1065 = arith.constant 0 : i32
        %get3A_1066 = tpu.memref_slice %arg8[%get3A_1063, %get3A_1064, %get3A_1065] : memref<2x200x64xf32, #tpu.memory_space<vmem>> -> memref<1x200x64xf32, #tpu.memory_space<vmem>>
        %get3A_1067 = tpu.memref_squeeze %get3A_1066 : memref<1x200x64xf32, #tpu.memory_space<vmem>> -> memref<200x64xf32, #tpu.memory_space<vmem>>
        %get3A_1068 = arith.index_cast %add3A_1062 : i32 to index
        %get3A_1069 = arith.constant 0 : index
        %get3A_1070 = tpu.vector_load %get3A_1067[%get3A_1068, %get3A_1069] {strides = array<i32>} : memref<200x64xf32, #tpu.memory_space<vmem>>, vector<1x16xf32>,
        %get3A_1071 = vector.shape_cast %get3A_1070 : vector<1x16xf32> to vector<16xf32>
        %get3A_1072 = arith.constant 1 : i32
        %get3A_1073 = arith.constant 0 : i32
        %get3A_1074 = arith.constant 0 : i32
        %get3A_1075 = tpu.memref_slice %arg8[%get3A_1072, %get3A_1073, %get3A_1074] : memref<2x200x64xf32, #tpu.memory_space<vmem>> -> memref<1x200x64xf32, #tpu.memory_space<vmem>>
        %get3A_1076 = tpu.memref_squeeze %get3A_1075 : memref<1x200x64xf32, #tpu.memory_space<vmem>> -> memref<200x64xf32, #tpu.memory_space<vmem>>
        %get3A_1077 = arith.index_cast %add3A_1062 : i32 to index
        %get3A_1078 = arith.constant 16 : index
        %get3A_1079 = tpu.vector_load %get3A_1076[%get3A_1077, %get3A_1078] {strides = array<i32>} : memref<200x64xf32, #tpu.memory_space<vmem>>, vector<1x16xf32>,
        %get3A_1080 = vector.shape_cast %get3A_1079 : vector<1x16xf32> to vector<16xf32>
        %get3A_1081 = arith.constant 1 : i32
        %get3A_1082 = arith.constant 0 : i32
        %get3A_1083 = arith.constant 0 : i32
        %get3A_1084 = tpu.memref_slice %arg8[%get3A_1081, %get3A_1082, %get3A_1083] : memref<2x200x64xf32, #tpu.memory_space<vmem>> -> memref<1x200x64xf32, #tpu.memory_space<vmem>>
        %get3A_1085 = tpu.memref_squeeze %get3A_1084 : memref<1x200x64xf32, #tpu.memory_space<vmem>> -> memref<200x64xf32, #tpu.memory_space<vmem>>
        %get3A_1086 = arith.index_cast %add3A_1062 : i32 to index
        %get3A_1087 = arith.constant 32 : index
        %get3A_1088 = tpu.vector_load %get3A_1085[%get3A_1086, %get3A_1087] {strides = array<i32>} : memref<200x64xf32, #tpu.memory_space<vmem>>, vector<1x16xf32>,
        %get3A_1089 = vector.shape_cast %get3A_1088 : vector<1x16xf32> to vector<16xf32>
        %get3A_1090 = arith.constant 1 : i32
        %get3A_1091 = arith.constant 0 : i32
        %get3A_1092 = arith.constant 0 : i32
        %get3A_1093 = tpu.memref_slice %arg8[%get3A_1090, %get3A_1091, %get3A_1092] : memref<2x200x64xf32, #tpu.memory_space<vmem>> -> memref<1x200x64xf32, #tpu.memory_space<vmem>>
        %get3A_1094 = tpu.memref_squeeze %get3A_1093 : memref<1x200x64xf32, #tpu.memory_space<vmem>> -> memref<200x64xf32, #tpu.memory_space<vmem>>
        %get3A_1095 = arith.index_cast %add3A_1062 : i32 to index
        %get3A_1096 = arith.constant 48 : index
        %get3A_1097 = tpu.vector_load %get3A_1094[%get3A_1095, %get3A_1096] {strides = array<i32>} : memref<200x64xf32, #tpu.memory_space<vmem>>, vector<1x16xf32>,
        %get3A_1098 = vector.shape_cast %get3A_1097 : vector<1x16xf32> to vector<16xf32>
        %add3A_1099 = arith.addf %get3A_1071, %get3A_1080 : vector<16xf32>
        %add3A_1100 = arith.addf %get3A_1089, %get3A_1098 : vector<16xf32>
        %add3A_1101 = arith.addf %add3A_1099, %add3A_1100 : vector<16xf32>
        %mul3A_1102 = arith.mulf %get3A_1071, %get3A_1071 : vector<16xf32>
        %mul3A_1103 = arith.mulf %get3A_1080, %get3A_1080 : vector<16xf32>
        %add3A_1104 = arith.addf %mul3A_1102, %mul3A_1103 : vector<16xf32>
        %mul3A_1105 = arith.mulf %get3A_1089, %get3A_1089 : vector<16xf32>
        %mul3A_1106 = arith.mulf %get3A_1098, %get3A_1098 : vector<16xf32>
        %add3A_1107 = arith.addf %mul3A_1105, %mul3A_1106 : vector<16xf32>
        %add3A_1108 = arith.addf %add3A_1104, %add3A_1107 : vector<16xf32>
        %iota3A_1109 = tpu.iota {dimensions = array<i32: 0>} : vector<16xi32>
        %xor3A_1110 = arith.constant 8 : i32
        %xor3A_1111 = vector.broadcast %xor3A_1110 : i32 to vector<16xi32>
        %xor3A_1112 = arith.xori %iota3A_1109, %xor3A_1111 : vector<16xi32>
        %lt3A_1113 = arith.constant 0 : i32
        %lt3A_1114 = vector.broadcast %lt3A_1113 : i32 to vector<16xi32>
        %lt3A_1115 = arith.cmpi slt, %xor3A_1112, %lt3A_1114 : vector<16xi32>
        %add3A_1116 = arith.constant 16 : i32
        %add3A_1117 = vector.broadcast %add3A_1116 : i32 to vector<16xi32>
        %add3A_1118 = arith.addi %xor3A_1112, %add3A_1117 : vector<16xi32>
        %select_n3A_1119 = arith.select %lt3A_1115, %add3A_1118, %xor3A_1112 : vector<16xi1>, vector<16xi32>
        %broadcast_in_dim3A_1120 = vector.shape_cast %select_n3A_1119 : vector<16xi32> to vector<16x1xi32>
        %gather3A_1121 = vector.shape_cast %broadcast_in_dim3A_1120 : vector<16x1xi32> to vector<16xi32>
        %gather3A_1122 = tpu.dynamic_gather %add3A_1101[%gather3A_1121] in [0] : vector<16xf32>, vector<16xi32> -> vector<16xf32>
        %add3A_1123 = arith.addf %add3A_1101, %gather3A_1122 : vector<16xf32>
        %xor3A_1124 = arith.constant 4 : i32
        %xor3A_1125 = vector.broadcast %xor3A_1124 : i32 to vector<16xi32>
        %xor3A_1126 = arith.xori %iota3A_1109, %xor3A_1125 : vector<16xi32>
        %lt3A_1127 = arith.constant 0 : i32
        %lt3A_1128 = vector.broadcast %lt3A_1127 : i32 to vector<16xi32>
        %lt3A_1129 = arith.cmpi slt, %xor3A_1126, %lt3A_1128 : vector<16xi32>
        %add3A_1130 = arith.constant 16 : i32
        %add3A_1131 = vector.broadcast %add3A_1130 : i32 to vector<16xi32>
        %add3A_1132 = arith.addi %xor3A_1126, %add3A_1131 : vector<16xi32>
        %select_n3A_1133 = arith.select %lt3A_1129, %add3A_1132, %xor3A_1126 : vector<16xi1>, vector<16xi32>
        %broadcast_in_dim3A_1134 = vector.shape_cast %select_n3A_1133 : vector<16xi32> to vector<16x1xi32>
        %gather3A_1135 = vector.shape_cast %broadcast_in_dim3A_1134 : vector<16x1xi32> to vector<16xi32>
        %gather3A_1136 = tpu.dynamic_gather %add3A_1123[%gather3A_1135] in [0] : vector<16xf32>, vector<16xi32> -> vector<16xf32>
        %add3A_1137 = arith.addf %add3A_1123, %gather3A_1136 : vector<16xf32>
        %xor3A_1138 = arith.constant 2 : i32
        %xor3A_1139 = vector.broadcast %xor3A_1138 : i32 to vector<16xi32>
        %xor3A_1140 = arith.xori %iota3A_1109, %xor3A_1139 : vector<16xi32>
        %lt3A_1141 = arith.constant 0 : i32
        %lt3A_1142 = vector.broadcast %lt3A_1141 : i32 to vector<16xi32>
        %lt3A_1143 = arith.cmpi slt, %xor3A_1140, %lt3A_1142 : vector<16xi32>
        %add3A_1144 = arith.constant 16 : i32
        %add3A_1145 = vector.broadcast %add3A_1144 : i32 to vector<16xi32>
        %add3A_1146 = arith.addi %xor3A_1140, %add3A_1145 : vector<16xi32>
        %select_n3A_1147 = arith.select %lt3A_1143, %add3A_1146, %xor3A_1140 : vector<16xi1>, vector<16xi32>
        %broadcast_in_dim3A_1148 = vector.shape_cast %select_n3A_1147 : vector<16xi32> to vector<16x1xi32>
        %gather3A_1149 = vector.shape_cast %broadcast_in_dim3A_1148 : vector<16x1xi32> to vector<16xi32>
        %gather3A_1150 = tpu.dynamic_gather %add3A_1137[%gather3A_1149] in [0] : vector<16xf32>, vector<16xi32> -> vector<16xf32>
        %add3A_1151 = arith.addf %add3A_1137, %gather3A_1150 : vector<16xf32>
        %xor3A_1152 = arith.constant 1 : i32
        %xor3A_1153 = vector.broadcast %xor3A_1152 : i32 to vector<16xi32>
        %xor3A_1154 = arith.xori %iota3A_1109, %xor3A_1153 : vector<16xi32>
        %lt3A_1155 = arith.constant 0 : i32
        %lt3A_1156 = vector.broadcast %lt3A_1155 : i32 to vector<16xi32>
        %lt3A_1157 = arith.cmpi slt, %xor3A_1154, %lt3A_1156 : vector<16xi32>
        %add3A_1158 = arith.constant 16 : i32
        %add3A_1159 = vector.broadcast %add3A_1158 : i32 to vector<16xi32>
        %add3A_1160 = arith.addi %xor3A_1154, %add3A_1159 : vector<16xi32>
        %select_n3A_1161 = arith.select %lt3A_1157, %add3A_1160, %xor3A_1154 : vector<16xi1>, vector<16xi32>
        %broadcast_in_dim3A_1162 = vector.shape_cast %select_n3A_1161 : vector<16xi32> to vector<16x1xi32>
        %gather3A_1163 = vector.shape_cast %broadcast_in_dim3A_1162 : vector<16x1xi32> to vector<16xi32>
        %gather3A_1164 = tpu.dynamic_gather %add3A_1151[%gather3A_1163] in [0] : vector<16xf32>, vector<16xi32> -> vector<16xf32>
        %add3A_1165 = arith.addf %add3A_1151, %gather3A_1164 : vector<16xf32>
        %mul3A_1166 = arith.constant 1.562500e-02 : f32
        %mul3A_1167 = vector.broadcast %mul3A_1166 : f32 to vector<16xf32>
        %mul3A_1168 = arith.mulf %add3A_1165, %mul3A_1167 : vector<16xf32>
        %iota3A_1169 = tpu.iota {dimensions = array<i32: 0>} : vector<16xi32>
        %xor3A_1170 = arith.constant 8 : i32
        %xor3A_1171 = vector.broadcast %xor3A_1170 : i32 to vector<16xi32>
        %xor3A_1172 = arith.xori %iota3A_1169, %xor3A_1171 : vector<16xi32>
        %lt3A_1173 = arith.constant 0 : i32
        %lt3A_1174 = vector.broadcast %lt3A_1173 : i32 to vector<16xi32>
        %lt3A_1175 = arith.cmpi slt, %xor3A_1172, %lt3A_1174 : vector<16xi32>
        %add3A_1176 = arith.constant 16 : i32
        %add3A_1177 = vector.broadcast %add3A_1176 : i32 to vector<16xi32>
        %add3A_1178 = arith.addi %xor3A_1172, %add3A_1177 : vector<16xi32>
        %select_n3A_1179 = arith.select %lt3A_1175, %add3A_1178, %xor3A_1172 : vector<16xi1>, vector<16xi32>
        %broadcast_in_dim3A_1180 = vector.shape_cast %select_n3A_1179 : vector<16xi32> to vector<16x1xi32>
        %gather3A_1181 = vector.shape_cast %broadcast_in_dim3A_1180 : vector<16x1xi32> to vector<16xi32>
        %gather3A_1182 = tpu.dynamic_gather %add3A_1108[%gather3A_1181] in [0] : vector<16xf32>, vector<16xi32> -> vector<16xf32>
        %add3A_1183 = arith.addf %add3A_1108, %gather3A_1182 : vector<16xf32>
        %xor3A_1184 = arith.constant 4 : i32
        %xor3A_1185 = vector.broadcast %xor3A_1184 : i32 to vector<16xi32>
        %xor3A_1186 = arith.xori %iota3A_1169, %xor3A_1185 : vector<16xi32>
        %lt3A_1187 = arith.constant 0 : i32
        %lt3A_1188 = vector.broadcast %lt3A_1187 : i32 to vector<16xi32>
        %lt3A_1189 = arith.cmpi slt, %xor3A_1186, %lt3A_1188 : vector<16xi32>
        %add3A_1190 = arith.constant 16 : i32
        %add3A_1191 = vector.broadcast %add3A_1190 : i32 to vector<16xi32>
        %add3A_1192 = arith.addi %xor3A_1186, %add3A_1191 : vector<16xi32>
        %select_n3A_1193 = arith.select %lt3A_1189, %add3A_1192, %xor3A_1186 : vector<16xi1>, vector<16xi32>
        %broadcast_in_dim3A_1194 = vector.shape_cast %select_n3A_1193 : vector<16xi32> to vector<16x1xi32>
        %gather3A_1195 = vector.shape_cast %broadcast_in_dim3A_1194 : vector<16x1xi32> to vector<16xi32>
        %gather3A_1196 = tpu.dynamic_gather %add3A_1183[%gather3A_1195] in [0] : vector<16xf32>, vector<16xi32> -> vector<16xf32>
        %add3A_1197 = arith.addf %add3A_1183, %gather3A_1196 : vector<16xf32>
        %xor3A_1198 = arith.constant 2 : i32
        %xor3A_1199 = vector.broadcast %xor3A_1198 : i32 to vector<16xi32>
        %xor3A_1200 = arith.xori %iota3A_1169, %xor3A_1199 : vector<16xi32>
        %lt3A_1201 = arith.constant 0 : i32
        %lt3A_1202 = vector.broadcast %lt3A_1201 : i32 to vector<16xi32>
        %lt3A_1203 = arith.cmpi slt, %xor3A_1200, %lt3A_1202 : vector<16xi32>
        %add3A_1204 = arith.constant 16 : i32
        %add3A_1205 = vector.broadcast %add3A_1204 : i32 to vector<16xi32>
        %add3A_1206 = arith.addi %xor3A_1200, %add3A_1205 : vector<16xi32>
        %select_n3A_1207 = arith.select %lt3A_1203, %add3A_1206, %xor3A_1200 : vector<16xi1>, vector<16xi32>
        %broadcast_in_dim3A_1208 = vector.shape_cast %select_n3A_1207 : vector<16xi32> to vector<16x1xi32>
        %gather3A_1209 = vector.shape_cast %broadcast_in_dim3A_1208 : vector<16x1xi32> to vector<16xi32>
        %gather3A_1210 = tpu.dynamic_gather %add3A_1197[%gather3A_1209] in [0] : vector<16xf32>, vector<16xi32> -> vector<16xf32>
        %add3A_1211 = arith.addf %add3A_1197, %gather3A_1210 : vector<16xf32>
        %xor3A_1212 = arith.constant 1 : i32
        %xor3A_1213 = vector.broadcast %xor3A_1212 : i32 to vector<16xi32>
        %xor3A_1214 = arith.xori %iota3A_1169, %xor3A_1213 : vector<16xi32>
        %lt3A_1215 = arith.constant 0 : i32
        %lt3A_1216 = vector.broadcast %lt3A_1215 : i32 to vector<16xi32>
        %lt3A_1217 = arith.cmpi slt, %xor3A_1214, %lt3A_1216 : vector<16xi32>
        %add3A_1218 = arith.constant 16 : i32
        %add3A_1219 = vector.broadcast %add3A_1218 : i32 to vector<16xi32>
        %add3A_1220 = arith.addi %xor3A_1214, %add3A_1219 : vector<16xi32>
        %select_n3A_1221 = arith.select %lt3A_1217, %add3A_1220, %xor3A_1214 : vector<16xi1>, vector<16xi32>
        %broadcast_in_dim3A_1222 = vector.shape_cast %select_n3A_1221 : vector<16xi32> to vector<16x1xi32>
        %gather3A_1223 = vector.shape_cast %broadcast_in_dim3A_1222 : vector<16x1xi32> to vector<16xi32>
        %gather3A_1224 = tpu.dynamic_gather %add3A_1211[%gather3A_1223] in [0] : vector<16xf32>, vector<16xi32> -> vector<16xf32>
        %add3A_1225 = arith.addf %add3A_1211, %gather3A_1224 : vector<16xf32>
        %mul3A_1226 = arith.constant 1.562500e-02 : f32
        %mul3A_1227 = vector.broadcast %mul3A_1226 : f32 to vector<16xf32>
        %mul3A_1228 = arith.mulf %add3A_1225, %mul3A_1227 : vector<16xf32>
        %add3A_1229 = arith.constant 9.99999974E-6 : f32
        %add3A_1230 = vector.broadcast %add3A_1229 : f32 to vector<16xf32>
        %add3A_1231 = arith.addf %mul3A_1228, %add3A_1230 : vector<16xf32>
        %mul3A_1232 = arith.mulf %mul3A_1168, %mul3A_1168 : vector<16xf32>
        %sub3A_1233 = arith.subf %add3A_1231, %mul3A_1232 : vector<16xf32>
        %bitcast_convert_type3A_1234 = tpu.bitcast %sub3A_1233 : vector<16xf32> -> vector<16xi32>
        %shift_right_arithmetic3A_1235 = arith.constant 1 : i32
        %shift_right_arithmetic3A_1236 = vector.broadcast %shift_right_arithmetic3A_1235 : i32 to vector<16xi32>
        %shift_right_arithmetic3A_1237 = arith.shrsi %bitcast_convert_type3A_1234, %shift_right_arithmetic3A_1236 : vector<16xi32>
        %sub3A_1238 = arith.constant 1597463007 : i32
        %sub3A_1239 = vector.broadcast %sub3A_1238 : i32 to vector<16xi32>
        %sub3A_1240 = arith.subi %sub3A_1239, %shift_right_arithmetic3A_1237 : vector<16xi32>
        %bitcast_convert_type3A_1241 = tpu.bitcast %sub3A_1240 : vector<16xi32> -> vector<16xf32>
        %mul3A_1242 = arith.constant 5.000000e-01 : f32
        %mul3A_1243 = vector.broadcast %mul3A_1242 : f32 to vector<16xf32>
        %mul3A_1244 = arith.mulf %sub3A_1233, %mul3A_1243 : vector<16xf32>
        %mul3A_1245 = arith.mulf %mul3A_1244, %bitcast_convert_type3A_1241 : vector<16xf32>
        %mul3A_1246 = arith.mulf %mul3A_1245, %bitcast_convert_type3A_1241 : vector<16xf32>
        %sub3A_1247 = arith.constant 1.500000e+00 : f32
        %sub3A_1248 = vector.broadcast %sub3A_1247 : f32 to vector<16xf32>
        %sub3A_1249 = arith.subf %sub3A_1248, %mul3A_1246 : vector<16xf32>
        %mul3A_1250 = arith.mulf %bitcast_convert_type3A_1241, %sub3A_1249 : vector<16xf32>
        %mul3A_1251 = arith.mulf %mul3A_1244, %mul3A_1250 : vector<16xf32>
        %mul3A_1252 = arith.mulf %mul3A_1251, %mul3A_1250 : vector<16xf32>
        %sub3A_1253 = arith.constant 1.500000e+00 : f32
        %sub3A_1254 = vector.broadcast %sub3A_1253 : f32 to vector<16xf32>
        %sub3A_1255 = arith.subf %sub3A_1254, %mul3A_1252 : vector<16xf32>
        %mul3A_1256 = arith.mulf %mul3A_1250, %sub3A_1255 : vector<16xf32>
        %sub3A_1257 = arith.subf %get3A_1071, %mul3A_1168 : vector<16xf32>
        %mul3A_1258 = arith.mulf %sub3A_1257, %mul3A_1256 : vector<16xf32>
        %mul3A_1259 = arith.mulf %mul3A_1258, %get3A_4 : vector<16xf32>
        %add3A_1260 = arith.addf %mul3A_1259, %get3A_16 : vector<16xf32>
        %swap3A_1261 = arith.constant 1 : i32
        %swap3A_1262 = arith.constant 0 : i32
        %swap3A_1263 = arith.constant 0 : i32
        %swap3A_1264 = tpu.memref_slice %arg8[%swap3A_1261, %swap3A_1262, %swap3A_1263] : memref<2x200x64xf32, #tpu.memory_space<vmem>> -> memref<1x200x64xf32, #tpu.memory_space<vmem>>
        %swap3A_1265 = tpu.memref_squeeze %swap3A_1264 : memref<1x200x64xf32, #tpu.memory_space<vmem>> -> memref<200x64xf32, #tpu.memory_space<vmem>>
        %swap3A_1266 = arith.index_cast %add3A_1062 : i32 to index
        %swap3A_1267 = arith.constant 0 : index
        %swap3A_1268 = tpu.vector_load %swap3A_1265[%swap3A_1266, %swap3A_1267] {strides = array<i32>} : memref<200x64xf32, #tpu.memory_space<vmem>>, vector<1x16xf32>,
        %swap3A_1269 = vector.shape_cast %swap3A_1268 : vector<1x16xf32> to vector<16xf32>
        %swap3A_1270 = vector.shape_cast %add3A_1260 : vector<16xf32> to vector<1x16xf32>
        tpu.vector_store %swap3A_1265[%swap3A_1266, %swap3A_1267], %swap3A_1270 {strides = array<i32>} : memref<200x64xf32, #tpu.memory_space<vmem>>, vector<1x16xf32>,
        %sub3A_1271 = arith.subf %get3A_1080, %mul3A_1168 : vector<16xf32>
        %mul3A_1272 = arith.mulf %sub3A_1271, %mul3A_1256 : vector<16xf32>
        %mul3A_1273 = arith.mulf %mul3A_1272, %get3A_7 : vector<16xf32>
        %add3A_1274 = arith.addf %mul3A_1273, %get3A_19 : vector<16xf32>
        %swap3A_1275 = arith.constant 1 : i32
        %swap3A_1276 = arith.constant 0 : i32
        %swap3A_1277 = arith.constant 0 : i32
        %swap3A_1278 = tpu.memref_slice %arg8[%swap3A_1275, %swap3A_1276, %swap3A_1277] : memref<2x200x64xf32, #tpu.memory_space<vmem>> -> memref<1x200x64xf32, #tpu.memory_space<vmem>>
        %swap3A_1279 = tpu.memref_squeeze %swap3A_1278 : memref<1x200x64xf32, #tpu.memory_space<vmem>> -> memref<200x64xf32, #tpu.memory_space<vmem>>
        %swap3A_1280 = arith.index_cast %add3A_1062 : i32 to index
        %swap3A_1281 = arith.constant 16 : index
        %swap3A_1282 = tpu.vector_load %swap3A_1279[%swap3A_1280, %swap3A_1281] {strides = array<i32>} : memref<200x64xf32, #tpu.memory_space<vmem>>, vector<1x16xf32>,
        %swap3A_1283 = vector.shape_cast %swap3A_1282 : vector<1x16xf32> to vector<16xf32>
        %swap3A_1284 = vector.shape_cast %add3A_1274 : vector<16xf32> to vector<1x16xf32>
        tpu.vector_store %swap3A_1279[%swap3A_1280, %swap3A_1281], %swap3A_1284 {strides = array<i32>} : memref<200x64xf32, #tpu.memory_space<vmem>>, vector<1x16xf32>,
        %sub3A_1285 = arith.subf %get3A_1089, %mul3A_1168 : vector<16xf32>
        %mul3A_1286 = arith.mulf %sub3A_1285, %mul3A_1256 : vector<16xf32>
        %mul3A_1287 = arith.mulf %mul3A_1286, %get3A_10 : vector<16xf32>
        %add3A_1288 = arith.addf %mul3A_1287, %get3A_22 : vector<16xf32>
        %swap3A_1289 = arith.constant 1 : i32
        %swap3A_1290 = arith.constant 0 : i32
        %swap3A_1291 = arith.constant 0 : i32
        %swap3A_1292 = tpu.memref_slice %arg8[%swap3A_1289, %swap3A_1290, %swap3A_1291] : memref<2x200x64xf32, #tpu.memory_space<vmem>> -> memref<1x200x64xf32, #tpu.memory_space<vmem>>
        %swap3A_1293 = tpu.memref_squeeze %swap3A_1292 : memref<1x200x64xf32, #tpu.memory_space<vmem>> -> memref<200x64xf32, #tpu.memory_space<vmem>>
        %swap3A_1294 = arith.index_cast %add3A_1062 : i32 to index
        %swap3A_1295 = arith.constant 32 : index
        %swap3A_1296 = tpu.vector_load %swap3A_1293[%swap3A_1294, %swap3A_1295] {strides = array<i32>} : memref<200x64xf32, #tpu.memory_space<vmem>>, vector<1x16xf32>,
        %swap3A_1297 = vector.shape_cast %swap3A_1296 : vector<1x16xf32> to vector<16xf32>
        %swap3A_1298 = vector.shape_cast %add3A_1288 : vector<16xf32> to vector<1x16xf32>
        tpu.vector_store %swap3A_1293[%swap3A_1294, %swap3A_1295], %swap3A_1298 {strides = array<i32>} : memref<200x64xf32, #tpu.memory_space<vmem>>, vector<1x16xf32>,
        %sub3A_1299 = arith.subf %get3A_1098, %mul3A_1168 : vector<16xf32>
        %mul3A_1300 = arith.mulf %sub3A_1299, %mul3A_1256 : vector<16xf32>
        %mul3A_1301 = arith.mulf %mul3A_1300, %get3A_13 : vector<16xf32>
        %add3A_1302 = arith.addf %mul3A_1301, %get3A_25 : vector<16xf32>
        %swap3A_1303 = arith.constant 1 : i32
        %swap3A_1304 = arith.constant 0 : i32
        %swap3A_1305 = arith.constant 0 : i32
        %swap3A_1306 = tpu.memref_slice %arg8[%swap3A_1303, %swap3A_1304, %swap3A_1305] : memref<2x200x64xf32, #tpu.memory_space<vmem>> -> memref<1x200x64xf32, #tpu.memory_space<vmem>>
        %swap3A_1307 = tpu.memref_squeeze %swap3A_1306 : memref<1x200x64xf32, #tpu.memory_space<vmem>> -> memref<200x64xf32, #tpu.memory_space<vmem>>
        %swap3A_1308 = arith.index_cast %add3A_1062 : i32 to index
        %swap3A_1309 = arith.constant 48 : index
        %swap3A_1310 = tpu.vector_load %swap3A_1307[%swap3A_1308, %swap3A_1309] {strides = array<i32>} : memref<200x64xf32, #tpu.memory_space<vmem>>, vector<1x16xf32>,
        %swap3A_1311 = vector.shape_cast %swap3A_1310 : vector<1x16xf32> to vector<16xf32>
        %swap3A_1312 = vector.shape_cast %add3A_1302 : vector<16xf32> to vector<1x16xf32>
        tpu.vector_store %swap3A_1307[%swap3A_1308, %swap3A_1309], %swap3A_1312 {strides = array<i32>} : memref<200x64xf32, #tpu.memory_space<vmem>>, vector<1x16xf32>,
        %add3A_1313 = arith.constant 3 : i32
        %add3A_1314 = arith.addi %mul3A_563, %add3A_1313 : i32
        %get3A_1315 = arith.constant 1 : i32
        %get3A_1316 = arith.constant 0 : i32
        %get3A_1317 = arith.constant 0 : i32
        %get3A_1318 = tpu.memref_slice %arg8[%get3A_1315, %get3A_1316, %get3A_1317] : memref<2x200x64xf32, #tpu.memory_space<vmem>> -> memref<1x200x64xf32, #tpu.memory_space<vmem>>
        %get3A_1319 = tpu.memref_squeeze %get3A_1318 : memref<1x200x64xf32, #tpu.memory_space<vmem>> -> memref<200x64xf32, #tpu.memory_space<vmem>>
        %get3A_1320 = arith.index_cast %add3A_1314 : i32 to index
        %get3A_1321 = arith.constant 0 : index
        %get3A_1322 = tpu.vector_load %get3A_1319[%get3A_1320, %get3A_1321] {strides = array<i32>} : memref<200x64xf32, #tpu.memory_space<vmem>>, vector<1x16xf32>,
        %get3A_1323 = vector.shape_cast %get3A_1322 : vector<1x16xf32> to vector<16xf32>
        %get3A_1324 = arith.constant 1 : i32
        %get3A_1325 = arith.constant 0 : i32
        %get3A_1326 = arith.constant 0 : i32
        %get3A_1327 = tpu.memref_slice %arg8[%get3A_1324, %get3A_1325, %get3A_1326] : memref<2x200x64xf32, #tpu.memory_space<vmem>> -> memref<1x200x64xf32, #tpu.memory_space<vmem>>
        %get3A_1328 = tpu.memref_squeeze %get3A_1327 : memref<1x200x64xf32, #tpu.memory_space<vmem>> -> memref<200x64xf32, #tpu.memory_space<vmem>>
        %get3A_1329 = arith.index_cast %add3A_1314 : i32 to index
        %get3A_1330 = arith.constant 16 : index
        %get3A_1331 = tpu.vector_load %get3A_1328[%get3A_1329, %get3A_1330] {strides = array<i32>} : memref<200x64xf32, #tpu.memory_space<vmem>>, vector<1x16xf32>,
        %get3A_1332 = vector.shape_cast %get3A_1331 : vector<1x16xf32> to vector<16xf32>
        %get3A_1333 = arith.constant 1 : i32
        %get3A_1334 = arith.constant 0 : i32
        %get3A_1335 = arith.constant 0 : i32
        %get3A_1336 = tpu.memref_slice %arg8[%get3A_1333, %get3A_1334, %get3A_1335] : memref<2x200x64xf32, #tpu.memory_space<vmem>> -> memref<1x200x64xf32, #tpu.memory_space<vmem>>
        %get3A_1337 = tpu.memref_squeeze %get3A_1336 : memref<1x200x64xf32, #tpu.memory_space<vmem>> -> memref<200x64xf32, #tpu.memory_space<vmem>>
        %get3A_1338 = arith.index_cast %add3A_1314 : i32 to index
        %get3A_1339 = arith.constant 32 : index
        %get3A_1340 = tpu.vector_load %get3A_1337[%get3A_1338, %get3A_1339] {strides = array<i32>} : memref<200x64xf32, #tpu.memory_space<vmem>>, vector<1x16xf32>,
        %get3A_1341 = vector.shape_cast %get3A_1340 : vector<1x16xf32> to vector<16xf32>
        %get3A_1342 = arith.constant 1 : i32
        %get3A_1343 = arith.constant 0 : i32
        %get3A_1344 = arith.constant 0 : i32
        %get3A_1345 = tpu.memref_slice %arg8[%get3A_1342, %get3A_1343, %get3A_1344] : memref<2x200x64xf32, #tpu.memory_space<vmem>> -> memref<1x200x64xf32, #tpu.memory_space<vmem>>
        %get3A_1346 = tpu.memref_squeeze %get3A_1345 : memref<1x200x64xf32, #tpu.memory_space<vmem>> -> memref<200x64xf32, #tpu.memory_space<vmem>>
        %get3A_1347 = arith.index_cast %add3A_1314 : i32 to index
        %get3A_1348 = arith.constant 48 : index
        %get3A_1349 = tpu.vector_load %get3A_1346[%get3A_1347, %get3A_1348] {strides = array<i32>} : memref<200x64xf32, #tpu.memory_space<vmem>>, vector<1x16xf32>,
        %get3A_1350 = vector.shape_cast %get3A_1349 : vector<1x16xf32> to vector<16xf32>
        %add3A_1351 = arith.addf %get3A_1323, %get3A_1332 : vector<16xf32>
        %add3A_1352 = arith.addf %get3A_1341, %get3A_1350 : vector<16xf32>
        %add3A_1353 = arith.addf %add3A_1351, %add3A_1352 : vector<16xf32>
        %mul3A_1354 = arith.mulf %get3A_1323, %get3A_1323 : vector<16xf32>
        %mul3A_1355 = arith.mulf %get3A_1332, %get3A_1332 : vector<16xf32>
        %add3A_1356 = arith.addf %mul3A_1354, %mul3A_1355 : vector<16xf32>
        %mul3A_1357 = arith.mulf %get3A_1341, %get3A_1341 : vector<16xf32>
        %mul3A_1358 = arith.mulf %get3A_1350, %get3A_1350 : vector<16xf32>
        %add3A_1359 = arith.addf %mul3A_1357, %mul3A_1358 : vector<16xf32>
        %add3A_1360 = arith.addf %add3A_1356, %add3A_1359 : vector<16xf32>
        %iota3A_1361 = tpu.iota {dimensions = array<i32: 0>} : vector<16xi32>
        %xor3A_1362 = arith.constant 8 : i32
        %xor3A_1363 = vector.broadcast %xor3A_1362 : i32 to vector<16xi32>
        %xor3A_1364 = arith.xori %iota3A_1361, %xor3A_1363 : vector<16xi32>
        %lt3A_1365 = arith.constant 0 : i32
        %lt3A_1366 = vector.broadcast %lt3A_1365 : i32 to vector<16xi32>
        %lt3A_1367 = arith.cmpi slt, %xor3A_1364, %lt3A_1366 : vector<16xi32>
        %add3A_1368 = arith.constant 16 : i32
        %add3A_1369 = vector.broadcast %add3A_1368 : i32 to vector<16xi32>
        %add3A_1370 = arith.addi %xor3A_1364, %add3A_1369 : vector<16xi32>
        %select_n3A_1371 = arith.select %lt3A_1367, %add3A_1370, %xor3A_1364 : vector<16xi1>, vector<16xi32>
        %broadcast_in_dim3A_1372 = vector.shape_cast %select_n3A_1371 : vector<16xi32> to vector<16x1xi32>
        %gather3A_1373 = vector.shape_cast %broadcast_in_dim3A_1372 : vector<16x1xi32> to vector<16xi32>
        %gather3A_1374 = tpu.dynamic_gather %add3A_1353[%gather3A_1373] in [0] : vector<16xf32>, vector<16xi32> -> vector<16xf32>
        %add3A_1375 = arith.addf %add3A_1353, %gather3A_1374 : vector<16xf32>
        %xor3A_1376 = arith.constant 4 : i32
        %xor3A_1377 = vector.broadcast %xor3A_1376 : i32 to vector<16xi32>
        %xor3A_1378 = arith.xori %iota3A_1361, %xor3A_1377 : vector<16xi32>
        %lt3A_1379 = arith.constant 0 : i32
        %lt3A_1380 = vector.broadcast %lt3A_1379 : i32 to vector<16xi32>
        %lt3A_1381 = arith.cmpi slt, %xor3A_1378, %lt3A_1380 : vector<16xi32>
        %add3A_1382 = arith.constant 16 : i32
        %add3A_1383 = vector.broadcast %add3A_1382 : i32 to vector<16xi32>
        %add3A_1384 = arith.addi %xor3A_1378, %add3A_1383 : vector<16xi32>
        %select_n3A_1385 = arith.select %lt3A_1381, %add3A_1384, %xor3A_1378 : vector<16xi1>, vector<16xi32>
        %broadcast_in_dim3A_1386 = vector.shape_cast %select_n3A_1385 : vector<16xi32> to vector<16x1xi32>
        %gather3A_1387 = vector.shape_cast %broadcast_in_dim3A_1386 : vector<16x1xi32> to vector<16xi32>
        %gather3A_1388 = tpu.dynamic_gather %add3A_1375[%gather3A_1387] in [0] : vector<16xf32>, vector<16xi32> -> vector<16xf32>
        %add3A_1389 = arith.addf %add3A_1375, %gather3A_1388 : vector<16xf32>
        %xor3A_1390 = arith.constant 2 : i32
        %xor3A_1391 = vector.broadcast %xor3A_1390 : i32 to vector<16xi32>
        %xor3A_1392 = arith.xori %iota3A_1361, %xor3A_1391 : vector<16xi32>
        %lt3A_1393 = arith.constant 0 : i32
        %lt3A_1394 = vector.broadcast %lt3A_1393 : i32 to vector<16xi32>
        %lt3A_1395 = arith.cmpi slt, %xor3A_1392, %lt3A_1394 : vector<16xi32>
        %add3A_1396 = arith.constant 16 : i32
        %add3A_1397 = vector.broadcast %add3A_1396 : i32 to vector<16xi32>
        %add3A_1398 = arith.addi %xor3A_1392, %add3A_1397 : vector<16xi32>
        %select_n3A_1399 = arith.select %lt3A_1395, %add3A_1398, %xor3A_1392 : vector<16xi1>, vector<16xi32>
        %broadcast_in_dim3A_1400 = vector.shape_cast %select_n3A_1399 : vector<16xi32> to vector<16x1xi32>
        %gather3A_1401 = vector.shape_cast %broadcast_in_dim3A_1400 : vector<16x1xi32> to vector<16xi32>
        %gather3A_1402 = tpu.dynamic_gather %add3A_1389[%gather3A_1401] in [0] : vector<16xf32>, vector<16xi32> -> vector<16xf32>
        %add3A_1403 = arith.addf %add3A_1389, %gather3A_1402 : vector<16xf32>
        %xor3A_1404 = arith.constant 1 : i32
        %xor3A_1405 = vector.broadcast %xor3A_1404 : i32 to vector<16xi32>
        %xor3A_1406 = arith.xori %iota3A_1361, %xor3A_1405 : vector<16xi32>
        %lt3A_1407 = arith.constant 0 : i32
        %lt3A_1408 = vector.broadcast %lt3A_1407 : i32 to vector<16xi32>
        %lt3A_1409 = arith.cmpi slt, %xor3A_1406, %lt3A_1408 : vector<16xi32>
        %add3A_1410 = arith.constant 16 : i32
        %add3A_1411 = vector.broadcast %add3A_1410 : i32 to vector<16xi32>
        %add3A_1412 = arith.addi %xor3A_1406, %add3A_1411 : vector<16xi32>
        %select_n3A_1413 = arith.select %lt3A_1409, %add3A_1412, %xor3A_1406 : vector<16xi1>, vector<16xi32>
        %broadcast_in_dim3A_1414 = vector.shape_cast %select_n3A_1413 : vector<16xi32> to vector<16x1xi32>
        %gather3A_1415 = vector.shape_cast %broadcast_in_dim3A_1414 : vector<16x1xi32> to vector<16xi32>
        %gather3A_1416 = tpu.dynamic_gather %add3A_1403[%gather3A_1415] in [0] : vector<16xf32>, vector<16xi32> -> vector<16xf32>
        %add3A_1417 = arith.addf %add3A_1403, %gather3A_1416 : vector<16xf32>
        %mul3A_1418 = arith.constant 1.562500e-02 : f32
        %mul3A_1419 = vector.broadcast %mul3A_1418 : f32 to vector<16xf32>
        %mul3A_1420 = arith.mulf %add3A_1417, %mul3A_1419 : vector<16xf32>
        %iota3A_1421 = tpu.iota {dimensions = array<i32: 0>} : vector<16xi32>
        %xor3A_1422 = arith.constant 8 : i32
        %xor3A_1423 = vector.broadcast %xor3A_1422 : i32 to vector<16xi32>
        %xor3A_1424 = arith.xori %iota3A_1421, %xor3A_1423 : vector<16xi32>
        %lt3A_1425 = arith.constant 0 : i32
        %lt3A_1426 = vector.broadcast %lt3A_1425 : i32 to vector<16xi32>
        %lt3A_1427 = arith.cmpi slt, %xor3A_1424, %lt3A_1426 : vector<16xi32>
        %add3A_1428 = arith.constant 16 : i32
        %add3A_1429 = vector.broadcast %add3A_1428 : i32 to vector<16xi32>
        %add3A_1430 = arith.addi %xor3A_1424, %add3A_1429 : vector<16xi32>
        %select_n3A_1431 = arith.select %lt3A_1427, %add3A_1430, %xor3A_1424 : vector<16xi1>, vector<16xi32>
        %broadcast_in_dim3A_1432 = vector.shape_cast %select_n3A_1431 : vector<16xi32> to vector<16x1xi32>
        %gather3A_1433 = vector.shape_cast %broadcast_in_dim3A_1432 : vector<16x1xi32> to vector<16xi32>
        %gather3A_1434 = tpu.dynamic_gather %add3A_1360[%gather3A_1433] in [0] : vector<16xf32>, vector<16xi32> -> vector<16xf32>
        %add3A_1435 = arith.addf %add3A_1360, %gather3A_1434 : vector<16xf32>
        %xor3A_1436 = arith.constant 4 : i32
        %xor3A_1437 = vector.broadcast %xor3A_1436 : i32 to vector<16xi32>
        %xor3A_1438 = arith.xori %iota3A_1421, %xor3A_1437 : vector<16xi32>
        %lt3A_1439 = arith.constant 0 : i32
        %lt3A_1440 = vector.broadcast %lt3A_1439 : i32 to vector<16xi32>
        %lt3A_1441 = arith.cmpi slt, %xor3A_1438, %lt3A_1440 : vector<16xi32>
        %add3A_1442 = arith.constant 16 : i32
        %add3A_1443 = vector.broadcast %add3A_1442 : i32 to vector<16xi32>
        %add3A_1444 = arith.addi %xor3A_1438, %add3A_1443 : vector<16xi32>
        %select_n3A_1445 = arith.select %lt3A_1441, %add3A_1444, %xor3A_1438 : vector<16xi1>, vector<16xi32>
        %broadcast_in_dim3A_1446 = vector.shape_cast %select_n3A_1445 : vector<16xi32> to vector<16x1xi32>
        %gather3A_1447 = vector.shape_cast %broadcast_in_dim3A_1446 : vector<16x1xi32> to vector<16xi32>
        %gather3A_1448 = tpu.dynamic_gather %add3A_1435[%gather3A_1447] in [0] : vector<16xf32>, vector<16xi32> -> vector<16xf32>
        %add3A_1449 = arith.addf %add3A_1435, %gather3A_1448 : vector<16xf32>
        %xor3A_1450 = arith.constant 2 : i32
        %xor3A_1451 = vector.broadcast %xor3A_1450 : i32 to vector<16xi32>
        %xor3A_1452 = arith.xori %iota3A_1421, %xor3A_1451 : vector<16xi32>
        %lt3A_1453 = arith.constant 0 : i32
        %lt3A_1454 = vector.broadcast %lt3A_1453 : i32 to vector<16xi32>
        %lt3A_1455 = arith.cmpi slt, %xor3A_1452, %lt3A_1454 : vector<16xi32>
        %add3A_1456 = arith.constant 16 : i32
        %add3A_1457 = vector.broadcast %add3A_1456 : i32 to vector<16xi32>
        %add3A_1458 = arith.addi %xor3A_1452, %add3A_1457 : vector<16xi32>
        %select_n3A_1459 = arith.select %lt3A_1455, %add3A_1458, %xor3A_1452 : vector<16xi1>, vector<16xi32>
        %broadcast_in_dim3A_1460 = vector.shape_cast %select_n3A_1459 : vector<16xi32> to vector<16x1xi32>
        %gather3A_1461 = vector.shape_cast %broadcast_in_dim3A_1460 : vector<16x1xi32> to vector<16xi32>
        %gather3A_1462 = tpu.dynamic_gather %add3A_1449[%gather3A_1461] in [0] : vector<16xf32>, vector<16xi32> -> vector<16xf32>
        %add3A_1463 = arith.addf %add3A_1449, %gather3A_1462 : vector<16xf32>
        %xor3A_1464 = arith.constant 1 : i32
        %xor3A_1465 = vector.broadcast %xor3A_1464 : i32 to vector<16xi32>
        %xor3A_1466 = arith.xori %iota3A_1421, %xor3A_1465 : vector<16xi32>
        %lt3A_1467 = arith.constant 0 : i32
        %lt3A_1468 = vector.broadcast %lt3A_1467 : i32 to vector<16xi32>
        %lt3A_1469 = arith.cmpi slt, %xor3A_1466, %lt3A_1468 : vector<16xi32>
        %add3A_1470 = arith.constant 16 : i32
        %add3A_1471 = vector.broadcast %add3A_1470 : i32 to vector<16xi32>
        %add3A_1472 = arith.addi %xor3A_1466, %add3A_1471 : vector<16xi32>
        %select_n3A_1473 = arith.select %lt3A_1469, %add3A_1472, %xor3A_1466 : vector<16xi1>, vector<16xi32>
        %broadcast_in_dim3A_1474 = vector.shape_cast %select_n3A_1473 : vector<16xi32> to vector<16x1xi32>
        %gather3A_1475 = vector.shape_cast %broadcast_in_dim3A_1474 : vector<16x1xi32> to vector<16xi32>
        %gather3A_1476 = tpu.dynamic_gather %add3A_1463[%gather3A_1475] in [0] : vector<16xf32>, vector<16xi32> -> vector<16xf32>
        %add3A_1477 = arith.addf %add3A_1463, %gather3A_1476 : vector<16xf32>
        %mul3A_1478 = arith.constant 1.562500e-02 : f32
        %mul3A_1479 = vector.broadcast %mul3A_1478 : f32 to vector<16xf32>
        %mul3A_1480 = arith.mulf %add3A_1477, %mul3A_1479 : vector<16xf32>
        %add3A_1481 = arith.constant 9.99999974E-6 : f32
        %add3A_1482 = vector.broadcast %add3A_1481 : f32 to vector<16xf32>
        %add3A_1483 = arith.addf %mul3A_1480, %add3A_1482 : vector<16xf32>
        %mul3A_1484 = arith.mulf %mul3A_1420, %mul3A_1420 : vector<16xf32>
        %sub3A_1485 = arith.subf %add3A_1483, %mul3A_1484 : vector<16xf32>
        %bitcast_convert_type3A_1486 = tpu.bitcast %sub3A_1485 : vector<16xf32> -> vector<16xi32>
        %shift_right_arithmetic3A_1487 = arith.constant 1 : i32
        %shift_right_arithmetic3A_1488 = vector.broadcast %shift_right_arithmetic3A_1487 : i32 to vector<16xi32>
        %shift_right_arithmetic3A_1489 = arith.shrsi %bitcast_convert_type3A_1486, %shift_right_arithmetic3A_1488 : vector<16xi32>
        %sub3A_1490 = arith.constant 1597463007 : i32
        %sub3A_1491 = vector.broadcast %sub3A_1490 : i32 to vector<16xi32>
        %sub3A_1492 = arith.subi %sub3A_1491, %shift_right_arithmetic3A_1489 : vector<16xi32>
        %bitcast_convert_type3A_1493 = tpu.bitcast %sub3A_1492 : vector<16xi32> -> vector<16xf32>
        %mul3A_1494 = arith.constant 5.000000e-01 : f32
        %mul3A_1495 = vector.broadcast %mul3A_1494 : f32 to vector<16xf32>
        %mul3A_1496 = arith.mulf %sub3A_1485, %mul3A_1495 : vector<16xf32>
        %mul3A_1497 = arith.mulf %mul3A_1496, %bitcast_convert_type3A_1493 : vector<16xf32>
        %mul3A_1498 = arith.mulf %mul3A_1497, %bitcast_convert_type3A_1493 : vector<16xf32>
        %sub3A_1499 = arith.constant 1.500000e+00 : f32
        %sub3A_1500 = vector.broadcast %sub3A_1499 : f32 to vector<16xf32>
        %sub3A_1501 = arith.subf %sub3A_1500, %mul3A_1498 : vector<16xf32>
        %mul3A_1502 = arith.mulf %bitcast_convert_type3A_1493, %sub3A_1501 : vector<16xf32>
        %mul3A_1503 = arith.mulf %mul3A_1496, %mul3A_1502 : vector<16xf32>
        %mul3A_1504 = arith.mulf %mul3A_1503, %mul3A_1502 : vector<16xf32>
        %sub3A_1505 = arith.constant 1.500000e+00 : f32
        %sub3A_1506 = vector.broadcast %sub3A_1505 : f32 to vector<16xf32>
        %sub3A_1507 = arith.subf %sub3A_1506, %mul3A_1504 : vector<16xf32>
        %mul3A_1508 = arith.mulf %mul3A_1502, %sub3A_1507 : vector<16xf32>
        %sub3A_1509 = arith.subf %get3A_1323, %mul3A_1420 : vector<16xf32>
        %mul3A_1510 = arith.mulf %sub3A_1509, %mul3A_1508 : vector<16xf32>
        %mul3A_1511 = arith.mulf %mul3A_1510, %get3A_4 : vector<16xf32>
        %add3A_1512 = arith.addf %mul3A_1511, %get3A_16 : vector<16xf32>
        %swap3A_1513 = arith.constant 1 : i32
        %swap3A_1514 = arith.constant 0 : i32
        %swap3A_1515 = arith.constant 0 : i32
        %swap3A_1516 = tpu.memref_slice %arg8[%swap3A_1513, %swap3A_1514, %swap3A_1515] : memref<2x200x64xf32, #tpu.memory_space<vmem>> -> memref<1x200x64xf32, #tpu.memory_space<vmem>>
        %swap3A_1517 = tpu.memref_squeeze %swap3A_1516 : memref<1x200x64xf32, #tpu.memory_space<vmem>> -> memref<200x64xf32, #tpu.memory_space<vmem>>
        %swap3A_1518 = arith.index_cast %add3A_1314 : i32 to index
        %swap3A_1519 = arith.constant 0 : index
        %swap3A_1520 = tpu.vector_load %swap3A_1517[%swap3A_1518, %swap3A_1519] {strides = array<i32>} : memref<200x64xf32, #tpu.memory_space<vmem>>, vector<1x16xf32>,
        %swap3A_1521 = vector.shape_cast %swap3A_1520 : vector<1x16xf32> to vector<16xf32>
        %swap3A_1522 = vector.shape_cast %add3A_1512 : vector<16xf32> to vector<1x16xf32>
        tpu.vector_store %swap3A_1517[%swap3A_1518, %swap3A_1519], %swap3A_1522 {strides = array<i32>} : memref<200x64xf32, #tpu.memory_space<vmem>>, vector<1x16xf32>,
        %sub3A_1523 = arith.subf %get3A_1332, %mul3A_1420 : vector<16xf32>
        %mul3A_1524 = arith.mulf %sub3A_1523, %mul3A_1508 : vector<16xf32>
        %mul3A_1525 = arith.mulf %mul3A_1524, %get3A_7 : vector<16xf32>
        %add3A_1526 = arith.addf %mul3A_1525, %get3A_19 : vector<16xf32>
        %swap3A_1527 = arith.constant 1 : i32
        %swap3A_1528 = arith.constant 0 : i32
        %swap3A_1529 = arith.constant 0 : i32
        %swap3A_1530 = tpu.memref_slice %arg8[%swap3A_1527, %swap3A_1528, %swap3A_1529] : memref<2x200x64xf32, #tpu.memory_space<vmem>> -> memref<1x200x64xf32, #tpu.memory_space<vmem>>
        %swap3A_1531 = tpu.memref_squeeze %swap3A_1530 : memref<1x200x64xf32, #tpu.memory_space<vmem>> -> memref<200x64xf32, #tpu.memory_space<vmem>>
        %swap3A_1532 = arith.index_cast %add3A_1314 : i32 to index
        %swap3A_1533 = arith.constant 16 : index
        %swap3A_1534 = tpu.vector_load %swap3A_1531[%swap3A_1532, %swap3A_1533] {strides = array<i32>} : memref<200x64xf32, #tpu.memory_space<vmem>>, vector<1x16xf32>,
        %swap3A_1535 = vector.shape_cast %swap3A_1534 : vector<1x16xf32> to vector<16xf32>
        %swap3A_1536 = vector.shape_cast %add3A_1526 : vector<16xf32> to vector<1x16xf32>
        tpu.vector_store %swap3A_1531[%swap3A_1532, %swap3A_1533], %swap3A_1536 {strides = array<i32>} : memref<200x64xf32, #tpu.memory_space<vmem>>, vector<1x16xf32>,
        %sub3A_1537 = arith.subf %get3A_1341, %mul3A_1420 : vector<16xf32>
        %mul3A_1538 = arith.mulf %sub3A_1537, %mul3A_1508 : vector<16xf32>
        %mul3A_1539 = arith.mulf %mul3A_1538, %get3A_10 : vector<16xf32>
        %add3A_1540 = arith.addf %mul3A_1539, %get3A_22 : vector<16xf32>
        %swap3A_1541 = arith.constant 1 : i32
        %swap3A_1542 = arith.constant 0 : i32
        %swap3A_1543 = arith.constant 0 : i32
        %swap3A_1544 = tpu.memref_slice %arg8[%swap3A_1541, %swap3A_1542, %swap3A_1543] : memref<2x200x64xf32, #tpu.memory_space<vmem>> -> memref<1x200x64xf32, #tpu.memory_space<vmem>>
        %swap3A_1545 = tpu.memref_squeeze %swap3A_1544 : memref<1x200x64xf32, #tpu.memory_space<vmem>> -> memref<200x64xf32, #tpu.memory_space<vmem>>
        %swap3A_1546 = arith.index_cast %add3A_1314 : i32 to index
        %swap3A_1547 = arith.constant 32 : index
        %swap3A_1548 = tpu.vector_load %swap3A_1545[%swap3A_1546, %swap3A_1547] {strides = array<i32>} : memref<200x64xf32, #tpu.memory_space<vmem>>, vector<1x16xf32>,
        %swap3A_1549 = vector.shape_cast %swap3A_1548 : vector<1x16xf32> to vector<16xf32>
        %swap3A_1550 = vector.shape_cast %add3A_1540 : vector<16xf32> to vector<1x16xf32>
        tpu.vector_store %swap3A_1545[%swap3A_1546, %swap3A_1547], %swap3A_1550 {strides = array<i32>} : memref<200x64xf32, #tpu.memory_space<vmem>>, vector<1x16xf32>,
        %sub3A_1551 = arith.subf %get3A_1350, %mul3A_1420 : vector<16xf32>
        %mul3A_1552 = arith.mulf %sub3A_1551, %mul3A_1508 : vector<16xf32>
        %mul3A_1553 = arith.mulf %mul3A_1552, %get3A_13 : vector<16xf32>
        %add3A_1554 = arith.addf %mul3A_1553, %get3A_25 : vector<16xf32>
        %swap3A_1555 = arith.constant 1 : i32
        %swap3A_1556 = arith.constant 0 : i32
        %swap3A_1557 = arith.constant 0 : i32
        %swap3A_1558 = tpu.memref_slice %arg8[%swap3A_1555, %swap3A_1556, %swap3A_1557] : memref<2x200x64xf32, #tpu.memory_space<vmem>> -> memref<1x200x64xf32, #tpu.memory_space<vmem>>
        %swap3A_1559 = tpu.memref_squeeze %swap3A_1558 : memref<1x200x64xf32, #tpu.memory_space<vmem>> -> memref<200x64xf32, #tpu.memory_space<vmem>>
        %swap3A_1560 = arith.index_cast %add3A_1314 : i32 to index
        %swap3A_1561 = arith.constant 48 : index
        %swap3A_1562 = tpu.vector_load %swap3A_1559[%swap3A_1560, %swap3A_1561] {strides = array<i32>} : memref<200x64xf32, #tpu.memory_space<vmem>>, vector<1x16xf32>,
        %swap3A_1563 = vector.shape_cast %swap3A_1562 : vector<1x16xf32> to vector<16xf32>
        %swap3A_1564 = vector.shape_cast %add3A_1554 : vector<16xf32> to vector<1x16xf32>
        tpu.vector_store %swap3A_1559[%swap3A_1560, %swap3A_1561], %swap3A_1564 {strides = array<i32>} : memref<200x64xf32, #tpu.memory_space<vmem>>, vector<1x16xf32>,
      }
      %scan3A_440 = arith.constant 50 : i32
      %mul3A_441 = arith.constant 200 : i32
      %mul3A_442 = arith.muli %add3A_420, %mul3A_441 : i32
      %add3A_443 = arith.addi %mul3A_2, %mul3A_442 : i32
      %jit3A_444 = arith.constant 50 : i32
      %div3A_445 = arith.divsi %add3A_443, %jit3A_444 : i32
      %sign3A_446 = arith.constant 0 : i32
      %sign3A_447 = arith.cmpi sgt, %add3A_443, %sign3A_446 : i32
      %sign3A_448 = arith.extui %sign3A_447 : i1 to i32
      %sign3A_449 = arith.constant 0 : i32
      %sign3A_450 = arith.cmpi slt, %add3A_443, %sign3A_449 : i32
      %sign3A_451 = arith.extui %sign3A_450 : i1 to i32
      %sign3A_452 = arith.subi %sign3A_448, %sign3A_451 : i32
      %sign3A_453 = arith.constant 0 : i32
      %sign3A_454 = arith.cmpi sgt, %jit3A_444, %sign3A_453 : i32
      %sign3A_455 = arith.extui %sign3A_454 : i1 to i32
      %sign3A_456 = arith.constant 0 : i32
      %sign3A_457 = arith.cmpi slt, %jit3A_444, %sign3A_456 : i32
      %sign3A_458 = arith.extui %sign3A_457 : i1 to i32
      %sign3A_459 = arith.subi %sign3A_455, %sign3A_458 : i32
      %ne3A_460 = arith.cmpi ne, %sign3A_452, %sign3A_459 : i32
      %rem3A_461 = arith.remsi %add3A_443, %jit3A_444 : i32
      %ne3A_462 = arith.constant 0 : i32
      %ne3A_463 = arith.cmpi ne, %rem3A_461, %ne3A_462 : i32
      %and3A_464 = arith.andi %ne3A_460, %ne3A_463 : i1
      %sub3A_465 = arith.constant 1 : i32
      %sub3A_466 = arith.subi %div3A_445, %sub3A_465 : i32
      %select_n3A_467 = arith.select %and3A_464, %sub3A_466, %div3A_445 : i32
      %add3A_468 = arith.constant 0 : i32
      %add3A_469 = arith.addi %select_n3A_467, %add3A_468 : i32
      %add3A_470 = arith.constant 1 : i32
      %add3A_471 = arith.addi %select_n3A_467, %add3A_470 : i32
      %add3A_472 = arith.constant 2 : i32
      %add3A_473 = arith.addi %select_n3A_467, %add3A_472 : i32
      %add3A_474 = arith.constant 3 : i32
      %add3A_475 = arith.addi %select_n3A_467, %add3A_474 : i32
      %dma_start3A_476 = arith.constant 1 : i32
      %dma_start3A_477 = arith.constant 1 : i32
      %dma_start3A_478 = arith.constant 0 : i32
      %dma_start3A_479 = arith.constant 0 : i32
      %dma_start3A_480 = tpu.memref_slice %arg8[%dma_start3A_476, %dma_start3A_478, %dma_start3A_479] : memref<2x200x64xf32, #tpu.memory_space<vmem>> -> memref<1x50x64xf32, #tpu.memory_space<vmem>>
      %dma_start3A_481 = tpu.memref_squeeze %dma_start3A_480 : memref<1x50x64xf32, #tpu.memory_space<vmem>> -> memref<50x64xf32, #tpu.memory_space<vmem>>
      %dma_start3A_482 = arith.constant 0 : i32
      %dma_start3A_483 = arith.constant 0 : i32
      %dma_start3A_484 = tpu.memref_slice %arg6[%add3A_469, %dma_start3A_482, %dma_start3A_483] : memref<16384x50x64xf32, #tpu.memory_space<hbm>> -> memref<1x50x64xf32, #tpu.memory_space<hbm>>
      %dma_start3A_485 = tpu.memref_squeeze %dma_start3A_484 : memref<1x50x64xf32, #tpu.memory_space<hbm>> -> memref<50x64xf32, #tpu.memory_space<hbm>>
      %dma_start3A_486 = tpu.memref_slice %arg12[%dma_start3A_477] : memref<2x!tpu.dma_semaphore, #tpu.memory_space<semaphore_mem>> -> memref<1x!tpu.dma_semaphore, #tpu.memory_space<semaphore_mem>>
      %dma_start3A_487 = tpu.memref_squeeze %dma_start3A_486 : memref<1x!tpu.dma_semaphore, #tpu.memory_space<semaphore_mem>> -> memref<!tpu.dma_semaphore, #tpu.memory_space<semaphore_mem>>
      %dma_start3A_488 = arith.constant 0 : i32
      %dma_start3A_489 = arith.constant 0 : i32
      %dma_start3A_490 = tpu.memref_slice %arg6[%add3A_469, %dma_start3A_488, %dma_start3A_489] : memref<16384x50x64xf32, #tpu.memory_space<hbm>> -> memref<1x50x64xf32, #tpu.memory_space<hbm>>
      %dma_start3A_491 = tpu.memref_squeeze %dma_start3A_490 : memref<1x50x64xf32, #tpu.memory_space<hbm>> -> memref<50x64xf32, #tpu.memory_space<hbm>>
      %dma_start3A_492 = arith.constant 0 : i32
      %dma_start3A_493 = arith.constant 0 : i32
      %dma_start3A_494 = tpu.memref_slice %arg8[%dma_start3A_476, %dma_start3A_492, %dma_start3A_493] : memref<2x200x64xf32, #tpu.memory_space<vmem>> -> memref<1x50x64xf32, #tpu.memory_space<vmem>>
      %dma_start3A_495 = tpu.memref_squeeze %dma_start3A_494 : memref<1x50x64xf32, #tpu.memory_space<vmem>> -> memref<50x64xf32, #tpu.memory_space<vmem>>
      tpu.enqueue_dma source(%dma_start3A_495 : memref<50x64xf32, #tpu.memory_space<vmem>>) target(%dma_start3A_491 : memref<50x64xf32, #tpu.memory_space<hbm>>) target_semaphore(%dma_start3A_487 : memref<!tpu.dma_semaphore, #tpu.memory_space<semaphore_mem>>)
      %dma_start3A_496 = arith.constant 1 : i32
      %dma_start3A_497 = arith.constant 1 : i32
      %dma_start3A_498 = arith.constant 50 : i32
      %dma_start3A_499 = arith.constant 0 : i32
      %dma_start3A_500 = tpu.memref_slice %arg8[%dma_start3A_496, %dma_start3A_498, %dma_start3A_499] : memref<2x200x64xf32, #tpu.memory_space<vmem>> -> memref<1x50x64xf32, #tpu.memory_space<vmem>>
      %dma_start3A_501 = tpu.memref_squeeze %dma_start3A_500 : memref<1x50x64xf32, #tpu.memory_space<vmem>> -> memref<50x64xf32, #tpu.memory_space<vmem>>
      %dma_start3A_502 = arith.constant 0 : i32
      %dma_start3A_503 = arith.constant 0 : i32
      %dma_start3A_504 = tpu.memref_slice %arg6[%add3A_471, %dma_start3A_502, %dma_start3A_503] : memref<16384x50x64xf32, #tpu.memory_space<hbm>> -> memref<1x50x64xf32, #tpu.memory_space<hbm>>
      %dma_start3A_505 = tpu.memref_squeeze %dma_start3A_504 : memref<1x50x64xf32, #tpu.memory_space<hbm>> -> memref<50x64xf32, #tpu.memory_space<hbm>>
      %dma_start3A_506 = tpu.memref_slice %arg12[%dma_start3A_497] : memref<2x!tpu.dma_semaphore, #tpu.memory_space<semaphore_mem>> -> memref<1x!tpu.dma_semaphore, #tpu.memory_space<semaphore_mem>>
      %dma_start3A_507 = tpu.memref_squeeze %dma_start3A_506 : memref<1x!tpu.dma_semaphore, #tpu.memory_space<semaphore_mem>> -> memref<!tpu.dma_semaphore, #tpu.memory_space<semaphore_mem>>
      %dma_start3A_508 = arith.constant 0 : i32
      %dma_start3A_509 = arith.constant 0 : i32
      %dma_start3A_510 = tpu.memref_slice %arg6[%add3A_471, %dma_start3A_508, %dma_start3A_509] : memref<16384x50x64xf32, #tpu.memory_space<hbm>> -> memref<1x50x64xf32, #tpu.memory_space<hbm>>
      %dma_start3A_511 = tpu.memref_squeeze %dma_start3A_510 : memref<1x50x64xf32, #tpu.memory_space<hbm>> -> memref<50x64xf32, #tpu.memory_space<hbm>>
      %dma_start3A_512 = arith.constant 50 : i32
      %dma_start3A_513 = arith.constant 0 : i32
      %dma_start3A_514 = tpu.memref_slice %arg8[%dma_start3A_496, %dma_start3A_512, %dma_start3A_513] : memref<2x200x64xf32, #tpu.memory_space<vmem>> -> memref<1x50x64xf32, #tpu.memory_space<vmem>>
      %dma_start3A_515 = tpu.memref_squeeze %dma_start3A_514 : memref<1x50x64xf32, #tpu.memory_space<vmem>> -> memref<50x64xf32, #tpu.memory_space<vmem>>
      tpu.enqueue_dma source(%dma_start3A_515 : memref<50x64xf32, #tpu.memory_space<vmem>>) target(%dma_start3A_511 : memref<50x64xf32, #tpu.memory_space<hbm>>) target_semaphore(%dma_start3A_507 : memref<!tpu.dma_semaphore, #tpu.memory_space<semaphore_mem>>)
      %dma_start3A_516 = arith.constant 1 : i32
      %dma_start3A_517 = arith.constant 1 : i32
      %dma_start3A_518 = arith.constant 100 : i32
      %dma_start3A_519 = arith.constant 0 : i32
      %dma_start3A_520 = tpu.memref_slice %arg8[%dma_start3A_516, %dma_start3A_518, %dma_start3A_519] : memref<2x200x64xf32, #tpu.memory_space<vmem>> -> memref<1x50x64xf32, #tpu.memory_space<vmem>>
      %dma_start3A_521 = tpu.memref_squeeze %dma_start3A_520 : memref<1x50x64xf32, #tpu.memory_space<vmem>> -> memref<50x64xf32, #tpu.memory_space<vmem>>
      %dma_start3A_522 = arith.constant 0 : i32
      %dma_start3A_523 = arith.constant 0 : i32
      %dma_start3A_524 = tpu.memref_slice %arg6[%add3A_473, %dma_start3A_522, %dma_start3A_523] : memref<16384x50x64xf32, #tpu.memory_space<hbm>> -> memref<1x50x64xf32, #tpu.memory_space<hbm>>
      %dma_start3A_525 = tpu.memref_squeeze %dma_start3A_524 : memref<1x50x64xf32, #tpu.memory_space<hbm>> -> memref<50x64xf32, #tpu.memory_space<hbm>>
      %dma_start3A_526 = tpu.memref_slice %arg12[%dma_start3A_517] : memref<2x!tpu.dma_semaphore, #tpu.memory_space<semaphore_mem>> -> memref<1x!tpu.dma_semaphore, #tpu.memory_space<semaphore_mem>>
      %dma_start3A_527 = tpu.memref_squeeze %dma_start3A_526 : memref<1x!tpu.dma_semaphore, #tpu.memory_space<semaphore_mem>> -> memref<!tpu.dma_semaphore, #tpu.memory_space<semaphore_mem>>
      %dma_start3A_528 = arith.constant 0 : i32
      %dma_start3A_529 = arith.constant 0 : i32
      %dma_start3A_530 = tpu.memref_slice %arg6[%add3A_473, %dma_start3A_528, %dma_start3A_529] : memref<16384x50x64xf32, #tpu.memory_space<hbm>> -> memref<1x50x64xf32, #tpu.memory_space<hbm>>
      %dma_start3A_531 = tpu.memref_squeeze %dma_start3A_530 : memref<1x50x64xf32, #tpu.memory_space<hbm>> -> memref<50x64xf32, #tpu.memory_space<hbm>>
      %dma_start3A_532 = arith.constant 100 : i32
      %dma_start3A_533 = arith.constant 0 : i32
      %dma_start3A_534 = tpu.memref_slice %arg8[%dma_start3A_516, %dma_start3A_532, %dma_start3A_533] : memref<2x200x64xf32, #tpu.memory_space<vmem>> -> memref<1x50x64xf32, #tpu.memory_space<vmem>>
      %dma_start3A_535 = tpu.memref_squeeze %dma_start3A_534 : memref<1x50x64xf32, #tpu.memory_space<vmem>> -> memref<50x64xf32, #tpu.memory_space<vmem>>
      tpu.enqueue_dma source(%dma_start3A_535 : memref<50x64xf32, #tpu.memory_space<vmem>>) target(%dma_start3A_531 : memref<50x64xf32, #tpu.memory_space<hbm>>) target_semaphore(%dma_start3A_527 : memref<!tpu.dma_semaphore, #tpu.memory_space<semaphore_mem>>)
      %dma_start3A_536 = arith.constant 1 : i32
      %dma_start3A_537 = arith.constant 1 : i32
      %dma_start3A_538 = arith.constant 150 : i32
      %dma_start3A_539 = arith.constant 0 : i32
      %dma_start3A_540 = tpu.memref_slice %arg8[%dma_start3A_536, %dma_start3A_538, %dma_start3A_539] : memref<2x200x64xf32, #tpu.memory_space<vmem>> -> memref<1x50x64xf32, #tpu.memory_space<vmem>>
      %dma_start3A_541 = tpu.memref_squeeze %dma_start3A_540 : memref<1x50x64xf32, #tpu.memory_space<vmem>> -> memref<50x64xf32, #tpu.memory_space<vmem>>
      %dma_start3A_542 = arith.constant 0 : i32
      %dma_start3A_543 = arith.constant 0 : i32
      %dma_start3A_544 = tpu.memref_slice %arg6[%add3A_475, %dma_start3A_542, %dma_start3A_543] : memref<16384x50x64xf32, #tpu.memory_space<hbm>> -> memref<1x50x64xf32, #tpu.memory_space<hbm>>
      %dma_start3A_545 = tpu.memref_squeeze %dma_start3A_544 : memref<1x50x64xf32, #tpu.memory_space<hbm>> -> memref<50x64xf32, #tpu.memory_space<hbm>>
      %dma_start3A_546 = tpu.memref_slice %arg12[%dma_start3A_537] : memref<2x!tpu.dma_semaphore, #tpu.memory_space<semaphore_mem>> -> memref<1x!tpu.dma_semaphore, #tpu.memory_space<semaphore_mem>>
      %dma_start3A_547 = tpu.memref_squeeze %dma_start3A_546 : memref<1x!tpu.dma_semaphore, #tpu.memory_space<semaphore_mem>> -> memref<!tpu.dma_semaphore, #tpu.memory_space<semaphore_mem>>
      %dma_start3A_548 = arith.constant 0 : i32
      %dma_start3A_549 = arith.constant 0 : i32
      %dma_start3A_550 = tpu.memref_slice %arg6[%add3A_475, %dma_start3A_548, %dma_start3A_549] : memref<16384x50x64xf32, #tpu.memory_space<hbm>> -> memref<1x50x64xf32, #tpu.memory_space<hbm>>
      %dma_start3A_551 = tpu.memref_squeeze %dma_start3A_550 : memref<1x50x64xf32, #tpu.memory_space<hbm>> -> memref<50x64xf32, #tpu.memory_space<hbm>>
      %dma_start3A_552 = arith.constant 150 : i32
      %dma_start3A_553 = arith.constant 0 : i32
      %dma_start3A_554 = tpu.memref_slice %arg8[%dma_start3A_536, %dma_start3A_552, %dma_start3A_553] : memref<2x200x64xf32, #tpu.memory_space<vmem>> -> memref<1x50x64xf32, #tpu.memory_space<vmem>>
      %dma_start3A_555 = tpu.memref_squeeze %dma_start3A_554 : memref<1x50x64xf32, #tpu.memory_space<vmem>> -> memref<50x64xf32, #tpu.memory_space<vmem>>
      tpu.enqueue_dma source(%dma_start3A_555 : memref<50x64xf32, #tpu.memory_space<vmem>>) target(%dma_start3A_551 : memref<50x64xf32, #tpu.memory_space<hbm>>) target_semaphore(%dma_start3A_547 : memref<!tpu.dma_semaphore, #tpu.memory_space<semaphore_mem>>)
      %lt3A_556 = arith.constant 63 : i32
      %lt3A_557 = arith.cmpi slt, %scan3A_275, %lt3A_556 : i32
      %convert_element_type3A_558 = arith.extui %lt3A_557 : i1 to i32
      %cond3A_559 = arith.constant 0 : i32
      %cond3A_560 = arith.cmpi ne, %convert_element_type3A_558, %cond3A_559 : i32
      scf.if %cond3A_560 {
        %mul3A_561 = arith.constant 200 : i32
        %mul3A_562 = arith.muli %add3A_420, %mul3A_561 : i32
        %add3A_563 = arith.addi %mul3A_2, %mul3A_562 : i32
        %jit3A_564 = arith.constant 50 : i32
        %div3A_565 = arith.divsi %add3A_563, %jit3A_564 : i32
        %sign3A_566 = arith.constant 0 : i32
        %sign3A_567 = arith.cmpi sgt, %add3A_563, %sign3A_566 : i32
        %sign3A_568 = arith.extui %sign3A_567 : i1 to i32
        %sign3A_569 = arith.constant 0 : i32
        %sign3A_570 = arith.cmpi slt, %add3A_563, %sign3A_569 : i32
        %sign3A_571 = arith.extui %sign3A_570 : i1 to i32
        %sign3A_572 = arith.subi %sign3A_568, %sign3A_571 : i32
        %sign3A_573 = arith.constant 0 : i32
        %sign3A_574 = arith.cmpi sgt, %jit3A_564, %sign3A_573 : i32
        %sign3A_575 = arith.extui %sign3A_574 : i1 to i32
        %sign3A_576 = arith.constant 0 : i32
        %sign3A_577 = arith.cmpi slt, %jit3A_564, %sign3A_576 : i32
        %sign3A_578 = arith.extui %sign3A_577 : i1 to i32
        %sign3A_579 = arith.subi %sign3A_575, %sign3A_578 : i32
        %ne3A_580 = arith.cmpi ne, %sign3A_572, %sign3A_579 : i32
        %rem3A_581 = arith.remsi %add3A_563, %jit3A_564 : i32
        %ne3A_582 = arith.constant 0 : i32
        %ne3A_583 = arith.cmpi ne, %rem3A_581, %ne3A_582 : i32
        %and3A_584 = arith.andi %ne3A_580, %ne3A_583 : i1
        %sub3A_585 = arith.constant 1 : i32
        %sub3A_586 = arith.subi %div3A_565, %sub3A_585 : i32
        %select_n3A_587 = arith.select %and3A_584, %sub3A_586, %div3A_565 : i32
        %add3A_588 = arith.constant 0 : i32
        %add3A_589 = arith.addi %select_n3A_587, %add3A_588 : i32
        %add3A_590 = arith.constant 1 : i32
        %add3A_591 = arith.addi %select_n3A_587, %add3A_590 : i32
        %add3A_592 = arith.constant 2 : i32
        %add3A_593 = arith.addi %select_n3A_587, %add3A_592 : i32
        %add3A_594 = arith.constant 3 : i32
        %add3A_595 = arith.addi %select_n3A_587, %add3A_594 : i32
        %dma_wait3A_596 = arith.constant 1 : i32
        %dma_wait3A_597 = arith.constant 1 : i32
        %dma_wait3A_598 = arith.constant 0 : i32
        %dma_wait3A_599 = arith.constant 0 : i32
        %dma_wait3A_600 = tpu.memref_slice %arg8[%dma_wait3A_596, %dma_wait3A_598, %dma_wait3A_599] : memref<2x200x64xf32, #tpu.memory_space<vmem>> -> memref<1x50x64xf32, #tpu.memory_space<vmem>>
        %dma_wait3A_601 = tpu.memref_squeeze %dma_wait3A_600 : memref<1x50x64xf32, #tpu.memory_space<vmem>> -> memref<50x64xf32, #tpu.memory_space<vmem>>
        %dma_wait3A_602 = arith.constant 0 : i32
        %dma_wait3A_603 = arith.constant 0 : i32
        %dma_wait3A_604 = tpu.memref_slice %arg6[%add3A_589, %dma_wait3A_602, %dma_wait3A_603] : memref<16384x50x64xf32, #tpu.memory_space<hbm>> -> memref<1x50x64xf32, #tpu.memory_space<hbm>>
        %dma_wait3A_605 = tpu.memref_squeeze %dma_wait3A_604 : memref<1x50x64xf32, #tpu.memory_space<hbm>> -> memref<50x64xf32, #tpu.memory_space<hbm>>
        %dma_wait3A_606 = tpu.memref_slice %arg12[%dma_wait3A_597] : memref<2x!tpu.dma_semaphore, #tpu.memory_space<semaphore_mem>> -> memref<1x!tpu.dma_semaphore, #tpu.memory_space<semaphore_mem>>
        %dma_wait3A_607 = tpu.memref_squeeze %dma_wait3A_606 : memref<1x!tpu.dma_semaphore, #tpu.memory_space<semaphore_mem>> -> memref<!tpu.dma_semaphore, #tpu.memory_space<semaphore_mem>>
        %dma_wait3A_608 = arith.constant 0 : i32
        %dma_wait3A_609 = arith.constant 0 : i32
        %dma_wait3A_610 = tpu.memref_slice %arg6[%add3A_589, %dma_wait3A_608, %dma_wait3A_609] : memref<16384x50x64xf32, #tpu.memory_space<hbm>> -> memref<1x50x64xf32, #tpu.memory_space<hbm>>
        %dma_wait3A_611 = tpu.memref_squeeze %dma_wait3A_610 : memref<1x50x64xf32, #tpu.memory_space<hbm>> -> memref<50x64xf32, #tpu.memory_space<hbm>>
        %dma_wait3A_612 = arith.constant 0 : i32
        %dma_wait3A_613 = arith.constant 0 : i32
        %dma_wait3A_614 = tpu.memref_slice %arg8[%dma_wait3A_596, %dma_wait3A_612, %dma_wait3A_613] : memref<2x200x64xf32, #tpu.memory_space<vmem>> -> memref<1x50x64xf32, #tpu.memory_space<vmem>>
        %dma_wait3A_615 = tpu.memref_squeeze %dma_wait3A_614 : memref<1x50x64xf32, #tpu.memory_space<vmem>> -> memref<50x64xf32, #tpu.memory_space<vmem>>
        tpu.wait_dma2 semaphore(%dma_wait3A_607 : memref<!tpu.dma_semaphore, #tpu.memory_space<semaphore_mem>>) src(%dma_wait3A_615 : memref<50x64xf32, #tpu.memory_space<vmem>>) dst(%dma_wait3A_611 : memref<50x64xf32, #tpu.memory_space<hbm>>)
        %dma_wait3A_616 = arith.constant 1 : i32
        %dma_wait3A_617 = arith.constant 1 : i32
        %dma_wait3A_618 = arith.constant 50 : i32
        %dma_wait3A_619 = arith.constant 0 : i32
        %dma_wait3A_620 = tpu.memref_slice %arg8[%dma_wait3A_616, %dma_wait3A_618, %dma_wait3A_619] : memref<2x200x64xf32, #tpu.memory_space<vmem>> -> memref<1x50x64xf32, #tpu.memory_space<vmem>>
        %dma_wait3A_621 = tpu.memref_squeeze %dma_wait3A_620 : memref<1x50x64xf32, #tpu.memory_space<vmem>> -> memref<50x64xf32, #tpu.memory_space<vmem>>
        %dma_wait3A_622 = arith.constant 0 : i32
        %dma_wait3A_623 = arith.constant 0 : i32
        %dma_wait3A_624 = tpu.memref_slice %arg6[%add3A_591, %dma_wait3A_622, %dma_wait3A_623] : memref<16384x50x64xf32, #tpu.memory_space<hbm>> -> memref<1x50x64xf32, #tpu.memory_space<hbm>>
        %dma_wait3A_625 = tpu.memref_squeeze %dma_wait3A_624 : memref<1x50x64xf32, #tpu.memory_space<hbm>> -> memref<50x64xf32, #tpu.memory_space<hbm>>
        %dma_wait3A_626 = tpu.memref_slice %arg12[%dma_wait3A_617] : memref<2x!tpu.dma_semaphore, #tpu.memory_space<semaphore_mem>> -> memref<1x!tpu.dma_semaphore, #tpu.memory_space<semaphore_mem>>
        %dma_wait3A_627 = tpu.memref_squeeze %dma_wait3A_626 : memref<1x!tpu.dma_semaphore, #tpu.memory_space<semaphore_mem>> -> memref<!tpu.dma_semaphore, #tpu.memory_space<semaphore_mem>>
        %dma_wait3A_628 = arith.constant 0 : i32
        %dma_wait3A_629 = arith.constant 0 : i32
        %dma_wait3A_630 = tpu.memref_slice %arg6[%add3A_591, %dma_wait3A_628, %dma_wait3A_629] : memref<16384x50x64xf32, #tpu.memory_space<hbm>> -> memref<1x50x64xf32, #tpu.memory_space<hbm>>
        %dma_wait3A_631 = tpu.memref_squeeze %dma_wait3A_630 : memref<1x50x64xf32, #tpu.memory_space<hbm>> -> memref<50x64xf32, #tpu.memory_space<hbm>>
        %dma_wait3A_632 = arith.constant 50 : i32
        %dma_wait3A_633 = arith.constant 0 : i32
        %dma_wait3A_634 = tpu.memref_slice %arg8[%dma_wait3A_616, %dma_wait3A_632, %dma_wait3A_633] : memref<2x200x64xf32, #tpu.memory_space<vmem>> -> memref<1x50x64xf32, #tpu.memory_space<vmem>>
        %dma_wait3A_635 = tpu.memref_squeeze %dma_wait3A_634 : memref<1x50x64xf32, #tpu.memory_space<vmem>> -> memref<50x64xf32, #tpu.memory_space<vmem>>
        tpu.wait_dma2 semaphore(%dma_wait3A_627 : memref<!tpu.dma_semaphore, #tpu.memory_space<semaphore_mem>>) src(%dma_wait3A_635 : memref<50x64xf32, #tpu.memory_space<vmem>>) dst(%dma_wait3A_631 : memref<50x64xf32, #tpu.memory_space<hbm>>)
        %dma_wait3A_636 = arith.constant 1 : i32
        %dma_wait3A_637 = arith.constant 1 : i32
        %dma_wait3A_638 = arith.constant 100 : i32
        %dma_wait3A_639 = arith.constant 0 : i32
        %dma_wait3A_640 = tpu.memref_slice %arg8[%dma_wait3A_636, %dma_wait3A_638, %dma_wait3A_639] : memref<2x200x64xf32, #tpu.memory_space<vmem>> -> memref<1x50x64xf32, #tpu.memory_space<vmem>>
        %dma_wait3A_641 = tpu.memref_squeeze %dma_wait3A_640 : memref<1x50x64xf32, #tpu.memory_space<vmem>> -> memref<50x64xf32, #tpu.memory_space<vmem>>
        %dma_wait3A_642 = arith.constant 0 : i32
        %dma_wait3A_643 = arith.constant 0 : i32
        %dma_wait3A_644 = tpu.memref_slice %arg6[%add3A_593, %dma_wait3A_642, %dma_wait3A_643] : memref<16384x50x64xf32, #tpu.memory_space<hbm>> -> memref<1x50x64xf32, #tpu.memory_space<hbm>>
        %dma_wait3A_645 = tpu.memref_squeeze %dma_wait3A_644 : memref<1x50x64xf32, #tpu.memory_space<hbm>> -> memref<50x64xf32, #tpu.memory_space<hbm>>
        %dma_wait3A_646 = tpu.memref_slice %arg12[%dma_wait3A_637] : memref<2x!tpu.dma_semaphore, #tpu.memory_space<semaphore_mem>> -> memref<1x!tpu.dma_semaphore, #tpu.memory_space<semaphore_mem>>
        %dma_wait3A_647 = tpu.memref_squeeze %dma_wait3A_646 : memref<1x!tpu.dma_semaphore, #tpu.memory_space<semaphore_mem>> -> memref<!tpu.dma_semaphore, #tpu.memory_space<semaphore_mem>>
        %dma_wait3A_648 = arith.constant 0 : i32
        %dma_wait3A_649 = arith.constant 0 : i32
        %dma_wait3A_650 = tpu.memref_slice %arg6[%add3A_593, %dma_wait3A_648, %dma_wait3A_649] : memref<16384x50x64xf32, #tpu.memory_space<hbm>> -> memref<1x50x64xf32, #tpu.memory_space<hbm>>
        %dma_wait3A_651 = tpu.memref_squeeze %dma_wait3A_650 : memref<1x50x64xf32, #tpu.memory_space<hbm>> -> memref<50x64xf32, #tpu.memory_space<hbm>>
        %dma_wait3A_652 = arith.constant 100 : i32
        %dma_wait3A_653 = arith.constant 0 : i32
        %dma_wait3A_654 = tpu.memref_slice %arg8[%dma_wait3A_636, %dma_wait3A_652, %dma_wait3A_653] : memref<2x200x64xf32, #tpu.memory_space<vmem>> -> memref<1x50x64xf32, #tpu.memory_space<vmem>>
        %dma_wait3A_655 = tpu.memref_squeeze %dma_wait3A_654 : memref<1x50x64xf32, #tpu.memory_space<vmem>> -> memref<50x64xf32, #tpu.memory_space<vmem>>
        tpu.wait_dma2 semaphore(%dma_wait3A_647 : memref<!tpu.dma_semaphore, #tpu.memory_space<semaphore_mem>>) src(%dma_wait3A_655 : memref<50x64xf32, #tpu.memory_space<vmem>>) dst(%dma_wait3A_651 : memref<50x64xf32, #tpu.memory_space<hbm>>)
        %dma_wait3A_656 = arith.constant 1 : i32
        %dma_wait3A_657 = arith.constant 1 : i32
        %dma_wait3A_658 = arith.constant 150 : i32
        %dma_wait3A_659 = arith.constant 0 : i32
        %dma_wait3A_660 = tpu.memref_slice %arg8[%dma_wait3A_656, %dma_wait3A_658, %dma_wait3A_659] : memref<2x200x64xf32, #tpu.memory_space<vmem>> -> memref<1x50x64xf32, #tpu.memory_space<vmem>>
        %dma_wait3A_661 = tpu.memref_squeeze %dma_wait3A_660 : memref<1x50x64xf32, #tpu.memory_space<vmem>> -> memref<50x64xf32, #tpu.memory_space<vmem>>
        %dma_wait3A_662 = arith.constant 0 : i32
        %dma_wait3A_663 = arith.constant 0 : i32
        %dma_wait3A_664 = tpu.memref_slice %arg6[%add3A_595, %dma_wait3A_662, %dma_wait3A_663] : memref<16384x50x64xf32, #tpu.memory_space<hbm>> -> memref<1x50x64xf32, #tpu.memory_space<hbm>>
        %dma_wait3A_665 = tpu.memref_squeeze %dma_wait3A_664 : memref<1x50x64xf32, #tpu.memory_space<hbm>> -> memref<50x64xf32, #tpu.memory_space<hbm>>
        %dma_wait3A_666 = tpu.memref_slice %arg12[%dma_wait3A_657] : memref<2x!tpu.dma_semaphore, #tpu.memory_space<semaphore_mem>> -> memref<1x!tpu.dma_semaphore, #tpu.memory_space<semaphore_mem>>
        %dma_wait3A_667 = tpu.memref_squeeze %dma_wait3A_666 : memref<1x!tpu.dma_semaphore, #tpu.memory_space<semaphore_mem>> -> memref<!tpu.dma_semaphore, #tpu.memory_space<semaphore_mem>>
        %dma_wait3A_668 = arith.constant 0 : i32
        %dma_wait3A_669 = arith.constant 0 : i32
        %dma_wait3A_670 = tpu.memref_slice %arg6[%add3A_595, %dma_wait3A_668, %dma_wait3A_669] : memref<16384x50x64xf32, #tpu.memory_space<hbm>> -> memref<1x50x64xf32, #tpu.memory_space<hbm>>
        %dma_wait3A_671 = tpu.memref_squeeze %dma_wait3A_670 : memref<1x50x64xf32, #tpu.memory_space<hbm>> -> memref<50x64xf32, #tpu.memory_space<hbm>>
        %dma_wait3A_672 = arith.constant 150 : i32
        %dma_wait3A_673 = arith.constant 0 : i32
        %dma_wait3A_674 = tpu.memref_slice %arg8[%dma_wait3A_656, %dma_wait3A_672, %dma_wait3A_673] : memref<2x200x64xf32, #tpu.memory_space<vmem>> -> memref<1x50x64xf32, #tpu.memory_space<vmem>>
        %dma_wait3A_675 = tpu.memref_squeeze %dma_wait3A_674 : memref<1x50x64xf32, #tpu.memory_space<vmem>> -> memref<50x64xf32, #tpu.memory_space<vmem>>
        tpu.wait_dma2 semaphore(%dma_wait3A_667 : memref<!tpu.dma_semaphore, #tpu.memory_space<semaphore_mem>>) src(%dma_wait3A_675 : memref<50x64xf32, #tpu.memory_space<vmem>>) dst(%dma_wait3A_671 : memref<50x64xf32, #tpu.memory_space<hbm>>)
        %add3A_676 = arith.constant 2 : i32
        %add3A_677 = arith.addi %add3A_420, %add3A_676 : i32
        %mul3A_678 = arith.constant 200 : i32
        %mul3A_679 = arith.muli %add3A_677, %mul3A_678 : i32
        %dma_start3A_680 = arith.constant 1 : i32
        %dma_start3A_681 = arith.constant 1 : i32
        %dma_start3A_682 = arith.constant 0 : i32
        %dma_start3A_683 = arith.constant 0 : i32
        %dma_start3A_684 = tpu.memref_slice %arg8[%dma_start3A_680, %dma_start3A_682, %dma_start3A_683] : memref<2x200x64xf32, #tpu.memory_space<vmem>> -> memref<1x200x64xf32, #tpu.memory_space<vmem>>
        %dma_start3A_685 = tpu.memref_squeeze %dma_start3A_684 : memref<1x200x64xf32, #tpu.memory_space<vmem>> -> memref<200x64xf32, #tpu.memory_space<vmem>>
        %dma_start3A_686 = tpu.memref_slice %arg7[%mul3A_679] : memref<25600xi32, #tpu.memory_space<vmem>> -> memref<200xi32, #tpu.memory_space<vmem>>
        %dma_start3A_687 = arith.constant 0 : i32
        %dma_start3A_688 = arith.constant 0 : i32
        %dma_start3A_689 = tpu.memref_slice %arg2[%dma_start3A_687, %dma_start3A_688] : memref<1000000x64xf32, #tpu.memory_space<hbm>> -> memref<1000000x64xf32, #tpu.memory_space<hbm>>
        %dma_start3A_690 = tpu.memref_slice %arg11[%dma_start3A_681] : memref<2x!tpu.dma_semaphore, #tpu.memory_space<semaphore_mem>> -> memref<1x!tpu.dma_semaphore, #tpu.memory_space<semaphore_mem>>
        %dma_start3A_691 = tpu.memref_squeeze %dma_start3A_690 : memref<1x!tpu.dma_semaphore, #tpu.memory_space<semaphore_mem>> -> memref<!tpu.dma_semaphore, #tpu.memory_space<semaphore_mem>>
        tpu.enqueue_indirect_dma source(%dma_start3A_689 : memref<1000000x64xf32, #tpu.memory_space<hbm>>) target(%dma_start3A_685 : memref<200x64xf32, #tpu.memory_space<vmem>>) offsets(%dma_start3A_686 : memref<200xi32, #tpu.memory_space<vmem>>) semaphore(%dma_start3A_691 : memref<!tpu.dma_semaphore, #tpu.memory_space<semaphore_mem>>)
      } else {
      }
    }
    %scan3A_55 = arith.constant 64 : i32
    %add3A_56 = arith.constant 25200 : i32
    %add3A_57 = arith.addi %mul3A_2, %add3A_56 : i32
    %jit3A = arith.constant 50 : i32
    %div3A = arith.divsi %add3A_57, %jit3A : i32
    %sign3A = arith.constant 0 : i32
    %sign3A_58 = arith.cmpi sgt, %add3A_57, %sign3A : i32
    %sign3A_59 = arith.extui %sign3A_58 : i1 to i32
    %sign3A_60 = arith.constant 0 : i32
    %sign3A_61 = arith.cmpi slt, %add3A_57, %sign3A_60 : i32
    %sign3A_62 = arith.extui %sign3A_61 : i1 to i32
    %sign3A_63 = arith.subi %sign3A_59, %sign3A_62 : i32
    %sign3A_64 = arith.constant 0 : i32
    %sign3A_65 = arith.cmpi sgt, %jit3A, %sign3A_64 : i32
    %sign3A_66 = arith.extui %sign3A_65 : i1 to i32
    %sign3A_67 = arith.constant 0 : i32
    %sign3A_68 = arith.cmpi slt, %jit3A, %sign3A_67 : i32
    %sign3A_69 = arith.extui %sign3A_68 : i1 to i32
    %sign3A_70 = arith.subi %sign3A_66, %sign3A_69 : i32
    %ne3A = arith.cmpi ne, %sign3A_63, %sign3A_70 : i32
    %rem3A = arith.remsi %add3A_57, %jit3A : i32
    %ne3A_71 = arith.constant 0 : i32
    %ne3A_72 = arith.cmpi ne, %rem3A, %ne3A_71 : i32
    %and3A = arith.andi %ne3A, %ne3A_72 : i1
    %sub3A = arith.constant 1 : i32
    %sub3A_73 = arith.subi %div3A, %sub3A : i32
    %select_n3A = arith.select %and3A, %sub3A_73, %div3A : i32
    %add3A_74 = arith.constant 0 : i32
    %add3A_75 = arith.addi %select_n3A, %add3A_74 : i32
    %add3A_76 = arith.constant 1 : i32
    %add3A_77 = arith.addi %select_n3A, %add3A_76 : i32
    %add3A_78 = arith.constant 2 : i32
    %add3A_79 = arith.addi %select_n3A, %add3A_78 : i32
    %add3A_80 = arith.constant 3 : i32
    %add3A_81 = arith.addi %select_n3A, %add3A_80 : i32
    %dma_wait3A = arith.constant 0 : i32
    %dma_wait3A_82 = arith.constant 0 : i32
    %dma_wait3A_83 = arith.constant 0 : i32
    %dma_wait3A_84 = arith.constant 0 : i32
    %dma_wait3A_85 = tpu.memref_slice %arg8[%dma_wait3A, %dma_wait3A_83, %dma_wait3A_84] : memref<2x200x64xf32, #tpu.memory_space<vmem>> -> memref<1x50x64xf32, #tpu.memory_space<vmem>>
    %dma_wait3A_86 = tpu.memref_squeeze %dma_wait3A_85 : memref<1x50x64xf32, #tpu.memory_space<vmem>> -> memref<50x64xf32, #tpu.memory_space<vmem>>
    %dma_wait3A_87 = arith.constant 0 : i32
    %dma_wait3A_88 = arith.constant 0 : i32
    %dma_wait3A_89 = tpu.memref_slice %arg6[%add3A_75, %dma_wait3A_87, %dma_wait3A_88] : memref<16384x50x64xf32, #tpu.memory_space<hbm>> -> memref<1x50x64xf32, #tpu.memory_space<hbm>>
    %dma_wait3A_90 = tpu.memref_squeeze %dma_wait3A_89 : memref<1x50x64xf32, #tpu.memory_space<hbm>> -> memref<50x64xf32, #tpu.memory_space<hbm>>
    %dma_wait3A_91 = tpu.memref_slice %arg12[%dma_wait3A_82] : memref<2x!tpu.dma_semaphore, #tpu.memory_space<semaphore_mem>> -> memref<1x!tpu.dma_semaphore, #tpu.memory_space<semaphore_mem>>
    %dma_wait3A_92 = tpu.memref_squeeze %dma_wait3A_91 : memref<1x!tpu.dma_semaphore, #tpu.memory_space<semaphore_mem>> -> memref<!tpu.dma_semaphore, #tpu.memory_space<semaphore_mem>>
    %dma_wait3A_93 = arith.constant 0 : i32
    %dma_wait3A_94 = arith.constant 0 : i32
    %dma_wait3A_95 = tpu.memref_slice %arg6[%add3A_75, %dma_wait3A_93, %dma_wait3A_94] : memref<16384x50x64xf32, #tpu.memory_space<hbm>> -> memref<1x50x64xf32, #tpu.memory_space<hbm>>
    %dma_wait3A_96 = tpu.memref_squeeze %dma_wait3A_95 : memref<1x50x64xf32, #tpu.memory_space<hbm>> -> memref<50x64xf32, #tpu.memory_space<hbm>>
    %dma_wait3A_97 = arith.constant 0 : i32
    %dma_wait3A_98 = arith.constant 0 : i32
    %dma_wait3A_99 = tpu.memref_slice %arg8[%dma_wait3A, %dma_wait3A_97, %dma_wait3A_98] : memref<2x200x64xf32, #tpu.memory_space<vmem>> -> memref<1x50x64xf32, #tpu.memory_space<vmem>>
    %dma_wait3A_100 = tpu.memref_squeeze %dma_wait3A_99 : memref<1x50x64xf32, #tpu.memory_space<vmem>> -> memref<50x64xf32, #tpu.memory_space<vmem>>
    tpu.wait_dma2 semaphore(%dma_wait3A_92 : memref<!tpu.dma_semaphore, #tpu.memory_space<semaphore_mem>>) src(%dma_wait3A_100 : memref<50x64xf32, #tpu.memory_space<vmem>>) dst(%dma_wait3A_96 : memref<50x64xf32, #tpu.memory_space<hbm>>)
    %dma_wait3A_101 = arith.constant 0 : i32
    %dma_wait3A_102 = arith.constant 0 : i32
    %dma_wait3A_103 = arith.constant 50 : i32
    %dma_wait3A_104 = arith.constant 0 : i32
    %dma_wait3A_105 = tpu.memref_slice %arg8[%dma_wait3A_101, %dma_wait3A_103, %dma_wait3A_104] : memref<2x200x64xf32, #tpu.memory_space<vmem>> -> memref<1x50x64xf32, #tpu.memory_space<vmem>>
    %dma_wait3A_106 = tpu.memref_squeeze %dma_wait3A_105 : memref<1x50x64xf32, #tpu.memory_space<vmem>> -> memref<50x64xf32, #tpu.memory_space<vmem>>
    %dma_wait3A_107 = arith.constant 0 : i32
    %dma_wait3A_108 = arith.constant 0 : i32
    %dma_wait3A_109 = tpu.memref_slice %arg6[%add3A_77, %dma_wait3A_107, %dma_wait3A_108] : memref<16384x50x64xf32, #tpu.memory_space<hbm>> -> memref<1x50x64xf32, #tpu.memory_space<hbm>>
    %dma_wait3A_110 = tpu.memref_squeeze %dma_wait3A_109 : memref<1x50x64xf32, #tpu.memory_space<hbm>> -> memref<50x64xf32, #tpu.memory_space<hbm>>
    %dma_wait3A_111 = tpu.memref_slice %arg12[%dma_wait3A_102] : memref<2x!tpu.dma_semaphore, #tpu.memory_space<semaphore_mem>> -> memref<1x!tpu.dma_semaphore, #tpu.memory_space<semaphore_mem>>
    %dma_wait3A_112 = tpu.memref_squeeze %dma_wait3A_111 : memref<1x!tpu.dma_semaphore, #tpu.memory_space<semaphore_mem>> -> memref<!tpu.dma_semaphore, #tpu.memory_space<semaphore_mem>>
    %dma_wait3A_113 = arith.constant 0 : i32
    %dma_wait3A_114 = arith.constant 0 : i32
    %dma_wait3A_115 = tpu.memref_slice %arg6[%add3A_77, %dma_wait3A_113, %dma_wait3A_114] : memref<16384x50x64xf32, #tpu.memory_space<hbm>> -> memref<1x50x64xf32, #tpu.memory_space<hbm>>
    %dma_wait3A_116 = tpu.memref_squeeze %dma_wait3A_115 : memref<1x50x64xf32, #tpu.memory_space<hbm>> -> memref<50x64xf32, #tpu.memory_space<hbm>>
    %dma_wait3A_117 = arith.constant 50 : i32
    %dma_wait3A_118 = arith.constant 0 : i32
    %dma_wait3A_119 = tpu.memref_slice %arg8[%dma_wait3A_101, %dma_wait3A_117, %dma_wait3A_118] : memref<2x200x64xf32, #tpu.memory_space<vmem>> -> memref<1x50x64xf32, #tpu.memory_space<vmem>>
    %dma_wait3A_120 = tpu.memref_squeeze %dma_wait3A_119 : memref<1x50x64xf32, #tpu.memory_space<vmem>> -> memref<50x64xf32, #tpu.memory_space<vmem>>
    tpu.wait_dma2 semaphore(%dma_wait3A_112 : memref<!tpu.dma_semaphore, #tpu.memory_space<semaphore_mem>>) src(%dma_wait3A_120 : memref<50x64xf32, #tpu.memory_space<vmem>>) dst(%dma_wait3A_116 : memref<50x64xf32, #tpu.memory_space<hbm>>)
    %dma_wait3A_121 = arith.constant 0 : i32
    %dma_wait3A_122 = arith.constant 0 : i32
    %dma_wait3A_123 = arith.constant 100 : i32
    %dma_wait3A_124 = arith.constant 0 : i32
    %dma_wait3A_125 = tpu.memref_slice %arg8[%dma_wait3A_121, %dma_wait3A_123, %dma_wait3A_124] : memref<2x200x64xf32, #tpu.memory_space<vmem>> -> memref<1x50x64xf32, #tpu.memory_space<vmem>>
    %dma_wait3A_126 = tpu.memref_squeeze %dma_wait3A_125 : memref<1x50x64xf32, #tpu.memory_space<vmem>> -> memref<50x64xf32, #tpu.memory_space<vmem>>
    %dma_wait3A_127 = arith.constant 0 : i32
    %dma_wait3A_128 = arith.constant 0 : i32
    %dma_wait3A_129 = tpu.memref_slice %arg6[%add3A_79, %dma_wait3A_127, %dma_wait3A_128] : memref<16384x50x64xf32, #tpu.memory_space<hbm>> -> memref<1x50x64xf32, #tpu.memory_space<hbm>>
    %dma_wait3A_130 = tpu.memref_squeeze %dma_wait3A_129 : memref<1x50x64xf32, #tpu.memory_space<hbm>> -> memref<50x64xf32, #tpu.memory_space<hbm>>
    %dma_wait3A_131 = tpu.memref_slice %arg12[%dma_wait3A_122] : memref<2x!tpu.dma_semaphore, #tpu.memory_space<semaphore_mem>> -> memref<1x!tpu.dma_semaphore, #tpu.memory_space<semaphore_mem>>
    %dma_wait3A_132 = tpu.memref_squeeze %dma_wait3A_131 : memref<1x!tpu.dma_semaphore, #tpu.memory_space<semaphore_mem>> -> memref<!tpu.dma_semaphore, #tpu.memory_space<semaphore_mem>>
    %dma_wait3A_133 = arith.constant 0 : i32
    %dma_wait3A_134 = arith.constant 0 : i32
    %dma_wait3A_135 = tpu.memref_slice %arg6[%add3A_79, %dma_wait3A_133, %dma_wait3A_134] : memref<16384x50x64xf32, #tpu.memory_space<hbm>> -> memref<1x50x64xf32, #tpu.memory_space<hbm>>
    %dma_wait3A_136 = tpu.memref_squeeze %dma_wait3A_135 : memref<1x50x64xf32, #tpu.memory_space<hbm>> -> memref<50x64xf32, #tpu.memory_space<hbm>>
    %dma_wait3A_137 = arith.constant 100 : i32
    %dma_wait3A_138 = arith.constant 0 : i32
    %dma_wait3A_139 = tpu.memref_slice %arg8[%dma_wait3A_121, %dma_wait3A_137, %dma_wait3A_138] : memref<2x200x64xf32, #tpu.memory_space<vmem>> -> memref<1x50x64xf32, #tpu.memory_space<vmem>>
    %dma_wait3A_140 = tpu.memref_squeeze %dma_wait3A_139 : memref<1x50x64xf32, #tpu.memory_space<vmem>> -> memref<50x64xf32, #tpu.memory_space<vmem>>
    tpu.wait_dma2 semaphore(%dma_wait3A_132 : memref<!tpu.dma_semaphore, #tpu.memory_space<semaphore_mem>>) src(%dma_wait3A_140 : memref<50x64xf32, #tpu.memory_space<vmem>>) dst(%dma_wait3A_136 : memref<50x64xf32, #tpu.memory_space<hbm>>)
    %dma_wait3A_141 = arith.constant 0 : i32
    %dma_wait3A_142 = arith.constant 0 : i32
    %dma_wait3A_143 = arith.constant 150 : i32
    %dma_wait3A_144 = arith.constant 0 : i32
    %dma_wait3A_145 = tpu.memref_slice %arg8[%dma_wait3A_141, %dma_wait3A_143, %dma_wait3A_144] : memref<2x200x64xf32, #tpu.memory_space<vmem>> -> memref<1x50x64xf32, #tpu.memory_space<vmem>>
    %dma_wait3A_146 = tpu.memref_squeeze %dma_wait3A_145 : memref<1x50x64xf32, #tpu.memory_space<vmem>> -> memref<50x64xf32, #tpu.memory_space<vmem>>
    %dma_wait3A_147 = arith.constant 0 : i32
    %dma_wait3A_148 = arith.constant 0 : i32
    %dma_wait3A_149 = tpu.memref_slice %arg6[%add3A_81, %dma_wait3A_147, %dma_wait3A_148] : memref<16384x50x64xf32, #tpu.memory_space<hbm>> -> memref<1x50x64xf32, #tpu.memory_space<hbm>>
    %dma_wait3A_150 = tpu.memref_squeeze %dma_wait3A_149 : memref<1x50x64xf32, #tpu.memory_space<hbm>> -> memref<50x64xf32, #tpu.memory_space<hbm>>
    %dma_wait3A_151 = tpu.memref_slice %arg12[%dma_wait3A_142] : memref<2x!tpu.dma_semaphore, #tpu.memory_space<semaphore_mem>> -> memref<1x!tpu.dma_semaphore, #tpu.memory_space<semaphore_mem>>
    %dma_wait3A_152 = tpu.memref_squeeze %dma_wait3A_151 : memref<1x!tpu.dma_semaphore, #tpu.memory_space<semaphore_mem>> -> memref<!tpu.dma_semaphore, #tpu.memory_space<semaphore_mem>>
    %dma_wait3A_153 = arith.constant 0 : i32
    %dma_wait3A_154 = arith.constant 0 : i32
    %dma_wait3A_155 = tpu.memref_slice %arg6[%add3A_81, %dma_wait3A_153, %dma_wait3A_154] : memref<16384x50x64xf32, #tpu.memory_space<hbm>> -> memref<1x50x64xf32, #tpu.memory_space<hbm>>
    %dma_wait3A_156 = tpu.memref_squeeze %dma_wait3A_155 : memref<1x50x64xf32, #tpu.memory_space<hbm>> -> memref<50x64xf32, #tpu.memory_space<hbm>>
    %dma_wait3A_157 = arith.constant 150 : i32
    %dma_wait3A_158 = arith.constant 0 : i32
    %dma_wait3A_159 = tpu.memref_slice %arg8[%dma_wait3A_141, %dma_wait3A_157, %dma_wait3A_158] : memref<2x200x64xf32, #tpu.memory_space<vmem>> -> memref<1x50x64xf32, #tpu.memory_space<vmem>>
    %dma_wait3A_160 = tpu.memref_squeeze %dma_wait3A_159 : memref<1x50x64xf32, #tpu.memory_space<vmem>> -> memref<50x64xf32, #tpu.memory_space<vmem>>
    tpu.wait_dma2 semaphore(%dma_wait3A_152 : memref<!tpu.dma_semaphore, #tpu.memory_space<semaphore_mem>>) src(%dma_wait3A_160 : memref<50x64xf32, #tpu.memory_space<vmem>>) dst(%dma_wait3A_156 : memref<50x64xf32, #tpu.memory_space<hbm>>)
    %add3A_161 = arith.constant 25400 : i32
    %add3A_162 = arith.addi %mul3A_2, %add3A_161 : i32
    %jit3A_163 = arith.constant 50 : i32
    %div3A_164 = arith.divsi %add3A_162, %jit3A_163 : i32
    %sign3A_165 = arith.constant 0 : i32
    %sign3A_166 = arith.cmpi sgt, %add3A_162, %sign3A_165 : i32
    %sign3A_167 = arith.extui %sign3A_166 : i1 to i32
    %sign3A_168 = arith.constant 0 : i32
    %sign3A_169 = arith.cmpi slt, %add3A_162, %sign3A_168 : i32
    %sign3A_170 = arith.extui %sign3A_169 : i1 to i32
    %sign3A_171 = arith.subi %sign3A_167, %sign3A_170 : i32
    %sign3A_172 = arith.constant 0 : i32
    %sign3A_173 = arith.cmpi sgt, %jit3A_163, %sign3A_172 : i32
    %sign3A_174 = arith.extui %sign3A_173 : i1 to i32
    %sign3A_175 = arith.constant 0 : i32
    %sign3A_176 = arith.cmpi slt, %jit3A_163, %sign3A_175 : i32
    %sign3A_177 = arith.extui %sign3A_176 : i1 to i32
    %sign3A_178 = arith.subi %sign3A_174, %sign3A_177 : i32
    %ne3A_179 = arith.cmpi ne, %sign3A_171, %sign3A_178 : i32
    %rem3A_180 = arith.remsi %add3A_162, %jit3A_163 : i32
    %ne3A_181 = arith.constant 0 : i32
    %ne3A_182 = arith.cmpi ne, %rem3A_180, %ne3A_181 : i32
    %and3A_183 = arith.andi %ne3A_179, %ne3A_182 : i1
    %sub3A_184 = arith.constant 1 : i32
    %sub3A_185 = arith.subi %div3A_164, %sub3A_184 : i32
    %select_n3A_186 = arith.select %and3A_183, %sub3A_185, %div3A_164 : i32
    %add3A_187 = arith.constant 0 : i32
    %add3A_188 = arith.addi %select_n3A_186, %add3A_187 : i32
    %add3A_189 = arith.constant 1 : i32
    %add3A_190 = arith.addi %select_n3A_186, %add3A_189 : i32
    %add3A_191 = arith.constant 2 : i32
    %add3A_192 = arith.addi %select_n3A_186, %add3A_191 : i32
    %add3A_193 = arith.constant 3 : i32
    %add3A_194 = arith.addi %select_n3A_186, %add3A_193 : i32
    %dma_wait3A_195 = arith.constant 1 : i32
    %dma_wait3A_196 = arith.constant 1 : i32
    %dma_wait3A_197 = arith.constant 0 : i32
    %dma_wait3A_198 = arith.constant 0 : i32
    %dma_wait3A_199 = tpu.memref_slice %arg8[%dma_wait3A_195, %dma_wait3A_197, %dma_wait3A_198] : memref<2x200x64xf32, #tpu.memory_space<vmem>> -> memref<1x50x64xf32, #tpu.memory_space<vmem>>
    %dma_wait3A_200 = tpu.memref_squeeze %dma_wait3A_199 : memref<1x50x64xf32, #tpu.memory_space<vmem>> -> memref<50x64xf32, #tpu.memory_space<vmem>>
    %dma_wait3A_201 = arith.constant 0 : i32
    %dma_wait3A_202 = arith.constant 0 : i32
    %dma_wait3A_203 = tpu.memref_slice %arg6[%add3A_188, %dma_wait3A_201, %dma_wait3A_202] : memref<16384x50x64xf32, #tpu.memory_space<hbm>> -> memref<1x50x64xf32, #tpu.memory_space<hbm>>
    %dma_wait3A_204 = tpu.memref_squeeze %dma_wait3A_203 : memref<1x50x64xf32, #tpu.memory_space<hbm>> -> memref<50x64xf32, #tpu.memory_space<hbm>>
    %dma_wait3A_205 = tpu.memref_slice %arg12[%dma_wait3A_196] : memref<2x!tpu.dma_semaphore, #tpu.memory_space<semaphore_mem>> -> memref<1x!tpu.dma_semaphore, #tpu.memory_space<semaphore_mem>>
    %dma_wait3A_206 = tpu.memref_squeeze %dma_wait3A_205 : memref<1x!tpu.dma_semaphore, #tpu.memory_space<semaphore_mem>> -> memref<!tpu.dma_semaphore, #tpu.memory_space<semaphore_mem>>
    %dma_wait3A_207 = arith.constant 0 : i32
    %dma_wait3A_208 = arith.constant 0 : i32
    %dma_wait3A_209 = tpu.memref_slice %arg6[%add3A_188, %dma_wait3A_207, %dma_wait3A_208] : memref<16384x50x64xf32, #tpu.memory_space<hbm>> -> memref<1x50x64xf32, #tpu.memory_space<hbm>>
    %dma_wait3A_210 = tpu.memref_squeeze %dma_wait3A_209 : memref<1x50x64xf32, #tpu.memory_space<hbm>> -> memref<50x64xf32, #tpu.memory_space<hbm>>
    %dma_wait3A_211 = arith.constant 0 : i32
    %dma_wait3A_212 = arith.constant 0 : i32
    %dma_wait3A_213 = tpu.memref_slice %arg8[%dma_wait3A_195, %dma_wait3A_211, %dma_wait3A_212] : memref<2x200x64xf32, #tpu.memory_space<vmem>> -> memref<1x50x64xf32, #tpu.memory_space<vmem>>
    %dma_wait3A_214 = tpu.memref_squeeze %dma_wait3A_213 : memref<1x50x64xf32, #tpu.memory_space<vmem>> -> memref<50x64xf32, #tpu.memory_space<vmem>>
    tpu.wait_dma2 semaphore(%dma_wait3A_206 : memref<!tpu.dma_semaphore, #tpu.memory_space<semaphore_mem>>) src(%dma_wait3A_214 : memref<50x64xf32, #tpu.memory_space<vmem>>) dst(%dma_wait3A_210 : memref<50x64xf32, #tpu.memory_space<hbm>>)
    %dma_wait3A_215 = arith.constant 1 : i32
    %dma_wait3A_216 = arith.constant 1 : i32
    %dma_wait3A_217 = arith.constant 50 : i32
    %dma_wait3A_218 = arith.constant 0 : i32
    %dma_wait3A_219 = tpu.memref_slice %arg8[%dma_wait3A_215, %dma_wait3A_217, %dma_wait3A_218] : memref<2x200x64xf32, #tpu.memory_space<vmem>> -> memref<1x50x64xf32, #tpu.memory_space<vmem>>
    %dma_wait3A_220 = tpu.memref_squeeze %dma_wait3A_219 : memref<1x50x64xf32, #tpu.memory_space<vmem>> -> memref<50x64xf32, #tpu.memory_space<vmem>>
    %dma_wait3A_221 = arith.constant 0 : i32
    %dma_wait3A_222 = arith.constant 0 : i32
    %dma_wait3A_223 = tpu.memref_slice %arg6[%add3A_190, %dma_wait3A_221, %dma_wait3A_222] : memref<16384x50x64xf32, #tpu.memory_space<hbm>> -> memref<1x50x64xf32, #tpu.memory_space<hbm>>
    %dma_wait3A_224 = tpu.memref_squeeze %dma_wait3A_223 : memref<1x50x64xf32, #tpu.memory_space<hbm>> -> memref<50x64xf32, #tpu.memory_space<hbm>>
    %dma_wait3A_225 = tpu.memref_slice %arg12[%dma_wait3A_216] : memref<2x!tpu.dma_semaphore, #tpu.memory_space<semaphore_mem>> -> memref<1x!tpu.dma_semaphore, #tpu.memory_space<semaphore_mem>>
    %dma_wait3A_226 = tpu.memref_squeeze %dma_wait3A_225 : memref<1x!tpu.dma_semaphore, #tpu.memory_space<semaphore_mem>> -> memref<!tpu.dma_semaphore, #tpu.memory_space<semaphore_mem>>
    %dma_wait3A_227 = arith.constant 0 : i32
    %dma_wait3A_228 = arith.constant 0 : i32
    %dma_wait3A_229 = tpu.memref_slice %arg6[%add3A_190, %dma_wait3A_227, %dma_wait3A_228] : memref<16384x50x64xf32, #tpu.memory_space<hbm>> -> memref<1x50x64xf32, #tpu.memory_space<hbm>>
    %dma_wait3A_230 = tpu.memref_squeeze %dma_wait3A_229 : memref<1x50x64xf32, #tpu.memory_space<hbm>> -> memref<50x64xf32, #tpu.memory_space<hbm>>
    %dma_wait3A_231 = arith.constant 50 : i32
    %dma_wait3A_232 = arith.constant 0 : i32
    %dma_wait3A_233 = tpu.memref_slice %arg8[%dma_wait3A_215, %dma_wait3A_231, %dma_wait3A_232] : memref<2x200x64xf32, #tpu.memory_space<vmem>> -> memref<1x50x64xf32, #tpu.memory_space<vmem>>
    %dma_wait3A_234 = tpu.memref_squeeze %dma_wait3A_233 : memref<1x50x64xf32, #tpu.memory_space<vmem>> -> memref<50x64xf32, #tpu.memory_space<vmem>>
    tpu.wait_dma2 semaphore(%dma_wait3A_226 : memref<!tpu.dma_semaphore, #tpu.memory_space<semaphore_mem>>) src(%dma_wait3A_234 : memref<50x64xf32, #tpu.memory_space<vmem>>) dst(%dma_wait3A_230 : memref<50x64xf32, #tpu.memory_space<hbm>>)
    %dma_wait3A_235 = arith.constant 1 : i32
    %dma_wait3A_236 = arith.constant 1 : i32
    %dma_wait3A_237 = arith.constant 100 : i32
    %dma_wait3A_238 = arith.constant 0 : i32
    %dma_wait3A_239 = tpu.memref_slice %arg8[%dma_wait3A_235, %dma_wait3A_237, %dma_wait3A_238] : memref<2x200x64xf32, #tpu.memory_space<vmem>> -> memref<1x50x64xf32, #tpu.memory_space<vmem>>
    %dma_wait3A_240 = tpu.memref_squeeze %dma_wait3A_239 : memref<1x50x64xf32, #tpu.memory_space<vmem>> -> memref<50x64xf32, #tpu.memory_space<vmem>>
    %dma_wait3A_241 = arith.constant 0 : i32
    %dma_wait3A_242 = arith.constant 0 : i32
    %dma_wait3A_243 = tpu.memref_slice %arg6[%add3A_192, %dma_wait3A_241, %dma_wait3A_242] : memref<16384x50x64xf32, #tpu.memory_space<hbm>> -> memref<1x50x64xf32, #tpu.memory_space<hbm>>
    %dma_wait3A_244 = tpu.memref_squeeze %dma_wait3A_243 : memref<1x50x64xf32, #tpu.memory_space<hbm>> -> memref<50x64xf32, #tpu.memory_space<hbm>>
    %dma_wait3A_245 = tpu.memref_slice %arg12[%dma_wait3A_236] : memref<2x!tpu.dma_semaphore, #tpu.memory_space<semaphore_mem>> -> memref<1x!tpu.dma_semaphore, #tpu.memory_space<semaphore_mem>>
    %dma_wait3A_246 = tpu.memref_squeeze %dma_wait3A_245 : memref<1x!tpu.dma_semaphore, #tpu.memory_space<semaphore_mem>> -> memref<!tpu.dma_semaphore, #tpu.memory_space<semaphore_mem>>
    %dma_wait3A_247 = arith.constant 0 : i32
    %dma_wait3A_248 = arith.constant 0 : i32
    %dma_wait3A_249 = tpu.memref_slice %arg6[%add3A_192, %dma_wait3A_247, %dma_wait3A_248] : memref<16384x50x64xf32, #tpu.memory_space<hbm>> -> memref<1x50x64xf32, #tpu.memory_space<hbm>>
    %dma_wait3A_250 = tpu.memref_squeeze %dma_wait3A_249 : memref<1x50x64xf32, #tpu.memory_space<hbm>> -> memref<50x64xf32, #tpu.memory_space<hbm>>
    %dma_wait3A_251 = arith.constant 100 : i32
    %dma_wait3A_252 = arith.constant 0 : i32
    %dma_wait3A_253 = tpu.memref_slice %arg8[%dma_wait3A_235, %dma_wait3A_251, %dma_wait3A_252] : memref<2x200x64xf32, #tpu.memory_space<vmem>> -> memref<1x50x64xf32, #tpu.memory_space<vmem>>
    %dma_wait3A_254 = tpu.memref_squeeze %dma_wait3A_253 : memref<1x50x64xf32, #tpu.memory_space<vmem>> -> memref<50x64xf32, #tpu.memory_space<vmem>>
    tpu.wait_dma2 semaphore(%dma_wait3A_246 : memref<!tpu.dma_semaphore, #tpu.memory_space<semaphore_mem>>) src(%dma_wait3A_254 : memref<50x64xf32, #tpu.memory_space<vmem>>) dst(%dma_wait3A_250 : memref<50x64xf32, #tpu.memory_space<hbm>>)
    %dma_wait3A_255 = arith.constant 1 : i32
    %dma_wait3A_256 = arith.constant 1 : i32
    %dma_wait3A_257 = arith.constant 150 : i32
    %dma_wait3A_258 = arith.constant 0 : i32
    %dma_wait3A_259 = tpu.memref_slice %arg8[%dma_wait3A_255, %dma_wait3A_257, %dma_wait3A_258] : memref<2x200x64xf32, #tpu.memory_space<vmem>> -> memref<1x50x64xf32, #tpu.memory_space<vmem>>
    %dma_wait3A_260 = tpu.memref_squeeze %dma_wait3A_259 : memref<1x50x64xf32, #tpu.memory_space<vmem>> -> memref<50x64xf32, #tpu.memory_space<vmem>>
    %dma_wait3A_261 = arith.constant 0 : i32
    %dma_wait3A_262 = arith.constant 0 : i32
    %dma_wait3A_263 = tpu.memref_slice %arg6[%add3A_194, %dma_wait3A_261, %dma_wait3A_262] : memref<16384x50x64xf32, #tpu.memory_space<hbm>> -> memref<1x50x64xf32, #tpu.memory_space<hbm>>
    %dma_wait3A_264 = tpu.memref_squeeze %dma_wait3A_263 : memref<1x50x64xf32, #tpu.memory_space<hbm>> -> memref<50x64xf32, #tpu.memory_space<hbm>>
    %dma_wait3A_265 = tpu.memref_slice %arg12[%dma_wait3A_256] : memref<2x!tpu.dma_semaphore, #tpu.memory_space<semaphore_mem>> -> memref<1x!tpu.dma_semaphore, #tpu.memory_space<semaphore_mem>>
    %dma_wait3A_266 = tpu.memref_squeeze %dma_wait3A_265 : memref<1x!tpu.dma_semaphore, #tpu.memory_space<semaphore_mem>> -> memref<!tpu.dma_semaphore, #tpu.memory_space<semaphore_mem>>
    %dma_wait3A_267 = arith.constant 0 : i32
    %dma_wait3A_268 = arith.constant 0 : i32
    %dma_wait3A_269 = tpu.memref_slice %arg6[%add3A_194, %dma_wait3A_267, %dma_wait3A_268] : memref<16384x50x64xf32, #tpu.memory_space<hbm>> -> memref<1x50x64xf32, #tpu.memory_space<hbm>>
    %dma_wait3A_270 = tpu.memref_squeeze %dma_wait3A_269 : memref<1x50x64xf32, #tpu.memory_space<hbm>> -> memref<50x64xf32, #tpu.memory_space<hbm>>
    %dma_wait3A_271 = arith.constant 150 : i32
    %dma_wait3A_272 = arith.constant 0 : i32
    %dma_wait3A_273 = tpu.memref_slice %arg8[%dma_wait3A_255, %dma_wait3A_271, %dma_wait3A_272] : memref<2x200x64xf32, #tpu.memory_space<vmem>> -> memref<1x50x64xf32, #tpu.memory_space<vmem>>
    %dma_wait3A_274 = tpu.memref_squeeze %dma_wait3A_273 : memref<1x50x64xf32, #tpu.memory_space<vmem>> -> memref<50x64xf32, #tpu.memory_space<vmem>>
    tpu.wait_dma2 semaphore(%dma_wait3A_266 : memref<!tpu.dma_semaphore, #tpu.memory_space<semaphore_mem>>) src(%dma_wait3A_274 : memref<50x64xf32, #tpu.memory_space<vmem>>) dst(%dma_wait3A_270 : memref<50x64xf32, #tpu.memory_space<hbm>>)
    return
  }
}

</mosaic_0001>

<sc_bundles>
// kernel: _embed_ln.3.cloned.1.call-start
scs
__scs_entry_jumppad:
0x0: {  	(pc) =	sbr.rel $0x88, $3  }
0x1: {  	(tag) =	ssettag $0x0;
	lr =	simm.s32 $0x1  }
0x2: {  	[smem:$0x3F9D] =	sst lr;
	_ =	strace $0xD0000000  }
0x3: {  	_ = 	snop  }
0x4: {  	_ = 	snop  }
0x5: {  	_ = 	snop  }
0x6: {  	_ = 	snop  }
0x7: {  	_ = 	snop  }
__scs_overlays_trampoline_lowered:
0x8: {  	[smem:$0x3FAC] =	sst s0  }
0x9: {  	[smem:$0x3FAD] =	sst s1  }
0xa: {  	[smem:$0x3FAE] =	sst s2  }
0xb: {  	[smem:$0x3FAF] =	sst s3  }
0xc: {  	[smem:$0x3FB0] =	sst s4  }
0xd: {  	[smem:$0x3FB1] =	sst s5  }
0xe: {  	[smem:$0x3FB2] =	sst s6  }
0xf: {  	[smem:$0x3FB3] =	sst s7  }
0x10: {  	[smem:$0x3FB4] =	sst s8  }
0x11: {  	[smem:$0x3FB5] =	sst s9;
	s0 =	simm.s32 @!p0 $0x0  }
0x12: {  	s1 =	sld [smem:$0x3F9B];
	s0 =	simm.s32 @p0 $0x1  }
0x13: {  	[smem:$0x3FB6] =	sst s0;
	s0 =	simm.s32 @!p1 $0x0  }
0x14: {  	s2 =	sld [smem:$0x3F9A];
	s0 =	simm.s32 @p1 $0x1  }
0x15: {  	[smem:$0x3FB7] =	sst s0;
	s0 =	simm.s32 @!p2 $0x0  }
0x16: {  	s3 =	sld [smem:$0x3FDB];
	s0 =	simm.s32 @p2 $0x1  }
0x17: {  	s4 =	simm.s32 $0x1BF5;
	[smem:$0x3FB9] =	sst s0  }
0x18: {  	s0 =	sld [smem:$0x3F9C];
	_ =	swait.ge [sflag:s4], $0x0  }
0x19: {  	s7 =	sld [smem:$0x3F9D]  }
0x1a: {  	s8 =	sadd.s32 $0xFFFFE003, lr  }
0x1b: {  	s9 =	sadd.s32 $0xFFFFFEF7, lr;
	s5 =	simm.s32 $0xFFFFFFFF;
	p2 =	slt.u32 s8, $0xFFFFF086  }
0x1c: {  	p1 =	slt.u32 s9, $0xF7A;
	s5 =	simm.s32 @!p2 $0x0  }
0x1d: {  	s5 =	simm.s32 @p1 $0x1;
	p0 =	seq.s32 s7, s2  }
0x1e: {  	s7 =	smul.u32 @!p0 $0xF7A, s2;
	p2 =	seq.s32 @!p0 s5, $0x0  }
0x1f: {  	s9 =	smul.u32 $0xF7A, s1;
	s8 =	simm.s32 @!p0 $0x1BF5;
	p2 =	por !p2, p0  }
0x20: {  	[sflag:s8] =	ssyncset.s32 @!p0 $0xFFFFF086;
	s6 =	sadd.s32 @!p0 s3, s7;
	s7 =	simm.s32 @!p0 $0x108  }
0x21: {  	s3 =	sadd.s32 s3, s9;
	s6 =	sadd.s32 @!p0 $0x88, s6;
	s7 =	simm.s32 @p2 $0x1082  }
0x22: {  	[simem:s7], [sflag:s8] =	dma.local @!p0 [hbm:s6], $0xF7A  }
0x23: {  	s9 =	sor.u32 $0xD0000000, s2;
	s6 =	simm.s32 $0x108;
	_ =	swait.ge @!p0 [sflag:s8], $0x0  }
0x24: {  	s3 =	sadd.s32 $0x88, s3;
	s6 =	simm.s32 @!p1 $0x1082;
	[sflag:s4] =	ssyncset.s32 $0xFFFFF086  }
0x25: {  	[simem:s6], [sflag:s4] =	dma.local [hbm:s3], $0xF7A  }
0x26: {  	[smem:$0x3F9D] =	sst s1;
	(tag) =	ssettag s2;
	_ =	strace s9  }
0x27: {  	s1 =	sld [smem:$0x3FAD]  }
0x28: {  	s2 =	sld [smem:$0x3FAE]  }
0x29: {  	s4 =	sld [smem:$0x3FB0]  }
0x2a: {  	p0 =	seq.s32 s5, $0x0;
	s5 =	sld [smem:$0x3FB1]  }
0x2b: {  	s6 =	sld [smem:$0x3FB2]  }
0x2c: {  	s7 =	sld [smem:$0x3FB3]  }
0x2d: {  	s3 =	simm.s32 $0x108;
	s8 =	sld [smem:$0x3FB4]  }
0x2e: {  	s3 =	simm.s32 @!p0 $0x1082;
	s9 =	sld [smem:$0x3FB5]  }
0x2f: {  	lr =	sadd.s32 s0, s3;
	s0 =	sld [smem:$0x3FAC]  }
0x30: {  	s3 =	sld [smem:$0x3FAF]  }
0x31: {  	[smem:$0x3FB8] =	sst s10  }
0x32: {  	s10 =	sld [smem:$0x3FB6];
	_ =	sdelay $0x3  }
0x33: {  	p0 =	seq.s32 s10, $0x1;
	s10 =	sld [smem:$0x3FB8];
	_ =	sdelay $0x3  }
0x34: {  	[smem:$0x3FB8] =	sst s10  }
0x35: {  	s10 =	sld [smem:$0x3FB7];
	_ =	sdelay $0x3  }
0x36: {  	p1 =	seq.s32 s10, $0x1;
	s10 =	sld [smem:$0x3FB8];
	_ =	sdelay $0x3  }
0x37: {  	[smem:$0x3FB8] =	sst s10  }
0x38: {  	s10 =	sld [smem:$0x3FB9]  }
0x39: {  	_ = 	snop;
	(pc) =	sbr.ind lr, $3  }
0x3a: {  	_ = 	snop  }
0x3b: {  	_ = 	snop  }
0x3c: {  	p2 =	seq.s32 s10, $0x1;
	s10 =	sld [smem:$0x3FB8]  }
0x3d: {  	_ =	shalt  }
0x3e: {  	_ =	shalt  }
0x3f: {  	_ =	shalt  }
0x40: {  	_ =	shalt  }
0x41: {  	_ =	shalt  }
0x42: {  	_ =	shalt  }
0x43: {  	_ =	shalt  }
0x44: {  	_ =	shalt  }
0x45: {  	_ =	shalt  }
0x46: {  	_ =	shalt  }
0x47: {  	_ =	shalt  }
0x48: {  	_ =	shalt  }
0x49: {  	_ =	shalt  }
0x4a: {  	_ =	shalt  }
0x4b: {  	_ =	shalt  }
0x4c: {  	_ =	shalt  }
0x4d: {  	_ =	shalt  }
0x4e: {  	_ =	shalt  }
0x4f: {  	_ =	shalt  }
0x50: {  	_ =	shalt  }
0x51: {  	_ =	shalt  }
0x52: {  	_ =	shalt  }
0x53: {  	_ =	shalt  }
0x54: {  	_ =	shalt  }
0x55: {  	_ =	shalt  }
0x56: {  	_ =	shalt  }
0x57: {  	_ =	shalt  }
0x58: {  	_ =	shalt  }
0x59: {  	_ =	shalt  }
0x5a: {  	_ =	shalt  }
0x5b: {  	_ =	shalt  }
0x5c: {  	_ =	shalt  }
0x5d: {  	_ =	shalt  }
0x5e: {  	_ =	shalt  }
0x5f: {  	_ =	shalt  }
0x60: {  	_ =	shalt  }
0x61: {  	_ =	shalt  }
0x62: {  	_ =	shalt  }
0x63: {  	_ =	shalt  }
0x64: {  	_ =	shalt  }
0x65: {  	_ =	shalt  }
0x66: {  	_ =	shalt  }
0x67: {  	_ =	shalt  }
0x68: {  	_ =	shalt  }
0x69: {  	_ =	shalt  }
0x6a: {  	_ =	shalt  }
0x6b: {  	_ =	shalt  }
0x6c: {  	_ =	shalt  }
0x6d: {  	_ =	shalt  }
0x6e: {  	_ =	shalt  }
0x6f: {  	_ =	shalt  }
0x70: {  	_ =	shalt  }
0x71: {  	_ =	shalt  }
0x72: {  	_ =	shalt  }
0x73: {  	_ =	shalt  }
0x74: {  	_ =	shalt  }
0x75: {  	_ =	shalt  }
0x76: {  	_ =	shalt  }
0x77: {  	_ =	shalt  }
0x78: {  	_ =	shalt  }
0x79: {  	_ =	shalt  }
0x7a: {  	_ =	shalt  }
0x7b: {  	_ =	shalt  }
0x7c: {  	_ =	shalt  }
0x7d: {  	_ =	shalt  }
0x7e: {  	_ =	shalt  }
0x7f: {  	_ =	shalt  }
0x80: {  	_ =	shalt  }
0x81: {  	_ =	shalt  }
0x82: {  	_ =	shalt  }
0x83: {  	_ =	shalt  }
0x84: {  	_ =	shalt  }
0x85: {  	_ =	shalt  }
0x86: {  	_ =	shalt  }
0x87: {  	_ =	shalt  }
.Lfunc_end0:
.L_simem_size_0:
called_computation.1_lowered:
.L_overlay_start_0:
0x88: {  	s2 =	sld [smem:$0x3FD9]  }
0x89: {  	s3 =	sld [smem:$0x3FFE];
	_ =	sdelay $0x1  }
0x8a: {  	s1 =	srdreg.scid  }
0x8b: {  	s0 =	sand.u32 $0x1, s1  }
0x8c: {  	s17 =	sshll.u32 s0, $0xA;
	s2 =	sadd.s32 s3, s2  }
0x8d: {  	s2 =	sadd.s32 s2, s17  }
0x8e: {  	[smem:$0x3FC4] =	sst s2  }
0x8f: {  	_ = 	snop  }
0x90: {  	s2 =	sld [smem:$0x3FC8]  }
0x91: {  	s18 =	sld [smem:$0x3FC7]  }
0x92: {  	s4 =	sld [smem:$0x3FC6]  }
0x93: {  	s5 =	sld [smem:$0x3FD0];
	(tm) =	ssettm $0x1  }
0x94: {  	s6 =	sld [smem:$0x3FFB];
	_ =	sdelay $0x3  }
0x95: {  	_ =	strace s6  }
0x96: {  	s6 =	sld [smem:$0x3FFC];
	_ =	sdelay $0x3  }
0x97: {  	_ =	strace s6  }
0x98: {  	s6 =	sld [smem:$0x3FFD];
	_ =	sdelay $0x3  }
0x99: {  	_ =	strace s6  }
0x9a: {  	_ =	strace $0x8FFFFFFF  }
0x9b: {  	s19 =	sld [smem:$0x3FDB];
	_ =	sdelay $0x1  }
0x9c: {  	s7 =	simm.s32 $_scs_section_size  }
0x9d: {  	s8 =	simm.s32 $_size__tile_overlayer_lowered;
	s9 =	simm.s32 $_tile_overlayer_lowered  }
0x9e: {  	s22 =	simm.s32 $0x1BFF;
	s21 =	sshll.u32 s9, $0x1;
	s6 =	sadd.s32 s7, s19  }
0x9f: {  	s10 =	simm.s32 $0x0;
	s20 =	sshll.u32 s8, $0x1;
	s8 =	sadd.s32 s21, s6  }
0xa0: {  	[timem:s10], [sflag:s22] =	dma.local [hbm:s8], s20  }
0xa1: {  	_ =	swait.ge [sflag:s22], s20  }
0xa2: {  	s7 =	ssub.s32 $0x0, s20;
	[sflag:s22] =	ssyncset.done $0x0  }
0xa3: {  	[sflag:s22] =	ssyncadd.s32 s7;
	_ =	sdelay $0x1  }
0xa4: {  	s23 =	simm.s32 $0x1B8B  }
0xa5: {  	_ =	swait.ge [sflag:s23], $0x1  }
0xa6: {  	[sflag:s23] =	ssyncset.done $0x0  }
0xa7: {  	s25 =	simm.s32 $0x1B8E;
	s24 =	sld [smem:$0x3FFE];
	[sflag:s23] =	ssyncadd.s32 $0xFFFFFFFF  }
0xa8: {  	s26 =	simm.s32 $execute0_lowered;
	[smem:$0x3FD2] =	sst s25  }
0xa9: {  	s8 =	sshll.u32 s26, $0x1;
	_ =	strace $0x80000046;
	[dreg:$0x1] =	wrdreg $0xFFFFFFFF  }
0xaa: {  	s28 =	simm.s32 $_size_execute0_lowered;
	s6 =	sadd.s32 s6, s8;
	[dreg:$0x0] =	wrdreg $0x0  }
0xab: {  	s8 =	sshll.u32 s28, $0x1;
	[dreg:$0x2] =	wrdreg s6  }
0xac: {  	[dreg:$0x3] =	wrdreg s8  }
0xad: {  	[dreg:$0x4] =	wrdreg $0xC0  }
0xae: {  	_ =	task [dreg:s10], $0x5FFFF  }
0xaf: {  	[dreg:$0x1] =	wrdreg $0xFFFFFFFF  }
0xb0: {  	[dreg:$0x0] =	wrdreg $0x60  }
0xb1: {  	[dreg:$0x2] =	wrdreg s24  }
0xb2: {  	[dreg:$0x3] =	wrdreg s2  }
0xb3: {  	[dreg:$0x4] =	wrdreg s18  }
0xb4: {  	[dreg:$0x5] =	wrdreg s4  }
0xb5: {  	[dreg:$0x6] =	wrdreg s5  }
0xb6: {  	[dreg:$0x7] =	wrdreg $0x9  }
0xb7: {  	_ =	task.clear_ibuf [dreg:s10], $0x8FFFF;
	_ =	strace $0x90000046  }
0xb8: {  	s29 =	simm.s32 $0x9;
	_ =	strace $0x80000048  }
0xb9: {  	_ =	swait.ge [sflag:s29], $0x1  }
0xba: {  	[sflag:s29] =	ssyncadd.s32 $0xFFFFFFFF  }
0xbb: {  	_ =	strace $0x90000048  }
0xbc: {  	_ =	sfence  }
0xbd: {  	s30 =	sld [smem:$0x0];
	_ =	sdelay $0x2  }
0xbe: {  	s31 =	sshll.u32 s1, $0xD;
	s1 =	sshrl.u32 s1, $0x2  }
0xbf: {  	s3 =	sand.u32 $0x4000, s31;
	s1 =	sadd.s32 s1, s30  }
0xc0: {  	s0 =	sor.u32 s3, s0;
	s1 =	sshll.u32 s1, $0x11  }
0xc1: {  	s0 =	sor.u32 s1, s0  }
0xc2: {  	s0 =	sadd.s32 $0x8F2B, s0  }
0xc3: {  	[sflag:s0] =	ssyncadd.remote.s32 $0x1  }
0xc4: {  	_ =	sfence.sel $0xFFFF  }
0xc5: {  	[dreg:$0x0] =	wrdreg $0xFFFFFFFF;
	(pc) =	sbr.abs _section_cstart, $3  }
0xc6: {  	[dreg:$0x1] =	wrdreg $0xFFFFFFFF  }
0xc7: {  	_ =	task.clear_ibuf [dreg:s10], $0x2FFFF;
	_ =	strace $0x9FFFFFFF  }
0xc8: {  	(tm) =	ssettm $0x7FFFFFFF  }
0xc9: {  	_ =	shalt  }
tec
execute0_lowered:
.L_overlay_start_1:
0x0: {  	(tag) =	ssettag $0x1  }
0x1: {  	s0 =	rddreg [dreg:$0x0]  }
0x2: {  	s5 =	rddreg [dreg:$0x1]  }
0x3: {  	s1 =	rddreg [dreg:$0x2];
	s3 =	srdreg.scid;
	v0 =	vimm.s32 $0xFEDCBA98;
	v1 =	vimm.s32 $0x76543210  }
0x4: {  	s4 =	stileid.u32;
	s2 =	rddreg [dreg:$0x3];
	v2 =	vimm.s32 $0xBA98FEDC;
	v3 =	vimm.s32 $0x32107654;
	v4 =	vimm.s32 $0xDCFE98BA;
	s11 =	simm.s32 $0x5  }
0x5: {  	v5 =	vimm.s32 $0x54761032;
	s12 =	simm.s32 $0xC800;
	s13 =	simm.s32 $0xC840;
	s14 =	simm.s32 $0xC8  }
0x6: {  	v6 =	vimm.s32 $0xEFCDAB89;
	v7 =	vimm.s32 $0x67452301;
	s15 =	simm.s32 $0x6400;
	s16 =	simm.s32 $0x9600;
	s17 =	simm.s32 $0x1  }
0x7: {  	s18 =	simm.s32 $0x7080;
	s19 =	simm.s32 $0x7D00;
	s20 =	simm.s32 $0x8980;
	v0 =	vunpack.c.l.s4.s8 v0;
	v1 =	vunpack.c.l.s4.s8 v1;
	v2 =	vunpack.c.l.s4.s8 v2  }
0x8: {  	s21 =	simm.s32 $0x2;
	s22 =	simm.s32 $0xA280;
	s23 =	simm.s32 $0xAF00;
	v3 =	vunpack.c.l.s4.s8 v3;
	v4 =	vunpack.c.l.s4.s8 v4;
	v5 =	vunpack.c.l.s4.s8 v5  }
0x9: {  	s24 =	simm.s32 $0xBB80;
	s25 =	simm.s32 $0x3;
	s26 =	simm.s32 $0x4;
	v6 =	vunpack.c.l.s4.s8 v6;
	v7 =	vunpack.c.l.s4.s8 v7;
	v0 =	vunpack.c.0.s8.s32 v0  }
0xa: {  	s28 =	simm.s32 $0x0;
	s8 =	sand.u32 $0x1, s3;
	s6 =	sshll.u32 s4, $0x1;
	v2 =	vunpack.c.0.s8.s32 v2;
	v3 =	vunpack.c.0.s8.s32 v3;
	v4 =	vunpack.c.0.s8.s32 v4  }
.Ltmp0:
0xb: {  	s3 =	rddreg [dreg:$0x4];
	s6 =	sor.u32 s8, s6;
	v5 =	vunpack.c.0.s8.s32 v5;
	v6 =	vunpack.c.0.s8.s32 v6;
	v7 =	vunpack.c.0.s8.s32 v7;
	(pc) =	sbr.rel .LBB2_1-.Ltmp0, $4  }
0xc: {  	s4 =	simm.s32 $0x0;
	s31 =	ssub.s32 $0x2, s8;
	s6 =	smul.u32 $0x6400, s6;
	v1 =	vunpack.c.0.s8.s32 v1;
	v2 =	vcombine.low v3, v2  }
0xd: {  	s7 =	sadd.s32 $0xF42C00, s0;
	[smem:$0x7FF] =	sst s4;
	s8 =	sshrl.u32 s31, $0x1;
	v3 =	vcombine.low v5, v4;
	v4 =	vcombine.low v7, v6;
	v0 =	vand.u32 $0xF, v0  }
0xe: {  	_ =	strace $0x80000047;
	s0 =	ssub.s32 s31, s8;
	s9 =	sshrl.u32 s6, $0x3;
	v0 =	vcombine.low v0, v1  }
0xf: {  	s10 =	smax.u32 s0, $0x1;
	s8 =	sadd.s32 s5, s9;
	s9 =	sor.u32 $0xC8, s6;
	v1 =	vand.u32 $0xF, v2;
	v2 =	vand.u32 $0xF, v3;
	v3 =	vand.u32 $0xF, v4  }
.LBB2_8:
0x10: {  	_ =	swait.ge [sflag:s25], $0xC80  }
0x11: {  	[sflag:s25] =	ssyncset.done $0x0  }
0x12: {  	[sflag:s25] =	ssyncadd.s32 $0xFFFFF380  }
0x13: {  	_ =	swait.ge [sflag:s25], $0xC80  }
0x14: {  	[sflag:s25] =	ssyncset.done $0x0  }
0x15: {  	[sflag:s25] =	ssyncadd.s32 $0xFFFFF380  }
0x16: {  	_ =	swait.ge [sflag:s25], $0xC80  }
0x17: {  	[sflag:s25] =	ssyncset.done $0x0  }
0x18: {  	[sflag:s25] =	ssyncadd.s32 $0xFFFFF380  }
0x19: {  	_ =	swait.ge [sflag:s25], $0xC80  }
0x1a: {  	[sflag:s25] =	ssyncset.done $0x0  }
0x1b: {  	[sflag:s25] =	ssyncadd.s32 $0xFFFFF380  }
0x1c: {  	_ =	swait.ge [sflag:s26], $0xC80  }
0x1d: {  	[sflag:s26] =	ssyncset.done $0x0  }
0x1e: {  	[sflag:s26] =	ssyncadd.s32 $0xFFFFF380  }
0x1f: {  	_ =	swait.ge [sflag:s26], $0xC80  }
0x20: {  	[sflag:s26] =	ssyncset.done $0x0  }
0x21: {  	s28 =	sadd.s32 $0x1, s28;
	[sflag:s26] =	ssyncadd.s32 $0xFFFFF380  }
0x22: {  	p0 =	sne.s32 s28, s10;
	_ =	swait.ge [sflag:s26], $0xC80  }
.Ltmp1:
0x23: {  	[sflag:s26] =	ssyncset.done $0x0;
	(pc) =	sbr.rel @!p0 .LBB2_9-.Ltmp1, $4  }
0x24: {  	[sflag:s26] =	ssyncadd.s32 $0xFFFFF380  }
0x25: {  	_ =	swait.ge [sflag:s26], $0xC80  }
0x26: {  	[sflag:s26] =	ssyncset.done $0x0  }
0x27: {  	[sflag:s26] =	ssyncadd.s32 $0xFFFFF380  }
.LBB2_1:
0x28: {  	[tilespmem:s4], [sflag:$0x5] =	stream.linear.gather [hbm4b:s8+s4], $0x6400, $0x38;
	[tilespmem:$0xC880] =	vst v63  }
0x29: {  	_ =	swait.ge [sflag:s11], $0x6400  }
0x2a: {  	[sflag:s11] =	ssyncset.done $0x0  }
0x2b: {  	[sflag:s11] =	ssyncadd.s32 $0xFFFF9C00  }
0x2c: {  	[tilespmem:s12], [sflag:$0x5] =	stream.linear.gather [hbm4b:s1+s4], $0x40, $0x38;
	[tilespmem:$0xC880] =	vst v63  }
0x2d: {  	_ =	swait.ge [sflag:s11], $0x40  }
0x2e: {  	[sflag:s11] =	ssyncset.done $0x0  }
0x2f: {  	[sflag:s11] =	ssyncadd.s32 $0xFFFFFFC0  }
0x30: {  	[tilespmem:s13], [sflag:$0x5] =	stream.linear.gather [hbm4b:s2+s4], $0x40, $0x38;
	[tilespmem:$0xC880] =	vst v63  }
0x31: {  	_ =	swait.ge [sflag:s11], $0x40  }
0x32: {  	[sflag:s11] =	ssyncset.done $0x0  }
0x33: {  	[sflag:s11] =	ssyncadd.s32 $0xFFFFFFC0  }
0x34: {  	v4 =	vld [tilespmem:$0xC800]  }
0x35: {  	v5 =	vld [tilespmem:$0xC810]  }
0x36: {  	v6 =	vld [tilespmem:$0xC820]  }
0x37: {  	v7 =	vld [tilespmem:$0xC830]  }
0x38: {  	v8 =	vld [tilespmem:$0xC840]  }
0x39: {  	v9 =	vld [tilespmem:$0xC850]  }
0x3a: {  	v11 =	vld [tilespmem:$0xC870]  }
0x3b: {  	v10 =	vld [tilespmem:$0xC860];
	[tilespmem:s15], [sflag:$0x1] =	stream.indirect.gather [hbm4b:s7+s14], $0x40, s4, s14, $0xb8  }
0x3c: {  	s29 =	simm.s32 $0x0  }
0x3d: {  	[tilespmem:s16], [sflag:$0x2] =	stream.indirect.gather [hbm4b:s7+s14], $0x40, s14, s14, $0xb8;
	[tilespmem:$0xC880] =	vst v63  }
.LBB2_2:
0x3e: {  	_ =	swait.ge [sflag:s17], $0x3200  }
0x3f: {  	[sflag:s17] =	ssyncset.done $0x0  }
0x40: {  	s31 =	simm.s32 $0x0;
	[sflag:s17] =	ssyncadd.s32 $0xFFFFCE00  }
0x41: {  	v18 =	vld [tilespmem:s31+$0x6490]  }
0x42: {  	v23 =	vld [tilespmem:s31+$0x64A0]  }
0x43: {  	v20 =	vld [tilespmem:s31+$0x6480]  }
0x44: {  	v26 =	vld [tilespmem:s31+$0x64B0]  }
0x45: {  	v27 =	vld [tilespmem:s31+$0x6450]  }
0x46: {  	v14 =	vld [tilespmem:s31+$0x6410]  }
0x47: {  	v15 =	vld [tilespmem:s31+$0x6400]  }
0x48: {  	v16 =	vld [tilespmem:s31+$0x6470]  }
0x49: {  	v25 =	vld [tilespmem:s31+$0x6440]  }
0x4a: {  	v17 =	vld [tilespmem:s31+$0x6460]  }
0x4b: {  	v13 =	vld [tilespmem:s31+$0x6430]  }
0x4c: {  	v12 =	vld [tilespmem:s31+$0x6420]  }
0x4d: {  	v21 =	vld [tilespmem:s31+$0x64D0];
	v19 =	vmul.f32 v20, v20  }
0x4e: {  	v22 =	vld [tilespmem:s31+$0x64C0];
	v24 =	vmul.f32 v23, v23;
	v28 =	vmul.f32 v14, v14  }
0x4f: {  	v29 =	vmul.f32 v15, v15;
	v30 =	vmul.f32 v27, v27;
	v31 =	vadd.f32 v26, v23  }
0x50: {  	v32 =	vmul.f32 v26, v26;
	v33 =	vadd.f32 v18, v20;
	v34 =	vmul.f32 v18, v18  }
0x51: {  	v35 =	vadd.f32 v27, v25;
	v36 =	vmul.f32 v25, v25;
	v37 =	vadd.f32 v14, v15  }
0x52: {  	v63 =	vmul.f32 v12, v12;
	v38 =	vadd.f32 v16, v17;
	v40 =	vadd.f32 v13, v12  }
0x53: {  	v39 =	vmul.f32 v16, v16;
	v42 =	vadd.f32 v21, v22;
	v32 =	vadd.f32 v32, v24  }
0x54: {  	v41 =	vmul.f32 v17, v17;
	v34 =	vadd.f32 v34, v19;
	v28 =	vadd.f32 v28, v29  }
0x55: {  	v29 =	vmul.f32 v13, v13;
	v30 =	vadd.f32 v30, v36;
	v31 =	vadd.f32 v31, v33  }
0x56: {  	v43 =	vmul.f32 v21, v21;
	v24 =	vld [tilespmem:s31+$0x64F0];
	v45 =	vadd.f32 v40, v37;
	v46 =	vadd.f32 v39, v41  }
0x57: {  	v49 =	vmul.f32 v22, v22;
	v19 =	vld [tilespmem:s31+$0x64E0];
	v35 =	vadd.f32 v38, v35;
	v29 =	vadd.f32 v29, v63  }
0x58: {  	v48 =	vperm.xlane v31, v0;
	v30 =	vadd.f32 v46, v30;
	v50 =	vperm.xlane v45, v0  }
0x59: {  	v55 =	vperm.xlane v35, v0;
	v28 =	vadd.f32 v29, v28;
	v29 =	vadd.f32 v32, v34  }
0x5a: {  	v31 =	vadd.f32 v31, v48;
	v53 =	vperm.xlane v30, v0;
	v36 =	vadd.f32 v45, v50  }
0x5b: {  	v32 =	vadd.f32 v35, v55;
	v34 =	vadd.f32 v43, v49;
	v44 =	vmul.f32 v24, v24  }
0x5c: {  	v47 =	vmul.f32 v19, v19;
	v56 =	vadd.f32 v24, v19;
	v51 =	vperm.xlane v29, v0  }
0x5d: {  	v52 =	vperm.xlane v28, v0;
	v54 =	vperm.xlane v31, v1;
	v30 =	vadd.f32 v53, v30  }
0x5e: {  	v59 =	vperm.xlane v36, v1;
	v33 =	vadd.f32 v44, v47;
	v38 =	vadd.f32 v56, v42  }
0x5f: {  	v61 =	vperm.xlane v32, v1;
	v29 =	vadd.f32 v51, v29;
	v28 =	vadd.f32 v52, v28  }
0x60: {  	v31 =	vadd.f32 v31, v54;
	v58 =	vperm.xlane v30, v1;
	v36 =	vadd.f32 v36, v59  }
0x61: {  	v32 =	vadd.f32 v32, v61;
	v62 =	vperm.xlane v38, v0;
	v57 =	vperm.xlane v29, v1  }
0x62: {  	v33 =	vadd.f32 v33, v34;
	v60 =	vperm.xlane v31, v2;
	v45 =	vperm.xlane v36, v2  }
0x63: {  	v30 =	vadd.f32 v58, v30;
	v46 =	vperm.xlane v32, v2;
	v51 =	vperm.xlane v28, v1  }
0x64: {  	v35 =	vadd.f32 v38, v62;
	v52 =	vperm.xlane v33, v0;
	v29 =	vadd.f32 v57, v29  }
0x65: {  	v31 =	vadd.f32 v31, v60;
	v44 =	vperm.xlane v30, v2;
	v36 =	vadd.f32 v36, v45  }
0x66: {  	v32 =	vadd.f32 v32, v46;
	v28 =	vadd.f32 v51, v28;
	v47 =	vperm.xlane v35, v1  }
0x67: {  	v33 =	vadd.f32 v52, v33;
	v63 =	vperm.xlane v29, v2;
	v40 =	vperm.xlane v31, v3  }
0x68: {  	v30 =	vadd.f32 v44, v30;
	v50 =	vperm.xlane v36, v3;
	v53 =	vperm.xlane v32, v3  }
0x69: {  	v57 =	vperm.xlane v28, v2;
	v35 =	vadd.f32 v35, v47;
	v29 =	vadd.f32 v63, v29  }
0x6a: {  	v56 =	vperm.xlane v33, v1;
	v49 =	vperm.xlane v30, v3;
	v31 =	vadd.f32 v31, v40  }
0x6b: {  	v36 =	vadd.f32 v36, v50;
	v32 =	vadd.f32 v32, v53;
	v48 =	vperm.xlane v29, v3  }
0x6c: {  	v28 =	vadd.f32 v57, v28;
	v58 =	vperm.xlane v35, v2;
	v30 =	vadd.f32 v49, v30  }
0x6d: {  	v31 =	vmul.f32 $1.562500000e-02, v31;
	v36 =	vmul.f32 $1.562500000e-02, v36;
	v29 =	vadd.f32 v48, v29  }
0x6e: {  	v33 =	vadd.f32 v56, v33;
	v32 =	vmul.f32 $1.562500000e-02, v32;
	v30 =	vmul.f32 $1.562500000e-02, v30  }
0x6f: {  	v45 =	vperm.xlane v28, v3;
	v34 =	vadd.f32 v35, v58;
	v29 =	vmul.f32 $1.562500000e-02, v29  }
0x70: {  	v26 =	vsub.f32 v26, v31;
	v59 =	vmul.f32 v32, v32;
	v30 =	vadd.f32 $9.999999740e-06, v30  }
0x71: {  	v54 =	vmul.f32 v31, v31;
	v28 =	vadd.f32 v45, v28;
	v29 =	vadd.f32 $9.999999740e-06, v29  }
0x72: {  	v63 =	vperm.xlane v33, v2;
	v51 =	vsub.f32 v25, v32;
	v30 =	vsub.f32 v30, v59  }
0x73: {  	v55 =	vmul.f32 v36, v36;
	v23 =	vsub.f32 v23, v31;
	v29 =	vsub.f32 v29, v54  }
0x74: {  	v46 =	vperm.xlane v34, v3;
	v33 =	vadd.f32 v63, v33;
	v47 =	vshra.s32 v30, $0x1  }
0x75: {  	v30 =	vmul.f32 $5.000000000e-01, v30;
	v60 =	vshra.s32 v29, $0x1;
	v29 =	vmul.f32 $5.000000000e-01, v29  }
0x76: {  	v28 =	vmul.f32 $1.562500000e-02, v28;
	v48 =	vsub.s32 $0x5F3759DF, v47;
	v61 =	vsub.s32 $0x5F3759DF, v60  }
0x77: {  	v20 =	vsub.f32 v20, v31;
	v50 =	vmul.f32 v48, v30;
	v62 =	vmul.f32 v61, v29  }
0x78: {  	v31 =	vsub.f32 v18, v31;
	v49 =	vperm.xlane v33, v3;
	v28 =	vadd.f32 $9.999999740e-06, v28  }
0x79: {  	v34 =	vadd.f32 v34, v46;
	v52 =	vmul.f32 v48, v50;
	v35 =	vmul.f32 v61, v62  }
0x7a: {  	v33 =	vadd.f32 v49, v33;
	v28 =	vsub.f32 v28, v55  }
0x7b: {  	v53 =	vsub.f32 $1.500000000e+00, v52;
	v35 =	vsub.f32 $1.500000000e+00, v35  }
0x7c: {  	v18 =	vmul.f32 $1.562500000e-02, v33;
	v54 =	vshra.s32 v28, $0x1;
	v38 =	vmul.f32 $5.000000000e-01, v28  }
0x7d: {  	v33 =	vmul.f32 v48, v53;
	v25 =	vmul.f32 v61, v35;
	v35 =	vsub.s32 $0x5F3759DF, v54  }
0x7e: {  	v34 =	vmul.f32 $1.562500000e-02, v34;
	v56 =	vmul.f32 v35, v38  }
0x7f: {  	v30 =	vmul.f32 v33, v30;
	v29 =	vmul.f32 v25, v29  }
0x80: {  	v28 =	vsub.f32 v21, v34;
	v21 =	vmul.f32 v35, v56  }
0x81: {  	v30 =	vmul.f32 v30, v33;
	v29 =	vmul.f32 v29, v25  }
0x82: {  	v55 =	vmul.f32 v34, v34;
	v18 =	vadd.f32 $9.999999740e-06, v18;
	v57 =	vsub.f32 $1.500000000e+00, v21  }
0x83: {  	v21 =	vsub.f32 $1.500000000e+00, v30;
	v29 =	vsub.f32 $1.500000000e+00, v29  }
0x84: {  	v27 =	vsub.f32 v27, v32;
	v18 =	vsub.f32 v18, v55  }
0x85: {  	v16 =	vsub.f32 v16, v32;
	v21 =	vmul.f32 v21, v33;
	v29 =	vmul.f32 v29, v25  }
0x86: {  	v59 =	vsub.f32 v17, v32;
	v25 =	vshra.s32 v18, $0x1;
	v18 =	vmul.f32 $5.000000000e-01, v18  }
0x87: {  	v30 =	vsub.s32 $0x5F3759DF, v25;
	v27 =	vmul.f32 v21, v27;
	v25 =	vmul.f32 v29, v23  }
0x88: {  	v58 =	vmul.f32 v30, v18;
	v23 =	vsub.f32 v19, v34;
	v17 =	vmul.f32 v29, v31  }
0x89: {  	v31 =	vmul.f32 v35, v57;
	v19 =	vsub.f32 v15, v36;
	v15 =	vmul.f32 v29, v20  }
0x8a: {  	v12 =	vsub.f32 v12, v36;
	v25 =	vmul.f32 v25, v6;
	v17 =	vmul.f32 v17, v5  }
0x8b: {  	v22 =	vsub.f32 v22, v34;
	v20 =	vmul.f32 v31, v38;
	v15 =	vmul.f32 v15, v4  }
0x8c: {  	v62 =	vmul.f32 v30, v58;
	v60 =	vadd.f32 v25, v10;
	v61 =	vadd.f32 v17, v9  }
0x8d: {  	v20 =	vmul.f32 v20, v31;
	v25 =	vsub.f32 v14, v36;
	v14 =	vmul.f32 v27, v5  }
0x8e: {  	v17 =	vmul.f32 v21, v51;
	v63 =	vadd.f32 v15, v8;
	v15 =	vsub.f32 $1.500000000e+00, v62  }
0x8f: {  	[tilespmem:s31+$0x64A0] =	vst v60;
	v20 =	vsub.f32 $1.500000000e+00, v20;
	v27 =	vadd.f32 v14, v9;
	v14 =	vmul.f32 v29, v26  }
0x90: {  	[tilespmem:s31+$0x6490] =	vst v61;
	v26 =	vsub.f32 v13, v36;
	v13 =	vmul.f32 v21, v59;
	v15 =	vmul.f32 v30, v15  }
0x91: {  	s30 =	simm.s32 $0x400;
	v24 =	vsub.f32 v24, v34;
	[tilespmem:s31+$0x6480] =	vst v63;
	v20 =	vmul.f32 v20, v31;
	v14 =	vmul.f32 v14, v7  }
.LBB2_3:
0x92: {  	s5 =	sshra.s32 s30, $0x2;
	p0 =	sne.s32 s30, $0xC400;
	s30 =	sadd.s32 $0x400, s30;
	v29 =	vmul.f32 v17, v4;
	[tilespmem:s31+$0x6450] =	vst v27;
	v18 =	vmul.f32 v15, v18  }
0x93: {  	v17 =	vld [tilespmem:s5+$0x6490];
	v27 =	vmul.f32 v20, v19;
	v25 =	vmul.f32 v20, v25;
	v14 =	vadd.f32 v14, v11  }
0x94: {  	v16 =	vmul.f32 v21, v16;
	v19 =	vld [tilespmem:s5+$0x64A0];
	v29 =	vadd.f32 v29, v8;
	v21 =	vmul.f32 v18, v15  }
0x95: {  	v18 =	vld [tilespmem:s5+$0x6480];
	v30 =	vmul.f32 v27, v4;
	v25 =	vmul.f32 v25, v5;
	[tilespmem:s31+$0x64B0] =	vst v14  }
0x96: {  	v16 =	vmul.f32 v16, v7;
	v14 =	vmul.f32 v20, v26;
	[tilespmem:s31+$0x6440] =	vst v29;
	v21 =	vsub.f32 $1.500000000e+00, v21  }
0x97: {  	v12 =	vmul.f32 v20, v12;
	v27 =	vld [tilespmem:s5+$0x64B0];
	v26 =	vadd.f32 v30, v8;
	v25 =	vadd.f32 v25, v9  }
0x98: {  	v16 =	vadd.f32 v16, v11;
	v14 =	vmul.f32 v14, v7;
	v15 =	vmul.f32 v21, v15  }
0x99: {  	v20 =	vmul.f32 v12, v6;
	v21 =	vld [tilespmem:s5+$0x6450];
	[tilespmem:s31+$0x6410] =	vst v25  }
0x9a: {  	v14 =	vadd.f32 v14, v11;
	v25 =	vmul.f32 v13, v6;
	v12 =	vld [tilespmem:s5+$0x6410];
	[tilespmem:s31+$0x6400] =	vst v26;
	v26 =	vmul.f32 v15, v28  }
0x9b: {  	v20 =	vadd.f32 v20, v10;
	v22 =	vmul.f32 v15, v22;
	v28 =	vmul.f32 v15, v24;
	v13 =	vld [tilespmem:s5+$0x6400];
	[tilespmem:s31+$0x6470] =	vst v16  }
0x9c: {  	v29 =	vmul.f32 v18, v18;
	v15 =	vmul.f32 v15, v23;
	v16 =	vld [tilespmem:s5+$0x6470];
	[tilespmem:s31+$0x6430] =	vst v14;
	v14 =	vadd.f32 v25, v10  }
0x9d: {  	v23 =	vmul.f32 v19, v19;
	v25 =	vmul.f32 v26, v5;
	v24 =	vld [tilespmem:s5+$0x6440];
	[tilespmem:s31+$0x6420] =	vst v20  }
0x9e: {  	v26 =	vmul.f32 v15, v6;
	[tilespmem:s31+$0x6460] =	vst v14;
	v14 =	vmul.f32 v22, v4  }
0x9f: {  	v22 =	vadd.f32 v25, v9;
	v25 =	vmul.f32 v28, v7;
	v30 =	vmul.f32 v12, v12;
	v20 =	vld [tilespmem:s5+$0x6460]  }
0xa0: {  	v31 =	vmul.f32 v21, v21;
	v15 =	vld [tilespmem:s5+$0x6430];
	v28 =	vmul.f32 v13, v13;
	v32 =	vadd.f32 v14, v8  }
0xa1: {  	v33 =	vadd.f32 v27, v19;
	v34 =	vmul.f32 v27, v27;
	v35 =	vadd.f32 v25, v11;
	v14 =	vld [tilespmem:s5+$0x6420];
	[tilespmem:s31+$0x64D0] =	vst v22  }
0xa2: {  	v37 =	vmul.f32 v17, v17;
	v36 =	vadd.f32 v17, v18;
	v22 =	vld [tilespmem:s5+$0x64D0];
	[tilespmem:s31+$0x64C0] =	vst v32;
	v32 =	vadd.f32 v26, v10  }
0xa3: {  	v34 =	vadd.f32 v34, v23;
	v38 =	vadd.f32 v21, v24;
	v39 =	vmul.f32 v24, v24;
	v25 =	vld [tilespmem:s5+$0x64C0];
	[tilespmem:s31+$0x64F0] =	vst v35  }
0xa4: {  	v29 =	vadd.f32 v37, v29;
	v35 =	vadd.f32 v12, v13;
	v26 =	vld [tilespmem:s5+$0x64F0];
	[tilespmem:s31+$0x64E0] =	vst v32;
	s31 =	smov.u32 s5  }
0xa5: {  	v28 =	vadd.f32 v30, v28;
	v31 =	vadd.f32 v31, v39;
	v30 =	vmul.f32 v15, v15;
	v23 =	vld [tilespmem:s31+$0x64E0]  }
0xa6: {  	v37 =	vadd.f32 v16, v20;
	v39 =	vmul.f32 v16, v16;
	v32 =	vmul.f32 v14, v14  }
0xa7: {  	v40 =	vadd.f32 v15, v14  }
0xa8: {  	v41 =	vmul.f32 v20, v20;
	v43 =	vmul.f32 v22, v22;
	v42 =	vadd.f32 v22, v25  }
0xa9: {  	v30 =	vadd.f32 v30, v32;
	v32 =	vadd.f32 v33, v36;
	v33 =	vmul.f32 v26, v26  }
0xaa: {  	v35 =	vadd.f32 v40, v35;
	v36 =	vadd.f32 v39, v41;
	v39 =	vmul.f32 v23, v23  }
0xab: {  	v29 =	vadd.f32 v34, v29;
	v28 =	vadd.f32 v30, v28;
	v30 =	vperm.xlane v32, v0  }
0xac: {  	v34 =	vmul.f32 v25, v25;
	v31 =	vadd.f32 v36, v31;
	v33 =	vadd.f32 v33, v39  }
0xad: {  	v36 =	vperm.xlane v35, v0;
	v30 =	vadd.f32 v32, v30;
	v32 =	vperm.xlane v29, v0  }
0xae: {  	v37 =	vadd.f32 v37, v38;
	v39 =	vperm.xlane v28, v0;
	v38 =	vperm.xlane v31, v0  }
0xaf: {  	v35 =	vadd.f32 v35, v36;
	v36 =	vperm.xlane v30, v1;
	v29 =	vadd.f32 v32, v29  }
0xb0: {  	v32 =	vperm.xlane v37, v0;
	v31 =	vadd.f32 v38, v31;
	v38 =	vadd.f32 v26, v23  }
0xb1: {  	v28 =	vadd.f32 v39, v28;
	v30 =	vadd.f32 v30, v36;
	v36 =	vperm.xlane v29, v1  }
0xb2: {  	v32 =	vadd.f32 v37, v32;
	v37 =	vperm.xlane v31, v1;
	v38 =	vadd.f32 v38, v42  }
0xb3: {  	v39 =	vperm.xlane v35, v1;
	v40 =	vperm.xlane v30, v2;
	v29 =	vadd.f32 v36, v29  }
0xb4: {  	v36 =	vperm.xlane v32, v1;
	v31 =	vadd.f32 v37, v31;
	v37 =	vperm.xlane v38, v0  }
0xb5: {  	v35 =	vadd.f32 v35, v39;
	v30 =	vadd.f32 v30, v40;
	v39 =	vperm.xlane v29, v2  }
0xb6: {  	v32 =	vadd.f32 v32, v36;
	v36 =	vperm.xlane v31, v2;
	v37 =	vadd.f32 v38, v37  }
0xb7: {  	v38 =	vperm.xlane v35, v2;
	v40 =	vperm.xlane v30, v3;
	v29 =	vadd.f32 v39, v29  }
0xb8: {  	v39 =	vperm.xlane v32, v2;
	v31 =	vadd.f32 v36, v31;
	v36 =	vperm.xlane v37, v1  }
0xb9: {  	v34 =	vadd.f32 v43, v34;
	v35 =	vadd.f32 v35, v38;
	v38 =	vperm.xlane v29, v3  }
0xba: {  	v32 =	vadd.f32 v32, v39;
	v39 =	vperm.xlane v31, v3;
	v30 =	vadd.f32 v30, v40  }
0xbb: {  	v33 =	vadd.f32 v33, v34;
	v40 =	vperm.xlane v35, v3;
	v29 =	vadd.f32 v38, v29  }
0xbc: {  	v34 =	vperm.xlane v28, v1;
	v31 =	vadd.f32 v39, v31;
	v30 =	vmul.f32 $1.562500000e-02, v30  }
0xbd: {  	v35 =	vadd.f32 v35, v40;
	v39 =	vperm.xlane v33, v0;
	v38 =	vmul.f32 $1.562500000e-02, v29  }
0xbe: {  	v28 =	vadd.f32 v34, v28;
	v34 =	vperm.xlane v32, v3;
	v31 =	vmul.f32 $1.562500000e-02, v31  }
0xbf: {  	v29 =	vmul.f32 $1.562500000e-02, v35;
	v33 =	vadd.f32 v39, v33;
	v35 =	vadd.f32 $9.999999740e-06, v38  }
0xc0: {  	v32 =	vadd.f32 v32, v34;
	v34 =	vmul.f32 v30, v30;
	v31 =	vadd.f32 $9.999999740e-06, v31  }
0xc1: {  	v36 =	vadd.f32 v37, v36;
	v38 =	vmul.f32 v29, v29;
	v37 =	vperm.xlane v33, v1  }
0xc2: {  	v39 =	vperm.xlane v28, v2;
	v32 =	vmul.f32 $1.562500000e-02, v32;
	v34 =	vsub.f32 v35, v34  }
0xc3: {  	v35 =	vsub.f32 v27, v30;
	v27 =	vperm.xlane v36, v2;
	v33 =	vadd.f32 v37, v33  }
0xc4: {  	v37 =	vmul.f32 v32, v32;
	v40 =	vshra.s32 v34, $0x1;
	v34 =	vmul.f32 $5.000000000e-01, v34  }
0xc5: {  	v28 =	vadd.f32 v39, v28;
	v27 =	vadd.f32 v36, v27;
	v39 =	vsub.s32 $0x5F3759DF, v40  }
0xc6: {  	v31 =	vsub.f32 v31, v37;
	v37 =	vperm.xlane v33, v2;
	v36 =	vmul.f32 v39, v34  }
0xc7: {  	v41 =	vsub.f32 v21, v32;
	v40 =	vperm.xlane v28, v3;
	v21 =	vperm.xlane v27, v3  }
0xc8: {  	v42 =	vshra.s32 v31, $0x1;
	v33 =	vadd.f32 v37, v33;
	v36 =	vmul.f32 v39, v36  }
0xc9: {  	v31 =	vmul.f32 $5.000000000e-01, v31;
	v28 =	vadd.f32 v40, v28;
	v37 =	vsub.s32 $0x5F3759DF, v42  }
0xca: {  	v21 =	vadd.f32 v27, v21;
	v27 =	vperm.xlane v33, v3;
	v36 =	vsub.f32 $1.500000000e+00, v36  }
0xcb: {  	v42 =	vsub.f32 v24, v32;
	v40 =	vmul.f32 v37, v31;
	v28 =	vmul.f32 $1.562500000e-02, v28  }
0xcc: {  	v19 =	vsub.f32 v19, v30;
	v24 =	vadd.f32 v27, v33;
	v36 =	vmul.f32 v39, v36  }
0xcd: {  	v33 =	vsub.f32 v18, v30;
	v27 =	vadd.f32 $9.999999740e-06, v28;
	v28 =	vmul.f32 v37, v40  }
0xce: {  	v17 =	vsub.f32 v17, v30;
	v24 =	vmul.f32 $1.562500000e-02, v24;
	v18 =	vmul.f32 v36, v34  }
0xcf: {  	v27 =	vsub.f32 v27, v38;
	v28 =	vsub.f32 $1.500000000e+00, v28  }
0xd0: {  	v21 =	vmul.f32 $1.562500000e-02, v21;
	v24 =	vadd.f32 $9.999999740e-06, v24;
	v18 =	vmul.f32 v18, v36  }
0xd1: {  	v30 =	vshra.s32 v27, $0x1;
	v27 =	vmul.f32 $5.000000000e-01, v27;
	v34 =	vmul.f32 v37, v28  }
0xd2: {  	v37 =	vmul.f32 v21, v21;
	v30 =	vsub.s32 $0x5F3759DF, v30;
	v18 =	vsub.f32 $1.500000000e+00, v18  }
0xd3: {  	v28 =	vsub.f32 v22, v21;
	v38 =	vmul.f32 v30, v27;
	v31 =	vmul.f32 v34, v31  }
0xd4: {  	v22 =	vsub.f32 v25, v21;
	v37 =	vsub.f32 v24, v37  }
0xd5: {  	v24 =	vsub.f32 v26, v21;
	v25 =	vmul.f32 v30, v38;
	v31 =	vmul.f32 v31, v34  }
0xd6: {  	v26 =	vmul.f32 v18, v36;
	v36 =	vshra.s32 v37, $0x1;
	v18 =	vmul.f32 $5.000000000e-01, v37  }
0xd7: {  	v25 =	vsub.f32 $1.500000000e+00, v25;
	v31 =	vsub.f32 $1.500000000e+00, v31;
	v36 =	vsub.s32 $0x5F3759DF, v36  }
0xd8: {  	v23 =	vsub.f32 v23, v21;
	v19 =	vmul.f32 v26, v19;
	v37 =	vmul.f32 v36, v18  }
0xd9: {  	v20 =	vsub.f32 v20, v32;
	v17 =	vmul.f32 v26, v17;
	v21 =	vmul.f32 v31, v34  }
0xda: {  	v16 =	vsub.f32 v16, v32;
	v30 =	vmul.f32 v30, v25;
	v25 =	vmul.f32 v19, v6  }
0xdb: {  	v19 =	vsub.f32 v13, v29;
	v13 =	vmul.f32 v26, v33;
	v17 =	vmul.f32 v17, v5  }
0xdc: {  	v27 =	vmul.f32 v30, v27;
	v31 =	vmul.f32 v21, v41;
	v32 =	vadd.f32 v25, v10  }
0xdd: {  	v34 =	vmul.f32 v36, v37;
	v13 =	vmul.f32 v13, v4;
	v33 =	vadd.f32 v17, v9  }
.Ltmp2:
0xde: {  	v25 =	vsub.f32 v12, v29;
	v27 =	vmul.f32 v27, v30;
	v12 =	vmul.f32 v31, v5;
	[tilespmem:s31+$0x64A0] =	vst v32;
	(pc) =	sbr.rel @p0 .LBB2_3-.Ltmp2, $4  }
0xdf: {  	v17 =	vmul.f32 v21, v42;
	v31 =	vadd.f32 v13, v8;
	v32 =	vsub.f32 $1.500000000e+00, v34;
	[tilespmem:s31+$0x6490] =	vst v33  }
0xe0: {  	v34 =	vmul.f32 v26, v35;
	v33 =	vsub.f32 $1.500000000e+00, v27;
	v27 =	vadd.f32 v12, v9  }
0xe1: {  	v13 =	vmul.f32 v21, v20;
	v26 =	vsub.f32 v15, v29;
	v15 =	vmul.f32 v36, v32  }
0xe2: {  	v12 =	vsub.f32 v14, v29;
	v14 =	vmul.f32 v34, v7;
	v20 =	vmul.f32 v33, v30;
	[tilespmem:s31+$0x6480] =	vst v31  }
0xe3: {  	v18 =	vmul.f32 v15, v18;
	v17 =	vmul.f32 v17, v4  }
0xe4: {  	v16 =	vmul.f32 v21, v16;
	v13 =	vmul.f32 v13, v6  }
0xe5: {  	v25 =	vmul.f32 v20, v25;
	v18 =	vmul.f32 v18, v15  }
0xe6: {  	v19 =	vmul.f32 v20, v19;
	v14 =	vadd.f32 v14, v11;
	v16 =	vmul.f32 v16, v7  }
0xe7: {  	v17 =	vadd.f32 v17, v8;
	v21 =	vmul.f32 v25, v5;
	v18 =	vsub.f32 $1.500000000e+00, v18  }
0xe8: {  	v19 =	vmul.f32 v19, v4;
	v25 =	vmul.f32 v20, v26;
	[tilespmem:s31+$0x64B0] =	vst v14;
	v16 =	vadd.f32 v16, v11  }
0xe9: {  	v12 =	vmul.f32 v20, v12;
	[tilespmem:s31+$0x6440] =	vst v17;
	v14 =	vadd.f32 v21, v9;
	v15 =	vmul.f32 v18, v15  }
0xea: {  	s30 =	smul.u32 $0x190, s29;
	v17 =	vadd.f32 v19, v8;
	v18 =	vmul.f32 v25, v7;
	[tilespmem:s31+$0x6470] =	vst v16  }
0xeb: {  	v13 =	vadd.f32 v13, v10;
	v12 =	vmul.f32 v12, v6;
	[tilespmem:s31+$0x6410] =	vst v14;
	v14 =	vmul.f32 v15, v28  }
0xec: {  	s0 =	sadd.s32 s6, s30;
	[tilespmem:s31+$0x6400] =	vst v17;
	v17 =	vadd.f32 v18, v11;
	v18 =	vmul.f32 v15, v22;
	v16 =	vmul.f32 v15, v24  }
0xed: {  	s0 =	smulhi.u32 $0x51EB851F, s0;
	[tilespmem:s31+$0x6460] =	vst v13;
	v12 =	vadd.f32 v12, v10;
	v15 =	vmul.f32 v15, v23;
	v14 =	vmul.f32 v14, v5  }
0xee: {  	[tilespmem:s31+$0x6430] =	vst v17;
	v17 =	vmul.f32 v18, v4  }
0xef: {  	s0 =	sshrl.u32 s0, $0x4;
	[tilespmem:s31+$0x6420] =	vst v12;
	v13 =	vmul.f32 v15, v6;
	v12 =	vadd.f32 v14, v9  }
0xf0: {  	[tilespmem:s31+$0x6450] =	vst v27;
	s5 =	smul.u32 $0x190, s0;
	v14 =	vmul.f32 v16, v7;
	v15 =	vadd.f32 v17, v8  }
0xf1: {  	s0 =	smul.u32 $0xC80, s0;
	v13 =	vadd.f32 v13, v10;
	[tilespmem:s31+$0x64D0] =	vst v12  }
0xf2: {  	v12 =	vadd.f32 v14, v11;
	[tilespmem:s31+$0x64C0] =	vst v15  }
0xf3: {  	s0 =	sshrl.u32 s0, $0x3;
	[tilespmem:s31+$0x64E0] =	vst v13  }
0xf4: {  	s5 =	sadd.s32 s3, s5;
	s0 =	sadd.s32 s3, s0;
	[tilespmem:s31+$0x64F0] =	vst v12  }
0xf5: {  	[hbm4b:s5+s4] =	stream.linear.scatter [tilespmem:s15], [sflag:$0x3], $0xC80, $0x38;
	[tilespmem:$0xC880] =	vst v63  }
0xf6: {  	s5 =	sadd.s32 $0x190, s0  }
0xf7: {  	[hbm4b:s5+s4] =	stream.linear.scatter [tilespmem:s18], [sflag:$0x3], $0xC80, $0x38;
	[tilespmem:$0xC880] =	vst v63  }
0xf8: {  	s5 =	sadd.s32 $0x320, s0  }
0xf9: {  	[hbm4b:s5+s4] =	stream.linear.scatter [tilespmem:s19], [sflag:$0x3], $0xC80, $0x38;
	[tilespmem:$0xC880] =	vst v63  }
0xfa: {  	p0 =	seq.s32 s29, $0x3F;
	s0 =	sadd.s32 $0x4B0, s0  }
0xfb: {  	[hbm4b:s0+s4] =	stream.linear.scatter [tilespmem:s20], [sflag:$0x3], $0xC80, $0x38;
	[tilespmem:$0xC880] =	vst v63  }
0xfc: {  	s0 =	simm.s32 @!p0 $0x3  }
0xfd: {  	_ =	swait.ge @!p0 [sflag:s0], $0xC80  }
0xfe: {  	[sflag:s0] =	ssyncset.done @!p0 $0x0  }
0xff: {  	[sflag:s0] =	ssyncadd.s32 @!p0 $0xFFFFF380  }
0x100: {  	_ =	swait.ge @!p0 [sflag:s0], $0xC80  }
0x101: {  	[sflag:s0] =	ssyncset.done @!p0 $0x0  }
0x102: {  	[sflag:s0] =	ssyncadd.s32 @!p0 $0xFFFFF380  }
0x103: {  	_ =	swait.ge @!p0 [sflag:s0], $0xC80  }
0x104: {  	[sflag:s0] =	ssyncset.done @!p0 $0x0  }
0x105: {  	[sflag:s0] =	ssyncadd.s32 @!p0 $0xFFFFF380  }
0x106: {  	s5 =	smul.u32 @!p0 $0x640, s29;
	_ =	swait.ge @!p0 [sflag:s0], $0xC80  }
0x107: {  	[sflag:s0] =	ssyncset.done @!p0 $0x0  }
0x108: {  	[sflag:s0] =	ssyncadd.s32 @!p0 $0xFFFFF380;
	s0 =	sshra.s32 @!p0 s5, $0x2  }
0x109: {  	s31 =	simm.s32 @!p0 $0x6400;
	s5 =	simm.s32 @!p0 $0xC8;
	s0 =	sadd.s32 @!p0 $0x190, s0  }
0x10a: {  	[tilespmem:s31], [sflag:$0x1] =	stream.indirect.gather @!p0 [hbm4b:s7+s5], $0x40, s0, s5, $0xb8;
	[tilespmem:$0xC880] =	vst v63  }
0x10b: {  	_ =	swait.ge [sflag:s21], $0x3200  }
0x10c: {  	[sflag:s21] =	ssyncset.done $0x0  }
0x10d: {  	s31 =	simm.s32 $0x0;
	[sflag:s21] =	ssyncadd.s32 $0xFFFFCE00  }
0x10e: {  	v18 =	vld [tilespmem:s31+$0x9690]  }
0x10f: {  	v23 =	vld [tilespmem:s31+$0x96A0]  }
0x110: {  	v20 =	vld [tilespmem:s31+$0x9680]  }
0x111: {  	v26 =	vld [tilespmem:s31+$0x96B0]  }
0x112: {  	v27 =	vld [tilespmem:s31+$0x9650]  }
0x113: {  	v14 =	vld [tilespmem:s31+$0x9610]  }
0x114: {  	v15 =	vld [tilespmem:s31+$0x9600]  }
0x115: {  	v16 =	vld [tilespmem:s31+$0x9670]  }
0x116: {  	v25 =	vld [tilespmem:s31+$0x9640]  }
0x117: {  	v17 =	vld [tilespmem:s31+$0x9660]  }
0x118: {  	v13 =	vld [tilespmem:s31+$0x9630]  }
0x119: {  	v12 =	vld [tilespmem:s31+$0x9620]  }
0x11a: {  	v21 =	vld [tilespmem:s31+$0x96D0];
	v19 =	vmul.f32 v20, v20  }
0x11b: {  	v22 =	vld [tilespmem:s31+$0x96C0];
	v24 =	vmul.f32 v23, v23;
	v28 =	vmul.f32 v14, v14  }
0x11c: {  	v29 =	vmul.f32 v15, v15;
	v30 =	vmul.f32 v27, v27;
	v31 =	vadd.f32 v26, v23  }
0x11d: {  	v32 =	vmul.f32 v26, v26;
	v33 =	vadd.f32 v18, v20;
	v34 =	vmul.f32 v18, v18  }
0x11e: {  	v35 =	vadd.f32 v27, v25;
	v36 =	vmul.f32 v25, v25;
	v37 =	vadd.f32 v14, v15  }
0x11f: {  	v63 =	vmul.f32 v12, v12;
	v38 =	vadd.f32 v16, v17;
	v40 =	vadd.f32 v13, v12  }
0x120: {  	v39 =	vmul.f32 v16, v16;
	v42 =	vadd.f32 v21, v22;
	v32 =	vadd.f32 v32, v24  }
0x121: {  	v41 =	vmul.f32 v17, v17;
	v34 =	vadd.f32 v34, v19;
	v28 =	vadd.f32 v28, v29  }
0x122: {  	v29 =	vmul.f32 v13, v13;
	v30 =	vadd.f32 v30, v36;
	v31 =	vadd.f32 v31, v33  }
0x123: {  	v43 =	vmul.f32 v21, v21;
	v24 =	vld [tilespmem:s31+$0x96F0];
	v45 =	vadd.f32 v40, v37;
	v46 =	vadd.f32 v39, v41  }
0x124: {  	v49 =	vmul.f32 v22, v22;
	v19 =	vld [tilespmem:s31+$0x96E0];
	v35 =	vadd.f32 v38, v35;
	v29 =	vadd.f32 v29, v63  }
0x125: {  	v48 =	vperm.xlane v31, v0;
	v30 =	vadd.f32 v46, v30;
	v50 =	vperm.xlane v45, v0  }
0x126: {  	v55 =	vperm.xlane v35, v0;
	v28 =	vadd.f32 v29, v28;
	v29 =	vadd.f32 v32, v34  }
0x127: {  	v31 =	vadd.f32 v31, v48;
	v53 =	vperm.xlane v30, v0;
	v36 =	vadd.f32 v45, v50  }
0x128: {  	v32 =	vadd.f32 v35, v55;
	v34 =	vadd.f32 v43, v49;
	v44 =	vmul.f32 v24, v24  }
0x129: {  	v47 =	vmul.f32 v19, v19;
	v56 =	vadd.f32 v24, v19;
	v51 =	vperm.xlane v29, v0  }
0x12a: {  	v52 =	vperm.xlane v28, v0;
	v54 =	vperm.xlane v31, v1;
	v30 =	vadd.f32 v53, v30  }
0x12b: {  	v59 =	vperm.xlane v36, v1;
	v33 =	vadd.f32 v44, v47;
	v38 =	vadd.f32 v56, v42  }
0x12c: {  	v61 =	vperm.xlane v32, v1;
	v29 =	vadd.f32 v51, v29;
	v28 =	vadd.f32 v52, v28  }
0x12d: {  	v31 =	vadd.f32 v31, v54;
	v58 =	vperm.xlane v30, v1;
	v36 =	vadd.f32 v36, v59  }
0x12e: {  	v32 =	vadd.f32 v32, v61;
	v62 =	vperm.xlane v38, v0;
	v57 =	vperm.xlane v29, v1  }
0x12f: {  	v33 =	vadd.f32 v33, v34;
	v60 =	vperm.xlane v31, v2;
	v45 =	vperm.xlane v36, v2  }
0x130: {  	v30 =	vadd.f32 v58, v30;
	v46 =	vperm.xlane v32, v2;
	v51 =	vperm.xlane v28, v1  }
0x131: {  	v35 =	vadd.f32 v38, v62;
	v52 =	vperm.xlane v33, v0;
	v29 =	vadd.f32 v57, v29  }
0x132: {  	v31 =	vadd.f32 v31, v60;
	v44 =	vperm.xlane v30, v2;
	v36 =	vadd.f32 v36, v45  }
0x133: {  	v32 =	vadd.f32 v32, v46;
	v28 =	vadd.f32 v51, v28;
	v47 =	vperm.xlane v35, v1  }
0x134: {  	v33 =	vadd.f32 v52, v33;
	v63 =	vperm.xlane v29, v2;
	v40 =	vperm.xlane v31, v3  }
0x135: {  	v30 =	vadd.f32 v44, v30;
	v50 =	vperm.xlane v36, v3;
	v53 =	vperm.xlane v32, v3  }
0x136: {  	v57 =	vperm.xlane v28, v2;
	v35 =	vadd.f32 v35, v47;
	v29 =	vadd.f32 v63, v29  }
0x137: {  	v56 =	vperm.xlane v33, v1;
	v49 =	vperm.xlane v30, v3;
	v31 =	vadd.f32 v31, v40  }
0x138: {  	v36 =	vadd.f32 v36, v50;
	v32 =	vadd.f32 v32, v53;
	v48 =	vperm.xlane v29, v3  }
0x139: {  	v28 =	vadd.f32 v57, v28;
	v58 =	vperm.xlane v35, v2;
	v30 =	vadd.f32 v49, v30  }
0x13a: {  	v31 =	vmul.f32 $1.562500000e-02, v31;
	v36 =	vmul.f32 $1.562500000e-02, v36;
	v29 =	vadd.f32 v48, v29  }
0x13b: {  	v33 =	vadd.f32 v56, v33;
	v32 =	vmul.f32 $1.562500000e-02, v32;
	v30 =	vmul.f32 $1.562500000e-02, v30  }
0x13c: {  	v45 =	vperm.xlane v28, v3;
	v34 =	vadd.f32 v35, v58;
	v29 =	vmul.f32 $1.562500000e-02, v29  }
0x13d: {  	v26 =	vsub.f32 v26, v31;
	v59 =	vmul.f32 v32, v32;
	v30 =	vadd.f32 $9.999999740e-06, v30  }
0x13e: {  	v54 =	vmul.f32 v31, v31;
	v28 =	vadd.f32 v45, v28;
	v29 =	vadd.f32 $9.999999740e-06, v29  }
0x13f: {  	v63 =	vperm.xlane v33, v2;
	v51 =	vsub.f32 v25, v32;
	v30 =	vsub.f32 v30, v59  }
0x140: {  	v55 =	vmul.f32 v36, v36;
	v23 =	vsub.f32 v23, v31;
	v29 =	vsub.f32 v29, v54  }
0x141: {  	v46 =	vperm.xlane v34, v3;
	v33 =	vadd.f32 v63, v33;
	v47 =	vshra.s32 v30, $0x1  }
0x142: {  	v30 =	vmul.f32 $5.000000000e-01, v30;
	v60 =	vshra.s32 v29, $0x1;
	v29 =	vmul.f32 $5.000000000e-01, v29  }
0x143: {  	v28 =	vmul.f32 $1.562500000e-02, v28;
	v48 =	vsub.s32 $0x5F3759DF, v47;
	v61 =	vsub.s32 $0x5F3759DF, v60  }
0x144: {  	v20 =	vsub.f32 v20, v31;
	v50 =	vmul.f32 v48, v30;
	v62 =	vmul.f32 v61, v29  }
0x145: {  	v31 =	vsub.f32 v18, v31;
	v49 =	vperm.xlane v33, v3;
	v28 =	vadd.f32 $9.999999740e-06, v28  }
0x146: {  	v34 =	vadd.f32 v34, v46;
	v52 =	vmul.f32 v48, v50;
	v35 =	vmul.f32 v61, v62  }
0x147: {  	v33 =	vadd.f32 v49, v33;
	v28 =	vsub.f32 v28, v55  }
0x148: {  	v53 =	vsub.f32 $1.500000000e+00, v52;
	v35 =	vsub.f32 $1.500000000e+00, v35  }
0x149: {  	v18 =	vmul.f32 $1.562500000e-02, v33;
	v54 =	vshra.s32 v28, $0x1;
	v38 =	vmul.f32 $5.000000000e-01, v28  }
0x14a: {  	v33 =	vmul.f32 v48, v53;
	v25 =	vmul.f32 v61, v35;
	v35 =	vsub.s32 $0x5F3759DF, v54  }
0x14b: {  	v34 =	vmul.f32 $1.562500000e-02, v34;
	v56 =	vmul.f32 v35, v38  }
0x14c: {  	v30 =	vmul.f32 v33, v30;
	v29 =	vmul.f32 v25, v29  }
0x14d: {  	v28 =	vsub.f32 v21, v34;
	v21 =	vmul.f32 v35, v56  }
0x14e: {  	v30 =	vmul.f32 v30, v33;
	v29 =	vmul.f32 v29, v25  }
0x14f: {  	v55 =	vmul.f32 v34, v34;
	v18 =	vadd.f32 $9.999999740e-06, v18;
	v57 =	vsub.f32 $1.500000000e+00, v21  }
0x150: {  	v21 =	vsub.f32 $1.500000000e+00, v30;
	v29 =	vsub.f32 $1.500000000e+00, v29  }
0x151: {  	v27 =	vsub.f32 v27, v32;
	v18 =	vsub.f32 v18, v55  }
0x152: {  	v16 =	vsub.f32 v16, v32;
	v21 =	vmul.f32 v21, v33;
	v29 =	vmul.f32 v29, v25  }
0x153: {  	v59 =	vsub.f32 v17, v32;
	v25 =	vshra.s32 v18, $0x1;
	v18 =	vmul.f32 $5.000000000e-01, v18  }
0x154: {  	v30 =	vsub.s32 $0x5F3759DF, v25;
	v27 =	vmul.f32 v21, v27;
	v25 =	vmul.f32 v29, v23  }
0x155: {  	v58 =	vmul.f32 v30, v18;
	v23 =	vsub.f32 v19, v34;
	v17 =	vmul.f32 v29, v31  }
0x156: {  	v31 =	vmul.f32 v35, v57;
	v19 =	vsub.f32 v15, v36;
	v15 =	vmul.f32 v29, v20  }
0x157: {  	v12 =	vsub.f32 v12, v36;
	v25 =	vmul.f32 v25, v6;
	v17 =	vmul.f32 v17, v5  }
0x158: {  	v22 =	vsub.f32 v22, v34;
	v20 =	vmul.f32 v31, v38;
	v15 =	vmul.f32 v15, v4  }
0x159: {  	v62 =	vmul.f32 v30, v58;
	v60 =	vadd.f32 v25, v10;
	v61 =	vadd.f32 v17, v9  }
0x15a: {  	v20 =	vmul.f32 v20, v31;
	v25 =	vsub.f32 v14, v36;
	v14 =	vmul.f32 v27, v5  }
0x15b: {  	v17 =	vmul.f32 v21, v51;
	v63 =	vadd.f32 v15, v8;
	v15 =	vsub.f32 $1.500000000e+00, v62  }
0x15c: {  	[tilespmem:s31+$0x96A0] =	vst v60;
	v20 =	vsub.f32 $1.500000000e+00, v20;
	v27 =	vadd.f32 v14, v9;
	v14 =	vmul.f32 v29, v26  }
0x15d: {  	[tilespmem:s31+$0x9690] =	vst v61;
	v26 =	vsub.f32 v13, v36;
	v13 =	vmul.f32 v21, v59;
	v15 =	vmul.f32 v30, v15  }
0x15e: {  	s5 =	simm.s32 $0x400;
	v24 =	vsub.f32 v24, v34;
	[tilespmem:s31+$0x9680] =	vst v63;
	v20 =	vmul.f32 v20, v31;
	v14 =	vmul.f32 v14, v7  }
.LBB2_5:
0x15f: {  	s0 =	sshra.s32 s5, $0x2;
	p1 =	sne.s32 s5, $0xC400;
	s5 =	sadd.s32 $0x400, s5;
	v29 =	vmul.f32 v17, v4;
	[tilespmem:s31+$0x9650] =	vst v27;
	v18 =	vmul.f32 v15, v18  }
0x160: {  	v17 =	vld [tilespmem:s0+$0x9690];
	v27 =	vmul.f32 v20, v19;
	v25 =	vmul.f32 v20, v25;
	v14 =	vadd.f32 v14, v11  }
0x161: {  	v16 =	vmul.f32 v21, v16;
	v19 =	vld [tilespmem:s0+$0x96A0];
	v29 =	vadd.f32 v29, v8;
	v21 =	vmul.f32 v18, v15  }
0x162: {  	v18 =	vld [tilespmem:s0+$0x9680];
	v30 =	vmul.f32 v27, v4;
	v25 =	vmul.f32 v25, v5;
	[tilespmem:s31+$0x96B0] =	vst v14  }
0x163: {  	v16 =	vmul.f32 v16, v7;
	v14 =	vmul.f32 v20, v26;
	[tilespmem:s31+$0x9640] =	vst v29;
	v21 =	vsub.f32 $1.500000000e+00, v21  }
0x164: {  	v12 =	vmul.f32 v20, v12;
	v27 =	vld [tilespmem:s0+$0x96B0];
	v26 =	vadd.f32 v30, v8;
	v25 =	vadd.f32 v25, v9  }
0x165: {  	v16 =	vadd.f32 v16, v11;
	v14 =	vmul.f32 v14, v7;
	v15 =	vmul.f32 v21, v15  }
0x166: {  	v20 =	vmul.f32 v12, v6;
	v21 =	vld [tilespmem:s0+$0x9650];
	[tilespmem:s31+$0x9610] =	vst v25  }
0x167: {  	v14 =	vadd.f32 v14, v11;
	v25 =	vmul.f32 v13, v6;
	v12 =	vld [tilespmem:s0+$0x9610];
	[tilespmem:s31+$0x9600] =	vst v26;
	v26 =	vmul.f32 v15, v28  }
0x168: {  	v20 =	vadd.f32 v20, v10;
	v22 =	vmul.f32 v15, v22;
	v28 =	vmul.f32 v15, v24;
	v13 =	vld [tilespmem:s0+$0x9600];
	[tilespmem:s31+$0x9670] =	vst v16  }
0x169: {  	v29 =	vmul.f32 v18, v18;
	v15 =	vmul.f32 v15, v23;
	v16 =	vld [tilespmem:s0+$0x9670];
	[tilespmem:s31+$0x9630] =	vst v14;
	v14 =	vadd.f32 v25, v10  }
0x16a: {  	v23 =	vmul.f32 v19, v19;
	v25 =	vmul.f32 v26, v5;
	v24 =	vld [tilespmem:s0+$0x9640];
	[tilespmem:s31+$0x9620] =	vst v20  }
0x16b: {  	v26 =	vmul.f32 v15, v6;
	[tilespmem:s31+$0x9660] =	vst v14;
	v14 =	vmul.f32 v22, v4  }
0x16c: {  	v22 =	vadd.f32 v25, v9;
	v25 =	vmul.f32 v28, v7;
	v30 =	vmul.f32 v12, v12;
	v20 =	vld [tilespmem:s0+$0x9660]  }
0x16d: {  	v31 =	vmul.f32 v21, v21;
	v15 =	vld [tilespmem:s0+$0x9630];
	v28 =	vmul.f32 v13, v13;
	v32 =	vadd.f32 v14, v8  }
0x16e: {  	v33 =	vadd.f32 v27, v19;
	v34 =	vmul.f32 v27, v27;
	v35 =	vadd.f32 v25, v11;
	v14 =	vld [tilespmem:s0+$0x9620];
	[tilespmem:s31+$0x96D0] =	vst v22  }
0x16f: {  	v37 =	vmul.f32 v17, v17;
	v36 =	vadd.f32 v17, v18;
	v22 =	vld [tilespmem:s0+$0x96D0];
	[tilespmem:s31+$0x96C0] =	vst v32;
	v32 =	vadd.f32 v26, v10  }
0x170: {  	v34 =	vadd.f32 v34, v23;
	v38 =	vadd.f32 v21, v24;
	v39 =	vmul.f32 v24, v24;
	v25 =	vld [tilespmem:s0+$0x96C0];
	[tilespmem:s31+$0x96F0] =	vst v35  }
0x171: {  	v29 =	vadd.f32 v37, v29;
	v35 =	vadd.f32 v12, v13;
	v26 =	vld [tilespmem:s0+$0x96F0];
	[tilespmem:s31+$0x96E0] =	vst v32;
	s31 =	smov.u32 s0  }
0x172: {  	v28 =	vadd.f32 v30, v28;
	v31 =	vadd.f32 v31, v39;
	v30 =	vmul.f32 v15, v15;
	v23 =	vld [tilespmem:s31+$0x96E0]  }
0x173: {  	v37 =	vadd.f32 v16, v20;
	v39 =	vmul.f32 v16, v16;
	v32 =	vmul.f32 v14, v14  }
0x174: {  	v40 =	vadd.f32 v15, v14  }
0x175: {  	v41 =	vmul.f32 v20, v20;
	v43 =	vmul.f32 v22, v22;
	v42 =	vadd.f32 v22, v25  }
0x176: {  	v30 =	vadd.f32 v30, v32;
	v32 =	vadd.f32 v33, v36;
	v33 =	vmul.f32 v26, v26  }
0x177: {  	v35 =	vadd.f32 v40, v35;
	v36 =	vadd.f32 v39, v41;
	v39 =	vmul.f32 v23, v23  }
0x178: {  	v29 =	vadd.f32 v34, v29;
	v28 =	vadd.f32 v30, v28;
	v30 =	vperm.xlane v32, v0  }
0x179: {  	v34 =	vmul.f32 v25, v25;
	v31 =	vadd.f32 v36, v31;
	v33 =	vadd.f32 v33, v39  }
0x17a: {  	v36 =	vperm.xlane v35, v0;
	v30 =	vadd.f32 v32, v30;
	v32 =	vperm.xlane v29, v0  }
0x17b: {  	v37 =	vadd.f32 v37, v38;
	v39 =	vperm.xlane v28, v0;
	v38 =	vperm.xlane v31, v0  }
0x17c: {  	v35 =	vadd.f32 v35, v36;
	v36 =	vperm.xlane v30, v1;
	v29 =	vadd.f32 v32, v29  }
0x17d: {  	v32 =	vperm.xlane v37, v0;
	v31 =	vadd.f32 v38, v31;
	v38 =	vadd.f32 v26, v23  }
0x17e: {  	v28 =	vadd.f32 v39, v28;
	v30 =	vadd.f32 v30, v36;
	v36 =	vperm.xlane v29, v1  }
0x17f: {  	v32 =	vadd.f32 v37, v32;
	v37 =	vperm.xlane v31, v1;
	v38 =	vadd.f32 v38, v42  }
0x180: {  	v39 =	vperm.xlane v35, v1;
	v40 =	vperm.xlane v30, v2;
	v29 =	vadd.f32 v36, v29  }
0x181: {  	v36 =	vperm.xlane v32, v1;
	v31 =	vadd.f32 v37, v31;
	v37 =	vperm.xlane v38, v0  }
0x182: {  	v35 =	vadd.f32 v35, v39;
	v30 =	vadd.f32 v30, v40;
	v39 =	vperm.xlane v29, v2  }
0x183: {  	v32 =	vadd.f32 v32, v36;
	v36 =	vperm.xlane v31, v2;
	v37 =	vadd.f32 v38, v37  }
0x184: {  	v38 =	vperm.xlane v35, v2;
	v40 =	vperm.xlane v30, v3;
	v29 =	vadd.f32 v39, v29  }
0x185: {  	v39 =	vperm.xlane v32, v2;
	v31 =	vadd.f32 v36, v31;
	v36 =	vperm.xlane v37, v1  }
0x186: {  	v34 =	vadd.f32 v43, v34;
	v35 =	vadd.f32 v35, v38;
	v38 =	vperm.xlane v29, v3  }
0x187: {  	v32 =	vadd.f32 v32, v39;
	v39 =	vperm.xlane v31, v3;
	v30 =	vadd.f32 v30, v40  }
0x188: {  	v33 =	vadd.f32 v33, v34;
	v40 =	vperm.xlane v35, v3;
	v29 =	vadd.f32 v38, v29  }
0x189: {  	v34 =	vperm.xlane v28, v1;
	v31 =	vadd.f32 v39, v31;
	v30 =	vmul.f32 $1.562500000e-02, v30  }
0x18a: {  	v35 =	vadd.f32 v35, v40;
	v39 =	vperm.xlane v33, v0;
	v38 =	vmul.f32 $1.562500000e-02, v29  }
0x18b: {  	v28 =	vadd.f32 v34, v28;
	v34 =	vperm.xlane v32, v3;
	v31 =	vmul.f32 $1.562500000e-02, v31  }
0x18c: {  	v29 =	vmul.f32 $1.562500000e-02, v35;
	v33 =	vadd.f32 v39, v33;
	v35 =	vadd.f32 $9.999999740e-06, v38  }
0x18d: {  	v32 =	vadd.f32 v32, v34;
	v34 =	vmul.f32 v30, v30;
	v31 =	vadd.f32 $9.999999740e-06, v31  }
0x18e: {  	v36 =	vadd.f32 v37, v36;
	v38 =	vmul.f32 v29, v29;
	v37 =	vperm.xlane v33, v1  }
0x18f: {  	v39 =	vperm.xlane v28, v2;
	v32 =	vmul.f32 $1.562500000e-02, v32;
	v34 =	vsub.f32 v35, v34  }
0x190: {  	v35 =	vsub.f32 v27, v30;
	v27 =	vperm.xlane v36, v2;
	v33 =	vadd.f32 v37, v33  }
0x191: {  	v37 =	vmul.f32 v32, v32;
	v40 =	vshra.s32 v34, $0x1;
	v34 =	vmul.f32 $5.000000000e-01, v34  }
0x192: {  	v28 =	vadd.f32 v39, v28;
	v27 =	vadd.f32 v36, v27;
	v39 =	vsub.s32 $0x5F3759DF, v40  }
0x193: {  	v31 =	vsub.f32 v31, v37;
	v37 =	vperm.xlane v33, v2;
	v36 =	vmul.f32 v39, v34  }
0x194: {  	v41 =	vsub.f32 v21, v32;
	v40 =	vperm.xlane v28, v3;
	v21 =	vperm.xlane v27, v3  }
0x195: {  	v42 =	vshra.s32 v31, $0x1;
	v33 =	vadd.f32 v37, v33;
	v36 =	vmul.f32 v39, v36  }
0x196: {  	v31 =	vmul.f32 $5.000000000e-01, v31;
	v28 =	vadd.f32 v40, v28;
	v37 =	vsub.s32 $0x5F3759DF, v42  }
0x197: {  	v21 =	vadd.f32 v27, v21;
	v27 =	vperm.xlane v33, v3;
	v36 =	vsub.f32 $1.500000000e+00, v36  }
0x198: {  	v42 =	vsub.f32 v24, v32;
	v40 =	vmul.f32 v37, v31;
	v28 =	vmul.f32 $1.562500000e-02, v28  }
0x199: {  	v19 =	vsub.f32 v19, v30;
	v24 =	vadd.f32 v27, v33;
	v36 =	vmul.f32 v39, v36  }
0x19a: {  	v33 =	vsub.f32 v18, v30;
	v27 =	vadd.f32 $9.999999740e-06, v28;
	v28 =	vmul.f32 v37, v40  }
0x19b: {  	v17 =	vsub.f32 v17, v30;
	v24 =	vmul.f32 $1.562500000e-02, v24;
	v18 =	vmul.f32 v36, v34  }
0x19c: {  	v27 =	vsub.f32 v27, v38;
	v28 =	vsub.f32 $1.500000000e+00, v28  }
0x19d: {  	v21 =	vmul.f32 $1.562500000e-02, v21;
	v24 =	vadd.f32 $9.999999740e-06, v24;
	v18 =	vmul.f32 v18, v36  }
0x19e: {  	v30 =	vshra.s32 v27, $0x1;
	v27 =	vmul.f32 $5.000000000e-01, v27;
	v34 =	vmul.f32 v37, v28  }
0x19f: {  	v37 =	vmul.f32 v21, v21;
	v30 =	vsub.s32 $0x5F3759DF, v30;
	v18 =	vsub.f32 $1.500000000e+00, v18  }
0x1a0: {  	v28 =	vsub.f32 v22, v21;
	v38 =	vmul.f32 v30, v27;
	v31 =	vmul.f32 v34, v31  }
0x1a1: {  	v22 =	vsub.f32 v25, v21;
	v37 =	vsub.f32 v24, v37  }
0x1a2: {  	v24 =	vsub.f32 v26, v21;
	v25 =	vmul.f32 v30, v38;
	v31 =	vmul.f32 v31, v34  }
0x1a3: {  	v26 =	vmul.f32 v18, v36;
	v36 =	vshra.s32 v37, $0x1;
	v18 =	vmul.f32 $5.000000000e-01, v37  }
0x1a4: {  	v25 =	vsub.f32 $1.500000000e+00, v25;
	v31 =	vsub.f32 $1.500000000e+00, v31;
	v36 =	vsub.s32 $0x5F3759DF, v36  }
0x1a5: {  	v23 =	vsub.f32 v23, v21;
	v19 =	vmul.f32 v26, v19;
	v37 =	vmul.f32 v36, v18  }
0x1a6: {  	v20 =	vsub.f32 v20, v32;
	v17 =	vmul.f32 v26, v17;
	v21 =	vmul.f32 v31, v34  }
0x1a7: {  	v16 =	vsub.f32 v16, v32;
	v30 =	vmul.f32 v30, v25;
	v25 =	vmul.f32 v19, v6  }
0x1a8: {  	v19 =	vsub.f32 v13, v29;
	v13 =	vmul.f32 v26, v33;
	v17 =	vmul.f32 v17, v5  }
0x1a9: {  	v27 =	vmul.f32 v30, v27;
	v31 =	vmul.f32 v21, v41;
	v32 =	vadd.f32 v25, v10  }
0x1aa: {  	v34 =	vmul.f32 v36, v37;
	v13 =	vmul.f32 v13, v4;
	v33 =	vadd.f32 v17, v9  }
.Ltmp3:
0x1ab: {  	v25 =	vsub.f32 v12, v29;
	v27 =	vmul.f32 v27, v30;
	v12 =	vmul.f32 v31, v5;
	[tilespmem:s31+$0x96A0] =	vst v32;
	(pc) =	sbr.rel @p1 .LBB2_5-.Ltmp3, $4  }
0x1ac: {  	v17 =	vmul.f32 v21, v42;
	v31 =	vadd.f32 v13, v8;
	v32 =	vsub.f32 $1.500000000e+00, v34;
	[tilespmem:s31+$0x9690] =	vst v33  }
0x1ad: {  	v34 =	vmul.f32 v26, v35;
	v33 =	vsub.f32 $1.500000000e+00, v27;
	v27 =	vadd.f32 v12, v9  }
0x1ae: {  	v13 =	vmul.f32 v21, v20;
	v26 =	vsub.f32 v15, v29;
	v15 =	vmul.f32 v36, v32  }
0x1af: {  	v12 =	vsub.f32 v14, v29;
	v14 =	vmul.f32 v34, v7;
	v20 =	vmul.f32 v33, v30;
	[tilespmem:s31+$0x9680] =	vst v31  }
0x1b0: {  	v18 =	vmul.f32 v15, v18  }
0x1b1: {  	v17 =	vmul.f32 v17, v4  }
0x1b2: {  	v16 =	vmul.f32 v21, v16;
	v18 =	vmul.f32 v18, v15  }
0x1b3: {  	v13 =	vmul.f32 v13, v6;
	v19 =	vmul.f32 v20, v19  }
0x1b4: {  	v25 =	vmul.f32 v20, v25;
	v14 =	vadd.f32 v14, v11;
	v18 =	vsub.f32 $1.500000000e+00, v18  }
0x1b5: {  	[tilespmem:s31+$0x9650] =	vst v27;
	v49 =	vmul.f32 v20, v26;
	v17 =	vadd.f32 v17, v8;
	v16 =	vmul.f32 v16, v7  }
0x1b6: {  	v13 =	vadd.f32 v13, v10;
	v48 =	vmul.f32 v25, v5;
	[tilespmem:s31+$0x96B0] =	vst v14;
	v51 =	vmul.f32 v18, v15  }
0x1b7: {  	v12 =	vmul.f32 v20, v12;
	v19 =	vmul.f32 v19, v4;
	[tilespmem:s31+$0x9640] =	vst v17;
	v16 =	vadd.f32 v16, v11  }
0x1b8: {  	v53 =	vmul.f32 v49, v7;
	[tilespmem:s31+$0x9660] =	vst v13;
	v50 =	vadd.f32 v48, v9;
	v54 =	vmul.f32 v51, v28  }
0x1b9: {  	s0 =	sadd.s32 s30, s9;
	v12 =	vmul.f32 v12, v6;
	v52 =	vadd.f32 v19, v8;
	[tilespmem:s31+$0x9670] =	vst v16;
	v56 =	vmul.f32 v51, v22  }
0x1ba: {  	s0 =	smulhi.u32 $0x51EB851F, s0;
	v55 =	vadd.f32 v53, v11;
	[tilespmem:s31+$0x9610] =	vst v50;
	v57 =	vmul.f32 v51, v24;
	v14 =	vmul.f32 v54, v5  }
0x1bb: {  	v12 =	vadd.f32 v12, v10;
	[tilespmem:s31+$0x9600] =	vst v52;
	v15 =	vmul.f32 v51, v23;
	v58 =	vmul.f32 v56, v4  }
0x1bc: {  	s0 =	sshrl.u32 s0, $0x4;
	[tilespmem:s31+$0x9630] =	vst v55;
	v60 =	vmul.f32 v57, v7;
	v59 =	vadd.f32 v14, v9  }
0x1bd: {  	s5 =	smul.u32 $0x190, s0;
	[tilespmem:s31+$0x9620] =	vst v12;
	v61 =	vmul.f32 v15, v6;
	v62 =	vadd.f32 v58, v8  }
0x1be: {  	s0 =	smul.u32 $0xC80, s0;
	v63 =	vadd.f32 v60, v11;
	[tilespmem:s31+$0x96D0] =	vst v59  }
0x1bf: {  	v13 =	vadd.f32 v61, v10;
	[tilespmem:s31+$0x96C0] =	vst v62  }
0x1c0: {  	s0 =	sshrl.u32 s0, $0x3;
	[tilespmem:s31+$0x96F0] =	vst v63  }
0x1c1: {  	s5 =	sadd.s32 s3, s5;
	s0 =	sadd.s32 s3, s0;
	[tilespmem:s31+$0x96E0] =	vst v13  }
0x1c2: {  	[hbm4b:s5+s4] =	stream.linear.scatter [tilespmem:s16], [sflag:$0x4], $0xC80, $0x38;
	[tilespmem:$0xC880] =	vst v63  }
0x1c3: {  	s30 =	sadd.s32 $0x190, s0  }
0x1c4: {  	[hbm4b:s30+s4] =	stream.linear.scatter [tilespmem:s22], [sflag:$0x4], $0xC80, $0x38;
	[tilespmem:$0xC880] =	vst v63  }
.Ltmp4:
0x1c5: {  	_ = 	snop;
	(pc) =	sbr.rel @p0 .LBB2_8-.Ltmp4, $4  }
0x1c6: {  	s31 =	sadd.s32 $0x320, s0  }
0x1c7: {  	[hbm4b:s31+s4] =	stream.linear.scatter [tilespmem:s23], [sflag:$0x4], $0xC80, $0x38;
	[tilespmem:$0xC880] =	vst v63  }
0x1c8: {  	s0 =	sadd.s32 $0x4B0, s0  }
0x1c9: {  	[hbm4b:s0+s4] =	stream.linear.scatter [tilespmem:s24], [sflag:$0x4], $0xC80, $0x38;
	[tilespmem:$0xC880] =	vst v63  }
0x1ca: {  	_ =	swait.ge [sflag:s26], $0xC80  }
0x1cb: {  	[sflag:s26] =	ssyncset.done $0x0  }
0x1cc: {  	[sflag:s26] =	ssyncadd.s32 $0xFFFFF380  }
0x1cd: {  	_ =	swait.ge [sflag:s26], $0xC80  }
0x1ce: {  	[sflag:s26] =	ssyncset.done $0x0  }
0x1cf: {  	[sflag:s26] =	ssyncadd.s32 $0xFFFFF380  }
0x1d0: {  	_ =	swait.ge [sflag:s26], $0xC80  }
0x1d1: {  	s0 =	smul.u32 $0x640, s29;
	[sflag:s26] =	ssyncset.done $0x0  }
.Ltmp5:
0x1d2: {  	[sflag:s26] =	ssyncadd.s32 $0xFFFFF380;
	(pc) =	sbr.rel .LBB2_2-.Ltmp5, $4  }
0x1d3: {  	_ =	swait.ge [sflag:s26], $0xC80  }
0x1d4: {  	s0 =	sshra.s32 s0, $0x2;
	[sflag:s26] =	ssyncset.done $0x0  }
0x1d5: {  	s29 =	sadd.s32 $0x1, s29;
	s0 =	sadd.s32 $0x258, s0;
	[sflag:s26] =	ssyncadd.s32 $0xFFFFF380  }
0x1d6: {  	[tilespmem:s16], [sflag:$0x2] =	stream.indirect.gather [hbm4b:s7+s14], $0x40, s0, s14, $0xb8;
	[tilespmem:$0xC880] =	vst v63  }
.LBB2_9:
0x1d7: {  	_ =	sfence.sel $0x180000  }
0x1d8: {  	[bflag:$0x0] =	sbarrier.arrive $0xFFFF  }
0x1d9: {  	_ =	strace $0x90000047  }
0x1da: {  	s0 =	stileid.u32;
	[bflag:$0x2] =	sbarrier.arrive $0xFFFF  }
0x1db: {  	p0 =	sne.s32 s0, $0x0;
	s0 =	rddreg [dreg:$0x5]  }
0x1dc: {  	s0 =	sadd.s32 @!p0 $0x100000, s0  }
0x1dd: {  	[sflag:s0] =	ssyncadd.tile.s32 @!p0 $0x1;
	_ =	shalt  }
.Lfunc_end2:
_tile_overlayer_lowered:
.L_overlay_start_2:
0x1de: {  	(tag) =	ssettag $0x2  }
0x1df: {  	s0 =	rddreg [dreg:$0x0];
	s2 =	stileid.u32  }
0x1e0: {  	s1 =	rddreg [dreg:$0x1];
	p0 =	sne.s32 s2, $0x0  }
0x1e1: {  	s3 =	rddreg [dreg:$0x2];
	[bflag:$0x3] =	sbarrier.arrive $0xFFFF;
	s2 =	simm.s32 @!p0 $0x1C05  }
0x1e2: {  	[timem:s3], [sflag:s2] =	dma.local @!p0 [hbm:s0], s1  }
0x1e3: {  	s0 =	simm.s32 @!p0 $0x5  }
0x1e4: {  	_ =	swait.ge @!p0 [sflag:s0], s1  }
0x1e5: {  	s1 =	ssub.s32 @!p0 $0x0, s1;
	[sflag:s0] =	ssyncset.done @!p0 $0x0  }
0x1e6: {  	[sflag:s0] =	ssyncadd.s32 @!p0 s1  }
0x1e7: {  	[bflag:$0x3] =	sbarrier.arrive $0xFFFF  }
0x1e8: {  	_ =	shalt  }

// kernel: sparse-core-data-format-call.cloned.1.call-start
scs
called_computation_lowered:
.L_overlay_start_0:
0x0: {  	s2 =	sld [smem:$0x3FD9]  }
0x1: {  	s3 =	sld [smem:$0x3FFE];
	_ =	sdelay $0x1  }
0x2: {  	s1 =	srdreg.scid  }
0x3: {  	s0 =	sand.u32 $0x1, s1  }
0x4: {  	s18 =	sshll.u32 s0, $0xA;
	s2 =	sadd.s32 s3, s2  }
0x5: {  	s2 =	sadd.s32 s2, s18  }
0x6: {  	[smem:$0x3FC4] =	sst s2  }
0x7: {  	_ = 	snop  }
0x8: {  	s2 =	sld [smem:$0x3FD0];
	(tm) =	ssettm $0x1  }
0x9: {  	s19 =	sld [smem:$0x3FFB];
	_ =	sdelay $0x3  }
0xa: {  	_ =	strace s19  }
0xb: {  	s3 =	sld [smem:$0x3FFC];
	_ =	sdelay $0x3  }
0xc: {  	_ =	strace s3  }
0xd: {  	s3 =	sld [smem:$0x3FFD];
	_ =	sdelay $0x3  }
0xe: {  	_ =	strace s3  }
0xf: {  	_ =	strace $0x8FFFFFFF  }
0x10: {  	s20 =	sld [smem:$0x3FDB];
	_ =	sdelay $0x1  }
0x11: {  	s4 =	simm.s32 $_scs_section_size  }
0x12: {  	s5 =	simm.s32 $_size__tile_overlayer_lowered;
	s6 =	simm.s32 $_tile_overlayer_lowered  }
0x13: {  	s23 =	simm.s32 $0x1BFF;
	s22 =	sshll.u32 s6, $0x1;
	s3 =	sadd.s32 s4, s20  }
0x14: {  	s7 =	simm.s32 $0x0;
	s21 =	sshll.u32 s5, $0x1;
	s5 =	sadd.s32 s22, s3  }
0x15: {  	[timem:s7], [sflag:s23] =	dma.local [hbm:s5], s21  }
0x16: {  	_ =	swait.ge [sflag:s23], s21  }
0x17: {  	s4 =	ssub.s32 $0x0, s21;
	[sflag:s23] =	ssyncset.done $0x0  }
0x18: {  	[sflag:s23] =	ssyncadd.s32 s4;
	_ =	sdelay $0x1  }
0x19: {  	s24 =	simm.s32 $0x1B8B  }
0x1a: {  	_ =	swait.ge [sflag:s24], $0x1  }
0x1b: {  	[sflag:s24] =	ssyncset.done $0x0  }
0x1c: {  	s26 =	simm.s32 $0x1B8E;
	s25 =	sld [smem:$0x3FFE];
	[sflag:s24] =	ssyncadd.s32 $0xFFFFFFFF  }
0x1d: {  	s27 =	simm.s32 $execute0_lowered;
	[smem:$0x3FD2] =	sst s26  }
0x1e: {  	s5 =	sshll.u32 s27, $0x1;
	_ =	strace $0x80000049;
	[dreg:$0x1] =	wrdreg $0xFFFFFFFF  }
0x1f: {  	s28 =	simm.s32 $_size_execute0_lowered;
	s3 =	sadd.s32 s3, s5;
	[dreg:$0x0] =	wrdreg $0x0  }
0x20: {  	s5 =	sshll.u32 s28, $0x1;
	[dreg:$0x2] =	wrdreg s3  }
0x21: {  	[dreg:$0x3] =	wrdreg s5  }
0x22: {  	[dreg:$0x4] =	wrdreg $0xC0  }
0x23: {  	_ =	task [dreg:s7], $0x5FFFF  }
0x24: {  	[dreg:$0x1] =	wrdreg $0xFFFFFFFF  }
0x25: {  	[dreg:$0x0] =	wrdreg $0x60  }
0x26: {  	[dreg:$0x2] =	wrdreg s25  }
0x27: {  	[dreg:$0x3] =	wrdreg s2  }
0x28: {  	[dreg:$0x4] =	wrdreg $0x9  }
0x29: {  	_ =	task.clear_ibuf [dreg:s7], $0x5FFFF;
	_ =	strace $0x90000049  }
0x2a: {  	s29 =	simm.s32 $0x9;
	_ =	strace $0x8000004B  }
0x2b: {  	_ =	swait.ge [sflag:s29], $0x1  }
0x2c: {  	[sflag:s29] =	ssyncadd.s32 $0xFFFFFFFF  }
0x2d: {  	_ =	strace $0x9000004B  }
0x2e: {  	_ =	sfence  }
0x2f: {  	s30 =	sld [smem:$0x0];
	_ =	sdelay $0x2  }
0x30: {  	s31 =	sshll.u32 s1, $0xD;
	s1 =	sshrl.u32 s1, $0x2  }
0x31: {  	s3 =	sand.u32 $0x4000, s31;
	s1 =	sadd.s32 s1, s30  }
0x32: {  	s0 =	sor.u32 s3, s0;
	s1 =	sshll.u32 s1, $0x11  }
0x33: {  	s0 =	sor.u32 s1, s0  }
0x34: {  	s0 =	sadd.s32 $0x8F2B, s0  }
0x35: {  	[sflag:s0] =	ssyncadd.remote.s32 $0x1  }
0x36: {  	_ =	sfence.sel $0xFFFF  }
0x37: {  	[dreg:$0x0] =	wrdreg $0xFFFFFFFF;
	(pc) =	sbr.abs _section_cstart, $3  }
0x38: {  	[dreg:$0x1] =	wrdreg $0xFFFFFFFF  }
0x39: {  	_ =	task.clear_ibuf [dreg:s7], $0x2FFFF;
	_ =	strace $0x9FFFFFFF  }
0x3a: {  	(tm) =	ssettm $0x7FFFFFFF  }
0x3b: {  	_ =	shalt  }
tec
execute0_lowered:
.L_overlay_start_1:
0x0: {  	(tag) =	ssettag $0x1  }
0x1: {  	s0 =	srdreg.scid  }
0x2: {  	s1 =	sshll.u32 s0, $0x4  }
0x3: {  	s0 =	stileid.u32;
	s1 =	sand.u32 $0x10, s1  }
0x4: {  	s1 =	sor.u32 s0, s1  }
0x5: {  	s6 =	rddreg [dreg:$0x0];
	s4 =	simm.s32 $0x1;
	s2 =	sshll.u32 s1, $0x7  }
0x6: {  	s7 =	simm.s32 $0x2;
	s12 =	simm.s32 $0x0;
	s1 =	ssub.s32 $0x4000, s2  }
0x7: {  	s8 =	simm.s32 $0x20000;
	s13 =	simm.s32 $0x0;
	s3 =	sand.u32 $0xF80, s1  }
0x8: {  	s9 =	simm.s32 $0x0;
	s5 =	sshrl.u32 s1, $0xC;
	p0 =	sne.s32 s3, $0x0  }
.Ltmp0:
0x9: {  	s1 =	rddreg [dreg:$0x2];
	s4 =	simm.s32 @!p0 $0x0;
	(pc) =	sbr.rel .LBB1_1-.Ltmp0, $4  }
0xa: {  	s11 =	simm.s32 $0x0;
	s3 =	rddreg [dreg:$0x1];
	s5 =	sadd.s32 s4, s5  }
0xb: {  	_ =	strace $0x8000004A;
	s4 =	simm.s32 $0x1;
	s5 =	smul.u32 $0x32, s5  }
0xc: {  	s6 =	sadd.s32 $0x800, s6;
	s10 =	smov.u32 s2;
	[sflag:s4] =	ssyncpa.u1 $0x0  }
0xd: {  	p0 =	por $0x0, $0x0;
	[sflag:s7] =	ssyncpa.u1 $0x0;
	s7 =	sor.u32 $0x1, s5  }
.LBB1_4:
0xe: {  	s16 =	sshll.u32 s13, $0x3;
	s17 =	sand.u32 $0x78, s13  }
0xf: {  	s30 =	sand.u32 $0x1F800, s13;
	s12 =	sshll.u32 s12, $0x11;
	s16 =	sand.u32 $0x3C00, s16  }
0x10: {  	[tilespmem:s15+$0x810 ss:$0x81] =	vst.msk $0xffff, v2;
	s31 =	sand.u32 $0x7, s13;
	s16 =	sor.u32 s17, s16;
	s17 =	sadd.s32 s3, s30  }
0x11: {  	[tilespmem:s15+$0x1020 ss:$0x81] =	vst.msk $0xffff, v0;
	s13 =	sshll.u32 s31, $0x12;
	s12 =	sadd.s32 s12, s17;
	s16 =	sshrl.u32 s16, $0x3  }
0x12: {  	[tilespmem:s15+$0x0 ss:$0x81] =	vst.msk $0xffff, v1;
	s13 =	sor.u32 $0x400, s13;
	s12 =	sadd.s32 s16, s12  }
0x13: {  	[hbm4b:s12+s13] =	stream.strided.scatter [tilespmem:s14], [sflag:$0x2], $0x2000, s8, s13, $0x20;
	[tilespmem:$0x8080] =	vst v63  }
.LBB1_5:
0x14: {  	s14 =	sadd.s32 $0x1, s9  }
0x15: {  	s12 =	sadd.s32 $0x1000, s10;
	s16 =	smov.u32 s10;
	p2 =	sgt.s32 s14, $0x31  }
0x16: {  	s16 =	smov.u32 @p2 s12  }
0x17: {  	s14 =	simm.s32 @p2 $0x0;
	p2 =	sgt.s32 s16, $0x3FFF  }
0x18: {  	s16 =	smov.u32 @p2 s2;
	p2 =	sne.s32 s11, s7  }
.Ltmp1:
0x19: {  	p1 =	slt.u32 s11, $0x2;
	(pc) =	sbr.rel @!p2 .LBB1_6-.Ltmp1, $4  }
0x1a: {  	s15 =	simm.s32 @!p1 $0x2  }
0x1b: {  	s13 =	smov.u32 s10;
	p0 =	por !p0, !p0;
	_ =	swait.ge @!p1 [sflag:s15], $0x2000  }
0x1c: {  	s12 =	smov.u32 s9;
	[sflag:s15] =	ssyncset.done @!p1 $0x0;
	s9 =	smov.u32 s14  }
0x1d: {  	s11 =	sadd.s32 $0x1, s11;
	[sflag:s15] =	ssyncadd.s32 @!p1 $0xFFFFE000;
	s10 =	smov.u32 s16  }
.LBB1_1:
0x1e: {  	p1 =	sge.u32 s11, s5  }
0x1f: {  	s14 =	sand.u32 @!p1 $0x1FFFFFF, s9  }
0x20: {  	s15 =	smulhi.u32 @!p1 $0x4924925, s14;
	_ =	sdelay $0x1  }
0x21: {  	s15 =	smul.u32 @!p1 $0x38, s15  }
0x22: {  	s16 =	sxor.u32 @!p1 $0xFFFFFFFF, s11;
	s17 =	smul.u32 @!p1 $0x380, s10  }
0x23: {  	s31 =	sadd.s32 $0xFFFFFFFF, s11;
	s16 =	sshll.u32 @!p1 s16, $0xD;
	s14 =	ssub.s32 @!p1 s14, s15  }
0x24: {  	s15 =	sand.u32 @!p1 $0x2000, s16;
	s16 =	sadd.s32 @!p1 s6, s17;
	s14 =	sshll.u32 @!p1 s14, $0x4  }
0x25: {  	s17 =	simm.s32 @!p1 $0x1C00;
	s14 =	sadd.s32 @!p1 s14, s16;
	s16 =	simm.s32 @!p1 $0x40  }
0x26: {  	[tilespmem:s15], [sflag:$0x1] =	stream.strided.gather @!p1 [hbm4b:s14+s16], $0x2000, s17, s16, $0x38;
	[tilespmem:$0x8080] =	vst v63  }
0x27: {  	p1 =	sge.u32 s31, s5  }
.Ltmp2:
0x28: {  	_ = 	snop;
	(pc) =	sbr.rel @p1 .LBB1_5-.Ltmp2, $1  }
0x29: {  	_ =	sdelay $0x3  }
0x2a: {  	s14 =	simm.s32 $0x1  }
0x2b: {  	_ =	swait.ge [sflag:s4], $0x2000;
	s14 =	simm.s32 @!p0 $0x0  }
0x2c: {  	[sflag:s4] =	ssyncset.done $0x0;
	s15 =	sshll.u32 s14, $0xD  }
0x2d: {  	[sflag:s4] =	ssyncadd.s32 $0xFFFFE000;
	s18 =	sor.u32 $0x20, s15  }
0x2e: {  	s14 =	smul.u32 $0x8100, s14;
	v3 =	vld [tilespmem:s18+$0x10]  }
0x2f: {  	s30 =	sand.u32 $0x1, s11;
	v2 =	vld [tilespmem:s18+$0xFFFFFFF0]  }
0x30: {  	s15 =	smul.u32 $0x8100, s30;
	s14 =	sshrl.u32 s14, $0x2;
	v0 =	vld [tilespmem:s18+$0x0]  }
0x31: {  	v1 =	vld [tilespmem:s18+$0xFFFFFFE0];
	s16 =	sor.u32 $0x4000, s14  }
0x32: {  	s31 =	sshrl.u32 s15, $0x2;
	s15 =	sadd.s32 $0x0, s16  }
0x33: {  	s17 =	simm.s32 $0x4;
	s18 =	sadd.s32 $0x40, s18;
	s14 =	sor.u32 $0x4000, s31;
	[tilespmem:s15+$0x1830 ss:$0x81] =	vst.msk $0xffff, v3  }
.LBB1_3:
0x34: {  	v3 =	vld [tilespmem:s18+$0x10];
	p1 =	sne.s32 s17, $0x1FC;
	[tilespmem:s15+$0x810 ss:$0x81] =	vst.msk $0xffff, v2;
	s19 =	smov.u32 s17;
	s17 =	sadd.s32 $0x4, s17  }
.Ltmp3:
0x35: {  	v2 =	vld [tilespmem:s18+$0xFFFFFFF0];
	[tilespmem:s15+$0x1020 ss:$0x81] =	vst.msk $0xffff, v0;
	(pc) =	sbr.rel @p1 .LBB1_3-.Ltmp3, $4  }
0x36: {  	v0 =	vld [tilespmem:s18+$0x0];
	[tilespmem:s15+$0x0 ss:$0x81] =	vst.msk $0xffff, v1  }
0x37: {  	s15 =	sshra.s32 s19, $0x2;
	v1 =	vld [tilespmem:s18+$0xFFFFFFE0]  }
0x38: {  	s15 =	sadd.s32 s15, s16  }
0x39: {  	s18 =	sadd.s32 $0x40, s18;
	[tilespmem:s15+$0x1830 ss:$0x81] =	vst.msk $0xffff, v3  }
.Ltmp4:
0x3a: {  	_ = 	snop;
	(pc) =	sbr.rel .LBB1_4-.Ltmp4, $1  }
0x3b: {  	_ =	sdelay $0x3  }
.LBB1_6:
0x3c: {  	_ =	sfence.sel $0x180000  }
0x3d: {  	s2 =	simm.s32 $0x1;
	[bflag:$0x0] =	sbarrier.arrive $0xFFFF  }
0x3e: {  	s31 =	simm.s32 $0x2;
	[sflag:s2] =	ssyncpa.u1 $0x1  }
0x3f: {  	[sflag:s31] =	ssyncpa.u1 $0x1  }
0x40: {  	p0 =	sne.s32 s0, $0x0;
	_ =	strace $0x9000004A  }
0x41: {  	s0 =	sadd.s32 @!p0 $0x100000, s1;
	[bflag:$0x2] =	sbarrier.arrive $0xFFFF  }
0x42: {  	[sflag:s0] =	ssyncadd.tile.s32 @!p0 $0x1;
	_ =	shalt  }
.Lfunc_end1:
_tile_overlayer_lowered:
.L_overlay_start_2:
0x43: {  	(tag) =	ssettag $0x2  }
0x44: {  	s0 =	rddreg [dreg:$0x0];
	s2 =	stileid.u32  }
0x45: {  	s1 =	rddreg [dreg:$0x1];
	p0 =	sne.s32 s2, $0x0  }
0x46: {  	s3 =	rddreg [dreg:$0x2];
	[bflag:$0x3] =	sbarrier.arrive $0xFFFF;
	s2 =	simm.s32 @!p0 $0x1C01  }
0x47: {  	[timem:s3], [sflag:s2] =	dma.local @!p0 [hbm:s0], s1  }
0x48: {  	s0 =	simm.s32 @!p0 $0x1  }
0x49: {  	_ =	swait.ge @!p0 [sflag:s0], s1  }
0x4a: {  	s1 =	ssub.s32 @!p0 $0x0, s1;
	[sflag:s0] =	ssyncset.done @!p0 $0x0  }
0x4b: {  	[sflag:s0] =	ssyncadd.s32 @!p0 s1  }
0x4c: {  	[bflag:$0x3] =	sbarrier.arrive $0xFFFF  }
0x4d: {  	_ =	shalt  }

</sc_bundles>
